<compile_context>
chip_gen: v7x
topology: tpu7x:2x2x1
jax: 0.10.2.dev20260603
libtpu: 0.0.44.dev20260713+nightly
codegen_flags: <defaults>
</compile_context>

<pallas_src>
import functools

import jax
import jax.numpy as jnp
from jax import lax
from jax.experimental import pallas as pl
from jax.experimental.pallas import tpu as pltpu
from jax.experimental.pallas import tpu_sc as plsc

CHUNK = 80
ROW_UNROLL = 1
JGROUP = 16
NBUF = 3


def kernel(features, w0, w1):
    n, d = features.shape
    info = plsc.get_sparse_core_info()
    nc, ns = info.num_cores, info.num_subcores
    nw = nc * ns
    num_chunks = n // CHUNK
    nvec = d // 16
    per = num_chunks // nw
    rem = num_chunks % nw
    kmax = per + 2
    kmax = ((kmax + NBUF - 1) // NBUF) * NBUF

    mesh = plsc.VectorSubcoreMesh(core_axis_name="c", subcore_axis_name="s")

    @functools.partial(
        pl.kernel,
        mesh=mesh,
        out_type=jax.ShapeDtypeStruct((n, d), jnp.float32),
        scratch_types=(
            [pltpu.VMEM((CHUNK, d), jnp.float32) for _ in range(NBUF)]
            + [pltpu.VMEM((d,), jnp.float32) for _ in range(2)]
            + [pltpu.SemaphoreType.DMA for _ in range(2 * NBUF)]
        ),
    )
    def sc_fwd(feat_hbm, w0_hbm, w1_hbm, out_hbm, b0, b1, b2, w0v, w1v,
               si0, si1, si2, so0, so1, so2):
        bufs = (b0, b1, b2)
        sin = (si0, si1, si2)
        sout = (so0, so1, so2)
        wid = lax.axis_index("s") * nc + lax.axis_index("c")

        def start_in(k, b):
            c = jnp.where(k < per, wid * per + k, nw * per + wid)
            c = jnp.where(k < 0, -1, c)

            @pl.when(jnp.logical_and(c >= 0, jnp.where(k < per, True, jnp.logical_and(k == per, wid < rem))))
            def _():
                pltpu.async_copy(
                    feat_hbm.at[pl.ds(c * CHUNK, CHUNK), :], bufs[b], sin[b]
                )

        def wait_in(k, b):
            c = jnp.where(k < per, wid * per + k, nw * per + wid)
            c = jnp.where(k < 0, -1, c)

            @pl.when(jnp.logical_and(c >= 0, jnp.where(k < per, True, jnp.logical_and(k == per, wid < rem))))
            def _():
                pltpu.make_async_copy(
                    feat_hbm.at[pl.ds(c * CHUNK, CHUNK), :], bufs[b], sin[b]
                ).wait()

        def start_out(k, b):
            c = jnp.where(k < per, wid * per + k, nw * per + wid)
            c = jnp.where(k < 0, -1, c)

            @pl.when(jnp.logical_and(c >= 0, jnp.where(k < per, True, jnp.logical_and(k == per, wid < rem))))
            def _():
                pltpu.async_copy(
                    bufs[b], out_hbm.at[pl.ds(c * CHUNK, CHUNK), :], sout[b]
                )

        def wait_out(k, b):
            c = jnp.where(k < per, wid * per + k, nw * per + wid)
            c = jnp.where(k < 0, -1, c)

            @pl.when(jnp.logical_and(c >= 0, jnp.where(k < per, True, jnp.logical_and(k == per, wid < rem))))
            def _():
                pltpu.make_async_copy(
                    bufs[b], out_hbm.at[pl.ds(c * CHUNK, CHUNK), :], sout[b]
                ).wait()

        def compute(k, b):
            c = jnp.where(k < per, wid * per + k, nw * per + wid)
            c = jnp.where(k < 0, -1, c)

            @pl.when(jnp.logical_and(c >= 0, jnp.where(k < per, True, jnp.logical_and(k == per, wid < rem))))
            def _():
                buf = bufs[b]
                for jg in range(nvec // JGROUP):
                    w0s = [w0v[pl.ds((jg * JGROUP + t) * 16, 16)]
                           for t in range(JGROUP)]
                    w1s = [w1v[pl.ds((jg * JGROUP + t) * 16, 16)]
                           for t in range(JGROUP)]

                    @plsc.parallel_loop(0, CHUNK, 1, unroll=ROW_UNROLL)
                    def _rows(r, jg=jg, w0s=w0s, w1s=w1s, buf=buf):
                        for t in range(JGROUP):
                            j = jg * JGROUP + t
                            x = buf[r, pl.ds(j * 16, 16)]
                            buf[r, pl.ds(j * 16, 16)] = (
                                jnp.maximum(x * w0s[t], 0.0) * w1s[t]
                            )

        start_in(0, 0)
        start_in(1, 1)
        pltpu.sync_copy(w0_hbm, w0v)
        pltpu.sync_copy(w1_hbm, w1v)

        def step(k0, _):
            for b in range(NBUF):
                k = k0 * NBUF + b
                wait_in(k, b)
                compute(k, b)
                start_out(k, b)
                wait_out(k - 1, (b - 1) % NBUF)
                start_in(k + 2, (b + 2) % NBUF)
            return _

        lax.fori_loop(0, kmax // NBUF, step, None)

    return sc_fwd(features, w0, w1)

# --- scband reference (transcript-rebuilt; emitter-appended) ---
"""Pipeline reference for scband-att-learner-10548439679176 (READ-ONLY COPY).

The authoritative reference and input builder live on the scoring server;
editing this copy changes nothing except your own understanding.
"""

import jax, jax.numpy as jnp
import numpy as np

N = 50000
ISIZE = 512
NLAYERS = 2

def setup_inputs(seed: int = 0) -> dict:
    key = jax.random.key(seed)
    k1, k2, k3 = jax.random.split(key, 3)
    features = jax.random.normal(k1, (N, ISIZE), dtype=jnp.float32)
    # Attentive layer holds an elementwise weight vector of size isize
    # (original torch init is ones; use near-one random values for a nontrivial check)
    w0 = 1.0 + 0.1 * jax.random.normal(k2, (ISIZE,), dtype=jnp.float32)
    w1 = 1.0 + 0.1 * jax.random.normal(k3, (ISIZE,), dtype=jnp.float32)
    return {"features": features, "w0": w0, "w1": w1}

def reference(features, w0, w1):
    # internal_forward: Attentive layers are elementwise multiply by learned vector,
    # with act='relu' applied between layers (not after the last).
    h = features * w0
    h = jnp.maximum(h, 0.0)  # relu between layers
    h = h * w1
    return h

if __name__ == "__main__":
    import jax
    _d = setup_inputs()
    print(jax.jit(kernel)(*tuple(_d.values())))

</pallas_src>

<mosaic_0001>
#map = affine_map<(d0, d1) -> (0, 0)>
#map1 = affine_map<(d0, d1) -> (0)>
module attributes {stable_mosaic.version = 14 : i64} {
  func.func @sc_fwd(%arg0: i32, %arg1: i32, %arg2: memref<50000x512xf32, #tpu.memory_space<hbm>>, %arg3: memref<512xf32, #tpu.memory_space<hbm>>, %arg4: memref<512xf32, #tpu.memory_space<hbm>>, %arg5: memref<50000x512xf32, #tpu.memory_space<hbm>>, %arg6: memref<80x512xf32, #tpu.memory_space<vmem>>, %arg7: memref<80x512xf32, #tpu.memory_space<vmem>>, %arg8: memref<80x512xf32, #tpu.memory_space<vmem>>, %arg9: memref<512xf32, #tpu.memory_space<vmem>>, %arg10: memref<512xf32, #tpu.memory_space<vmem>>, %arg11: memref<!tpu.dma_semaphore, #tpu.memory_space<semaphore_mem>>, %arg12: memref<!tpu.dma_semaphore, #tpu.memory_space<semaphore_mem>>, %arg13: memref<!tpu.dma_semaphore, #tpu.memory_space<semaphore_mem>>, %arg14: memref<!tpu.dma_semaphore, #tpu.memory_space<semaphore_mem>>, %arg15: memref<!tpu.dma_semaphore, #tpu.memory_space<semaphore_mem>>, %arg16: memref<!tpu.dma_semaphore, #tpu.memory_space<semaphore_mem>>) attributes {dimension_semantics = [#tpu.dimension_semantics<core_parallel>, #tpu.dimension_semantics<subcore_parallel>], iteration_bounds = array<i64: 2, 16>, scalar_prefetch = 0 : i64, scratch_operands = 11 : i64, tpu.core_type = #tpu.core_type<sc_vector_subcore>, window_params = [{transform_indices = #map}, {transform_indices = #map1}, {transform_indices = #map1}, {transform_indices = #map}]} {
    %mul3A = arith.constant 2 : i32
    %mul3A_0 = arith.muli %arg1, %mul3A : i32
    %add3A = arith.addi %mul3A_0, %arg0 : i32
    %mul3A_1 = arith.constant 19 : i32
    %mul3A_2 = arith.muli %add3A, %mul3A_1 : i32
    %add3A_3 = arith.constant 0 : i32
    %add3A_4 = arith.addi %mul3A_2, %add3A_3 : i32
    %add3A_5 = arith.constant 608 : i32
    %add3A_6 = arith.addi %add3A_5, %add3A : i32
    %jit3A = arith.constant true
    %select_n3A = arith.select %jit3A, %add3A_4, %add3A_6 : i32
    %jit3A_7 = arith.constant false
    %jit3A_8 = arith.constant -1 : i32
    %select_n3A_9 = arith.select %jit3A_7, %jit3A_8, %select_n3A : i32
    %ge3A = arith.constant 0 : i32
    %ge3A_10 = arith.cmpi sge, %select_n3A_9, %ge3A : i32
    %lt3A = arith.constant 17 : i32
    %lt3A_11 = arith.cmpi slt, %add3A, %lt3A : i32
    %and3A = arith.constant false
    %and3A_12 = arith.andi %and3A, %lt3A_11 : i1
    %jit3A_13 = arith.constant true
    %jit3A_14 = arith.constant true
    %select_n3A_15 = arith.select %jit3A_13, %jit3A_14, %and3A_12 : i1
    %and3A_16 = arith.andi %ge3A_10, %select_n3A_15 : i1
    %convert_element_type3A = arith.extui %and3A_16 : i1 to i32
    %cond3A = arith.constant 0 : i32
    %cond3A_17 = arith.cmpi ne, %convert_element_type3A, %cond3A : i32
    scf.if %cond3A_17 {
      %mul3A_46 = arith.constant 80 : i32
      %mul3A_47 = arith.muli %select_n3A_9, %mul3A_46 : i32
      %dma_start3A = arith.constant 0 : i32
      %dma_start3A_48 = tpu.memref_slice %arg2[%mul3A_47, %dma_start3A] : memref<50000x512xf32, #tpu.memory_space<hbm>> -> memref<80x512xf32, #tpu.memory_space<hbm>>
      %dma_start3A_49 = arith.constant 0 : i32
      %dma_start3A_50 = tpu.memref_slice %arg2[%mul3A_47, %dma_start3A_49] : memref<50000x512xf32, #tpu.memory_space<hbm>> -> memref<80x512xf32, #tpu.memory_space<hbm>>
      tpu.enqueue_dma source(%dma_start3A_50 : memref<80x512xf32, #tpu.memory_space<hbm>>) target(%arg6 : memref<80x512xf32, #tpu.memory_space<vmem>>) target_semaphore(%arg11 : memref<!tpu.dma_semaphore, #tpu.memory_space<semaphore_mem>>)
    } else {
    }
    %mul3A_18 = arith.constant 19 : i32
    %mul3A_19 = arith.muli %add3A, %mul3A_18 : i32
    %add3A_20 = arith.constant 1 : i32
    %add3A_21 = arith.addi %mul3A_19, %add3A_20 : i32
    %add3A_22 = arith.constant 608 : i32
    %add3A_23 = arith.addi %add3A_22, %add3A : i32
    %jit3A_24 = arith.constant true
    %select_n3A_25 = arith.select %jit3A_24, %add3A_21, %add3A_23 : i32
    %jit3A_26 = arith.constant false
    %jit3A_27 = arith.constant -1 : i32
    %select_n3A_28 = arith.select %jit3A_26, %jit3A_27, %select_n3A_25 : i32
    %ge3A_29 = arith.constant 0 : i32
    %ge3A_30 = arith.cmpi sge, %select_n3A_28, %ge3A_29 : i32
    %lt3A_31 = arith.constant 17 : i32
    %lt3A_32 = arith.cmpi slt, %add3A, %lt3A_31 : i32
    %and3A_33 = arith.constant false
    %and3A_34 = arith.andi %and3A_33, %lt3A_32 : i1
    %jit3A_35 = arith.constant true
    %jit3A_36 = arith.constant true
    %select_n3A_37 = arith.select %jit3A_35, %jit3A_36, %and3A_34 : i1
    %and3A_38 = arith.andi %ge3A_30, %select_n3A_37 : i1
    %convert_element_type3A_39 = arith.extui %and3A_38 : i1 to i32
    %cond3A_40 = arith.constant 0 : i32
    %cond3A_41 = arith.cmpi ne, %convert_element_type3A_39, %cond3A_40 : i32
    scf.if %cond3A_41 {
      %mul3A_46 = arith.constant 80 : i32
      %mul3A_47 = arith.muli %select_n3A_28, %mul3A_46 : i32
      %dma_start3A = arith.constant 0 : i32
      %dma_start3A_48 = tpu.memref_slice %arg2[%mul3A_47, %dma_start3A] : memref<50000x512xf32, #tpu.memory_space<hbm>> -> memref<80x512xf32, #tpu.memory_space<hbm>>
      %dma_start3A_49 = arith.constant 0 : i32
      %dma_start3A_50 = tpu.memref_slice %arg2[%mul3A_47, %dma_start3A_49] : memref<50000x512xf32, #tpu.memory_space<hbm>> -> memref<80x512xf32, #tpu.memory_space<hbm>>
      tpu.enqueue_dma source(%dma_start3A_50 : memref<80x512xf32, #tpu.memory_space<hbm>>) target(%arg7 : memref<80x512xf32, #tpu.memory_space<vmem>>) target_semaphore(%arg12 : memref<!tpu.dma_semaphore, #tpu.memory_space<semaphore_mem>>)
    } else {
    }
    "tpu.region"() ({
      %run_scoped3A = tpu.sem_alloc : memref<!tpu.dma_semaphore, #tpu.memory_space<semaphore_mem>>
      tpu.enqueue_dma source(%arg3 : memref<512xf32, #tpu.memory_space<hbm>>) target(%arg9 : memref<512xf32, #tpu.memory_space<vmem>>) target_semaphore(%run_scoped3A : memref<!tpu.dma_semaphore, #tpu.memory_space<semaphore_mem>>)
      tpu.wait_dma2 semaphore(%run_scoped3A : memref<!tpu.dma_semaphore, #tpu.memory_space<semaphore_mem>>) src(%arg3 : memref<512xf32, #tpu.memory_space<hbm>>) dst(%arg9 : memref<512xf32, #tpu.memory_space<vmem>>)
      tpu.yield
    }) : () -> ()
    "tpu.region"() ({
      %run_scoped3A = tpu.sem_alloc : memref<!tpu.dma_semaphore, #tpu.memory_space<semaphore_mem>>
      tpu.enqueue_dma source(%arg4 : memref<512xf32, #tpu.memory_space<hbm>>) target(%arg10 : memref<512xf32, #tpu.memory_space<vmem>>) target_semaphore(%run_scoped3A : memref<!tpu.dma_semaphore, #tpu.memory_space<semaphore_mem>>)
      tpu.wait_dma2 semaphore(%run_scoped3A : memref<!tpu.dma_semaphore, #tpu.memory_space<semaphore_mem>>) src(%arg4 : memref<512xf32, #tpu.memory_space<hbm>>) dst(%arg10 : memref<512xf32, #tpu.memory_space<vmem>>)
      tpu.yield
    }) : () -> ()
    %scan3A = arith.constant 0 : i32
    %scan3A_42 = arith.constant 7 : i32
    %scan3A_43 = arith.addi %scan3A, %scan3A_42 : i32
    %scan3A_44 = arith.constant 1 : i32
    scf.for %scan3A_46 = %scan3A to %scan3A_43 step %scan3A_44  : i32 {
      %mul3A_47 = arith.constant 3 : i32
      %mul3A_48 = arith.muli %scan3A_46, %mul3A_47 : i32
      %add3A_49 = arith.constant 0 : i32
      %add3A_50 = arith.addi %mul3A_48, %add3A_49 : i32
      %lt3A_51 = arith.constant 19 : i32
      %lt3A_52 = arith.cmpi slt, %add3A_50, %lt3A_51 : i32
      %mul3A_53 = arith.constant 19 : i32
      %mul3A_54 = arith.muli %add3A, %mul3A_53 : i32
      %add3A_55 = arith.addi %mul3A_54, %add3A_50 : i32
      %add3A_56 = arith.constant 608 : i32
      %add3A_57 = arith.addi %add3A_56, %add3A : i32
      %select_n3A_58 = arith.select %lt3A_52, %add3A_55, %add3A_57 : i32
      %lt3A_59 = arith.constant 0 : i32
      %lt3A_60 = arith.cmpi slt, %add3A_50, %lt3A_59 : i32
      %jit3A_61 = arith.constant -1 : i32
      %select_n3A_62 = arith.select %lt3A_60, %jit3A_61, %select_n3A_58 : i32
      %ge3A_63 = arith.constant 0 : i32
      %ge3A_64 = arith.cmpi sge, %select_n3A_62, %ge3A_63 : i32
      %lt3A_65 = arith.constant 19 : i32
      %lt3A_66 = arith.cmpi slt, %add3A_50, %lt3A_65 : i32
      %eq3A = arith.constant 19 : i32
      %eq3A_67 = arith.cmpi eq, %add3A_50, %eq3A : i32
      %lt3A_68 = arith.constant 17 : i32
      %lt3A_69 = arith.cmpi slt, %add3A, %lt3A_68 : i32
      %and3A_70 = arith.andi %eq3A_67, %lt3A_69 : i1
      %jit3A_71 = arith.constant true
      %select_n3A_72 = arith.select %lt3A_66, %jit3A_71, %and3A_70 : i1
      %and3A_73 = arith.andi %ge3A_64, %select_n3A_72 : i1
      %convert_element_type3A_74 = arith.extui %and3A_73 : i1 to i32
      %cond3A_75 = arith.constant 0 : i32
      %cond3A_76 = arith.cmpi ne, %convert_element_type3A_74, %cond3A_75 : i32
      scf.if %cond3A_76 {
        %mul3A_474 = arith.constant 80 : i32
        %mul3A_475 = arith.muli %select_n3A_62, %mul3A_474 : i32
        %dma_wait3A = arith.constant 0 : i32
        %dma_wait3A_476 = tpu.memref_slice %arg2[%mul3A_475, %dma_wait3A] : memref<50000x512xf32, #tpu.memory_space<hbm>> -> memref<80x512xf32, #tpu.memory_space<hbm>>
        %dma_wait3A_477 = arith.constant 0 : i32
        %dma_wait3A_478 = tpu.memref_slice %arg2[%mul3A_475, %dma_wait3A_477] : memref<50000x512xf32, #tpu.memory_space<hbm>> -> memref<80x512xf32, #tpu.memory_space<hbm>>
        tpu.wait_dma2 semaphore(%arg11 : memref<!tpu.dma_semaphore, #tpu.memory_space<semaphore_mem>>) src(%dma_wait3A_478 : memref<80x512xf32, #tpu.memory_space<hbm>>) dst(%arg6 : memref<80x512xf32, #tpu.memory_space<vmem>>)
      } else {
      }
      %lt3A_77 = arith.constant 19 : i32
      %lt3A_78 = arith.cmpi slt, %add3A_50, %lt3A_77 : i32
      %mul3A_79 = arith.constant 19 : i32
      %mul3A_80 = arith.muli %add3A, %mul3A_79 : i32
      %add3A_81 = arith.addi %mul3A_80, %add3A_50 : i32
      %add3A_82 = arith.constant 608 : i32
      %add3A_83 = arith.addi %add3A_82, %add3A : i32
      %select_n3A_84 = arith.select %lt3A_78, %add3A_81, %add3A_83 : i32
      %lt3A_85 = arith.constant 0 : i32
      %lt3A_86 = arith.cmpi slt, %add3A_50, %lt3A_85 : i32
      %jit3A_87 = arith.constant -1 : i32
      %select_n3A_88 = arith.select %lt3A_86, %jit3A_87, %select_n3A_84 : i32
      %ge3A_89 = arith.constant 0 : i32
      %ge3A_90 = arith.cmpi sge, %select_n3A_88, %ge3A_89 : i32
      %lt3A_91 = arith.constant 19 : i32
      %lt3A_92 = arith.cmpi slt, %add3A_50, %lt3A_91 : i32
      %eq3A_93 = arith.constant 19 : i32
      %eq3A_94 = arith.cmpi eq, %add3A_50, %eq3A_93 : i32
      %lt3A_95 = arith.constant 17 : i32
      %lt3A_96 = arith.cmpi slt, %add3A, %lt3A_95 : i32
      %and3A_97 = arith.andi %eq3A_94, %lt3A_96 : i1
      %jit3A_98 = arith.constant true
      %select_n3A_99 = arith.select %lt3A_92, %jit3A_98, %and3A_97 : i1
      %and3A_100 = arith.andi %ge3A_90, %select_n3A_99 : i1
      %convert_element_type3A_101 = arith.extui %and3A_100 : i1 to i32
      %cond3A_102 = arith.constant 0 : i32
      %cond3A_103 = arith.cmpi ne, %convert_element_type3A_101, %cond3A_102 : i32
      scf.if %cond3A_103 {
        %get3A = arith.constant 0 : index
        %get3A_474 = tpu.vector_load %arg9[%get3A] {strides = array<i32>} : memref<512xf32, #tpu.memory_space<vmem>>, vector<16xf32>,
        %get3A_475 = vector.shape_cast %get3A_474 : vector<16xf32> to vector<16xf32>
        %get3A_476 = arith.constant 16 : index
        %get3A_477 = tpu.vector_load %arg9[%get3A_476] {strides = array<i32>} : memref<512xf32, #tpu.memory_space<vmem>>, vector<16xf32>,
        %get3A_478 = vector.shape_cast %get3A_477 : vector<16xf32> to vector<16xf32>
        %get3A_479 = arith.constant 32 : index
        %get3A_480 = tpu.vector_load %arg9[%get3A_479] {strides = array<i32>} : memref<512xf32, #tpu.memory_space<vmem>>, vector<16xf32>,
        %get3A_481 = vector.shape_cast %get3A_480 : vector<16xf32> to vector<16xf32>
        %get3A_482 = arith.constant 48 : index
        %get3A_483 = tpu.vector_load %arg9[%get3A_482] {strides = array<i32>} : memref<512xf32, #tpu.memory_space<vmem>>, vector<16xf32>,
        %get3A_484 = vector.shape_cast %get3A_483 : vector<16xf32> to vector<16xf32>
        %get3A_485 = arith.constant 64 : index
        %get3A_486 = tpu.vector_load %arg9[%get3A_485] {strides = array<i32>} : memref<512xf32, #tpu.memory_space<vmem>>, vector<16xf32>,
        %get3A_487 = vector.shape_cast %get3A_486 : vector<16xf32> to vector<16xf32>
        %get3A_488 = arith.constant 80 : index
        %get3A_489 = tpu.vector_load %arg9[%get3A_488] {strides = array<i32>} : memref<512xf32, #tpu.memory_space<vmem>>, vector<16xf32>,
        %get3A_490 = vector.shape_cast %get3A_489 : vector<16xf32> to vector<16xf32>
        %get3A_491 = arith.constant 96 : index
        %get3A_492 = tpu.vector_load %arg9[%get3A_491] {strides = array<i32>} : memref<512xf32, #tpu.memory_space<vmem>>, vector<16xf32>,
        %get3A_493 = vector.shape_cast %get3A_492 : vector<16xf32> to vector<16xf32>
        %get3A_494 = arith.constant 112 : index
        %get3A_495 = tpu.vector_load %arg9[%get3A_494] {strides = array<i32>} : memref<512xf32, #tpu.memory_space<vmem>>, vector<16xf32>,
        %get3A_496 = vector.shape_cast %get3A_495 : vector<16xf32> to vector<16xf32>
        %get3A_497 = arith.constant 128 : index
        %get3A_498 = tpu.vector_load %arg9[%get3A_497] {strides = array<i32>} : memref<512xf32, #tpu.memory_space<vmem>>, vector<16xf32>,
        %get3A_499 = vector.shape_cast %get3A_498 : vector<16xf32> to vector<16xf32>
        %get3A_500 = arith.constant 144 : index
        %get3A_501 = tpu.vector_load %arg9[%get3A_500] {strides = array<i32>} : memref<512xf32, #tpu.memory_space<vmem>>, vector<16xf32>,
        %get3A_502 = vector.shape_cast %get3A_501 : vector<16xf32> to vector<16xf32>
        %get3A_503 = arith.constant 160 : index
        %get3A_504 = tpu.vector_load %arg9[%get3A_503] {strides = array<i32>} : memref<512xf32, #tpu.memory_space<vmem>>, vector<16xf32>,
        %get3A_505 = vector.shape_cast %get3A_504 : vector<16xf32> to vector<16xf32>
        %get3A_506 = arith.constant 176 : index
        %get3A_507 = tpu.vector_load %arg9[%get3A_506] {strides = array<i32>} : memref<512xf32, #tpu.memory_space<vmem>>, vector<16xf32>,
        %get3A_508 = vector.shape_cast %get3A_507 : vector<16xf32> to vector<16xf32>
        %get3A_509 = arith.constant 192 : index
        %get3A_510 = tpu.vector_load %arg9[%get3A_509] {strides = array<i32>} : memref<512xf32, #tpu.memory_space<vmem>>, vector<16xf32>,
        %get3A_511 = vector.shape_cast %get3A_510 : vector<16xf32> to vector<16xf32>
        %get3A_512 = arith.constant 208 : index
        %get3A_513 = tpu.vector_load %arg9[%get3A_512] {strides = array<i32>} : memref<512xf32, #tpu.memory_space<vmem>>, vector<16xf32>,
        %get3A_514 = vector.shape_cast %get3A_513 : vector<16xf32> to vector<16xf32>
        %get3A_515 = arith.constant 224 : index
        %get3A_516 = tpu.vector_load %arg9[%get3A_515] {strides = array<i32>} : memref<512xf32, #tpu.memory_space<vmem>>, vector<16xf32>,
        %get3A_517 = vector.shape_cast %get3A_516 : vector<16xf32> to vector<16xf32>
        %get3A_518 = arith.constant 240 : index
        %get3A_519 = tpu.vector_load %arg9[%get3A_518] {strides = array<i32>} : memref<512xf32, #tpu.memory_space<vmem>>, vector<16xf32>,
        %get3A_520 = vector.shape_cast %get3A_519 : vector<16xf32> to vector<16xf32>
        %get3A_521 = arith.constant 0 : index
        %get3A_522 = tpu.vector_load %arg10[%get3A_521] {strides = array<i32>} : memref<512xf32, #tpu.memory_space<vmem>>, vector<16xf32>,
        %get3A_523 = vector.shape_cast %get3A_522 : vector<16xf32> to vector<16xf32>
        %get3A_524 = arith.constant 16 : index
        %get3A_525 = tpu.vector_load %arg10[%get3A_524] {strides = array<i32>} : memref<512xf32, #tpu.memory_space<vmem>>, vector<16xf32>,
        %get3A_526 = vector.shape_cast %get3A_525 : vector<16xf32> to vector<16xf32>
        %get3A_527 = arith.constant 32 : index
        %get3A_528 = tpu.vector_load %arg10[%get3A_527] {strides = array<i32>} : memref<512xf32, #tpu.memory_space<vmem>>, vector<16xf32>,
        %get3A_529 = vector.shape_cast %get3A_528 : vector<16xf32> to vector<16xf32>
        %get3A_530 = arith.constant 48 : index
        %get3A_531 = tpu.vector_load %arg10[%get3A_530] {strides = array<i32>} : memref<512xf32, #tpu.memory_space<vmem>>, vector<16xf32>,
        %get3A_532 = vector.shape_cast %get3A_531 : vector<16xf32> to vector<16xf32>
        %get3A_533 = arith.constant 64 : index
        %get3A_534 = tpu.vector_load %arg10[%get3A_533] {strides = array<i32>} : memref<512xf32, #tpu.memory_space<vmem>>, vector<16xf32>,
        %get3A_535 = vector.shape_cast %get3A_534 : vector<16xf32> to vector<16xf32>
        %get3A_536 = arith.constant 80 : index
        %get3A_537 = tpu.vector_load %arg10[%get3A_536] {strides = array<i32>} : memref<512xf32, #tpu.memory_space<vmem>>, vector<16xf32>,
        %get3A_538 = vector.shape_cast %get3A_537 : vector<16xf32> to vector<16xf32>
        %get3A_539 = arith.constant 96 : index
        %get3A_540 = tpu.vector_load %arg10[%get3A_539] {strides = array<i32>} : memref<512xf32, #tpu.memory_space<vmem>>, vector<16xf32>,
        %get3A_541 = vector.shape_cast %get3A_540 : vector<16xf32> to vector<16xf32>
        %get3A_542 = arith.constant 112 : index
        %get3A_543 = tpu.vector_load %arg10[%get3A_542] {strides = array<i32>} : memref<512xf32, #tpu.memory_space<vmem>>, vector<16xf32>,
        %get3A_544 = vector.shape_cast %get3A_543 : vector<16xf32> to vector<16xf32>
        %get3A_545 = arith.constant 128 : index
        %get3A_546 = tpu.vector_load %arg10[%get3A_545] {strides = array<i32>} : memref<512xf32, #tpu.memory_space<vmem>>, vector<16xf32>,
        %get3A_547 = vector.shape_cast %get3A_546 : vector<16xf32> to vector<16xf32>
        %get3A_548 = arith.constant 144 : index
        %get3A_549 = tpu.vector_load %arg10[%get3A_548] {strides = array<i32>} : memref<512xf32, #tpu.memory_space<vmem>>, vector<16xf32>,
        %get3A_550 = vector.shape_cast %get3A_549 : vector<16xf32> to vector<16xf32>
        %get3A_551 = arith.constant 160 : index
        %get3A_552 = tpu.vector_load %arg10[%get3A_551] {strides = array<i32>} : memref<512xf32, #tpu.memory_space<vmem>>, vector<16xf32>,
        %get3A_553 = vector.shape_cast %get3A_552 : vector<16xf32> to vector<16xf32>
        %get3A_554 = arith.constant 176 : index
        %get3A_555 = tpu.vector_load %arg10[%get3A_554] {strides = array<i32>} : memref<512xf32, #tpu.memory_space<vmem>>, vector<16xf32>,
        %get3A_556 = vector.shape_cast %get3A_555 : vector<16xf32> to vector<16xf32>
        %get3A_557 = arith.constant 192 : index
        %get3A_558 = tpu.vector_load %arg10[%get3A_557] {strides = array<i32>} : memref<512xf32, #tpu.memory_space<vmem>>, vector<16xf32>,
        %get3A_559 = vector.shape_cast %get3A_558 : vector<16xf32> to vector<16xf32>
        %get3A_560 = arith.constant 208 : index
        %get3A_561 = tpu.vector_load %arg10[%get3A_560] {strides = array<i32>} : memref<512xf32, #tpu.memory_space<vmem>>, vector<16xf32>,
        %get3A_562 = vector.shape_cast %get3A_561 : vector<16xf32> to vector<16xf32>
        %get3A_563 = arith.constant 224 : index
        %get3A_564 = tpu.vector_load %arg10[%get3A_563] {strides = array<i32>} : memref<512xf32, #tpu.memory_space<vmem>>, vector<16xf32>,
        %get3A_565 = vector.shape_cast %get3A_564 : vector<16xf32> to vector<16xf32>
        %get3A_566 = arith.constant 240 : index
        %get3A_567 = tpu.vector_load %arg10[%get3A_566] {strides = array<i32>} : memref<512xf32, #tpu.memory_space<vmem>>, vector<16xf32>,
        %get3A_568 = vector.shape_cast %get3A_567 : vector<16xf32> to vector<16xf32>
        %parallel_loop3A = arith.constant 0 : i32
        %parallel_loop3A_569 = arith.constant 80 : i32
        %parallel_loop3A_570 = arith.constant 1 : i32
        scf.for %parallel_loop3A_670 = %parallel_loop3A to %parallel_loop3A_569 step %parallel_loop3A_570  : i32 {
          %parallel_loop3A_671 = arith.index_cast %parallel_loop3A_670 : i32 to index
          %parallel_loop3A_672 = arith.constant 0 : index
          %parallel_loop3A_673 = tpu.vector_load %arg6[%parallel_loop3A_671, %parallel_loop3A_672] {strides = array<i32>} : memref<80x512xf32, #tpu.memory_space<vmem>>, vector<1x16xf32>,
          %parallel_loop3A_674 = vector.shape_cast %parallel_loop3A_673 : vector<1x16xf32> to vector<16xf32>
          %parallel_loop3A_675 = arith.mulf %parallel_loop3A_674, %get3A_475 : vector<16xf32>
          %parallel_loop3A_676 = arith.constant 0.000000e+00 : f32
          %parallel_loop3A_677 = vector.broadcast %parallel_loop3A_676 : f32 to vector<16xf32>
          %parallel_loop3A_678 = arith.maximumf %parallel_loop3A_675, %parallel_loop3A_677 : vector<16xf32>
          %parallel_loop3A_679 = arith.mulf %parallel_loop3A_678, %get3A_523 : vector<16xf32>
          %parallel_loop3A_680 = arith.index_cast %parallel_loop3A_670 : i32 to index
          %parallel_loop3A_681 = arith.constant 0 : index
          %parallel_loop3A_682 = tpu.vector_load %arg6[%parallel_loop3A_680, %parallel_loop3A_681] {strides = array<i32>} : memref<80x512xf32, #tpu.memory_space<vmem>>, vector<1x16xf32>,
          %parallel_loop3A_683 = vector.shape_cast %parallel_loop3A_682 : vector<1x16xf32> to vector<16xf32>
          %parallel_loop3A_684 = vector.shape_cast %parallel_loop3A_679 : vector<16xf32> to vector<1x16xf32>
          tpu.vector_store %arg6[%parallel_loop3A_680, %parallel_loop3A_681], %parallel_loop3A_684 {strides = array<i32>} : memref<80x512xf32, #tpu.memory_space<vmem>>, vector<1x16xf32>,
          %parallel_loop3A_685 = arith.index_cast %parallel_loop3A_670 : i32 to index
          %parallel_loop3A_686 = arith.constant 16 : index
          %parallel_loop3A_687 = tpu.vector_load %arg6[%parallel_loop3A_685, %parallel_loop3A_686] {strides = array<i32>} : memref<80x512xf32, #tpu.memory_space<vmem>>, vector<1x16xf32>,
          %parallel_loop3A_688 = vector.shape_cast %parallel_loop3A_687 : vector<1x16xf32> to vector<16xf32>
          %parallel_loop3A_689 = arith.mulf %parallel_loop3A_688, %get3A_478 : vector<16xf32>
          %parallel_loop3A_690 = arith.constant 0.000000e+00 : f32
          %parallel_loop3A_691 = vector.broadcast %parallel_loop3A_690 : f32 to vector<16xf32>
          %parallel_loop3A_692 = arith.maximumf %parallel_loop3A_689, %parallel_loop3A_691 : vector<16xf32>
          %parallel_loop3A_693 = arith.mulf %parallel_loop3A_692, %get3A_526 : vector<16xf32>
          %parallel_loop3A_694 = arith.index_cast %parallel_loop3A_670 : i32 to index
          %parallel_loop3A_695 = arith.constant 16 : index
          %parallel_loop3A_696 = tpu.vector_load %arg6[%parallel_loop3A_694, %parallel_loop3A_695] {strides = array<i32>} : memref<80x512xf32, #tpu.memory_space<vmem>>, vector<1x16xf32>,
          %parallel_loop3A_697 = vector.shape_cast %parallel_loop3A_696 : vector<1x16xf32> to vector<16xf32>
          %parallel_loop3A_698 = vector.shape_cast %parallel_loop3A_693 : vector<16xf32> to vector<1x16xf32>
          tpu.vector_store %arg6[%parallel_loop3A_694, %parallel_loop3A_695], %parallel_loop3A_698 {strides = array<i32>} : memref<80x512xf32, #tpu.memory_space<vmem>>, vector<1x16xf32>,
          %parallel_loop3A_699 = arith.index_cast %parallel_loop3A_670 : i32 to index
          %parallel_loop3A_700 = arith.constant 32 : index
          %parallel_loop3A_701 = tpu.vector_load %arg6[%parallel_loop3A_699, %parallel_loop3A_700] {strides = array<i32>} : memref<80x512xf32, #tpu.memory_space<vmem>>, vector<1x16xf32>,
          %parallel_loop3A_702 = vector.shape_cast %parallel_loop3A_701 : vector<1x16xf32> to vector<16xf32>
          %parallel_loop3A_703 = arith.mulf %parallel_loop3A_702, %get3A_481 : vector<16xf32>
          %parallel_loop3A_704 = arith.constant 0.000000e+00 : f32
          %parallel_loop3A_705 = vector.broadcast %parallel_loop3A_704 : f32 to vector<16xf32>
          %parallel_loop3A_706 = arith.maximumf %parallel_loop3A_703, %parallel_loop3A_705 : vector<16xf32>
          %parallel_loop3A_707 = arith.mulf %parallel_loop3A_706, %get3A_529 : vector<16xf32>
          %parallel_loop3A_708 = arith.index_cast %parallel_loop3A_670 : i32 to index
          %parallel_loop3A_709 = arith.constant 32 : index
          %parallel_loop3A_710 = tpu.vector_load %arg6[%parallel_loop3A_708, %parallel_loop3A_709] {strides = array<i32>} : memref<80x512xf32, #tpu.memory_space<vmem>>, vector<1x16xf32>,
          %parallel_loop3A_711 = vector.shape_cast %parallel_loop3A_710 : vector<1x16xf32> to vector<16xf32>
          %parallel_loop3A_712 = vector.shape_cast %parallel_loop3A_707 : vector<16xf32> to vector<1x16xf32>
          tpu.vector_store %arg6[%parallel_loop3A_708, %parallel_loop3A_709], %parallel_loop3A_712 {strides = array<i32>} : memref<80x512xf32, #tpu.memory_space<vmem>>, vector<1x16xf32>,
          %parallel_loop3A_713 = arith.index_cast %parallel_loop3A_670 : i32 to index
          %parallel_loop3A_714 = arith.constant 48 : index
          %parallel_loop3A_715 = tpu.vector_load %arg6[%parallel_loop3A_713, %parallel_loop3A_714] {strides = array<i32>} : memref<80x512xf32, #tpu.memory_space<vmem>>, vector<1x16xf32>,
          %parallel_loop3A_716 = vector.shape_cast %parallel_loop3A_715 : vector<1x16xf32> to vector<16xf32>
          %parallel_loop3A_717 = arith.mulf %parallel_loop3A_716, %get3A_484 : vector<16xf32>
          %parallel_loop3A_718 = arith.constant 0.000000e+00 : f32
          %parallel_loop3A_719 = vector.broadcast %parallel_loop3A_718 : f32 to vector<16xf32>
          %parallel_loop3A_720 = arith.maximumf %parallel_loop3A_717, %parallel_loop3A_719 : vector<16xf32>
          %parallel_loop3A_721 = arith.mulf %parallel_loop3A_720, %get3A_532 : vector<16xf32>
          %parallel_loop3A_722 = arith.index_cast %parallel_loop3A_670 : i32 to index
          %parallel_loop3A_723 = arith.constant 48 : index
          %parallel_loop3A_724 = tpu.vector_load %arg6[%parallel_loop3A_722, %parallel_loop3A_723] {strides = array<i32>} : memref<80x512xf32, #tpu.memory_space<vmem>>, vector<1x16xf32>,
          %parallel_loop3A_725 = vector.shape_cast %parallel_loop3A_724 : vector<1x16xf32> to vector<16xf32>
          %parallel_loop3A_726 = vector.shape_cast %parallel_loop3A_721 : vector<16xf32> to vector<1x16xf32>
          tpu.vector_store %arg6[%parallel_loop3A_722, %parallel_loop3A_723], %parallel_loop3A_726 {strides = array<i32>} : memref<80x512xf32, #tpu.memory_space<vmem>>, vector<1x16xf32>,
          %parallel_loop3A_727 = arith.index_cast %parallel_loop3A_670 : i32 to index
          %parallel_loop3A_728 = arith.constant 64 : index
          %parallel_loop3A_729 = tpu.vector_load %arg6[%parallel_loop3A_727, %parallel_loop3A_728] {strides = array<i32>} : memref<80x512xf32, #tpu.memory_space<vmem>>, vector<1x16xf32>,
          %parallel_loop3A_730 = vector.shape_cast %parallel_loop3A_729 : vector<1x16xf32> to vector<16xf32>
          %parallel_loop3A_731 = arith.mulf %parallel_loop3A_730, %get3A_487 : vector<16xf32>
          %parallel_loop3A_732 = arith.constant 0.000000e+00 : f32
          %parallel_loop3A_733 = vector.broadcast %parallel_loop3A_732 : f32 to vector<16xf32>
          %parallel_loop3A_734 = arith.maximumf %parallel_loop3A_731, %parallel_loop3A_733 : vector<16xf32>
          %parallel_loop3A_735 = arith.mulf %parallel_loop3A_734, %get3A_535 : vector<16xf32>
          %parallel_loop3A_736 = arith.index_cast %parallel_loop3A_670 : i32 to index
          %parallel_loop3A_737 = arith.constant 64 : index
          %parallel_loop3A_738 = tpu.vector_load %arg6[%parallel_loop3A_736, %parallel_loop3A_737] {strides = array<i32>} : memref<80x512xf32, #tpu.memory_space<vmem>>, vector<1x16xf32>,
          %parallel_loop3A_739 = vector.shape_cast %parallel_loop3A_738 : vector<1x16xf32> to vector<16xf32>
          %parallel_loop3A_740 = vector.shape_cast %parallel_loop3A_735 : vector<16xf32> to vector<1x16xf32>
          tpu.vector_store %arg6[%parallel_loop3A_736, %parallel_loop3A_737], %parallel_loop3A_740 {strides = array<i32>} : memref<80x512xf32, #tpu.memory_space<vmem>>, vector<1x16xf32>,
          %parallel_loop3A_741 = arith.index_cast %parallel_loop3A_670 : i32 to index
          %parallel_loop3A_742 = arith.constant 80 : index
          %parallel_loop3A_743 = tpu.vector_load %arg6[%parallel_loop3A_741, %parallel_loop3A_742] {strides = array<i32>} : memref<80x512xf32, #tpu.memory_space<vmem>>, vector<1x16xf32>,
          %parallel_loop3A_744 = vector.shape_cast %parallel_loop3A_743 : vector<1x16xf32> to vector<16xf32>
          %parallel_loop3A_745 = arith.mulf %parallel_loop3A_744, %get3A_490 : vector<16xf32>
          %parallel_loop3A_746 = arith.constant 0.000000e+00 : f32
          %parallel_loop3A_747 = vector.broadcast %parallel_loop3A_746 : f32 to vector<16xf32>
          %parallel_loop3A_748 = arith.maximumf %parallel_loop3A_745, %parallel_loop3A_747 : vector<16xf32>
          %parallel_loop3A_749 = arith.mulf %parallel_loop3A_748, %get3A_538 : vector<16xf32>
          %parallel_loop3A_750 = arith.index_cast %parallel_loop3A_670 : i32 to index
          %parallel_loop3A_751 = arith.constant 80 : index
          %parallel_loop3A_752 = tpu.vector_load %arg6[%parallel_loop3A_750, %parallel_loop3A_751] {strides = array<i32>} : memref<80x512xf32, #tpu.memory_space<vmem>>, vector<1x16xf32>,
          %parallel_loop3A_753 = vector.shape_cast %parallel_loop3A_752 : vector<1x16xf32> to vector<16xf32>
          %parallel_loop3A_754 = vector.shape_cast %parallel_loop3A_749 : vector<16xf32> to vector<1x16xf32>
          tpu.vector_store %arg6[%parallel_loop3A_750, %parallel_loop3A_751], %parallel_loop3A_754 {strides = array<i32>} : memref<80x512xf32, #tpu.memory_space<vmem>>, vector<1x16xf32>,
          %parallel_loop3A_755 = arith.index_cast %parallel_loop3A_670 : i32 to index
          %parallel_loop3A_756 = arith.constant 96 : index
          %parallel_loop3A_757 = tpu.vector_load %arg6[%parallel_loop3A_755, %parallel_loop3A_756] {strides = array<i32>} : memref<80x512xf32, #tpu.memory_space<vmem>>, vector<1x16xf32>,
          %parallel_loop3A_758 = vector.shape_cast %parallel_loop3A_757 : vector<1x16xf32> to vector<16xf32>
          %parallel_loop3A_759 = arith.mulf %parallel_loop3A_758, %get3A_493 : vector<16xf32>
          %parallel_loop3A_760 = arith.constant 0.000000e+00 : f32
          %parallel_loop3A_761 = vector.broadcast %parallel_loop3A_760 : f32 to vector<16xf32>
          %parallel_loop3A_762 = arith.maximumf %parallel_loop3A_759, %parallel_loop3A_761 : vector<16xf32>
          %parallel_loop3A_763 = arith.mulf %parallel_loop3A_762, %get3A_541 : vector<16xf32>
          %parallel_loop3A_764 = arith.index_cast %parallel_loop3A_670 : i32 to index
          %parallel_loop3A_765 = arith.constant 96 : index
          %parallel_loop3A_766 = tpu.vector_load %arg6[%parallel_loop3A_764, %parallel_loop3A_765] {strides = array<i32>} : memref<80x512xf32, #tpu.memory_space<vmem>>, vector<1x16xf32>,
          %parallel_loop3A_767 = vector.shape_cast %parallel_loop3A_766 : vector<1x16xf32> to vector<16xf32>
          %parallel_loop3A_768 = vector.shape_cast %parallel_loop3A_763 : vector<16xf32> to vector<1x16xf32>
          tpu.vector_store %arg6[%parallel_loop3A_764, %parallel_loop3A_765], %parallel_loop3A_768 {strides = array<i32>} : memref<80x512xf32, #tpu.memory_space<vmem>>, vector<1x16xf32>,
          %parallel_loop3A_769 = arith.index_cast %parallel_loop3A_670 : i32 to index
          %parallel_loop3A_770 = arith.constant 112 : index
          %parallel_loop3A_771 = tpu.vector_load %arg6[%parallel_loop3A_769, %parallel_loop3A_770] {strides = array<i32>} : memref<80x512xf32, #tpu.memory_space<vmem>>, vector<1x16xf32>,
          %parallel_loop3A_772 = vector.shape_cast %parallel_loop3A_771 : vector<1x16xf32> to vector<16xf32>
          %parallel_loop3A_773 = arith.mulf %parallel_loop3A_772, %get3A_496 : vector<16xf32>
          %parallel_loop3A_774 = arith.constant 0.000000e+00 : f32
          %parallel_loop3A_775 = vector.broadcast %parallel_loop3A_774 : f32 to vector<16xf32>
          %parallel_loop3A_776 = arith.maximumf %parallel_loop3A_773, %parallel_loop3A_775 : vector<16xf32>
          %parallel_loop3A_777 = arith.mulf %parallel_loop3A_776, %get3A_544 : vector<16xf32>
          %parallel_loop3A_778 = arith.index_cast %parallel_loop3A_670 : i32 to index
          %parallel_loop3A_779 = arith.constant 112 : index
          %parallel_loop3A_780 = tpu.vector_load %arg6[%parallel_loop3A_778, %parallel_loop3A_779] {strides = array<i32>} : memref<80x512xf32, #tpu.memory_space<vmem>>, vector<1x16xf32>,
          %parallel_loop3A_781 = vector.shape_cast %parallel_loop3A_780 : vector<1x16xf32> to vector<16xf32>
          %parallel_loop3A_782 = vector.shape_cast %parallel_loop3A_777 : vector<16xf32> to vector<1x16xf32>
          tpu.vector_store %arg6[%parallel_loop3A_778, %parallel_loop3A_779], %parallel_loop3A_782 {strides = array<i32>} : memref<80x512xf32, #tpu.memory_space<vmem>>, vector<1x16xf32>,
          %parallel_loop3A_783 = arith.index_cast %parallel_loop3A_670 : i32 to index
          %parallel_loop3A_784 = arith.constant 128 : index
          %parallel_loop3A_785 = tpu.vector_load %arg6[%parallel_loop3A_783, %parallel_loop3A_784] {strides = array<i32>} : memref<80x512xf32, #tpu.memory_space<vmem>>, vector<1x16xf32>,
          %parallel_loop3A_786 = vector.shape_cast %parallel_loop3A_785 : vector<1x16xf32> to vector<16xf32>
          %parallel_loop3A_787 = arith.mulf %parallel_loop3A_786, %get3A_499 : vector<16xf32>
          %parallel_loop3A_788 = arith.constant 0.000000e+00 : f32
          %parallel_loop3A_789 = vector.broadcast %parallel_loop3A_788 : f32 to vector<16xf32>
          %parallel_loop3A_790 = arith.maximumf %parallel_loop3A_787, %parallel_loop3A_789 : vector<16xf32>
          %parallel_loop3A_791 = arith.mulf %parallel_loop3A_790, %get3A_547 : vector<16xf32>
          %parallel_loop3A_792 = arith.index_cast %parallel_loop3A_670 : i32 to index
          %parallel_loop3A_793 = arith.constant 128 : index
          %parallel_loop3A_794 = tpu.vector_load %arg6[%parallel_loop3A_792, %parallel_loop3A_793] {strides = array<i32>} : memref<80x512xf32, #tpu.memory_space<vmem>>, vector<1x16xf32>,
          %parallel_loop3A_795 = vector.shape_cast %parallel_loop3A_794 : vector<1x16xf32> to vector<16xf32>
          %parallel_loop3A_796 = vector.shape_cast %parallel_loop3A_791 : vector<16xf32> to vector<1x16xf32>
          tpu.vector_store %arg6[%parallel_loop3A_792, %parallel_loop3A_793], %parallel_loop3A_796 {strides = array<i32>} : memref<80x512xf32, #tpu.memory_space<vmem>>, vector<1x16xf32>,
          %parallel_loop3A_797 = arith.index_cast %parallel_loop3A_670 : i32 to index
          %parallel_loop3A_798 = arith.constant 144 : index
          %parallel_loop3A_799 = tpu.vector_load %arg6[%parallel_loop3A_797, %parallel_loop3A_798] {strides = array<i32>} : memref<80x512xf32, #tpu.memory_space<vmem>>, vector<1x16xf32>,
          %parallel_loop3A_800 = vector.shape_cast %parallel_loop3A_799 : vector<1x16xf32> to vector<16xf32>
          %parallel_loop3A_801 = arith.mulf %parallel_loop3A_800, %get3A_502 : vector<16xf32>
          %parallel_loop3A_802 = arith.constant 0.000000e+00 : f32
          %parallel_loop3A_803 = vector.broadcast %parallel_loop3A_802 : f32 to vector<16xf32>
          %parallel_loop3A_804 = arith.maximumf %parallel_loop3A_801, %parallel_loop3A_803 : vector<16xf32>
          %parallel_loop3A_805 = arith.mulf %parallel_loop3A_804, %get3A_550 : vector<16xf32>
          %parallel_loop3A_806 = arith.index_cast %parallel_loop3A_670 : i32 to index
          %parallel_loop3A_807 = arith.constant 144 : index
          %parallel_loop3A_808 = tpu.vector_load %arg6[%parallel_loop3A_806, %parallel_loop3A_807] {strides = array<i32>} : memref<80x512xf32, #tpu.memory_space<vmem>>, vector<1x16xf32>,
          %parallel_loop3A_809 = vector.shape_cast %parallel_loop3A_808 : vector<1x16xf32> to vector<16xf32>
          %parallel_loop3A_810 = vector.shape_cast %parallel_loop3A_805 : vector<16xf32> to vector<1x16xf32>
          tpu.vector_store %arg6[%parallel_loop3A_806, %parallel_loop3A_807], %parallel_loop3A_810 {strides = array<i32>} : memref<80x512xf32, #tpu.memory_space<vmem>>, vector<1x16xf32>,
          %parallel_loop3A_811 = arith.index_cast %parallel_loop3A_670 : i32 to index
          %parallel_loop3A_812 = arith.constant 160 : index
          %parallel_loop3A_813 = tpu.vector_load %arg6[%parallel_loop3A_811, %parallel_loop3A_812] {strides = array<i32>} : memref<80x512xf32, #tpu.memory_space<vmem>>, vector<1x16xf32>,
          %parallel_loop3A_814 = vector.shape_cast %parallel_loop3A_813 : vector<1x16xf32> to vector<16xf32>
          %parallel_loop3A_815 = arith.mulf %parallel_loop3A_814, %get3A_505 : vector<16xf32>
          %parallel_loop3A_816 = arith.constant 0.000000e+00 : f32
          %parallel_loop3A_817 = vector.broadcast %parallel_loop3A_816 : f32 to vector<16xf32>
          %parallel_loop3A_818 = arith.maximumf %parallel_loop3A_815, %parallel_loop3A_817 : vector<16xf32>
          %parallel_loop3A_819 = arith.mulf %parallel_loop3A_818, %get3A_553 : vector<16xf32>
          %parallel_loop3A_820 = arith.index_cast %parallel_loop3A_670 : i32 to index
          %parallel_loop3A_821 = arith.constant 160 : index
          %parallel_loop3A_822 = tpu.vector_load %arg6[%parallel_loop3A_820, %parallel_loop3A_821] {strides = array<i32>} : memref<80x512xf32, #tpu.memory_space<vmem>>, vector<1x16xf32>,
          %parallel_loop3A_823 = vector.shape_cast %parallel_loop3A_822 : vector<1x16xf32> to vector<16xf32>
          %parallel_loop3A_824 = vector.shape_cast %parallel_loop3A_819 : vector<16xf32> to vector<1x16xf32>
          tpu.vector_store %arg6[%parallel_loop3A_820, %parallel_loop3A_821], %parallel_loop3A_824 {strides = array<i32>} : memref<80x512xf32, #tpu.memory_space<vmem>>, vector<1x16xf32>,
          %parallel_loop3A_825 = arith.index_cast %parallel_loop3A_670 : i32 to index
          %parallel_loop3A_826 = arith.constant 176 : index
          %parallel_loop3A_827 = tpu.vector_load %arg6[%parallel_loop3A_825, %parallel_loop3A_826] {strides = array<i32>} : memref<80x512xf32, #tpu.memory_space<vmem>>, vector<1x16xf32>,
          %parallel_loop3A_828 = vector.shape_cast %parallel_loop3A_827 : vector<1x16xf32> to vector<16xf32>
          %parallel_loop3A_829 = arith.mulf %parallel_loop3A_828, %get3A_508 : vector<16xf32>
          %parallel_loop3A_830 = arith.constant 0.000000e+00 : f32
          %parallel_loop3A_831 = vector.broadcast %parallel_loop3A_830 : f32 to vector<16xf32>
          %parallel_loop3A_832 = arith.maximumf %parallel_loop3A_829, %parallel_loop3A_831 : vector<16xf32>
          %parallel_loop3A_833 = arith.mulf %parallel_loop3A_832, %get3A_556 : vector<16xf32>
          %parallel_loop3A_834 = arith.index_cast %parallel_loop3A_670 : i32 to index
          %parallel_loop3A_835 = arith.constant 176 : index
          %parallel_loop3A_836 = tpu.vector_load %arg6[%parallel_loop3A_834, %parallel_loop3A_835] {strides = array<i32>} : memref<80x512xf32, #tpu.memory_space<vmem>>, vector<1x16xf32>,
          %parallel_loop3A_837 = vector.shape_cast %parallel_loop3A_836 : vector<1x16xf32> to vector<16xf32>
          %parallel_loop3A_838 = vector.shape_cast %parallel_loop3A_833 : vector<16xf32> to vector<1x16xf32>
          tpu.vector_store %arg6[%parallel_loop3A_834, %parallel_loop3A_835], %parallel_loop3A_838 {strides = array<i32>} : memref<80x512xf32, #tpu.memory_space<vmem>>, vector<1x16xf32>,
          %parallel_loop3A_839 = arith.index_cast %parallel_loop3A_670 : i32 to index
          %parallel_loop3A_840 = arith.constant 192 : index
          %parallel_loop3A_841 = tpu.vector_load %arg6[%parallel_loop3A_839, %parallel_loop3A_840] {strides = array<i32>} : memref<80x512xf32, #tpu.memory_space<vmem>>, vector<1x16xf32>,
          %parallel_loop3A_842 = vector.shape_cast %parallel_loop3A_841 : vector<1x16xf32> to vector<16xf32>
          %parallel_loop3A_843 = arith.mulf %parallel_loop3A_842, %get3A_511 : vector<16xf32>
          %parallel_loop3A_844 = arith.constant 0.000000e+00 : f32
          %parallel_loop3A_845 = vector.broadcast %parallel_loop3A_844 : f32 to vector<16xf32>
          %parallel_loop3A_846 = arith.maximumf %parallel_loop3A_843, %parallel_loop3A_845 : vector<16xf32>
          %parallel_loop3A_847 = arith.mulf %parallel_loop3A_846, %get3A_559 : vector<16xf32>
          %parallel_loop3A_848 = arith.index_cast %parallel_loop3A_670 : i32 to index
          %parallel_loop3A_849 = arith.constant 192 : index
          %parallel_loop3A_850 = tpu.vector_load %arg6[%parallel_loop3A_848, %parallel_loop3A_849] {strides = array<i32>} : memref<80x512xf32, #tpu.memory_space<vmem>>, vector<1x16xf32>,
          %parallel_loop3A_851 = vector.shape_cast %parallel_loop3A_850 : vector<1x16xf32> to vector<16xf32>
          %parallel_loop3A_852 = vector.shape_cast %parallel_loop3A_847 : vector<16xf32> to vector<1x16xf32>
          tpu.vector_store %arg6[%parallel_loop3A_848, %parallel_loop3A_849], %parallel_loop3A_852 {strides = array<i32>} : memref<80x512xf32, #tpu.memory_space<vmem>>, vector<1x16xf32>,
          %parallel_loop3A_853 = arith.index_cast %parallel_loop3A_670 : i32 to index
          %parallel_loop3A_854 = arith.constant 208 : index
          %parallel_loop3A_855 = tpu.vector_load %arg6[%parallel_loop3A_853, %parallel_loop3A_854] {strides = array<i32>} : memref<80x512xf32, #tpu.memory_space<vmem>>, vector<1x16xf32>,
          %parallel_loop3A_856 = vector.shape_cast %parallel_loop3A_855 : vector<1x16xf32> to vector<16xf32>
          %parallel_loop3A_857 = arith.mulf %parallel_loop3A_856, %get3A_514 : vector<16xf32>
          %parallel_loop3A_858 = arith.constant 0.000000e+00 : f32
          %parallel_loop3A_859 = vector.broadcast %parallel_loop3A_858 : f32 to vector<16xf32>
          %parallel_loop3A_860 = arith.maximumf %parallel_loop3A_857, %parallel_loop3A_859 : vector<16xf32>
          %parallel_loop3A_861 = arith.mulf %parallel_loop3A_860, %get3A_562 : vector<16xf32>
          %parallel_loop3A_862 = arith.index_cast %parallel_loop3A_670 : i32 to index
          %parallel_loop3A_863 = arith.constant 208 : index
          %parallel_loop3A_864 = tpu.vector_load %arg6[%parallel_loop3A_862, %parallel_loop3A_863] {strides = array<i32>} : memref<80x512xf32, #tpu.memory_space<vmem>>, vector<1x16xf32>,
          %parallel_loop3A_865 = vector.shape_cast %parallel_loop3A_864 : vector<1x16xf32> to vector<16xf32>
          %parallel_loop3A_866 = vector.shape_cast %parallel_loop3A_861 : vector<16xf32> to vector<1x16xf32>
          tpu.vector_store %arg6[%parallel_loop3A_862, %parallel_loop3A_863], %parallel_loop3A_866 {strides = array<i32>} : memref<80x512xf32, #tpu.memory_space<vmem>>, vector<1x16xf32>,
          %parallel_loop3A_867 = arith.index_cast %parallel_loop3A_670 : i32 to index
          %parallel_loop3A_868 = arith.constant 224 : index
          %parallel_loop3A_869 = tpu.vector_load %arg6[%parallel_loop3A_867, %parallel_loop3A_868] {strides = array<i32>} : memref<80x512xf32, #tpu.memory_space<vmem>>, vector<1x16xf32>,
          %parallel_loop3A_870 = vector.shape_cast %parallel_loop3A_869 : vector<1x16xf32> to vector<16xf32>
          %parallel_loop3A_871 = arith.mulf %parallel_loop3A_870, %get3A_517 : vector<16xf32>
          %parallel_loop3A_872 = arith.constant 0.000000e+00 : f32
          %parallel_loop3A_873 = vector.broadcast %parallel_loop3A_872 : f32 to vector<16xf32>
          %parallel_loop3A_874 = arith.maximumf %parallel_loop3A_871, %parallel_loop3A_873 : vector<16xf32>
          %parallel_loop3A_875 = arith.mulf %parallel_loop3A_874, %get3A_565 : vector<16xf32>
          %parallel_loop3A_876 = arith.index_cast %parallel_loop3A_670 : i32 to index
          %parallel_loop3A_877 = arith.constant 224 : index
          %parallel_loop3A_878 = tpu.vector_load %arg6[%parallel_loop3A_876, %parallel_loop3A_877] {strides = array<i32>} : memref<80x512xf32, #tpu.memory_space<vmem>>, vector<1x16xf32>,
          %parallel_loop3A_879 = vector.shape_cast %parallel_loop3A_878 : vector<1x16xf32> to vector<16xf32>
          %parallel_loop3A_880 = vector.shape_cast %parallel_loop3A_875 : vector<16xf32> to vector<1x16xf32>
          tpu.vector_store %arg6[%parallel_loop3A_876, %parallel_loop3A_877], %parallel_loop3A_880 {strides = array<i32>} : memref<80x512xf32, #tpu.memory_space<vmem>>, vector<1x16xf32>,
          %parallel_loop3A_881 = arith.index_cast %parallel_loop3A_670 : i32 to index
          %parallel_loop3A_882 = arith.constant 240 : index
          %parallel_loop3A_883 = tpu.vector_load %arg6[%parallel_loop3A_881, %parallel_loop3A_882] {strides = array<i32>} : memref<80x512xf32, #tpu.memory_space<vmem>>, vector<1x16xf32>,
          %parallel_loop3A_884 = vector.shape_cast %parallel_loop3A_883 : vector<1x16xf32> to vector<16xf32>
          %parallel_loop3A_885 = arith.mulf %parallel_loop3A_884, %get3A_520 : vector<16xf32>
          %parallel_loop3A_886 = arith.constant 0.000000e+00 : f32
          %parallel_loop3A_887 = vector.broadcast %parallel_loop3A_886 : f32 to vector<16xf32>
          %parallel_loop3A_888 = arith.maximumf %parallel_loop3A_885, %parallel_loop3A_887 : vector<16xf32>
          %parallel_loop3A_889 = arith.mulf %parallel_loop3A_888, %get3A_568 : vector<16xf32>
          %parallel_loop3A_890 = arith.index_cast %parallel_loop3A_670 : i32 to index
          %parallel_loop3A_891 = arith.constant 240 : index
          %parallel_loop3A_892 = tpu.vector_load %arg6[%parallel_loop3A_890, %parallel_loop3A_891] {strides = array<i32>} : memref<80x512xf32, #tpu.memory_space<vmem>>, vector<1x16xf32>,
          %parallel_loop3A_893 = vector.shape_cast %parallel_loop3A_892 : vector<1x16xf32> to vector<16xf32>
          %parallel_loop3A_894 = vector.shape_cast %parallel_loop3A_889 : vector<16xf32> to vector<1x16xf32>
          tpu.vector_store %arg6[%parallel_loop3A_890, %parallel_loop3A_891], %parallel_loop3A_894 {strides = array<i32>} : memref<80x512xf32, #tpu.memory_space<vmem>>, vector<1x16xf32>,
        } {sc.loop_unroll_factor = 1 : i64, sc.parallel_access}
        %get3A_571 = arith.constant 256 : index
        %get3A_572 = tpu.vector_load %arg9[%get3A_571] {strides = array<i32>} : memref<512xf32, #tpu.memory_space<vmem>>, vector<16xf32>,
        %get3A_573 = vector.shape_cast %get3A_572 : vector<16xf32> to vector<16xf32>
        %get3A_574 = arith.constant 272 : index
        %get3A_575 = tpu.vector_load %arg9[%get3A_574] {strides = array<i32>} : memref<512xf32, #tpu.memory_space<vmem>>, vector<16xf32>,
        %get3A_576 = vector.shape_cast %get3A_575 : vector<16xf32> to vector<16xf32>
        %get3A_577 = arith.constant 288 : index
        %get3A_578 = tpu.vector_load %arg9[%get3A_577] {strides = array<i32>} : memref<512xf32, #tpu.memory_space<vmem>>, vector<16xf32>,
        %get3A_579 = vector.shape_cast %get3A_578 : vector<16xf32> to vector<16xf32>
        %get3A_580 = arith.constant 304 : index
        %get3A_581 = tpu.vector_load %arg9[%get3A_580] {strides = array<i32>} : memref<512xf32, #tpu.memory_space<vmem>>, vector<16xf32>,
        %get3A_582 = vector.shape_cast %get3A_581 : vector<16xf32> to vector<16xf32>
        %get3A_583 = arith.constant 320 : index
        %get3A_584 = tpu.vector_load %arg9[%get3A_583] {strides = array<i32>} : memref<512xf32, #tpu.memory_space<vmem>>, vector<16xf32>,
        %get3A_585 = vector.shape_cast %get3A_584 : vector<16xf32> to vector<16xf32>
        %get3A_586 = arith.constant 336 : index
        %get3A_587 = tpu.vector_load %arg9[%get3A_586] {strides = array<i32>} : memref<512xf32, #tpu.memory_space<vmem>>, vector<16xf32>,
        %get3A_588 = vector.shape_cast %get3A_587 : vector<16xf32> to vector<16xf32>
        %get3A_589 = arith.constant 352 : index
        %get3A_590 = tpu.vector_load %arg9[%get3A_589] {strides = array<i32>} : memref<512xf32, #tpu.memory_space<vmem>>, vector<16xf32>,
        %get3A_591 = vector.shape_cast %get3A_590 : vector<16xf32> to vector<16xf32>
        %get3A_592 = arith.constant 368 : index
        %get3A_593 = tpu.vector_load %arg9[%get3A_592] {strides = array<i32>} : memref<512xf32, #tpu.memory_space<vmem>>, vector<16xf32>,
        %get3A_594 = vector.shape_cast %get3A_593 : vector<16xf32> to vector<16xf32>
        %get3A_595 = arith.constant 384 : index
        %get3A_596 = tpu.vector_load %arg9[%get3A_595] {strides = array<i32>} : memref<512xf32, #tpu.memory_space<vmem>>, vector<16xf32>,
        %get3A_597 = vector.shape_cast %get3A_596 : vector<16xf32> to vector<16xf32>
        %get3A_598 = arith.constant 400 : index
        %get3A_599 = tpu.vector_load %arg9[%get3A_598] {strides = array<i32>} : memref<512xf32, #tpu.memory_space<vmem>>, vector<16xf32>,
        %get3A_600 = vector.shape_cast %get3A_599 : vector<16xf32> to vector<16xf32>
        %get3A_601 = arith.constant 416 : index
        %get3A_602 = tpu.vector_load %arg9[%get3A_601] {strides = array<i32>} : memref<512xf32, #tpu.memory_space<vmem>>, vector<16xf32>,
        %get3A_603 = vector.shape_cast %get3A_602 : vector<16xf32> to vector<16xf32>
        %get3A_604 = arith.constant 432 : index
        %get3A_605 = tpu.vector_load %arg9[%get3A_604] {strides = array<i32>} : memref<512xf32, #tpu.memory_space<vmem>>, vector<16xf32>,
        %get3A_606 = vector.shape_cast %get3A_605 : vector<16xf32> to vector<16xf32>
        %get3A_607 = arith.constant 448 : index
        %get3A_608 = tpu.vector_load %arg9[%get3A_607] {strides = array<i32>} : memref<512xf32, #tpu.memory_space<vmem>>, vector<16xf32>,
        %get3A_609 = vector.shape_cast %get3A_608 : vector<16xf32> to vector<16xf32>
        %get3A_610 = arith.constant 464 : index
        %get3A_611 = tpu.vector_load %arg9[%get3A_610] {strides = array<i32>} : memref<512xf32, #tpu.memory_space<vmem>>, vector<16xf32>,
        %get3A_612 = vector.shape_cast %get3A_611 : vector<16xf32> to vector<16xf32>
        %get3A_613 = arith.constant 480 : index
        %get3A_614 = tpu.vector_load %arg9[%get3A_613] {strides = array<i32>} : memref<512xf32, #tpu.memory_space<vmem>>, vector<16xf32>,
        %get3A_615 = vector.shape_cast %get3A_614 : vector<16xf32> to vector<16xf32>
        %get3A_616 = arith.constant 496 : index
        %get3A_617 = tpu.vector_load %arg9[%get3A_616] {strides = array<i32>} : memref<512xf32, #tpu.memory_space<vmem>>, vector<16xf32>,
        %get3A_618 = vector.shape_cast %get3A_617 : vector<16xf32> to vector<16xf32>
        %get3A_619 = arith.constant 256 : index
        %get3A_620 = tpu.vector_load %arg10[%get3A_619] {strides = array<i32>} : memref<512xf32, #tpu.memory_space<vmem>>, vector<16xf32>,
        %get3A_621 = vector.shape_cast %get3A_620 : vector<16xf32> to vector<16xf32>
        %get3A_622 = arith.constant 272 : index
        %get3A_623 = tpu.vector_load %arg10[%get3A_622] {strides = array<i32>} : memref<512xf32, #tpu.memory_space<vmem>>, vector<16xf32>,
        %get3A_624 = vector.shape_cast %get3A_623 : vector<16xf32> to vector<16xf32>
        %get3A_625 = arith.constant 288 : index
        %get3A_626 = tpu.vector_load %arg10[%get3A_625] {strides = array<i32>} : memref<512xf32, #tpu.memory_space<vmem>>, vector<16xf32>,
        %get3A_627 = vector.shape_cast %get3A_626 : vector<16xf32> to vector<16xf32>
        %get3A_628 = arith.constant 304 : index
        %get3A_629 = tpu.vector_load %arg10[%get3A_628] {strides = array<i32>} : memref<512xf32, #tpu.memory_space<vmem>>, vector<16xf32>,
        %get3A_630 = vector.shape_cast %get3A_629 : vector<16xf32> to vector<16xf32>
        %get3A_631 = arith.constant 320 : index
        %get3A_632 = tpu.vector_load %arg10[%get3A_631] {strides = array<i32>} : memref<512xf32, #tpu.memory_space<vmem>>, vector<16xf32>,
        %get3A_633 = vector.shape_cast %get3A_632 : vector<16xf32> to vector<16xf32>
        %get3A_634 = arith.constant 336 : index
        %get3A_635 = tpu.vector_load %arg10[%get3A_634] {strides = array<i32>} : memref<512xf32, #tpu.memory_space<vmem>>, vector<16xf32>,
        %get3A_636 = vector.shape_cast %get3A_635 : vector<16xf32> to vector<16xf32>
        %get3A_637 = arith.constant 352 : index
        %get3A_638 = tpu.vector_load %arg10[%get3A_637] {strides = array<i32>} : memref<512xf32, #tpu.memory_space<vmem>>, vector<16xf32>,
        %get3A_639 = vector.shape_cast %get3A_638 : vector<16xf32> to vector<16xf32>
        %get3A_640 = arith.constant 368 : index
        %get3A_641 = tpu.vector_load %arg10[%get3A_640] {strides = array<i32>} : memref<512xf32, #tpu.memory_space<vmem>>, vector<16xf32>,
        %get3A_642 = vector.shape_cast %get3A_641 : vector<16xf32> to vector<16xf32>
        %get3A_643 = arith.constant 384 : index
        %get3A_644 = tpu.vector_load %arg10[%get3A_643] {strides = array<i32>} : memref<512xf32, #tpu.memory_space<vmem>>, vector<16xf32>,
        %get3A_645 = vector.shape_cast %get3A_644 : vector<16xf32> to vector<16xf32>
        %get3A_646 = arith.constant 400 : index
        %get3A_647 = tpu.vector_load %arg10[%get3A_646] {strides = array<i32>} : memref<512xf32, #tpu.memory_space<vmem>>, vector<16xf32>,
        %get3A_648 = vector.shape_cast %get3A_647 : vector<16xf32> to vector<16xf32>
        %get3A_649 = arith.constant 416 : index
        %get3A_650 = tpu.vector_load %arg10[%get3A_649] {strides = array<i32>} : memref<512xf32, #tpu.memory_space<vmem>>, vector<16xf32>,
        %get3A_651 = vector.shape_cast %get3A_650 : vector<16xf32> to vector<16xf32>
        %get3A_652 = arith.constant 432 : index
        %get3A_653 = tpu.vector_load %arg10[%get3A_652] {strides = array<i32>} : memref<512xf32, #tpu.memory_space<vmem>>, vector<16xf32>,
        %get3A_654 = vector.shape_cast %get3A_653 : vector<16xf32> to vector<16xf32>
        %get3A_655 = arith.constant 448 : index
        %get3A_656 = tpu.vector_load %arg10[%get3A_655] {strides = array<i32>} : memref<512xf32, #tpu.memory_space<vmem>>, vector<16xf32>,
        %get3A_657 = vector.shape_cast %get3A_656 : vector<16xf32> to vector<16xf32>
        %get3A_658 = arith.constant 464 : index
        %get3A_659 = tpu.vector_load %arg10[%get3A_658] {strides = array<i32>} : memref<512xf32, #tpu.memory_space<vmem>>, vector<16xf32>,
        %get3A_660 = vector.shape_cast %get3A_659 : vector<16xf32> to vector<16xf32>
        %get3A_661 = arith.constant 480 : index
        %get3A_662 = tpu.vector_load %arg10[%get3A_661] {strides = array<i32>} : memref<512xf32, #tpu.memory_space<vmem>>, vector<16xf32>,
        %get3A_663 = vector.shape_cast %get3A_662 : vector<16xf32> to vector<16xf32>
        %get3A_664 = arith.constant 496 : index
        %get3A_665 = tpu.vector_load %arg10[%get3A_664] {strides = array<i32>} : memref<512xf32, #tpu.memory_space<vmem>>, vector<16xf32>,
        %get3A_666 = vector.shape_cast %get3A_665 : vector<16xf32> to vector<16xf32>
        %parallel_loop3A_667 = arith.constant 0 : i32
        %parallel_loop3A_668 = arith.constant 80 : i32
        %parallel_loop3A_669 = arith.constant 1 : i32
        scf.for %parallel_loop3A_670 = %parallel_loop3A_667 to %parallel_loop3A_668 step %parallel_loop3A_669  : i32 {
          %parallel_loop3A_671 = arith.index_cast %parallel_loop3A_670 : i32 to index
          %parallel_loop3A_672 = arith.constant 256 : index
          %parallel_loop3A_673 = tpu.vector_load %arg6[%parallel_loop3A_671, %parallel_loop3A_672] {strides = array<i32>} : memref<80x512xf32, #tpu.memory_space<vmem>>, vector<1x16xf32>,
          %parallel_loop3A_674 = vector.shape_cast %parallel_loop3A_673 : vector<1x16xf32> to vector<16xf32>
          %parallel_loop3A_675 = arith.mulf %parallel_loop3A_674, %get3A_573 : vector<16xf32>
          %parallel_loop3A_676 = arith.constant 0.000000e+00 : f32
          %parallel_loop3A_677 = vector.broadcast %parallel_loop3A_676 : f32 to vector<16xf32>
          %parallel_loop3A_678 = arith.maximumf %parallel_loop3A_675, %parallel_loop3A_677 : vector<16xf32>
          %parallel_loop3A_679 = arith.mulf %parallel_loop3A_678, %get3A_621 : vector<16xf32>
          %parallel_loop3A_680 = arith.index_cast %parallel_loop3A_670 : i32 to index
          %parallel_loop3A_681 = arith.constant 256 : index
          %parallel_loop3A_682 = tpu.vector_load %arg6[%parallel_loop3A_680, %parallel_loop3A_681] {strides = array<i32>} : memref<80x512xf32, #tpu.memory_space<vmem>>, vector<1x16xf32>,
          %parallel_loop3A_683 = vector.shape_cast %parallel_loop3A_682 : vector<1x16xf32> to vector<16xf32>
          %parallel_loop3A_684 = vector.shape_cast %parallel_loop3A_679 : vector<16xf32> to vector<1x16xf32>
          tpu.vector_store %arg6[%parallel_loop3A_680, %parallel_loop3A_681], %parallel_loop3A_684 {strides = array<i32>} : memref<80x512xf32, #tpu.memory_space<vmem>>, vector<1x16xf32>,
          %parallel_loop3A_685 = arith.index_cast %parallel_loop3A_670 : i32 to index
          %parallel_loop3A_686 = arith.constant 272 : index
          %parallel_loop3A_687 = tpu.vector_load %arg6[%parallel_loop3A_685, %parallel_loop3A_686] {strides = array<i32>} : memref<80x512xf32, #tpu.memory_space<vmem>>, vector<1x16xf32>,
          %parallel_loop3A_688 = vector.shape_cast %parallel_loop3A_687 : vector<1x16xf32> to vector<16xf32>
          %parallel_loop3A_689 = arith.mulf %parallel_loop3A_688, %get3A_576 : vector<16xf32>
          %parallel_loop3A_690 = arith.constant 0.000000e+00 : f32
          %parallel_loop3A_691 = vector.broadcast %parallel_loop3A_690 : f32 to vector<16xf32>
          %parallel_loop3A_692 = arith.maximumf %parallel_loop3A_689, %parallel_loop3A_691 : vector<16xf32>
          %parallel_loop3A_693 = arith.mulf %parallel_loop3A_692, %get3A_624 : vector<16xf32>
          %parallel_loop3A_694 = arith.index_cast %parallel_loop3A_670 : i32 to index
          %parallel_loop3A_695 = arith.constant 272 : index
          %parallel_loop3A_696 = tpu.vector_load %arg6[%parallel_loop3A_694, %parallel_loop3A_695] {strides = array<i32>} : memref<80x512xf32, #tpu.memory_space<vmem>>, vector<1x16xf32>,
          %parallel_loop3A_697 = vector.shape_cast %parallel_loop3A_696 : vector<1x16xf32> to vector<16xf32>
          %parallel_loop3A_698 = vector.shape_cast %parallel_loop3A_693 : vector<16xf32> to vector<1x16xf32>
          tpu.vector_store %arg6[%parallel_loop3A_694, %parallel_loop3A_695], %parallel_loop3A_698 {strides = array<i32>} : memref<80x512xf32, #tpu.memory_space<vmem>>, vector<1x16xf32>,
          %parallel_loop3A_699 = arith.index_cast %parallel_loop3A_670 : i32 to index
          %parallel_loop3A_700 = arith.constant 288 : index
          %parallel_loop3A_701 = tpu.vector_load %arg6[%parallel_loop3A_699, %parallel_loop3A_700] {strides = array<i32>} : memref<80x512xf32, #tpu.memory_space<vmem>>, vector<1x16xf32>,
          %parallel_loop3A_702 = vector.shape_cast %parallel_loop3A_701 : vector<1x16xf32> to vector<16xf32>
          %parallel_loop3A_703 = arith.mulf %parallel_loop3A_702, %get3A_579 : vector<16xf32>
          %parallel_loop3A_704 = arith.constant 0.000000e+00 : f32
          %parallel_loop3A_705 = vector.broadcast %parallel_loop3A_704 : f32 to vector<16xf32>
          %parallel_loop3A_706 = arith.maximumf %parallel_loop3A_703, %parallel_loop3A_705 : vector<16xf32>
          %parallel_loop3A_707 = arith.mulf %parallel_loop3A_706, %get3A_627 : vector<16xf32>
          %parallel_loop3A_708 = arith.index_cast %parallel_loop3A_670 : i32 to index
          %parallel_loop3A_709 = arith.constant 288 : index
          %parallel_loop3A_710 = tpu.vector_load %arg6[%parallel_loop3A_708, %parallel_loop3A_709] {strides = array<i32>} : memref<80x512xf32, #tpu.memory_space<vmem>>, vector<1x16xf32>,
          %parallel_loop3A_711 = vector.shape_cast %parallel_loop3A_710 : vector<1x16xf32> to vector<16xf32>
          %parallel_loop3A_712 = vector.shape_cast %parallel_loop3A_707 : vector<16xf32> to vector<1x16xf32>
          tpu.vector_store %arg6[%parallel_loop3A_708, %parallel_loop3A_709], %parallel_loop3A_712 {strides = array<i32>} : memref<80x512xf32, #tpu.memory_space<vmem>>, vector<1x16xf32>,
          %parallel_loop3A_713 = arith.index_cast %parallel_loop3A_670 : i32 to index
          %parallel_loop3A_714 = arith.constant 304 : index
          %parallel_loop3A_715 = tpu.vector_load %arg6[%parallel_loop3A_713, %parallel_loop3A_714] {strides = array<i32>} : memref<80x512xf32, #tpu.memory_space<vmem>>, vector<1x16xf32>,
          %parallel_loop3A_716 = vector.shape_cast %parallel_loop3A_715 : vector<1x16xf32> to vector<16xf32>
          %parallel_loop3A_717 = arith.mulf %parallel_loop3A_716, %get3A_582 : vector<16xf32>
          %parallel_loop3A_718 = arith.constant 0.000000e+00 : f32
          %parallel_loop3A_719 = vector.broadcast %parallel_loop3A_718 : f32 to vector<16xf32>
          %parallel_loop3A_720 = arith.maximumf %parallel_loop3A_717, %parallel_loop3A_719 : vector<16xf32>
          %parallel_loop3A_721 = arith.mulf %parallel_loop3A_720, %get3A_630 : vector<16xf32>
          %parallel_loop3A_722 = arith.index_cast %parallel_loop3A_670 : i32 to index
          %parallel_loop3A_723 = arith.constant 304 : index
          %parallel_loop3A_724 = tpu.vector_load %arg6[%parallel_loop3A_722, %parallel_loop3A_723] {strides = array<i32>} : memref<80x512xf32, #tpu.memory_space<vmem>>, vector<1x16xf32>,
          %parallel_loop3A_725 = vector.shape_cast %parallel_loop3A_724 : vector<1x16xf32> to vector<16xf32>
          %parallel_loop3A_726 = vector.shape_cast %parallel_loop3A_721 : vector<16xf32> to vector<1x16xf32>
          tpu.vector_store %arg6[%parallel_loop3A_722, %parallel_loop3A_723], %parallel_loop3A_726 {strides = array<i32>} : memref<80x512xf32, #tpu.memory_space<vmem>>, vector<1x16xf32>,
          %parallel_loop3A_727 = arith.index_cast %parallel_loop3A_670 : i32 to index
          %parallel_loop3A_728 = arith.constant 320 : index
          %parallel_loop3A_729 = tpu.vector_load %arg6[%parallel_loop3A_727, %parallel_loop3A_728] {strides = array<i32>} : memref<80x512xf32, #tpu.memory_space<vmem>>, vector<1x16xf32>,
          %parallel_loop3A_730 = vector.shape_cast %parallel_loop3A_729 : vector<1x16xf32> to vector<16xf32>
          %parallel_loop3A_731 = arith.mulf %parallel_loop3A_730, %get3A_585 : vector<16xf32>
          %parallel_loop3A_732 = arith.constant 0.000000e+00 : f32
          %parallel_loop3A_733 = vector.broadcast %parallel_loop3A_732 : f32 to vector<16xf32>
          %parallel_loop3A_734 = arith.maximumf %parallel_loop3A_731, %parallel_loop3A_733 : vector<16xf32>
          %parallel_loop3A_735 = arith.mulf %parallel_loop3A_734, %get3A_633 : vector<16xf32>
          %parallel_loop3A_736 = arith.index_cast %parallel_loop3A_670 : i32 to index
          %parallel_loop3A_737 = arith.constant 320 : index
          %parallel_loop3A_738 = tpu.vector_load %arg6[%parallel_loop3A_736, %parallel_loop3A_737] {strides = array<i32>} : memref<80x512xf32, #tpu.memory_space<vmem>>, vector<1x16xf32>,
          %parallel_loop3A_739 = vector.shape_cast %parallel_loop3A_738 : vector<1x16xf32> to vector<16xf32>
          %parallel_loop3A_740 = vector.shape_cast %parallel_loop3A_735 : vector<16xf32> to vector<1x16xf32>
          tpu.vector_store %arg6[%parallel_loop3A_736, %parallel_loop3A_737], %parallel_loop3A_740 {strides = array<i32>} : memref<80x512xf32, #tpu.memory_space<vmem>>, vector<1x16xf32>,
          %parallel_loop3A_741 = arith.index_cast %parallel_loop3A_670 : i32 to index
          %parallel_loop3A_742 = arith.constant 336 : index
          %parallel_loop3A_743 = tpu.vector_load %arg6[%parallel_loop3A_741, %parallel_loop3A_742] {strides = array<i32>} : memref<80x512xf32, #tpu.memory_space<vmem>>, vector<1x16xf32>,
          %parallel_loop3A_744 = vector.shape_cast %parallel_loop3A_743 : vector<1x16xf32> to vector<16xf32>
          %parallel_loop3A_745 = arith.mulf %parallel_loop3A_744, %get3A_588 : vector<16xf32>
          %parallel_loop3A_746 = arith.constant 0.000000e+00 : f32
          %parallel_loop3A_747 = vector.broadcast %parallel_loop3A_746 : f32 to vector<16xf32>
          %parallel_loop3A_748 = arith.maximumf %parallel_loop3A_745, %parallel_loop3A_747 : vector<16xf32>
          %parallel_loop3A_749 = arith.mulf %parallel_loop3A_748, %get3A_636 : vector<16xf32>
          %parallel_loop3A_750 = arith.index_cast %parallel_loop3A_670 : i32 to index
          %parallel_loop3A_751 = arith.constant 336 : index
          %parallel_loop3A_752 = tpu.vector_load %arg6[%parallel_loop3A_750, %parallel_loop3A_751] {strides = array<i32>} : memref<80x512xf32, #tpu.memory_space<vmem>>, vector<1x16xf32>,
          %parallel_loop3A_753 = vector.shape_cast %parallel_loop3A_752 : vector<1x16xf32> to vector<16xf32>
          %parallel_loop3A_754 = vector.shape_cast %parallel_loop3A_749 : vector<16xf32> to vector<1x16xf32>
          tpu.vector_store %arg6[%parallel_loop3A_750, %parallel_loop3A_751], %parallel_loop3A_754 {strides = array<i32>} : memref<80x512xf32, #tpu.memory_space<vmem>>, vector<1x16xf32>,
          %parallel_loop3A_755 = arith.index_cast %parallel_loop3A_670 : i32 to index
          %parallel_loop3A_756 = arith.constant 352 : index
          %parallel_loop3A_757 = tpu.vector_load %arg6[%parallel_loop3A_755, %parallel_loop3A_756] {strides = array<i32>} : memref<80x512xf32, #tpu.memory_space<vmem>>, vector<1x16xf32>,
          %parallel_loop3A_758 = vector.shape_cast %parallel_loop3A_757 : vector<1x16xf32> to vector<16xf32>
          %parallel_loop3A_759 = arith.mulf %parallel_loop3A_758, %get3A_591 : vector<16xf32>
          %parallel_loop3A_760 = arith.constant 0.000000e+00 : f32
          %parallel_loop3A_761 = vector.broadcast %parallel_loop3A_760 : f32 to vector<16xf32>
          %parallel_loop3A_762 = arith.maximumf %parallel_loop3A_759, %parallel_loop3A_761 : vector<16xf32>
          %parallel_loop3A_763 = arith.mulf %parallel_loop3A_762, %get3A_639 : vector<16xf32>
          %parallel_loop3A_764 = arith.index_cast %parallel_loop3A_670 : i32 to index
          %parallel_loop3A_765 = arith.constant 352 : index
          %parallel_loop3A_766 = tpu.vector_load %arg6[%parallel_loop3A_764, %parallel_loop3A_765] {strides = array<i32>} : memref<80x512xf32, #tpu.memory_space<vmem>>, vector<1x16xf32>,
          %parallel_loop3A_767 = vector.shape_cast %parallel_loop3A_766 : vector<1x16xf32> to vector<16xf32>
          %parallel_loop3A_768 = vector.shape_cast %parallel_loop3A_763 : vector<16xf32> to vector<1x16xf32>
          tpu.vector_store %arg6[%parallel_loop3A_764, %parallel_loop3A_765], %parallel_loop3A_768 {strides = array<i32>} : memref<80x512xf32, #tpu.memory_space<vmem>>, vector<1x16xf32>,
          %parallel_loop3A_769 = arith.index_cast %parallel_loop3A_670 : i32 to index
          %parallel_loop3A_770 = arith.constant 368 : index
          %parallel_loop3A_771 = tpu.vector_load %arg6[%parallel_loop3A_769, %parallel_loop3A_770] {strides = array<i32>} : memref<80x512xf32, #tpu.memory_space<vmem>>, vector<1x16xf32>,
          %parallel_loop3A_772 = vector.shape_cast %parallel_loop3A_771 : vector<1x16xf32> to vector<16xf32>
          %parallel_loop3A_773 = arith.mulf %parallel_loop3A_772, %get3A_594 : vector<16xf32>
          %parallel_loop3A_774 = arith.constant 0.000000e+00 : f32
          %parallel_loop3A_775 = vector.broadcast %parallel_loop3A_774 : f32 to vector<16xf32>
          %parallel_loop3A_776 = arith.maximumf %parallel_loop3A_773, %parallel_loop3A_775 : vector<16xf32>
          %parallel_loop3A_777 = arith.mulf %parallel_loop3A_776, %get3A_642 : vector<16xf32>
          %parallel_loop3A_778 = arith.index_cast %parallel_loop3A_670 : i32 to index
          %parallel_loop3A_779 = arith.constant 368 : index
          %parallel_loop3A_780 = tpu.vector_load %arg6[%parallel_loop3A_778, %parallel_loop3A_779] {strides = array<i32>} : memref<80x512xf32, #tpu.memory_space<vmem>>, vector<1x16xf32>,
          %parallel_loop3A_781 = vector.shape_cast %parallel_loop3A_780 : vector<1x16xf32> to vector<16xf32>
          %parallel_loop3A_782 = vector.shape_cast %parallel_loop3A_777 : vector<16xf32> to vector<1x16xf32>
          tpu.vector_store %arg6[%parallel_loop3A_778, %parallel_loop3A_779], %parallel_loop3A_782 {strides = array<i32>} : memref<80x512xf32, #tpu.memory_space<vmem>>, vector<1x16xf32>,
          %parallel_loop3A_783 = arith.index_cast %parallel_loop3A_670 : i32 to index
          %parallel_loop3A_784 = arith.constant 384 : index
          %parallel_loop3A_785 = tpu.vector_load %arg6[%parallel_loop3A_783, %parallel_loop3A_784] {strides = array<i32>} : memref<80x512xf32, #tpu.memory_space<vmem>>, vector<1x16xf32>,
          %parallel_loop3A_786 = vector.shape_cast %parallel_loop3A_785 : vector<1x16xf32> to vector<16xf32>
          %parallel_loop3A_787 = arith.mulf %parallel_loop3A_786, %get3A_597 : vector<16xf32>
          %parallel_loop3A_788 = arith.constant 0.000000e+00 : f32
          %parallel_loop3A_789 = vector.broadcast %parallel_loop3A_788 : f32 to vector<16xf32>
          %parallel_loop3A_790 = arith.maximumf %parallel_loop3A_787, %parallel_loop3A_789 : vector<16xf32>
          %parallel_loop3A_791 = arith.mulf %parallel_loop3A_790, %get3A_645 : vector<16xf32>
          %parallel_loop3A_792 = arith.index_cast %parallel_loop3A_670 : i32 to index
          %parallel_loop3A_793 = arith.constant 384 : index
          %parallel_loop3A_794 = tpu.vector_load %arg6[%parallel_loop3A_792, %parallel_loop3A_793] {strides = array<i32>} : memref<80x512xf32, #tpu.memory_space<vmem>>, vector<1x16xf32>,
          %parallel_loop3A_795 = vector.shape_cast %parallel_loop3A_794 : vector<1x16xf32> to vector<16xf32>
          %parallel_loop3A_796 = vector.shape_cast %parallel_loop3A_791 : vector<16xf32> to vector<1x16xf32>
          tpu.vector_store %arg6[%parallel_loop3A_792, %parallel_loop3A_793], %parallel_loop3A_796 {strides = array<i32>} : memref<80x512xf32, #tpu.memory_space<vmem>>, vector<1x16xf32>,
          %parallel_loop3A_797 = arith.index_cast %parallel_loop3A_670 : i32 to index
          %parallel_loop3A_798 = arith.constant 400 : index
          %parallel_loop3A_799 = tpu.vector_load %arg6[%parallel_loop3A_797, %parallel_loop3A_798] {strides = array<i32>} : memref<80x512xf32, #tpu.memory_space<vmem>>, vector<1x16xf32>,
          %parallel_loop3A_800 = vector.shape_cast %parallel_loop3A_799 : vector<1x16xf32> to vector<16xf32>
          %parallel_loop3A_801 = arith.mulf %parallel_loop3A_800, %get3A_600 : vector<16xf32>
          %parallel_loop3A_802 = arith.constant 0.000000e+00 : f32
          %parallel_loop3A_803 = vector.broadcast %parallel_loop3A_802 : f32 to vector<16xf32>
          %parallel_loop3A_804 = arith.maximumf %parallel_loop3A_801, %parallel_loop3A_803 : vector<16xf32>
          %parallel_loop3A_805 = arith.mulf %parallel_loop3A_804, %get3A_648 : vector<16xf32>
          %parallel_loop3A_806 = arith.index_cast %parallel_loop3A_670 : i32 to index
          %parallel_loop3A_807 = arith.constant 400 : index
          %parallel_loop3A_808 = tpu.vector_load %arg6[%parallel_loop3A_806, %parallel_loop3A_807] {strides = array<i32>} : memref<80x512xf32, #tpu.memory_space<vmem>>, vector<1x16xf32>,
          %parallel_loop3A_809 = vector.shape_cast %parallel_loop3A_808 : vector<1x16xf32> to vector<16xf32>
          %parallel_loop3A_810 = vector.shape_cast %parallel_loop3A_805 : vector<16xf32> to vector<1x16xf32>
          tpu.vector_store %arg6[%parallel_loop3A_806, %parallel_loop3A_807], %parallel_loop3A_810 {strides = array<i32>} : memref<80x512xf32, #tpu.memory_space<vmem>>, vector<1x16xf32>,
          %parallel_loop3A_811 = arith.index_cast %parallel_loop3A_670 : i32 to index
          %parallel_loop3A_812 = arith.constant 416 : index
          %parallel_loop3A_813 = tpu.vector_load %arg6[%parallel_loop3A_811, %parallel_loop3A_812] {strides = array<i32>} : memref<80x512xf32, #tpu.memory_space<vmem>>, vector<1x16xf32>,
          %parallel_loop3A_814 = vector.shape_cast %parallel_loop3A_813 : vector<1x16xf32> to vector<16xf32>
          %parallel_loop3A_815 = arith.mulf %parallel_loop3A_814, %get3A_603 : vector<16xf32>
          %parallel_loop3A_816 = arith.constant 0.000000e+00 : f32
          %parallel_loop3A_817 = vector.broadcast %parallel_loop3A_816 : f32 to vector<16xf32>
          %parallel_loop3A_818 = arith.maximumf %parallel_loop3A_815, %parallel_loop3A_817 : vector<16xf32>
          %parallel_loop3A_819 = arith.mulf %parallel_loop3A_818, %get3A_651 : vector<16xf32>
          %parallel_loop3A_820 = arith.index_cast %parallel_loop3A_670 : i32 to index
          %parallel_loop3A_821 = arith.constant 416 : index
          %parallel_loop3A_822 = tpu.vector_load %arg6[%parallel_loop3A_820, %parallel_loop3A_821] {strides = array<i32>} : memref<80x512xf32, #tpu.memory_space<vmem>>, vector<1x16xf32>,
          %parallel_loop3A_823 = vector.shape_cast %parallel_loop3A_822 : vector<1x16xf32> to vector<16xf32>
          %parallel_loop3A_824 = vector.shape_cast %parallel_loop3A_819 : vector<16xf32> to vector<1x16xf32>
          tpu.vector_store %arg6[%parallel_loop3A_820, %parallel_loop3A_821], %parallel_loop3A_824 {strides = array<i32>} : memref<80x512xf32, #tpu.memory_space<vmem>>, vector<1x16xf32>,
          %parallel_loop3A_825 = arith.index_cast %parallel_loop3A_670 : i32 to index
          %parallel_loop3A_826 = arith.constant 432 : index
          %parallel_loop3A_827 = tpu.vector_load %arg6[%parallel_loop3A_825, %parallel_loop3A_826] {strides = array<i32>} : memref<80x512xf32, #tpu.memory_space<vmem>>, vector<1x16xf32>,
          %parallel_loop3A_828 = vector.shape_cast %parallel_loop3A_827 : vector<1x16xf32> to vector<16xf32>
          %parallel_loop3A_829 = arith.mulf %parallel_loop3A_828, %get3A_606 : vector<16xf32>
          %parallel_loop3A_830 = arith.constant 0.000000e+00 : f32
          %parallel_loop3A_831 = vector.broadcast %parallel_loop3A_830 : f32 to vector<16xf32>
          %parallel_loop3A_832 = arith.maximumf %parallel_loop3A_829, %parallel_loop3A_831 : vector<16xf32>
          %parallel_loop3A_833 = arith.mulf %parallel_loop3A_832, %get3A_654 : vector<16xf32>
          %parallel_loop3A_834 = arith.index_cast %parallel_loop3A_670 : i32 to index
          %parallel_loop3A_835 = arith.constant 432 : index
          %parallel_loop3A_836 = tpu.vector_load %arg6[%parallel_loop3A_834, %parallel_loop3A_835] {strides = array<i32>} : memref<80x512xf32, #tpu.memory_space<vmem>>, vector<1x16xf32>,
          %parallel_loop3A_837 = vector.shape_cast %parallel_loop3A_836 : vector<1x16xf32> to vector<16xf32>
          %parallel_loop3A_838 = vector.shape_cast %parallel_loop3A_833 : vector<16xf32> to vector<1x16xf32>
          tpu.vector_store %arg6[%parallel_loop3A_834, %parallel_loop3A_835], %parallel_loop3A_838 {strides = array<i32>} : memref<80x512xf32, #tpu.memory_space<vmem>>, vector<1x16xf32>,
          %parallel_loop3A_839 = arith.index_cast %parallel_loop3A_670 : i32 to index
          %parallel_loop3A_840 = arith.constant 448 : index
          %parallel_loop3A_841 = tpu.vector_load %arg6[%parallel_loop3A_839, %parallel_loop3A_840] {strides = array<i32>} : memref<80x512xf32, #tpu.memory_space<vmem>>, vector<1x16xf32>,
          %parallel_loop3A_842 = vector.shape_cast %parallel_loop3A_841 : vector<1x16xf32> to vector<16xf32>
          %parallel_loop3A_843 = arith.mulf %parallel_loop3A_842, %get3A_609 : vector<16xf32>
          %parallel_loop3A_844 = arith.constant 0.000000e+00 : f32
          %parallel_loop3A_845 = vector.broadcast %parallel_loop3A_844 : f32 to vector<16xf32>
          %parallel_loop3A_846 = arith.maximumf %parallel_loop3A_843, %parallel_loop3A_845 : vector<16xf32>
          %parallel_loop3A_847 = arith.mulf %parallel_loop3A_846, %get3A_657 : vector<16xf32>
          %parallel_loop3A_848 = arith.index_cast %parallel_loop3A_670 : i32 to index
          %parallel_loop3A_849 = arith.constant 448 : index
          %parallel_loop3A_850 = tpu.vector_load %arg6[%parallel_loop3A_848, %parallel_loop3A_849] {strides = array<i32>} : memref<80x512xf32, #tpu.memory_space<vmem>>, vector<1x16xf32>,
          %parallel_loop3A_851 = vector.shape_cast %parallel_loop3A_850 : vector<1x16xf32> to vector<16xf32>
          %parallel_loop3A_852 = vector.shape_cast %parallel_loop3A_847 : vector<16xf32> to vector<1x16xf32>
          tpu.vector_store %arg6[%parallel_loop3A_848, %parallel_loop3A_849], %parallel_loop3A_852 {strides = array<i32>} : memref<80x512xf32, #tpu.memory_space<vmem>>, vector<1x16xf32>,
          %parallel_loop3A_853 = arith.index_cast %parallel_loop3A_670 : i32 to index
          %parallel_loop3A_854 = arith.constant 464 : index
          %parallel_loop3A_855 = tpu.vector_load %arg6[%parallel_loop3A_853, %parallel_loop3A_854] {strides = array<i32>} : memref<80x512xf32, #tpu.memory_space<vmem>>, vector<1x16xf32>,
          %parallel_loop3A_856 = vector.shape_cast %parallel_loop3A_855 : vector<1x16xf32> to vector<16xf32>
          %parallel_loop3A_857 = arith.mulf %parallel_loop3A_856, %get3A_612 : vector<16xf32>
          %parallel_loop3A_858 = arith.constant 0.000000e+00 : f32
          %parallel_loop3A_859 = vector.broadcast %parallel_loop3A_858 : f32 to vector<16xf32>
          %parallel_loop3A_860 = arith.maximumf %parallel_loop3A_857, %parallel_loop3A_859 : vector<16xf32>
          %parallel_loop3A_861 = arith.mulf %parallel_loop3A_860, %get3A_660 : vector<16xf32>
          %parallel_loop3A_862 = arith.index_cast %parallel_loop3A_670 : i32 to index
          %parallel_loop3A_863 = arith.constant 464 : index
          %parallel_loop3A_864 = tpu.vector_load %arg6[%parallel_loop3A_862, %parallel_loop3A_863] {strides = array<i32>} : memref<80x512xf32, #tpu.memory_space<vmem>>, vector<1x16xf32>,
          %parallel_loop3A_865 = vector.shape_cast %parallel_loop3A_864 : vector<1x16xf32> to vector<16xf32>
          %parallel_loop3A_866 = vector.shape_cast %parallel_loop3A_861 : vector<16xf32> to vector<1x16xf32>
          tpu.vector_store %arg6[%parallel_loop3A_862, %parallel_loop3A_863], %parallel_loop3A_866 {strides = array<i32>} : memref<80x512xf32, #tpu.memory_space<vmem>>, vector<1x16xf32>,
          %parallel_loop3A_867 = arith.index_cast %parallel_loop3A_670 : i32 to index
          %parallel_loop3A_868 = arith.constant 480 : index
          %parallel_loop3A_869 = tpu.vector_load %arg6[%parallel_loop3A_867, %parallel_loop3A_868] {strides = array<i32>} : memref<80x512xf32, #tpu.memory_space<vmem>>, vector<1x16xf32>,
          %parallel_loop3A_870 = vector.shape_cast %parallel_loop3A_869 : vector<1x16xf32> to vector<16xf32>
          %parallel_loop3A_871 = arith.mulf %parallel_loop3A_870, %get3A_615 : vector<16xf32>
          %parallel_loop3A_872 = arith.constant 0.000000e+00 : f32
          %parallel_loop3A_873 = vector.broadcast %parallel_loop3A_872 : f32 to vector<16xf32>
          %parallel_loop3A_874 = arith.maximumf %parallel_loop3A_871, %parallel_loop3A_873 : vector<16xf32>
          %parallel_loop3A_875 = arith.mulf %parallel_loop3A_874, %get3A_663 : vector<16xf32>
          %parallel_loop3A_876 = arith.index_cast %parallel_loop3A_670 : i32 to index
          %parallel_loop3A_877 = arith.constant 480 : index
          %parallel_loop3A_878 = tpu.vector_load %arg6[%parallel_loop3A_876, %parallel_loop3A_877] {strides = array<i32>} : memref<80x512xf32, #tpu.memory_space<vmem>>, vector<1x16xf32>,
          %parallel_loop3A_879 = vector.shape_cast %parallel_loop3A_878 : vector<1x16xf32> to vector<16xf32>
          %parallel_loop3A_880 = vector.shape_cast %parallel_loop3A_875 : vector<16xf32> to vector<1x16xf32>
          tpu.vector_store %arg6[%parallel_loop3A_876, %parallel_loop3A_877], %parallel_loop3A_880 {strides = array<i32>} : memref<80x512xf32, #tpu.memory_space<vmem>>, vector<1x16xf32>,
          %parallel_loop3A_881 = arith.index_cast %parallel_loop3A_670 : i32 to index
          %parallel_loop3A_882 = arith.constant 496 : index
          %parallel_loop3A_883 = tpu.vector_load %arg6[%parallel_loop3A_881, %parallel_loop3A_882] {strides = array<i32>} : memref<80x512xf32, #tpu.memory_space<vmem>>, vector<1x16xf32>,
          %parallel_loop3A_884 = vector.shape_cast %parallel_loop3A_883 : vector<1x16xf32> to vector<16xf32>
          %parallel_loop3A_885 = arith.mulf %parallel_loop3A_884, %get3A_618 : vector<16xf32>
          %parallel_loop3A_886 = arith.constant 0.000000e+00 : f32
          %parallel_loop3A_887 = vector.broadcast %parallel_loop3A_886 : f32 to vector<16xf32>
          %parallel_loop3A_888 = arith.maximumf %parallel_loop3A_885, %parallel_loop3A_887 : vector<16xf32>
          %parallel_loop3A_889 = arith.mulf %parallel_loop3A_888, %get3A_666 : vector<16xf32>
          %parallel_loop3A_890 = arith.index_cast %parallel_loop3A_670 : i32 to index
          %parallel_loop3A_891 = arith.constant 496 : index
          %parallel_loop3A_892 = tpu.vector_load %arg6[%parallel_loop3A_890, %parallel_loop3A_891] {strides = array<i32>} : memref<80x512xf32, #tpu.memory_space<vmem>>, vector<1x16xf32>,
          %parallel_loop3A_893 = vector.shape_cast %parallel_loop3A_892 : vector<1x16xf32> to vector<16xf32>
          %parallel_loop3A_894 = vector.shape_cast %parallel_loop3A_889 : vector<16xf32> to vector<1x16xf32>
          tpu.vector_store %arg6[%parallel_loop3A_890, %parallel_loop3A_891], %parallel_loop3A_894 {strides = array<i32>} : memref<80x512xf32, #tpu.memory_space<vmem>>, vector<1x16xf32>,
        } {sc.loop_unroll_factor = 1 : i64, sc.parallel_access}
      } else {
      }
      %lt3A_104 = arith.constant 19 : i32
      %lt3A_105 = arith.cmpi slt, %add3A_50, %lt3A_104 : i32
      %mul3A_106 = arith.constant 19 : i32
      %mul3A_107 = arith.muli %add3A, %mul3A_106 : i32
      %add3A_108 = arith.addi %mul3A_107, %add3A_50 : i32
      %add3A_109 = arith.constant 608 : i32
      %add3A_110 = arith.addi %add3A_109, %add3A : i32
      %select_n3A_111 = arith.select %lt3A_105, %add3A_108, %add3A_110 : i32
      %lt3A_112 = arith.constant 0 : i32
      %lt3A_113 = arith.cmpi slt, %add3A_50, %lt3A_112 : i32
      %jit3A_114 = arith.constant -1 : i32
      %select_n3A_115 = arith.select %lt3A_113, %jit3A_114, %select_n3A_111 : i32
      %ge3A_116 = arith.constant 0 : i32
      %ge3A_117 = arith.cmpi sge, %select_n3A_115, %ge3A_116 : i32
      %lt3A_118 = arith.constant 19 : i32
      %lt3A_119 = arith.cmpi slt, %add3A_50, %lt3A_118 : i32
      %eq3A_120 = arith.constant 19 : i32
      %eq3A_121 = arith.cmpi eq, %add3A_50, %eq3A_120 : i32
      %lt3A_122 = arith.constant 17 : i32
      %lt3A_123 = arith.cmpi slt, %add3A, %lt3A_122 : i32
      %and3A_124 = arith.andi %eq3A_121, %lt3A_123 : i1
      %jit3A_125 = arith.constant true
      %select_n3A_126 = arith.select %lt3A_119, %jit3A_125, %and3A_124 : i1
      %and3A_127 = arith.andi %ge3A_117, %select_n3A_126 : i1
      %convert_element_type3A_128 = arith.extui %and3A_127 : i1 to i32
      %cond3A_129 = arith.constant 0 : i32
      %cond3A_130 = arith.cmpi ne, %convert_element_type3A_128, %cond3A_129 : i32
      scf.if %cond3A_130 {
        %mul3A_474 = arith.constant 80 : i32
        %mul3A_475 = arith.muli %select_n3A_115, %mul3A_474 : i32
        %dma_start3A = arith.constant 0 : i32
        %dma_start3A_476 = tpu.memref_slice %arg5[%mul3A_475, %dma_start3A] : memref<50000x512xf32, #tpu.memory_space<hbm>> -> memref<80x512xf32, #tpu.memory_space<hbm>>
        %dma_start3A_477 = arith.constant 0 : i32
        %dma_start3A_478 = tpu.memref_slice %arg5[%mul3A_475, %dma_start3A_477] : memref<50000x512xf32, #tpu.memory_space<hbm>> -> memref<80x512xf32, #tpu.memory_space<hbm>>
        tpu.enqueue_dma source(%arg6 : memref<80x512xf32, #tpu.memory_space<vmem>>) target(%dma_start3A_478 : memref<80x512xf32, #tpu.memory_space<hbm>>) target_semaphore(%arg14 : memref<!tpu.dma_semaphore, #tpu.memory_space<semaphore_mem>>)
      } else {
      }
      %sub3A = arith.constant 1 : i32
      %sub3A_131 = arith.subi %add3A_50, %sub3A : i32
      %lt3A_132 = arith.constant 19 : i32
      %lt3A_133 = arith.cmpi slt, %sub3A_131, %lt3A_132 : i32
      %mul3A_134 = arith.constant 19 : i32
      %mul3A_135 = arith.muli %add3A, %mul3A_134 : i32
      %add3A_136 = arith.addi %mul3A_135, %sub3A_131 : i32
      %add3A_137 = arith.constant 608 : i32
      %add3A_138 = arith.addi %add3A_137, %add3A : i32
      %select_n3A_139 = arith.select %lt3A_133, %add3A_136, %add3A_138 : i32
      %lt3A_140 = arith.constant 0 : i32
      %lt3A_141 = arith.cmpi slt, %sub3A_131, %lt3A_140 : i32
      %jit3A_142 = arith.constant -1 : i32
      %select_n3A_143 = arith.select %lt3A_141, %jit3A_142, %select_n3A_139 : i32
      %ge3A_144 = arith.constant 0 : i32
      %ge3A_145 = arith.cmpi sge, %select_n3A_143, %ge3A_144 : i32
      %lt3A_146 = arith.constant 19 : i32
      %lt3A_147 = arith.cmpi slt, %sub3A_131, %lt3A_146 : i32
      %eq3A_148 = arith.constant 19 : i32
      %eq3A_149 = arith.cmpi eq, %sub3A_131, %eq3A_148 : i32
      %lt3A_150 = arith.constant 17 : i32
      %lt3A_151 = arith.cmpi slt, %add3A, %lt3A_150 : i32
      %and3A_152 = arith.andi %eq3A_149, %lt3A_151 : i1
      %jit3A_153 = arith.constant true
      %select_n3A_154 = arith.select %lt3A_147, %jit3A_153, %and3A_152 : i1
      %and3A_155 = arith.andi %ge3A_145, %select_n3A_154 : i1
      %convert_element_type3A_156 = arith.extui %and3A_155 : i1 to i32
      %cond3A_157 = arith.constant 0 : i32
      %cond3A_158 = arith.cmpi ne, %convert_element_type3A_156, %cond3A_157 : i32
      scf.if %cond3A_158 {
        %mul3A_474 = arith.constant 80 : i32
        %mul3A_475 = arith.muli %select_n3A_143, %mul3A_474 : i32
        %dma_wait3A = arith.constant 0 : i32
        %dma_wait3A_476 = tpu.memref_slice %arg5[%mul3A_475, %dma_wait3A] : memref<50000x512xf32, #tpu.memory_space<hbm>> -> memref<80x512xf32, #tpu.memory_space<hbm>>
        %dma_wait3A_477 = arith.constant 0 : i32
        %dma_wait3A_478 = tpu.memref_slice %arg5[%mul3A_475, %dma_wait3A_477] : memref<50000x512xf32, #tpu.memory_space<hbm>> -> memref<80x512xf32, #tpu.memory_space<hbm>>
        tpu.wait_dma2 semaphore(%arg16 : memref<!tpu.dma_semaphore, #tpu.memory_space<semaphore_mem>>) src(%arg8 : memref<80x512xf32, #tpu.memory_space<vmem>>) dst(%dma_wait3A_478 : memref<80x512xf32, #tpu.memory_space<hbm>>)
      } else {
      }
      %add3A_159 = arith.constant 2 : i32
      %add3A_160 = arith.addi %add3A_50, %add3A_159 : i32
      %lt3A_161 = arith.constant 19 : i32
      %lt3A_162 = arith.cmpi slt, %add3A_160, %lt3A_161 : i32
      %mul3A_163 = arith.constant 19 : i32
      %mul3A_164 = arith.muli %add3A, %mul3A_163 : i32
      %add3A_165 = arith.addi %mul3A_164, %add3A_160 : i32
      %add3A_166 = arith.constant 608 : i32
      %add3A_167 = arith.addi %add3A_166, %add3A : i32
      %select_n3A_168 = arith.select %lt3A_162, %add3A_165, %add3A_167 : i32
      %lt3A_169 = arith.constant 0 : i32
      %lt3A_170 = arith.cmpi slt, %add3A_160, %lt3A_169 : i32
      %jit3A_171 = arith.constant -1 : i32
      %select_n3A_172 = arith.select %lt3A_170, %jit3A_171, %select_n3A_168 : i32
      %ge3A_173 = arith.constant 0 : i32
      %ge3A_174 = arith.cmpi sge, %select_n3A_172, %ge3A_173 : i32
      %lt3A_175 = arith.constant 19 : i32
      %lt3A_176 = arith.cmpi slt, %add3A_160, %lt3A_175 : i32
      %eq3A_177 = arith.constant 19 : i32
      %eq3A_178 = arith.cmpi eq, %add3A_160, %eq3A_177 : i32
      %lt3A_179 = arith.constant 17 : i32
      %lt3A_180 = arith.cmpi slt, %add3A, %lt3A_179 : i32
      %and3A_181 = arith.andi %eq3A_178, %lt3A_180 : i1
      %jit3A_182 = arith.constant true
      %select_n3A_183 = arith.select %lt3A_176, %jit3A_182, %and3A_181 : i1
      %and3A_184 = arith.andi %ge3A_174, %select_n3A_183 : i1
      %convert_element_type3A_185 = arith.extui %and3A_184 : i1 to i32
      %cond3A_186 = arith.constant 0 : i32
      %cond3A_187 = arith.cmpi ne, %convert_element_type3A_185, %cond3A_186 : i32
      scf.if %cond3A_187 {
        %mul3A_474 = arith.constant 80 : i32
        %mul3A_475 = arith.muli %select_n3A_172, %mul3A_474 : i32
        %dma_start3A = arith.constant 0 : i32
        %dma_start3A_476 = tpu.memref_slice %arg2[%mul3A_475, %dma_start3A] : memref<50000x512xf32, #tpu.memory_space<hbm>> -> memref<80x512xf32, #tpu.memory_space<hbm>>
        %dma_start3A_477 = arith.constant 0 : i32
        %dma_start3A_478 = tpu.memref_slice %arg2[%mul3A_475, %dma_start3A_477] : memref<50000x512xf32, #tpu.memory_space<hbm>> -> memref<80x512xf32, #tpu.memory_space<hbm>>
        tpu.enqueue_dma source(%dma_start3A_478 : memref<80x512xf32, #tpu.memory_space<hbm>>) target(%arg8 : memref<80x512xf32, #tpu.memory_space<vmem>>) target_semaphore(%arg13 : memref<!tpu.dma_semaphore, #tpu.memory_space<semaphore_mem>>)
      } else {
      }
      %mul3A_188 = arith.constant 3 : i32
      %mul3A_189 = arith.muli %scan3A_46, %mul3A_188 : i32
      %add3A_190 = arith.constant 1 : i32
      %add3A_191 = arith.addi %mul3A_189, %add3A_190 : i32
      %lt3A_192 = arith.constant 19 : i32
      %lt3A_193 = arith.cmpi slt, %add3A_191, %lt3A_192 : i32
      %mul3A_194 = arith.constant 19 : i32
      %mul3A_195 = arith.muli %add3A, %mul3A_194 : i32
      %add3A_196 = arith.addi %mul3A_195, %add3A_191 : i32
      %add3A_197 = arith.constant 608 : i32
      %add3A_198 = arith.addi %add3A_197, %add3A : i32
      %select_n3A_199 = arith.select %lt3A_193, %add3A_196, %add3A_198 : i32
      %lt3A_200 = arith.constant 0 : i32
      %lt3A_201 = arith.cmpi slt, %add3A_191, %lt3A_200 : i32
      %jit3A_202 = arith.constant -1 : i32
      %select_n3A_203 = arith.select %lt3A_201, %jit3A_202, %select_n3A_199 : i32
      %ge3A_204 = arith.constant 0 : i32
      %ge3A_205 = arith.cmpi sge, %select_n3A_203, %ge3A_204 : i32
      %lt3A_206 = arith.constant 19 : i32
      %lt3A_207 = arith.cmpi slt, %add3A_191, %lt3A_206 : i32
      %eq3A_208 = arith.constant 19 : i32
      %eq3A_209 = arith.cmpi eq, %add3A_191, %eq3A_208 : i32
      %lt3A_210 = arith.constant 17 : i32
      %lt3A_211 = arith.cmpi slt, %add3A, %lt3A_210 : i32
      %and3A_212 = arith.andi %eq3A_209, %lt3A_211 : i1
      %jit3A_213 = arith.constant true
      %select_n3A_214 = arith.select %lt3A_207, %jit3A_213, %and3A_212 : i1
      %and3A_215 = arith.andi %ge3A_205, %select_n3A_214 : i1
      %convert_element_type3A_216 = arith.extui %and3A_215 : i1 to i32
      %cond3A_217 = arith.constant 0 : i32
      %cond3A_218 = arith.cmpi ne, %convert_element_type3A_216, %cond3A_217 : i32
      scf.if %cond3A_218 {
        %mul3A_474 = arith.constant 80 : i32
        %mul3A_475 = arith.muli %select_n3A_203, %mul3A_474 : i32
        %dma_wait3A = arith.constant 0 : i32
        %dma_wait3A_476 = tpu.memref_slice %arg2[%mul3A_475, %dma_wait3A] : memref<50000x512xf32, #tpu.memory_space<hbm>> -> memref<80x512xf32, #tpu.memory_space<hbm>>
        %dma_wait3A_477 = arith.constant 0 : i32
        %dma_wait3A_478 = tpu.memref_slice %arg2[%mul3A_475, %dma_wait3A_477] : memref<50000x512xf32, #tpu.memory_space<hbm>> -> memref<80x512xf32, #tpu.memory_space<hbm>>
        tpu.wait_dma2 semaphore(%arg12 : memref<!tpu.dma_semaphore, #tpu.memory_space<semaphore_mem>>) src(%dma_wait3A_478 : memref<80x512xf32, #tpu.memory_space<hbm>>) dst(%arg7 : memref<80x512xf32, #tpu.memory_space<vmem>>)
      } else {
      }
      %lt3A_219 = arith.constant 19 : i32
      %lt3A_220 = arith.cmpi slt, %add3A_191, %lt3A_219 : i32
      %mul3A_221 = arith.constant 19 : i32
      %mul3A_222 = arith.muli %add3A, %mul3A_221 : i32
      %add3A_223 = arith.addi %mul3A_222, %add3A_191 : i32
      %add3A_224 = arith.constant 608 : i32
      %add3A_225 = arith.addi %add3A_224, %add3A : i32
      %select_n3A_226 = arith.select %lt3A_220, %add3A_223, %add3A_225 : i32
      %lt3A_227 = arith.constant 0 : i32
      %lt3A_228 = arith.cmpi slt, %add3A_191, %lt3A_227 : i32
      %jit3A_229 = arith.constant -1 : i32
      %select_n3A_230 = arith.select %lt3A_228, %jit3A_229, %select_n3A_226 : i32
      %ge3A_231 = arith.constant 0 : i32
      %ge3A_232 = arith.cmpi sge, %select_n3A_230, %ge3A_231 : i32
      %lt3A_233 = arith.constant 19 : i32
      %lt3A_234 = arith.cmpi slt, %add3A_191, %lt3A_233 : i32
      %eq3A_235 = arith.constant 19 : i32
      %eq3A_236 = arith.cmpi eq, %add3A_191, %eq3A_235 : i32
      %lt3A_237 = arith.constant 17 : i32
      %lt3A_238 = arith.cmpi slt, %add3A, %lt3A_237 : i32
      %and3A_239 = arith.andi %eq3A_236, %lt3A_238 : i1
      %jit3A_240 = arith.constant true
      %select_n3A_241 = arith.select %lt3A_234, %jit3A_240, %and3A_239 : i1
      %and3A_242 = arith.andi %ge3A_232, %select_n3A_241 : i1
      %convert_element_type3A_243 = arith.extui %and3A_242 : i1 to i32
      %cond3A_244 = arith.constant 0 : i32
      %cond3A_245 = arith.cmpi ne, %convert_element_type3A_243, %cond3A_244 : i32
      scf.if %cond3A_245 {
        %get3A = arith.constant 0 : index
        %get3A_474 = tpu.vector_load %arg9[%get3A] {strides = array<i32>} : memref<512xf32, #tpu.memory_space<vmem>>, vector<16xf32>,
        %get3A_475 = vector.shape_cast %get3A_474 : vector<16xf32> to vector<16xf32>
        %get3A_476 = arith.constant 16 : index
        %get3A_477 = tpu.vector_load %arg9[%get3A_476] {strides = array<i32>} : memref<512xf32, #tpu.memory_space<vmem>>, vector<16xf32>,
        %get3A_478 = vector.shape_cast %get3A_477 : vector<16xf32> to vector<16xf32>
        %get3A_479 = arith.constant 32 : index
        %get3A_480 = tpu.vector_load %arg9[%get3A_479] {strides = array<i32>} : memref<512xf32, #tpu.memory_space<vmem>>, vector<16xf32>,
        %get3A_481 = vector.shape_cast %get3A_480 : vector<16xf32> to vector<16xf32>
        %get3A_482 = arith.constant 48 : index
        %get3A_483 = tpu.vector_load %arg9[%get3A_482] {strides = array<i32>} : memref<512xf32, #tpu.memory_space<vmem>>, vector<16xf32>,
        %get3A_484 = vector.shape_cast %get3A_483 : vector<16xf32> to vector<16xf32>
        %get3A_485 = arith.constant 64 : index
        %get3A_486 = tpu.vector_load %arg9[%get3A_485] {strides = array<i32>} : memref<512xf32, #tpu.memory_space<vmem>>, vector<16xf32>,
        %get3A_487 = vector.shape_cast %get3A_486 : vector<16xf32> to vector<16xf32>
        %get3A_488 = arith.constant 80 : index
        %get3A_489 = tpu.vector_load %arg9[%get3A_488] {strides = array<i32>} : memref<512xf32, #tpu.memory_space<vmem>>, vector<16xf32>,
        %get3A_490 = vector.shape_cast %get3A_489 : vector<16xf32> to vector<16xf32>
        %get3A_491 = arith.constant 96 : index
        %get3A_492 = tpu.vector_load %arg9[%get3A_491] {strides = array<i32>} : memref<512xf32, #tpu.memory_space<vmem>>, vector<16xf32>,
        %get3A_493 = vector.shape_cast %get3A_492 : vector<16xf32> to vector<16xf32>
        %get3A_494 = arith.constant 112 : index
        %get3A_495 = tpu.vector_load %arg9[%get3A_494] {strides = array<i32>} : memref<512xf32, #tpu.memory_space<vmem>>, vector<16xf32>,
        %get3A_496 = vector.shape_cast %get3A_495 : vector<16xf32> to vector<16xf32>
        %get3A_497 = arith.constant 128 : index
        %get3A_498 = tpu.vector_load %arg9[%get3A_497] {strides = array<i32>} : memref<512xf32, #tpu.memory_space<vmem>>, vector<16xf32>,
        %get3A_499 = vector.shape_cast %get3A_498 : vector<16xf32> to vector<16xf32>
        %get3A_500 = arith.constant 144 : index
        %get3A_501 = tpu.vector_load %arg9[%get3A_500] {strides = array<i32>} : memref<512xf32, #tpu.memory_space<vmem>>, vector<16xf32>,
        %get3A_502 = vector.shape_cast %get3A_501 : vector<16xf32> to vector<16xf32>
        %get3A_503 = arith.constant 160 : index
        %get3A_504 = tpu.vector_load %arg9[%get3A_503] {strides = array<i32>} : memref<512xf32, #tpu.memory_space<vmem>>, vector<16xf32>,
        %get3A_505 = vector.shape_cast %get3A_504 : vector<16xf32> to vector<16xf32>
        %get3A_506 = arith.constant 176 : index
        %get3A_507 = tpu.vector_load %arg9[%get3A_506] {strides = array<i32>} : memref<512xf32, #tpu.memory_space<vmem>>, vector<16xf32>,
        %get3A_508 = vector.shape_cast %get3A_507 : vector<16xf32> to vector<16xf32>
        %get3A_509 = arith.constant 192 : index
        %get3A_510 = tpu.vector_load %arg9[%get3A_509] {strides = array<i32>} : memref<512xf32, #tpu.memory_space<vmem>>, vector<16xf32>,
        %get3A_511 = vector.shape_cast %get3A_510 : vector<16xf32> to vector<16xf32>
        %get3A_512 = arith.constant 208 : index
        %get3A_513 = tpu.vector_load %arg9[%get3A_512] {strides = array<i32>} : memref<512xf32, #tpu.memory_space<vmem>>, vector<16xf32>,
        %get3A_514 = vector.shape_cast %get3A_513 : vector<16xf32> to vector<16xf32>
        %get3A_515 = arith.constant 224 : index
        %get3A_516 = tpu.vector_load %arg9[%get3A_515] {strides = array<i32>} : memref<512xf32, #tpu.memory_space<vmem>>, vector<16xf32>,
        %get3A_517 = vector.shape_cast %get3A_516 : vector<16xf32> to vector<16xf32>
        %get3A_518 = arith.constant 240 : index
        %get3A_519 = tpu.vector_load %arg9[%get3A_518] {strides = array<i32>} : memref<512xf32, #tpu.memory_space<vmem>>, vector<16xf32>,
        %get3A_520 = vector.shape_cast %get3A_519 : vector<16xf32> to vector<16xf32>
        %get3A_521 = arith.constant 0 : index
        %get3A_522 = tpu.vector_load %arg10[%get3A_521] {strides = array<i32>} : memref<512xf32, #tpu.memory_space<vmem>>, vector<16xf32>,
        %get3A_523 = vector.shape_cast %get3A_522 : vector<16xf32> to vector<16xf32>
        %get3A_524 = arith.constant 16 : index
        %get3A_525 = tpu.vector_load %arg10[%get3A_524] {strides = array<i32>} : memref<512xf32, #tpu.memory_space<vmem>>, vector<16xf32>,
        %get3A_526 = vector.shape_cast %get3A_525 : vector<16xf32> to vector<16xf32>
        %get3A_527 = arith.constant 32 : index
        %get3A_528 = tpu.vector_load %arg10[%get3A_527] {strides = array<i32>} : memref<512xf32, #tpu.memory_space<vmem>>, vector<16xf32>,
        %get3A_529 = vector.shape_cast %get3A_528 : vector<16xf32> to vector<16xf32>
        %get3A_530 = arith.constant 48 : index
        %get3A_531 = tpu.vector_load %arg10[%get3A_530] {strides = array<i32>} : memref<512xf32, #tpu.memory_space<vmem>>, vector<16xf32>,
        %get3A_532 = vector.shape_cast %get3A_531 : vector<16xf32> to vector<16xf32>
        %get3A_533 = arith.constant 64 : index
        %get3A_534 = tpu.vector_load %arg10[%get3A_533] {strides = array<i32>} : memref<512xf32, #tpu.memory_space<vmem>>, vector<16xf32>,
        %get3A_535 = vector.shape_cast %get3A_534 : vector<16xf32> to vector<16xf32>
        %get3A_536 = arith.constant 80 : index
        %get3A_537 = tpu.vector_load %arg10[%get3A_536] {strides = array<i32>} : memref<512xf32, #tpu.memory_space<vmem>>, vector<16xf32>,
        %get3A_538 = vector.shape_cast %get3A_537 : vector<16xf32> to vector<16xf32>
        %get3A_539 = arith.constant 96 : index
        %get3A_540 = tpu.vector_load %arg10[%get3A_539] {strides = array<i32>} : memref<512xf32, #tpu.memory_space<vmem>>, vector<16xf32>,
        %get3A_541 = vector.shape_cast %get3A_540 : vector<16xf32> to vector<16xf32>
        %get3A_542 = arith.constant 112 : index
        %get3A_543 = tpu.vector_load %arg10[%get3A_542] {strides = array<i32>} : memref<512xf32, #tpu.memory_space<vmem>>, vector<16xf32>,
        %get3A_544 = vector.shape_cast %get3A_543 : vector<16xf32> to vector<16xf32>
        %get3A_545 = arith.constant 128 : index
        %get3A_546 = tpu.vector_load %arg10[%get3A_545] {strides = array<i32>} : memref<512xf32, #tpu.memory_space<vmem>>, vector<16xf32>,
        %get3A_547 = vector.shape_cast %get3A_546 : vector<16xf32> to vector<16xf32>
        %get3A_548 = arith.constant 144 : index
        %get3A_549 = tpu.vector_load %arg10[%get3A_548] {strides = array<i32>} : memref<512xf32, #tpu.memory_space<vmem>>, vector<16xf32>,
        %get3A_550 = vector.shape_cast %get3A_549 : vector<16xf32> to vector<16xf32>
        %get3A_551 = arith.constant 160 : index
        %get3A_552 = tpu.vector_load %arg10[%get3A_551] {strides = array<i32>} : memref<512xf32, #tpu.memory_space<vmem>>, vector<16xf32>,
        %get3A_553 = vector.shape_cast %get3A_552 : vector<16xf32> to vector<16xf32>
        %get3A_554 = arith.constant 176 : index
        %get3A_555 = tpu.vector_load %arg10[%get3A_554] {strides = array<i32>} : memref<512xf32, #tpu.memory_space<vmem>>, vector<16xf32>,
        %get3A_556 = vector.shape_cast %get3A_555 : vector<16xf32> to vector<16xf32>
        %get3A_557 = arith.constant 192 : index
        %get3A_558 = tpu.vector_load %arg10[%get3A_557] {strides = array<i32>} : memref<512xf32, #tpu.memory_space<vmem>>, vector<16xf32>,
        %get3A_559 = vector.shape_cast %get3A_558 : vector<16xf32> to vector<16xf32>
        %get3A_560 = arith.constant 208 : index
        %get3A_561 = tpu.vector_load %arg10[%get3A_560] {strides = array<i32>} : memref<512xf32, #tpu.memory_space<vmem>>, vector<16xf32>,
        %get3A_562 = vector.shape_cast %get3A_561 : vector<16xf32> to vector<16xf32>
        %get3A_563 = arith.constant 224 : index
        %get3A_564 = tpu.vector_load %arg10[%get3A_563] {strides = array<i32>} : memref<512xf32, #tpu.memory_space<vmem>>, vector<16xf32>,
        %get3A_565 = vector.shape_cast %get3A_564 : vector<16xf32> to vector<16xf32>
        %get3A_566 = arith.constant 240 : index
        %get3A_567 = tpu.vector_load %arg10[%get3A_566] {strides = array<i32>} : memref<512xf32, #tpu.memory_space<vmem>>, vector<16xf32>,
        %get3A_568 = vector.shape_cast %get3A_567 : vector<16xf32> to vector<16xf32>
        %parallel_loop3A = arith.constant 0 : i32
        %parallel_loop3A_569 = arith.constant 80 : i32
        %parallel_loop3A_570 = arith.constant 1 : i32
        scf.for %parallel_loop3A_670 = %parallel_loop3A to %parallel_loop3A_569 step %parallel_loop3A_570  : i32 {
          %parallel_loop3A_671 = arith.index_cast %parallel_loop3A_670 : i32 to index
          %parallel_loop3A_672 = arith.constant 0 : index
          %parallel_loop3A_673 = tpu.vector_load %arg7[%parallel_loop3A_671, %parallel_loop3A_672] {strides = array<i32>} : memref<80x512xf32, #tpu.memory_space<vmem>>, vector<1x16xf32>,
          %parallel_loop3A_674 = vector.shape_cast %parallel_loop3A_673 : vector<1x16xf32> to vector<16xf32>
          %parallel_loop3A_675 = arith.mulf %parallel_loop3A_674, %get3A_475 : vector<16xf32>
          %parallel_loop3A_676 = arith.constant 0.000000e+00 : f32
          %parallel_loop3A_677 = vector.broadcast %parallel_loop3A_676 : f32 to vector<16xf32>
          %parallel_loop3A_678 = arith.maximumf %parallel_loop3A_675, %parallel_loop3A_677 : vector<16xf32>
          %parallel_loop3A_679 = arith.mulf %parallel_loop3A_678, %get3A_523 : vector<16xf32>
          %parallel_loop3A_680 = arith.index_cast %parallel_loop3A_670 : i32 to index
          %parallel_loop3A_681 = arith.constant 0 : index
          %parallel_loop3A_682 = tpu.vector_load %arg7[%parallel_loop3A_680, %parallel_loop3A_681] {strides = array<i32>} : memref<80x512xf32, #tpu.memory_space<vmem>>, vector<1x16xf32>,
          %parallel_loop3A_683 = vector.shape_cast %parallel_loop3A_682 : vector<1x16xf32> to vector<16xf32>
          %parallel_loop3A_684 = vector.shape_cast %parallel_loop3A_679 : vector<16xf32> to vector<1x16xf32>
          tpu.vector_store %arg7[%parallel_loop3A_680, %parallel_loop3A_681], %parallel_loop3A_684 {strides = array<i32>} : memref<80x512xf32, #tpu.memory_space<vmem>>, vector<1x16xf32>,
          %parallel_loop3A_685 = arith.index_cast %parallel_loop3A_670 : i32 to index
          %parallel_loop3A_686 = arith.constant 16 : index
          %parallel_loop3A_687 = tpu.vector_load %arg7[%parallel_loop3A_685, %parallel_loop3A_686] {strides = array<i32>} : memref<80x512xf32, #tpu.memory_space<vmem>>, vector<1x16xf32>,
          %parallel_loop3A_688 = vector.shape_cast %parallel_loop3A_687 : vector<1x16xf32> to vector<16xf32>
          %parallel_loop3A_689 = arith.mulf %parallel_loop3A_688, %get3A_478 : vector<16xf32>
          %parallel_loop3A_690 = arith.constant 0.000000e+00 : f32
          %parallel_loop3A_691 = vector.broadcast %parallel_loop3A_690 : f32 to vector<16xf32>
          %parallel_loop3A_692 = arith.maximumf %parallel_loop3A_689, %parallel_loop3A_691 : vector<16xf32>
          %parallel_loop3A_693 = arith.mulf %parallel_loop3A_692, %get3A_526 : vector<16xf32>
          %parallel_loop3A_694 = arith.index_cast %parallel_loop3A_670 : i32 to index
          %parallel_loop3A_695 = arith.constant 16 : index
          %parallel_loop3A_696 = tpu.vector_load %arg7[%parallel_loop3A_694, %parallel_loop3A_695] {strides = array<i32>} : memref<80x512xf32, #tpu.memory_space<vmem>>, vector<1x16xf32>,
          %parallel_loop3A_697 = vector.shape_cast %parallel_loop3A_696 : vector<1x16xf32> to vector<16xf32>
          %parallel_loop3A_698 = vector.shape_cast %parallel_loop3A_693 : vector<16xf32> to vector<1x16xf32>
          tpu.vector_store %arg7[%parallel_loop3A_694, %parallel_loop3A_695], %parallel_loop3A_698 {strides = array<i32>} : memref<80x512xf32, #tpu.memory_space<vmem>>, vector<1x16xf32>,
          %parallel_loop3A_699 = arith.index_cast %parallel_loop3A_670 : i32 to index
          %parallel_loop3A_700 = arith.constant 32 : index
          %parallel_loop3A_701 = tpu.vector_load %arg7[%parallel_loop3A_699, %parallel_loop3A_700] {strides = array<i32>} : memref<80x512xf32, #tpu.memory_space<vmem>>, vector<1x16xf32>,
          %parallel_loop3A_702 = vector.shape_cast %parallel_loop3A_701 : vector<1x16xf32> to vector<16xf32>
          %parallel_loop3A_703 = arith.mulf %parallel_loop3A_702, %get3A_481 : vector<16xf32>
          %parallel_loop3A_704 = arith.constant 0.000000e+00 : f32
          %parallel_loop3A_705 = vector.broadcast %parallel_loop3A_704 : f32 to vector<16xf32>
          %parallel_loop3A_706 = arith.maximumf %parallel_loop3A_703, %parallel_loop3A_705 : vector<16xf32>
          %parallel_loop3A_707 = arith.mulf %parallel_loop3A_706, %get3A_529 : vector<16xf32>
          %parallel_loop3A_708 = arith.index_cast %parallel_loop3A_670 : i32 to index
          %parallel_loop3A_709 = arith.constant 32 : index
          %parallel_loop3A_710 = tpu.vector_load %arg7[%parallel_loop3A_708, %parallel_loop3A_709] {strides = array<i32>} : memref<80x512xf32, #tpu.memory_space<vmem>>, vector<1x16xf32>,
          %parallel_loop3A_711 = vector.shape_cast %parallel_loop3A_710 : vector<1x16xf32> to vector<16xf32>
          %parallel_loop3A_712 = vector.shape_cast %parallel_loop3A_707 : vector<16xf32> to vector<1x16xf32>
          tpu.vector_store %arg7[%parallel_loop3A_708, %parallel_loop3A_709], %parallel_loop3A_712 {strides = array<i32>} : memref<80x512xf32, #tpu.memory_space<vmem>>, vector<1x16xf32>,
          %parallel_loop3A_713 = arith.index_cast %parallel_loop3A_670 : i32 to index
          %parallel_loop3A_714 = arith.constant 48 : index
          %parallel_loop3A_715 = tpu.vector_load %arg7[%parallel_loop3A_713, %parallel_loop3A_714] {strides = array<i32>} : memref<80x512xf32, #tpu.memory_space<vmem>>, vector<1x16xf32>,
          %parallel_loop3A_716 = vector.shape_cast %parallel_loop3A_715 : vector<1x16xf32> to vector<16xf32>
          %parallel_loop3A_717 = arith.mulf %parallel_loop3A_716, %get3A_484 : vector<16xf32>
          %parallel_loop3A_718 = arith.constant 0.000000e+00 : f32
          %parallel_loop3A_719 = vector.broadcast %parallel_loop3A_718 : f32 to vector<16xf32>
          %parallel_loop3A_720 = arith.maximumf %parallel_loop3A_717, %parallel_loop3A_719 : vector<16xf32>
          %parallel_loop3A_721 = arith.mulf %parallel_loop3A_720, %get3A_532 : vector<16xf32>
          %parallel_loop3A_722 = arith.index_cast %parallel_loop3A_670 : i32 to index
          %parallel_loop3A_723 = arith.constant 48 : index
          %parallel_loop3A_724 = tpu.vector_load %arg7[%parallel_loop3A_722, %parallel_loop3A_723] {strides = array<i32>} : memref<80x512xf32, #tpu.memory_space<vmem>>, vector<1x16xf32>,
          %parallel_loop3A_725 = vector.shape_cast %parallel_loop3A_724 : vector<1x16xf32> to vector<16xf32>
          %parallel_loop3A_726 = vector.shape_cast %parallel_loop3A_721 : vector<16xf32> to vector<1x16xf32>
          tpu.vector_store %arg7[%parallel_loop3A_722, %parallel_loop3A_723], %parallel_loop3A_726 {strides = array<i32>} : memref<80x512xf32, #tpu.memory_space<vmem>>, vector<1x16xf32>,
          %parallel_loop3A_727 = arith.index_cast %parallel_loop3A_670 : i32 to index
          %parallel_loop3A_728 = arith.constant 64 : index
          %parallel_loop3A_729 = tpu.vector_load %arg7[%parallel_loop3A_727, %parallel_loop3A_728] {strides = array<i32>} : memref<80x512xf32, #tpu.memory_space<vmem>>, vector<1x16xf32>,
          %parallel_loop3A_730 = vector.shape_cast %parallel_loop3A_729 : vector<1x16xf32> to vector<16xf32>
          %parallel_loop3A_731 = arith.mulf %parallel_loop3A_730, %get3A_487 : vector<16xf32>
          %parallel_loop3A_732 = arith.constant 0.000000e+00 : f32
          %parallel_loop3A_733 = vector.broadcast %parallel_loop3A_732 : f32 to vector<16xf32>
          %parallel_loop3A_734 = arith.maximumf %parallel_loop3A_731, %parallel_loop3A_733 : vector<16xf32>
          %parallel_loop3A_735 = arith.mulf %parallel_loop3A_734, %get3A_535 : vector<16xf32>
          %parallel_loop3A_736 = arith.index_cast %parallel_loop3A_670 : i32 to index
          %parallel_loop3A_737 = arith.constant 64 : index
          %parallel_loop3A_738 = tpu.vector_load %arg7[%parallel_loop3A_736, %parallel_loop3A_737] {strides = array<i32>} : memref<80x512xf32, #tpu.memory_space<vmem>>, vector<1x16xf32>,
          %parallel_loop3A_739 = vector.shape_cast %parallel_loop3A_738 : vector<1x16xf32> to vector<16xf32>
          %parallel_loop3A_740 = vector.shape_cast %parallel_loop3A_735 : vector<16xf32> to vector<1x16xf32>
          tpu.vector_store %arg7[%parallel_loop3A_736, %parallel_loop3A_737], %parallel_loop3A_740 {strides = array<i32>} : memref<80x512xf32, #tpu.memory_space<vmem>>, vector<1x16xf32>,
          %parallel_loop3A_741 = arith.index_cast %parallel_loop3A_670 : i32 to index
          %parallel_loop3A_742 = arith.constant 80 : index
          %parallel_loop3A_743 = tpu.vector_load %arg7[%parallel_loop3A_741, %parallel_loop3A_742] {strides = array<i32>} : memref<80x512xf32, #tpu.memory_space<vmem>>, vector<1x16xf32>,
          %parallel_loop3A_744 = vector.shape_cast %parallel_loop3A_743 : vector<1x16xf32> to vector<16xf32>
          %parallel_loop3A_745 = arith.mulf %parallel_loop3A_744, %get3A_490 : vector<16xf32>
          %parallel_loop3A_746 = arith.constant 0.000000e+00 : f32
          %parallel_loop3A_747 = vector.broadcast %parallel_loop3A_746 : f32 to vector<16xf32>
          %parallel_loop3A_748 = arith.maximumf %parallel_loop3A_745, %parallel_loop3A_747 : vector<16xf32>
          %parallel_loop3A_749 = arith.mulf %parallel_loop3A_748, %get3A_538 : vector<16xf32>
          %parallel_loop3A_750 = arith.index_cast %parallel_loop3A_670 : i32 to index
          %parallel_loop3A_751 = arith.constant 80 : index
          %parallel_loop3A_752 = tpu.vector_load %arg7[%parallel_loop3A_750, %parallel_loop3A_751] {strides = array<i32>} : memref<80x512xf32, #tpu.memory_space<vmem>>, vector<1x16xf32>,
          %parallel_loop3A_753 = vector.shape_cast %parallel_loop3A_752 : vector<1x16xf32> to vector<16xf32>
          %parallel_loop3A_754 = vector.shape_cast %parallel_loop3A_749 : vector<16xf32> to vector<1x16xf32>
          tpu.vector_store %arg7[%parallel_loop3A_750, %parallel_loop3A_751], %parallel_loop3A_754 {strides = array<i32>} : memref<80x512xf32, #tpu.memory_space<vmem>>, vector<1x16xf32>,
          %parallel_loop3A_755 = arith.index_cast %parallel_loop3A_670 : i32 to index
          %parallel_loop3A_756 = arith.constant 96 : index
          %parallel_loop3A_757 = tpu.vector_load %arg7[%parallel_loop3A_755, %parallel_loop3A_756] {strides = array<i32>} : memref<80x512xf32, #tpu.memory_space<vmem>>, vector<1x16xf32>,
          %parallel_loop3A_758 = vector.shape_cast %parallel_loop3A_757 : vector<1x16xf32> to vector<16xf32>
          %parallel_loop3A_759 = arith.mulf %parallel_loop3A_758, %get3A_493 : vector<16xf32>
          %parallel_loop3A_760 = arith.constant 0.000000e+00 : f32
          %parallel_loop3A_761 = vector.broadcast %parallel_loop3A_760 : f32 to vector<16xf32>
          %parallel_loop3A_762 = arith.maximumf %parallel_loop3A_759, %parallel_loop3A_761 : vector<16xf32>
          %parallel_loop3A_763 = arith.mulf %parallel_loop3A_762, %get3A_541 : vector<16xf32>
          %parallel_loop3A_764 = arith.index_cast %parallel_loop3A_670 : i32 to index
          %parallel_loop3A_765 = arith.constant 96 : index
          %parallel_loop3A_766 = tpu.vector_load %arg7[%parallel_loop3A_764, %parallel_loop3A_765] {strides = array<i32>} : memref<80x512xf32, #tpu.memory_space<vmem>>, vector<1x16xf32>,
          %parallel_loop3A_767 = vector.shape_cast %parallel_loop3A_766 : vector<1x16xf32> to vector<16xf32>
          %parallel_loop3A_768 = vector.shape_cast %parallel_loop3A_763 : vector<16xf32> to vector<1x16xf32>
          tpu.vector_store %arg7[%parallel_loop3A_764, %parallel_loop3A_765], %parallel_loop3A_768 {strides = array<i32>} : memref<80x512xf32, #tpu.memory_space<vmem>>, vector<1x16xf32>,
          %parallel_loop3A_769 = arith.index_cast %parallel_loop3A_670 : i32 to index
          %parallel_loop3A_770 = arith.constant 112 : index
          %parallel_loop3A_771 = tpu.vector_load %arg7[%parallel_loop3A_769, %parallel_loop3A_770] {strides = array<i32>} : memref<80x512xf32, #tpu.memory_space<vmem>>, vector<1x16xf32>,
          %parallel_loop3A_772 = vector.shape_cast %parallel_loop3A_771 : vector<1x16xf32> to vector<16xf32>
          %parallel_loop3A_773 = arith.mulf %parallel_loop3A_772, %get3A_496 : vector<16xf32>
          %parallel_loop3A_774 = arith.constant 0.000000e+00 : f32
          %parallel_loop3A_775 = vector.broadcast %parallel_loop3A_774 : f32 to vector<16xf32>
          %parallel_loop3A_776 = arith.maximumf %parallel_loop3A_773, %parallel_loop3A_775 : vector<16xf32>
          %parallel_loop3A_777 = arith.mulf %parallel_loop3A_776, %get3A_544 : vector<16xf32>
          %parallel_loop3A_778 = arith.index_cast %parallel_loop3A_670 : i32 to index
          %parallel_loop3A_779 = arith.constant 112 : index
          %parallel_loop3A_780 = tpu.vector_load %arg7[%parallel_loop3A_778, %parallel_loop3A_779] {strides = array<i32>} : memref<80x512xf32, #tpu.memory_space<vmem>>, vector<1x16xf32>,
          %parallel_loop3A_781 = vector.shape_cast %parallel_loop3A_780 : vector<1x16xf32> to vector<16xf32>
          %parallel_loop3A_782 = vector.shape_cast %parallel_loop3A_777 : vector<16xf32> to vector<1x16xf32>
          tpu.vector_store %arg7[%parallel_loop3A_778, %parallel_loop3A_779], %parallel_loop3A_782 {strides = array<i32>} : memref<80x512xf32, #tpu.memory_space<vmem>>, vector<1x16xf32>,
          %parallel_loop3A_783 = arith.index_cast %parallel_loop3A_670 : i32 to index
          %parallel_loop3A_784 = arith.constant 128 : index
          %parallel_loop3A_785 = tpu.vector_load %arg7[%parallel_loop3A_783, %parallel_loop3A_784] {strides = array<i32>} : memref<80x512xf32, #tpu.memory_space<vmem>>, vector<1x16xf32>,
          %parallel_loop3A_786 = vector.shape_cast %parallel_loop3A_785 : vector<1x16xf32> to vector<16xf32>
          %parallel_loop3A_787 = arith.mulf %parallel_loop3A_786, %get3A_499 : vector<16xf32>
          %parallel_loop3A_788 = arith.constant 0.000000e+00 : f32
          %parallel_loop3A_789 = vector.broadcast %parallel_loop3A_788 : f32 to vector<16xf32>
          %parallel_loop3A_790 = arith.maximumf %parallel_loop3A_787, %parallel_loop3A_789 : vector<16xf32>
          %parallel_loop3A_791 = arith.mulf %parallel_loop3A_790, %get3A_547 : vector<16xf32>
          %parallel_loop3A_792 = arith.index_cast %parallel_loop3A_670 : i32 to index
          %parallel_loop3A_793 = arith.constant 128 : index
          %parallel_loop3A_794 = tpu.vector_load %arg7[%parallel_loop3A_792, %parallel_loop3A_793] {strides = array<i32>} : memref<80x512xf32, #tpu.memory_space<vmem>>, vector<1x16xf32>,
          %parallel_loop3A_795 = vector.shape_cast %parallel_loop3A_794 : vector<1x16xf32> to vector<16xf32>
          %parallel_loop3A_796 = vector.shape_cast %parallel_loop3A_791 : vector<16xf32> to vector<1x16xf32>
          tpu.vector_store %arg7[%parallel_loop3A_792, %parallel_loop3A_793], %parallel_loop3A_796 {strides = array<i32>} : memref<80x512xf32, #tpu.memory_space<vmem>>, vector<1x16xf32>,
          %parallel_loop3A_797 = arith.index_cast %parallel_loop3A_670 : i32 to index
          %parallel_loop3A_798 = arith.constant 144 : index
          %parallel_loop3A_799 = tpu.vector_load %arg7[%parallel_loop3A_797, %parallel_loop3A_798] {strides = array<i32>} : memref<80x512xf32, #tpu.memory_space<vmem>>, vector<1x16xf32>,
          %parallel_loop3A_800 = vector.shape_cast %parallel_loop3A_799 : vector<1x16xf32> to vector<16xf32>
          %parallel_loop3A_801 = arith.mulf %parallel_loop3A_800, %get3A_502 : vector<16xf32>
          %parallel_loop3A_802 = arith.constant 0.000000e+00 : f32
          %parallel_loop3A_803 = vector.broadcast %parallel_loop3A_802 : f32 to vector<16xf32>
          %parallel_loop3A_804 = arith.maximumf %parallel_loop3A_801, %parallel_loop3A_803 : vector<16xf32>
          %parallel_loop3A_805 = arith.mulf %parallel_loop3A_804, %get3A_550 : vector<16xf32>
          %parallel_loop3A_806 = arith.index_cast %parallel_loop3A_670 : i32 to index
          %parallel_loop3A_807 = arith.constant 144 : index
          %parallel_loop3A_808 = tpu.vector_load %arg7[%parallel_loop3A_806, %parallel_loop3A_807] {strides = array<i32>} : memref<80x512xf32, #tpu.memory_space<vmem>>, vector<1x16xf32>,
          %parallel_loop3A_809 = vector.shape_cast %parallel_loop3A_808 : vector<1x16xf32> to vector<16xf32>
          %parallel_loop3A_810 = vector.shape_cast %parallel_loop3A_805 : vector<16xf32> to vector<1x16xf32>
          tpu.vector_store %arg7[%parallel_loop3A_806, %parallel_loop3A_807], %parallel_loop3A_810 {strides = array<i32>} : memref<80x512xf32, #tpu.memory_space<vmem>>, vector<1x16xf32>,
          %parallel_loop3A_811 = arith.index_cast %parallel_loop3A_670 : i32 to index
          %parallel_loop3A_812 = arith.constant 160 : index
          %parallel_loop3A_813 = tpu.vector_load %arg7[%parallel_loop3A_811, %parallel_loop3A_812] {strides = array<i32>} : memref<80x512xf32, #tpu.memory_space<vmem>>, vector<1x16xf32>,
          %parallel_loop3A_814 = vector.shape_cast %parallel_loop3A_813 : vector<1x16xf32> to vector<16xf32>
          %parallel_loop3A_815 = arith.mulf %parallel_loop3A_814, %get3A_505 : vector<16xf32>
          %parallel_loop3A_816 = arith.constant 0.000000e+00 : f32
          %parallel_loop3A_817 = vector.broadcast %parallel_loop3A_816 : f32 to vector<16xf32>
          %parallel_loop3A_818 = arith.maximumf %parallel_loop3A_815, %parallel_loop3A_817 : vector<16xf32>
          %parallel_loop3A_819 = arith.mulf %parallel_loop3A_818, %get3A_553 : vector<16xf32>
          %parallel_loop3A_820 = arith.index_cast %parallel_loop3A_670 : i32 to index
          %parallel_loop3A_821 = arith.constant 160 : index
          %parallel_loop3A_822 = tpu.vector_load %arg7[%parallel_loop3A_820, %parallel_loop3A_821] {strides = array<i32>} : memref<80x512xf32, #tpu.memory_space<vmem>>, vector<1x16xf32>,
          %parallel_loop3A_823 = vector.shape_cast %parallel_loop3A_822 : vector<1x16xf32> to vector<16xf32>
          %parallel_loop3A_824 = vector.shape_cast %parallel_loop3A_819 : vector<16xf32> to vector<1x16xf32>
          tpu.vector_store %arg7[%parallel_loop3A_820, %parallel_loop3A_821], %parallel_loop3A_824 {strides = array<i32>} : memref<80x512xf32, #tpu.memory_space<vmem>>, vector<1x16xf32>,
          %parallel_loop3A_825 = arith.index_cast %parallel_loop3A_670 : i32 to index
          %parallel_loop3A_826 = arith.constant 176 : index
          %parallel_loop3A_827 = tpu.vector_load %arg7[%parallel_loop3A_825, %parallel_loop3A_826] {strides = array<i32>} : memref<80x512xf32, #tpu.memory_space<vmem>>, vector<1x16xf32>,
          %parallel_loop3A_828 = vector.shape_cast %parallel_loop3A_827 : vector<1x16xf32> to vector<16xf32>
          %parallel_loop3A_829 = arith.mulf %parallel_loop3A_828, %get3A_508 : vector<16xf32>
          %parallel_loop3A_830 = arith.constant 0.000000e+00 : f32
          %parallel_loop3A_831 = vector.broadcast %parallel_loop3A_830 : f32 to vector<16xf32>
          %parallel_loop3A_832 = arith.maximumf %parallel_loop3A_829, %parallel_loop3A_831 : vector<16xf32>
          %parallel_loop3A_833 = arith.mulf %parallel_loop3A_832, %get3A_556 : vector<16xf32>
          %parallel_loop3A_834 = arith.index_cast %parallel_loop3A_670 : i32 to index
          %parallel_loop3A_835 = arith.constant 176 : index
          %parallel_loop3A_836 = tpu.vector_load %arg7[%parallel_loop3A_834, %parallel_loop3A_835] {strides = array<i32>} : memref<80x512xf32, #tpu.memory_space<vmem>>, vector<1x16xf32>,
          %parallel_loop3A_837 = vector.shape_cast %parallel_loop3A_836 : vector<1x16xf32> to vector<16xf32>
          %parallel_loop3A_838 = vector.shape_cast %parallel_loop3A_833 : vector<16xf32> to vector<1x16xf32>
          tpu.vector_store %arg7[%parallel_loop3A_834, %parallel_loop3A_835], %parallel_loop3A_838 {strides = array<i32>} : memref<80x512xf32, #tpu.memory_space<vmem>>, vector<1x16xf32>,
          %parallel_loop3A_839 = arith.index_cast %parallel_loop3A_670 : i32 to index
          %parallel_loop3A_840 = arith.constant 192 : index
          %parallel_loop3A_841 = tpu.vector_load %arg7[%parallel_loop3A_839, %parallel_loop3A_840] {strides = array<i32>} : memref<80x512xf32, #tpu.memory_space<vmem>>, vector<1x16xf32>,
          %parallel_loop3A_842 = vector.shape_cast %parallel_loop3A_841 : vector<1x16xf32> to vector<16xf32>
          %parallel_loop3A_843 = arith.mulf %parallel_loop3A_842, %get3A_511 : vector<16xf32>
          %parallel_loop3A_844 = arith.constant 0.000000e+00 : f32
          %parallel_loop3A_845 = vector.broadcast %parallel_loop3A_844 : f32 to vector<16xf32>
          %parallel_loop3A_846 = arith.maximumf %parallel_loop3A_843, %parallel_loop3A_845 : vector<16xf32>
          %parallel_loop3A_847 = arith.mulf %parallel_loop3A_846, %get3A_559 : vector<16xf32>
          %parallel_loop3A_848 = arith.index_cast %parallel_loop3A_670 : i32 to index
          %parallel_loop3A_849 = arith.constant 192 : index
          %parallel_loop3A_850 = tpu.vector_load %arg7[%parallel_loop3A_848, %parallel_loop3A_849] {strides = array<i32>} : memref<80x512xf32, #tpu.memory_space<vmem>>, vector<1x16xf32>,
          %parallel_loop3A_851 = vector.shape_cast %parallel_loop3A_850 : vector<1x16xf32> to vector<16xf32>
          %parallel_loop3A_852 = vector.shape_cast %parallel_loop3A_847 : vector<16xf32> to vector<1x16xf32>
          tpu.vector_store %arg7[%parallel_loop3A_848, %parallel_loop3A_849], %parallel_loop3A_852 {strides = array<i32>} : memref<80x512xf32, #tpu.memory_space<vmem>>, vector<1x16xf32>,
          %parallel_loop3A_853 = arith.index_cast %parallel_loop3A_670 : i32 to index
          %parallel_loop3A_854 = arith.constant 208 : index
          %parallel_loop3A_855 = tpu.vector_load %arg7[%parallel_loop3A_853, %parallel_loop3A_854] {strides = array<i32>} : memref<80x512xf32, #tpu.memory_space<vmem>>, vector<1x16xf32>,
          %parallel_loop3A_856 = vector.shape_cast %parallel_loop3A_855 : vector<1x16xf32> to vector<16xf32>
          %parallel_loop3A_857 = arith.mulf %parallel_loop3A_856, %get3A_514 : vector<16xf32>
          %parallel_loop3A_858 = arith.constant 0.000000e+00 : f32
          %parallel_loop3A_859 = vector.broadcast %parallel_loop3A_858 : f32 to vector<16xf32>
          %parallel_loop3A_860 = arith.maximumf %parallel_loop3A_857, %parallel_loop3A_859 : vector<16xf32>
          %parallel_loop3A_861 = arith.mulf %parallel_loop3A_860, %get3A_562 : vector<16xf32>
          %parallel_loop3A_862 = arith.index_cast %parallel_loop3A_670 : i32 to index
          %parallel_loop3A_863 = arith.constant 208 : index
          %parallel_loop3A_864 = tpu.vector_load %arg7[%parallel_loop3A_862, %parallel_loop3A_863] {strides = array<i32>} : memref<80x512xf32, #tpu.memory_space<vmem>>, vector<1x16xf32>,
          %parallel_loop3A_865 = vector.shape_cast %parallel_loop3A_864 : vector<1x16xf32> to vector<16xf32>
          %parallel_loop3A_866 = vector.shape_cast %parallel_loop3A_861 : vector<16xf32> to vector<1x16xf32>
          tpu.vector_store %arg7[%parallel_loop3A_862, %parallel_loop3A_863], %parallel_loop3A_866 {strides = array<i32>} : memref<80x512xf32, #tpu.memory_space<vmem>>, vector<1x16xf32>,
          %parallel_loop3A_867 = arith.index_cast %parallel_loop3A_670 : i32 to index
          %parallel_loop3A_868 = arith.constant 224 : index
          %parallel_loop3A_869 = tpu.vector_load %arg7[%parallel_loop3A_867, %parallel_loop3A_868] {strides = array<i32>} : memref<80x512xf32, #tpu.memory_space<vmem>>, vector<1x16xf32>,
          %parallel_loop3A_870 = vector.shape_cast %parallel_loop3A_869 : vector<1x16xf32> to vector<16xf32>
          %parallel_loop3A_871 = arith.mulf %parallel_loop3A_870, %get3A_517 : vector<16xf32>
          %parallel_loop3A_872 = arith.constant 0.000000e+00 : f32
          %parallel_loop3A_873 = vector.broadcast %parallel_loop3A_872 : f32 to vector<16xf32>
          %parallel_loop3A_874 = arith.maximumf %parallel_loop3A_871, %parallel_loop3A_873 : vector<16xf32>
          %parallel_loop3A_875 = arith.mulf %parallel_loop3A_874, %get3A_565 : vector<16xf32>
          %parallel_loop3A_876 = arith.index_cast %parallel_loop3A_670 : i32 to index
          %parallel_loop3A_877 = arith.constant 224 : index
          %parallel_loop3A_878 = tpu.vector_load %arg7[%parallel_loop3A_876, %parallel_loop3A_877] {strides = array<i32>} : memref<80x512xf32, #tpu.memory_space<vmem>>, vector<1x16xf32>,
          %parallel_loop3A_879 = vector.shape_cast %parallel_loop3A_878 : vector<1x16xf32> to vector<16xf32>
          %parallel_loop3A_880 = vector.shape_cast %parallel_loop3A_875 : vector<16xf32> to vector<1x16xf32>
          tpu.vector_store %arg7[%parallel_loop3A_876, %parallel_loop3A_877], %parallel_loop3A_880 {strides = array<i32>} : memref<80x512xf32, #tpu.memory_space<vmem>>, vector<1x16xf32>,
          %parallel_loop3A_881 = arith.index_cast %parallel_loop3A_670 : i32 to index
          %parallel_loop3A_882 = arith.constant 240 : index
          %parallel_loop3A_883 = tpu.vector_load %arg7[%parallel_loop3A_881, %parallel_loop3A_882] {strides = array<i32>} : memref<80x512xf32, #tpu.memory_space<vmem>>, vector<1x16xf32>,
          %parallel_loop3A_884 = vector.shape_cast %parallel_loop3A_883 : vector<1x16xf32> to vector<16xf32>
          %parallel_loop3A_885 = arith.mulf %parallel_loop3A_884, %get3A_520 : vector<16xf32>
          %parallel_loop3A_886 = arith.constant 0.000000e+00 : f32
          %parallel_loop3A_887 = vector.broadcast %parallel_loop3A_886 : f32 to vector<16xf32>
          %parallel_loop3A_888 = arith.maximumf %parallel_loop3A_885, %parallel_loop3A_887 : vector<16xf32>
          %parallel_loop3A_889 = arith.mulf %parallel_loop3A_888, %get3A_568 : vector<16xf32>
          %parallel_loop3A_890 = arith.index_cast %parallel_loop3A_670 : i32 to index
          %parallel_loop3A_891 = arith.constant 240 : index
          %parallel_loop3A_892 = tpu.vector_load %arg7[%parallel_loop3A_890, %parallel_loop3A_891] {strides = array<i32>} : memref<80x512xf32, #tpu.memory_space<vmem>>, vector<1x16xf32>,
          %parallel_loop3A_893 = vector.shape_cast %parallel_loop3A_892 : vector<1x16xf32> to vector<16xf32>
          %parallel_loop3A_894 = vector.shape_cast %parallel_loop3A_889 : vector<16xf32> to vector<1x16xf32>
          tpu.vector_store %arg7[%parallel_loop3A_890, %parallel_loop3A_891], %parallel_loop3A_894 {strides = array<i32>} : memref<80x512xf32, #tpu.memory_space<vmem>>, vector<1x16xf32>,
        } {sc.loop_unroll_factor = 1 : i64, sc.parallel_access}
        %get3A_571 = arith.constant 256 : index
        %get3A_572 = tpu.vector_load %arg9[%get3A_571] {strides = array<i32>} : memref<512xf32, #tpu.memory_space<vmem>>, vector<16xf32>,
        %get3A_573 = vector.shape_cast %get3A_572 : vector<16xf32> to vector<16xf32>
        %get3A_574 = arith.constant 272 : index
        %get3A_575 = tpu.vector_load %arg9[%get3A_574] {strides = array<i32>} : memref<512xf32, #tpu.memory_space<vmem>>, vector<16xf32>,
        %get3A_576 = vector.shape_cast %get3A_575 : vector<16xf32> to vector<16xf32>
        %get3A_577 = arith.constant 288 : index
        %get3A_578 = tpu.vector_load %arg9[%get3A_577] {strides = array<i32>} : memref<512xf32, #tpu.memory_space<vmem>>, vector<16xf32>,
        %get3A_579 = vector.shape_cast %get3A_578 : vector<16xf32> to vector<16xf32>
        %get3A_580 = arith.constant 304 : index
        %get3A_581 = tpu.vector_load %arg9[%get3A_580] {strides = array<i32>} : memref<512xf32, #tpu.memory_space<vmem>>, vector<16xf32>,
        %get3A_582 = vector.shape_cast %get3A_581 : vector<16xf32> to vector<16xf32>
        %get3A_583 = arith.constant 320 : index
        %get3A_584 = tpu.vector_load %arg9[%get3A_583] {strides = array<i32>} : memref<512xf32, #tpu.memory_space<vmem>>, vector<16xf32>,
        %get3A_585 = vector.shape_cast %get3A_584 : vector<16xf32> to vector<16xf32>
        %get3A_586 = arith.constant 336 : index
        %get3A_587 = tpu.vector_load %arg9[%get3A_586] {strides = array<i32>} : memref<512xf32, #tpu.memory_space<vmem>>, vector<16xf32>,
        %get3A_588 = vector.shape_cast %get3A_587 : vector<16xf32> to vector<16xf32>
        %get3A_589 = arith.constant 352 : index
        %get3A_590 = tpu.vector_load %arg9[%get3A_589] {strides = array<i32>} : memref<512xf32, #tpu.memory_space<vmem>>, vector<16xf32>,
        %get3A_591 = vector.shape_cast %get3A_590 : vector<16xf32> to vector<16xf32>
        %get3A_592 = arith.constant 368 : index
        %get3A_593 = tpu.vector_load %arg9[%get3A_592] {strides = array<i32>} : memref<512xf32, #tpu.memory_space<vmem>>, vector<16xf32>,
        %get3A_594 = vector.shape_cast %get3A_593 : vector<16xf32> to vector<16xf32>
        %get3A_595 = arith.constant 384 : index
        %get3A_596 = tpu.vector_load %arg9[%get3A_595] {strides = array<i32>} : memref<512xf32, #tpu.memory_space<vmem>>, vector<16xf32>,
        %get3A_597 = vector.shape_cast %get3A_596 : vector<16xf32> to vector<16xf32>
        %get3A_598 = arith.constant 400 : index
        %get3A_599 = tpu.vector_load %arg9[%get3A_598] {strides = array<i32>} : memref<512xf32, #tpu.memory_space<vmem>>, vector<16xf32>,
        %get3A_600 = vector.shape_cast %get3A_599 : vector<16xf32> to vector<16xf32>
        %get3A_601 = arith.constant 416 : index
        %get3A_602 = tpu.vector_load %arg9[%get3A_601] {strides = array<i32>} : memref<512xf32, #tpu.memory_space<vmem>>, vector<16xf32>,
        %get3A_603 = vector.shape_cast %get3A_602 : vector<16xf32> to vector<16xf32>
        %get3A_604 = arith.constant 432 : index
        %get3A_605 = tpu.vector_load %arg9[%get3A_604] {strides = array<i32>} : memref<512xf32, #tpu.memory_space<vmem>>, vector<16xf32>,
        %get3A_606 = vector.shape_cast %get3A_605 : vector<16xf32> to vector<16xf32>
        %get3A_607 = arith.constant 448 : index
        %get3A_608 = tpu.vector_load %arg9[%get3A_607] {strides = array<i32>} : memref<512xf32, #tpu.memory_space<vmem>>, vector<16xf32>,
        %get3A_609 = vector.shape_cast %get3A_608 : vector<16xf32> to vector<16xf32>
        %get3A_610 = arith.constant 464 : index
        %get3A_611 = tpu.vector_load %arg9[%get3A_610] {strides = array<i32>} : memref<512xf32, #tpu.memory_space<vmem>>, vector<16xf32>,
        %get3A_612 = vector.shape_cast %get3A_611 : vector<16xf32> to vector<16xf32>
        %get3A_613 = arith.constant 480 : index
        %get3A_614 = tpu.vector_load %arg9[%get3A_613] {strides = array<i32>} : memref<512xf32, #tpu.memory_space<vmem>>, vector<16xf32>,
        %get3A_615 = vector.shape_cast %get3A_614 : vector<16xf32> to vector<16xf32>
        %get3A_616 = arith.constant 496 : index
        %get3A_617 = tpu.vector_load %arg9[%get3A_616] {strides = array<i32>} : memref<512xf32, #tpu.memory_space<vmem>>, vector<16xf32>,
        %get3A_618 = vector.shape_cast %get3A_617 : vector<16xf32> to vector<16xf32>
        %get3A_619 = arith.constant 256 : index
        %get3A_620 = tpu.vector_load %arg10[%get3A_619] {strides = array<i32>} : memref<512xf32, #tpu.memory_space<vmem>>, vector<16xf32>,
        %get3A_621 = vector.shape_cast %get3A_620 : vector<16xf32> to vector<16xf32>
        %get3A_622 = arith.constant 272 : index
        %get3A_623 = tpu.vector_load %arg10[%get3A_622] {strides = array<i32>} : memref<512xf32, #tpu.memory_space<vmem>>, vector<16xf32>,
        %get3A_624 = vector.shape_cast %get3A_623 : vector<16xf32> to vector<16xf32>
        %get3A_625 = arith.constant 288 : index
        %get3A_626 = tpu.vector_load %arg10[%get3A_625] {strides = array<i32>} : memref<512xf32, #tpu.memory_space<vmem>>, vector<16xf32>,
        %get3A_627 = vector.shape_cast %get3A_626 : vector<16xf32> to vector<16xf32>
        %get3A_628 = arith.constant 304 : index
        %get3A_629 = tpu.vector_load %arg10[%get3A_628] {strides = array<i32>} : memref<512xf32, #tpu.memory_space<vmem>>, vector<16xf32>,
        %get3A_630 = vector.shape_cast %get3A_629 : vector<16xf32> to vector<16xf32>
        %get3A_631 = arith.constant 320 : index
        %get3A_632 = tpu.vector_load %arg10[%get3A_631] {strides = array<i32>} : memref<512xf32, #tpu.memory_space<vmem>>, vector<16xf32>,
        %get3A_633 = vector.shape_cast %get3A_632 : vector<16xf32> to vector<16xf32>
        %get3A_634 = arith.constant 336 : index
        %get3A_635 = tpu.vector_load %arg10[%get3A_634] {strides = array<i32>} : memref<512xf32, #tpu.memory_space<vmem>>, vector<16xf32>,
        %get3A_636 = vector.shape_cast %get3A_635 : vector<16xf32> to vector<16xf32>
        %get3A_637 = arith.constant 352 : index
        %get3A_638 = tpu.vector_load %arg10[%get3A_637] {strides = array<i32>} : memref<512xf32, #tpu.memory_space<vmem>>, vector<16xf32>,
        %get3A_639 = vector.shape_cast %get3A_638 : vector<16xf32> to vector<16xf32>
        %get3A_640 = arith.constant 368 : index
        %get3A_641 = tpu.vector_load %arg10[%get3A_640] {strides = array<i32>} : memref<512xf32, #tpu.memory_space<vmem>>, vector<16xf32>,
        %get3A_642 = vector.shape_cast %get3A_641 : vector<16xf32> to vector<16xf32>
        %get3A_643 = arith.constant 384 : index
        %get3A_644 = tpu.vector_load %arg10[%get3A_643] {strides = array<i32>} : memref<512xf32, #tpu.memory_space<vmem>>, vector<16xf32>,
        %get3A_645 = vector.shape_cast %get3A_644 : vector<16xf32> to vector<16xf32>
        %get3A_646 = arith.constant 400 : index
        %get3A_647 = tpu.vector_load %arg10[%get3A_646] {strides = array<i32>} : memref<512xf32, #tpu.memory_space<vmem>>, vector<16xf32>,
        %get3A_648 = vector.shape_cast %get3A_647 : vector<16xf32> to vector<16xf32>
        %get3A_649 = arith.constant 416 : index
        %get3A_650 = tpu.vector_load %arg10[%get3A_649] {strides = array<i32>} : memref<512xf32, #tpu.memory_space<vmem>>, vector<16xf32>,
        %get3A_651 = vector.shape_cast %get3A_650 : vector<16xf32> to vector<16xf32>
        %get3A_652 = arith.constant 432 : index
        %get3A_653 = tpu.vector_load %arg10[%get3A_652] {strides = array<i32>} : memref<512xf32, #tpu.memory_space<vmem>>, vector<16xf32>,
        %get3A_654 = vector.shape_cast %get3A_653 : vector<16xf32> to vector<16xf32>
        %get3A_655 = arith.constant 448 : index
        %get3A_656 = tpu.vector_load %arg10[%get3A_655] {strides = array<i32>} : memref<512xf32, #tpu.memory_space<vmem>>, vector<16xf32>,
        %get3A_657 = vector.shape_cast %get3A_656 : vector<16xf32> to vector<16xf32>
        %get3A_658 = arith.constant 464 : index
        %get3A_659 = tpu.vector_load %arg10[%get3A_658] {strides = array<i32>} : memref<512xf32, #tpu.memory_space<vmem>>, vector<16xf32>,
        %get3A_660 = vector.shape_cast %get3A_659 : vector<16xf32> to vector<16xf32>
        %get3A_661 = arith.constant 480 : index
        %get3A_662 = tpu.vector_load %arg10[%get3A_661] {strides = array<i32>} : memref<512xf32, #tpu.memory_space<vmem>>, vector<16xf32>,
        %get3A_663 = vector.shape_cast %get3A_662 : vector<16xf32> to vector<16xf32>
        %get3A_664 = arith.constant 496 : index
        %get3A_665 = tpu.vector_load %arg10[%get3A_664] {strides = array<i32>} : memref<512xf32, #tpu.memory_space<vmem>>, vector<16xf32>,
        %get3A_666 = vector.shape_cast %get3A_665 : vector<16xf32> to vector<16xf32>
        %parallel_loop3A_667 = arith.constant 0 : i32
        %parallel_loop3A_668 = arith.constant 80 : i32
        %parallel_loop3A_669 = arith.constant 1 : i32
        scf.for %parallel_loop3A_670 = %parallel_loop3A_667 to %parallel_loop3A_668 step %parallel_loop3A_669  : i32 {
          %parallel_loop3A_671 = arith.index_cast %parallel_loop3A_670 : i32 to index
          %parallel_loop3A_672 = arith.constant 256 : index
          %parallel_loop3A_673 = tpu.vector_load %arg7[%parallel_loop3A_671, %parallel_loop3A_672] {strides = array<i32>} : memref<80x512xf32, #tpu.memory_space<vmem>>, vector<1x16xf32>,
          %parallel_loop3A_674 = vector.shape_cast %parallel_loop3A_673 : vector<1x16xf32> to vector<16xf32>
          %parallel_loop3A_675 = arith.mulf %parallel_loop3A_674, %get3A_573 : vector<16xf32>
          %parallel_loop3A_676 = arith.constant 0.000000e+00 : f32
          %parallel_loop3A_677 = vector.broadcast %parallel_loop3A_676 : f32 to vector<16xf32>
          %parallel_loop3A_678 = arith.maximumf %parallel_loop3A_675, %parallel_loop3A_677 : vector<16xf32>
          %parallel_loop3A_679 = arith.mulf %parallel_loop3A_678, %get3A_621 : vector<16xf32>
          %parallel_loop3A_680 = arith.index_cast %parallel_loop3A_670 : i32 to index
          %parallel_loop3A_681 = arith.constant 256 : index
          %parallel_loop3A_682 = tpu.vector_load %arg7[%parallel_loop3A_680, %parallel_loop3A_681] {strides = array<i32>} : memref<80x512xf32, #tpu.memory_space<vmem>>, vector<1x16xf32>,
          %parallel_loop3A_683 = vector.shape_cast %parallel_loop3A_682 : vector<1x16xf32> to vector<16xf32>
          %parallel_loop3A_684 = vector.shape_cast %parallel_loop3A_679 : vector<16xf32> to vector<1x16xf32>
          tpu.vector_store %arg7[%parallel_loop3A_680, %parallel_loop3A_681], %parallel_loop3A_684 {strides = array<i32>} : memref<80x512xf32, #tpu.memory_space<vmem>>, vector<1x16xf32>,
          %parallel_loop3A_685 = arith.index_cast %parallel_loop3A_670 : i32 to index
          %parallel_loop3A_686 = arith.constant 272 : index
          %parallel_loop3A_687 = tpu.vector_load %arg7[%parallel_loop3A_685, %parallel_loop3A_686] {strides = array<i32>} : memref<80x512xf32, #tpu.memory_space<vmem>>, vector<1x16xf32>,
          %parallel_loop3A_688 = vector.shape_cast %parallel_loop3A_687 : vector<1x16xf32> to vector<16xf32>
          %parallel_loop3A_689 = arith.mulf %parallel_loop3A_688, %get3A_576 : vector<16xf32>
          %parallel_loop3A_690 = arith.constant 0.000000e+00 : f32
          %parallel_loop3A_691 = vector.broadcast %parallel_loop3A_690 : f32 to vector<16xf32>
          %parallel_loop3A_692 = arith.maximumf %parallel_loop3A_689, %parallel_loop3A_691 : vector<16xf32>
          %parallel_loop3A_693 = arith.mulf %parallel_loop3A_692, %get3A_624 : vector<16xf32>
          %parallel_loop3A_694 = arith.index_cast %parallel_loop3A_670 : i32 to index
          %parallel_loop3A_695 = arith.constant 272 : index
          %parallel_loop3A_696 = tpu.vector_load %arg7[%parallel_loop3A_694, %parallel_loop3A_695] {strides = array<i32>} : memref<80x512xf32, #tpu.memory_space<vmem>>, vector<1x16xf32>,
          %parallel_loop3A_697 = vector.shape_cast %parallel_loop3A_696 : vector<1x16xf32> to vector<16xf32>
          %parallel_loop3A_698 = vector.shape_cast %parallel_loop3A_693 : vector<16xf32> to vector<1x16xf32>
          tpu.vector_store %arg7[%parallel_loop3A_694, %parallel_loop3A_695], %parallel_loop3A_698 {strides = array<i32>} : memref<80x512xf32, #tpu.memory_space<vmem>>, vector<1x16xf32>,
          %parallel_loop3A_699 = arith.index_cast %parallel_loop3A_670 : i32 to index
          %parallel_loop3A_700 = arith.constant 288 : index
          %parallel_loop3A_701 = tpu.vector_load %arg7[%parallel_loop3A_699, %parallel_loop3A_700] {strides = array<i32>} : memref<80x512xf32, #tpu.memory_space<vmem>>, vector<1x16xf32>,
          %parallel_loop3A_702 = vector.shape_cast %parallel_loop3A_701 : vector<1x16xf32> to vector<16xf32>
          %parallel_loop3A_703 = arith.mulf %parallel_loop3A_702, %get3A_579 : vector<16xf32>
          %parallel_loop3A_704 = arith.constant 0.000000e+00 : f32
          %parallel_loop3A_705 = vector.broadcast %parallel_loop3A_704 : f32 to vector<16xf32>
          %parallel_loop3A_706 = arith.maximumf %parallel_loop3A_703, %parallel_loop3A_705 : vector<16xf32>
          %parallel_loop3A_707 = arith.mulf %parallel_loop3A_706, %get3A_627 : vector<16xf32>
          %parallel_loop3A_708 = arith.index_cast %parallel_loop3A_670 : i32 to index
          %parallel_loop3A_709 = arith.constant 288 : index
          %parallel_loop3A_710 = tpu.vector_load %arg7[%parallel_loop3A_708, %parallel_loop3A_709] {strides = array<i32>} : memref<80x512xf32, #tpu.memory_space<vmem>>, vector<1x16xf32>,
          %parallel_loop3A_711 = vector.shape_cast %parallel_loop3A_710 : vector<1x16xf32> to vector<16xf32>
          %parallel_loop3A_712 = vector.shape_cast %parallel_loop3A_707 : vector<16xf32> to vector<1x16xf32>
          tpu.vector_store %arg7[%parallel_loop3A_708, %parallel_loop3A_709], %parallel_loop3A_712 {strides = array<i32>} : memref<80x512xf32, #tpu.memory_space<vmem>>, vector<1x16xf32>,
          %parallel_loop3A_713 = arith.index_cast %parallel_loop3A_670 : i32 to index
          %parallel_loop3A_714 = arith.constant 304 : index
          %parallel_loop3A_715 = tpu.vector_load %arg7[%parallel_loop3A_713, %parallel_loop3A_714] {strides = array<i32>} : memref<80x512xf32, #tpu.memory_space<vmem>>, vector<1x16xf32>,
          %parallel_loop3A_716 = vector.shape_cast %parallel_loop3A_715 : vector<1x16xf32> to vector<16xf32>
          %parallel_loop3A_717 = arith.mulf %parallel_loop3A_716, %get3A_582 : vector<16xf32>
          %parallel_loop3A_718 = arith.constant 0.000000e+00 : f32
          %parallel_loop3A_719 = vector.broadcast %parallel_loop3A_718 : f32 to vector<16xf32>
          %parallel_loop3A_720 = arith.maximumf %parallel_loop3A_717, %parallel_loop3A_719 : vector<16xf32>
          %parallel_loop3A_721 = arith.mulf %parallel_loop3A_720, %get3A_630 : vector<16xf32>
          %parallel_loop3A_722 = arith.index_cast %parallel_loop3A_670 : i32 to index
          %parallel_loop3A_723 = arith.constant 304 : index
          %parallel_loop3A_724 = tpu.vector_load %arg7[%parallel_loop3A_722, %parallel_loop3A_723] {strides = array<i32>} : memref<80x512xf32, #tpu.memory_space<vmem>>, vector<1x16xf32>,
          %parallel_loop3A_725 = vector.shape_cast %parallel_loop3A_724 : vector<1x16xf32> to vector<16xf32>
          %parallel_loop3A_726 = vector.shape_cast %parallel_loop3A_721 : vector<16xf32> to vector<1x16xf32>
          tpu.vector_store %arg7[%parallel_loop3A_722, %parallel_loop3A_723], %parallel_loop3A_726 {strides = array<i32>} : memref<80x512xf32, #tpu.memory_space<vmem>>, vector<1x16xf32>,
          %parallel_loop3A_727 = arith.index_cast %parallel_loop3A_670 : i32 to index
          %parallel_loop3A_728 = arith.constant 320 : index
          %parallel_loop3A_729 = tpu.vector_load %arg7[%parallel_loop3A_727, %parallel_loop3A_728] {strides = array<i32>} : memref<80x512xf32, #tpu.memory_space<vmem>>, vector<1x16xf32>,
          %parallel_loop3A_730 = vector.shape_cast %parallel_loop3A_729 : vector<1x16xf32> to vector<16xf32>
          %parallel_loop3A_731 = arith.mulf %parallel_loop3A_730, %get3A_585 : vector<16xf32>
          %parallel_loop3A_732 = arith.constant 0.000000e+00 : f32
          %parallel_loop3A_733 = vector.broadcast %parallel_loop3A_732 : f32 to vector<16xf32>
          %parallel_loop3A_734 = arith.maximumf %parallel_loop3A_731, %parallel_loop3A_733 : vector<16xf32>
          %parallel_loop3A_735 = arith.mulf %parallel_loop3A_734, %get3A_633 : vector<16xf32>
          %parallel_loop3A_736 = arith.index_cast %parallel_loop3A_670 : i32 to index
          %parallel_loop3A_737 = arith.constant 320 : index
          %parallel_loop3A_738 = tpu.vector_load %arg7[%parallel_loop3A_736, %parallel_loop3A_737] {strides = array<i32>} : memref<80x512xf32, #tpu.memory_space<vmem>>, vector<1x16xf32>,
          %parallel_loop3A_739 = vector.shape_cast %parallel_loop3A_738 : vector<1x16xf32> to vector<16xf32>
          %parallel_loop3A_740 = vector.shape_cast %parallel_loop3A_735 : vector<16xf32> to vector<1x16xf32>
          tpu.vector_store %arg7[%parallel_loop3A_736, %parallel_loop3A_737], %parallel_loop3A_740 {strides = array<i32>} : memref<80x512xf32, #tpu.memory_space<vmem>>, vector<1x16xf32>,
          %parallel_loop3A_741 = arith.index_cast %parallel_loop3A_670 : i32 to index
          %parallel_loop3A_742 = arith.constant 336 : index
          %parallel_loop3A_743 = tpu.vector_load %arg7[%parallel_loop3A_741, %parallel_loop3A_742] {strides = array<i32>} : memref<80x512xf32, #tpu.memory_space<vmem>>, vector<1x16xf32>,
          %parallel_loop3A_744 = vector.shape_cast %parallel_loop3A_743 : vector<1x16xf32> to vector<16xf32>
          %parallel_loop3A_745 = arith.mulf %parallel_loop3A_744, %get3A_588 : vector<16xf32>
          %parallel_loop3A_746 = arith.constant 0.000000e+00 : f32
          %parallel_loop3A_747 = vector.broadcast %parallel_loop3A_746 : f32 to vector<16xf32>
          %parallel_loop3A_748 = arith.maximumf %parallel_loop3A_745, %parallel_loop3A_747 : vector<16xf32>
          %parallel_loop3A_749 = arith.mulf %parallel_loop3A_748, %get3A_636 : vector<16xf32>
          %parallel_loop3A_750 = arith.index_cast %parallel_loop3A_670 : i32 to index
          %parallel_loop3A_751 = arith.constant 336 : index
          %parallel_loop3A_752 = tpu.vector_load %arg7[%parallel_loop3A_750, %parallel_loop3A_751] {strides = array<i32>} : memref<80x512xf32, #tpu.memory_space<vmem>>, vector<1x16xf32>,
          %parallel_loop3A_753 = vector.shape_cast %parallel_loop3A_752 : vector<1x16xf32> to vector<16xf32>
          %parallel_loop3A_754 = vector.shape_cast %parallel_loop3A_749 : vector<16xf32> to vector<1x16xf32>
          tpu.vector_store %arg7[%parallel_loop3A_750, %parallel_loop3A_751], %parallel_loop3A_754 {strides = array<i32>} : memref<80x512xf32, #tpu.memory_space<vmem>>, vector<1x16xf32>,
          %parallel_loop3A_755 = arith.index_cast %parallel_loop3A_670 : i32 to index
          %parallel_loop3A_756 = arith.constant 352 : index
          %parallel_loop3A_757 = tpu.vector_load %arg7[%parallel_loop3A_755, %parallel_loop3A_756] {strides = array<i32>} : memref<80x512xf32, #tpu.memory_space<vmem>>, vector<1x16xf32>,
          %parallel_loop3A_758 = vector.shape_cast %parallel_loop3A_757 : vector<1x16xf32> to vector<16xf32>
          %parallel_loop3A_759 = arith.mulf %parallel_loop3A_758, %get3A_591 : vector<16xf32>
          %parallel_loop3A_760 = arith.constant 0.000000e+00 : f32
          %parallel_loop3A_761 = vector.broadcast %parallel_loop3A_760 : f32 to vector<16xf32>
          %parallel_loop3A_762 = arith.maximumf %parallel_loop3A_759, %parallel_loop3A_761 : vector<16xf32>
          %parallel_loop3A_763 = arith.mulf %parallel_loop3A_762, %get3A_639 : vector<16xf32>
          %parallel_loop3A_764 = arith.index_cast %parallel_loop3A_670 : i32 to index
          %parallel_loop3A_765 = arith.constant 352 : index
          %parallel_loop3A_766 = tpu.vector_load %arg7[%parallel_loop3A_764, %parallel_loop3A_765] {strides = array<i32>} : memref<80x512xf32, #tpu.memory_space<vmem>>, vector<1x16xf32>,
          %parallel_loop3A_767 = vector.shape_cast %parallel_loop3A_766 : vector<1x16xf32> to vector<16xf32>
          %parallel_loop3A_768 = vector.shape_cast %parallel_loop3A_763 : vector<16xf32> to vector<1x16xf32>
          tpu.vector_store %arg7[%parallel_loop3A_764, %parallel_loop3A_765], %parallel_loop3A_768 {strides = array<i32>} : memref<80x512xf32, #tpu.memory_space<vmem>>, vector<1x16xf32>,
          %parallel_loop3A_769 = arith.index_cast %parallel_loop3A_670 : i32 to index
          %parallel_loop3A_770 = arith.constant 368 : index
          %parallel_loop3A_771 = tpu.vector_load %arg7[%parallel_loop3A_769, %parallel_loop3A_770] {strides = array<i32>} : memref<80x512xf32, #tpu.memory_space<vmem>>, vector<1x16xf32>,
          %parallel_loop3A_772 = vector.shape_cast %parallel_loop3A_771 : vector<1x16xf32> to vector<16xf32>
          %parallel_loop3A_773 = arith.mulf %parallel_loop3A_772, %get3A_594 : vector<16xf32>
          %parallel_loop3A_774 = arith.constant 0.000000e+00 : f32
          %parallel_loop3A_775 = vector.broadcast %parallel_loop3A_774 : f32 to vector<16xf32>
          %parallel_loop3A_776 = arith.maximumf %parallel_loop3A_773, %parallel_loop3A_775 : vector<16xf32>
          %parallel_loop3A_777 = arith.mulf %parallel_loop3A_776, %get3A_642 : vector<16xf32>
          %parallel_loop3A_778 = arith.index_cast %parallel_loop3A_670 : i32 to index
          %parallel_loop3A_779 = arith.constant 368 : index
          %parallel_loop3A_780 = tpu.vector_load %arg7[%parallel_loop3A_778, %parallel_loop3A_779] {strides = array<i32>} : memref<80x512xf32, #tpu.memory_space<vmem>>, vector<1x16xf32>,
          %parallel_loop3A_781 = vector.shape_cast %parallel_loop3A_780 : vector<1x16xf32> to vector<16xf32>
          %parallel_loop3A_782 = vector.shape_cast %parallel_loop3A_777 : vector<16xf32> to vector<1x16xf32>
          tpu.vector_store %arg7[%parallel_loop3A_778, %parallel_loop3A_779], %parallel_loop3A_782 {strides = array<i32>} : memref<80x512xf32, #tpu.memory_space<vmem>>, vector<1x16xf32>,
          %parallel_loop3A_783 = arith.index_cast %parallel_loop3A_670 : i32 to index
          %parallel_loop3A_784 = arith.constant 384 : index
          %parallel_loop3A_785 = tpu.vector_load %arg7[%parallel_loop3A_783, %parallel_loop3A_784] {strides = array<i32>} : memref<80x512xf32, #tpu.memory_space<vmem>>, vector<1x16xf32>,
          %parallel_loop3A_786 = vector.shape_cast %parallel_loop3A_785 : vector<1x16xf32> to vector<16xf32>
          %parallel_loop3A_787 = arith.mulf %parallel_loop3A_786, %get3A_597 : vector<16xf32>
          %parallel_loop3A_788 = arith.constant 0.000000e+00 : f32
          %parallel_loop3A_789 = vector.broadcast %parallel_loop3A_788 : f32 to vector<16xf32>
          %parallel_loop3A_790 = arith.maximumf %parallel_loop3A_787, %parallel_loop3A_789 : vector<16xf32>
          %parallel_loop3A_791 = arith.mulf %parallel_loop3A_790, %get3A_645 : vector<16xf32>
          %parallel_loop3A_792 = arith.index_cast %parallel_loop3A_670 : i32 to index
          %parallel_loop3A_793 = arith.constant 384 : index
          %parallel_loop3A_794 = tpu.vector_load %arg7[%parallel_loop3A_792, %parallel_loop3A_793] {strides = array<i32>} : memref<80x512xf32, #tpu.memory_space<vmem>>, vector<1x16xf32>,
          %parallel_loop3A_795 = vector.shape_cast %parallel_loop3A_794 : vector<1x16xf32> to vector<16xf32>
          %parallel_loop3A_796 = vector.shape_cast %parallel_loop3A_791 : vector<16xf32> to vector<1x16xf32>
          tpu.vector_store %arg7[%parallel_loop3A_792, %parallel_loop3A_793], %parallel_loop3A_796 {strides = array<i32>} : memref<80x512xf32, #tpu.memory_space<vmem>>, vector<1x16xf32>,
          %parallel_loop3A_797 = arith.index_cast %parallel_loop3A_670 : i32 to index
          %parallel_loop3A_798 = arith.constant 400 : index
          %parallel_loop3A_799 = tpu.vector_load %arg7[%parallel_loop3A_797, %parallel_loop3A_798] {strides = array<i32>} : memref<80x512xf32, #tpu.memory_space<vmem>>, vector<1x16xf32>,
          %parallel_loop3A_800 = vector.shape_cast %parallel_loop3A_799 : vector<1x16xf32> to vector<16xf32>
          %parallel_loop3A_801 = arith.mulf %parallel_loop3A_800, %get3A_600 : vector<16xf32>
          %parallel_loop3A_802 = arith.constant 0.000000e+00 : f32
          %parallel_loop3A_803 = vector.broadcast %parallel_loop3A_802 : f32 to vector<16xf32>
          %parallel_loop3A_804 = arith.maximumf %parallel_loop3A_801, %parallel_loop3A_803 : vector<16xf32>
          %parallel_loop3A_805 = arith.mulf %parallel_loop3A_804, %get3A_648 : vector<16xf32>
          %parallel_loop3A_806 = arith.index_cast %parallel_loop3A_670 : i32 to index
          %parallel_loop3A_807 = arith.constant 400 : index
          %parallel_loop3A_808 = tpu.vector_load %arg7[%parallel_loop3A_806, %parallel_loop3A_807] {strides = array<i32>} : memref<80x512xf32, #tpu.memory_space<vmem>>, vector<1x16xf32>,
          %parallel_loop3A_809 = vector.shape_cast %parallel_loop3A_808 : vector<1x16xf32> to vector<16xf32>
          %parallel_loop3A_810 = vector.shape_cast %parallel_loop3A_805 : vector<16xf32> to vector<1x16xf32>
          tpu.vector_store %arg7[%parallel_loop3A_806, %parallel_loop3A_807], %parallel_loop3A_810 {strides = array<i32>} : memref<80x512xf32, #tpu.memory_space<vmem>>, vector<1x16xf32>,
          %parallel_loop3A_811 = arith.index_cast %parallel_loop3A_670 : i32 to index
          %parallel_loop3A_812 = arith.constant 416 : index
          %parallel_loop3A_813 = tpu.vector_load %arg7[%parallel_loop3A_811, %parallel_loop3A_812] {strides = array<i32>} : memref<80x512xf32, #tpu.memory_space<vmem>>, vector<1x16xf32>,
          %parallel_loop3A_814 = vector.shape_cast %parallel_loop3A_813 : vector<1x16xf32> to vector<16xf32>
          %parallel_loop3A_815 = arith.mulf %parallel_loop3A_814, %get3A_603 : vector<16xf32>
          %parallel_loop3A_816 = arith.constant 0.000000e+00 : f32
          %parallel_loop3A_817 = vector.broadcast %parallel_loop3A_816 : f32 to vector<16xf32>
          %parallel_loop3A_818 = arith.maximumf %parallel_loop3A_815, %parallel_loop3A_817 : vector<16xf32>
          %parallel_loop3A_819 = arith.mulf %parallel_loop3A_818, %get3A_651 : vector<16xf32>
          %parallel_loop3A_820 = arith.index_cast %parallel_loop3A_670 : i32 to index
          %parallel_loop3A_821 = arith.constant 416 : index
          %parallel_loop3A_822 = tpu.vector_load %arg7[%parallel_loop3A_820, %parallel_loop3A_821] {strides = array<i32>} : memref<80x512xf32, #tpu.memory_space<vmem>>, vector<1x16xf32>,
          %parallel_loop3A_823 = vector.shape_cast %parallel_loop3A_822 : vector<1x16xf32> to vector<16xf32>
          %parallel_loop3A_824 = vector.shape_cast %parallel_loop3A_819 : vector<16xf32> to vector<1x16xf32>
          tpu.vector_store %arg7[%parallel_loop3A_820, %parallel_loop3A_821], %parallel_loop3A_824 {strides = array<i32>} : memref<80x512xf32, #tpu.memory_space<vmem>>, vector<1x16xf32>,
          %parallel_loop3A_825 = arith.index_cast %parallel_loop3A_670 : i32 to index
          %parallel_loop3A_826 = arith.constant 432 : index
          %parallel_loop3A_827 = tpu.vector_load %arg7[%parallel_loop3A_825, %parallel_loop3A_826] {strides = array<i32>} : memref<80x512xf32, #tpu.memory_space<vmem>>, vector<1x16xf32>,
          %parallel_loop3A_828 = vector.shape_cast %parallel_loop3A_827 : vector<1x16xf32> to vector<16xf32>
          %parallel_loop3A_829 = arith.mulf %parallel_loop3A_828, %get3A_606 : vector<16xf32>
          %parallel_loop3A_830 = arith.constant 0.000000e+00 : f32
          %parallel_loop3A_831 = vector.broadcast %parallel_loop3A_830 : f32 to vector<16xf32>
          %parallel_loop3A_832 = arith.maximumf %parallel_loop3A_829, %parallel_loop3A_831 : vector<16xf32>
          %parallel_loop3A_833 = arith.mulf %parallel_loop3A_832, %get3A_654 : vector<16xf32>
          %parallel_loop3A_834 = arith.index_cast %parallel_loop3A_670 : i32 to index
          %parallel_loop3A_835 = arith.constant 432 : index
          %parallel_loop3A_836 = tpu.vector_load %arg7[%parallel_loop3A_834, %parallel_loop3A_835] {strides = array<i32>} : memref<80x512xf32, #tpu.memory_space<vmem>>, vector<1x16xf32>,
          %parallel_loop3A_837 = vector.shape_cast %parallel_loop3A_836 : vector<1x16xf32> to vector<16xf32>
          %parallel_loop3A_838 = vector.shape_cast %parallel_loop3A_833 : vector<16xf32> to vector<1x16xf32>
          tpu.vector_store %arg7[%parallel_loop3A_834, %parallel_loop3A_835], %parallel_loop3A_838 {strides = array<i32>} : memref<80x512xf32, #tpu.memory_space<vmem>>, vector<1x16xf32>,
          %parallel_loop3A_839 = arith.index_cast %parallel_loop3A_670 : i32 to index
          %parallel_loop3A_840 = arith.constant 448 : index
          %parallel_loop3A_841 = tpu.vector_load %arg7[%parallel_loop3A_839, %parallel_loop3A_840] {strides = array<i32>} : memref<80x512xf32, #tpu.memory_space<vmem>>, vector<1x16xf32>,
          %parallel_loop3A_842 = vector.shape_cast %parallel_loop3A_841 : vector<1x16xf32> to vector<16xf32>
          %parallel_loop3A_843 = arith.mulf %parallel_loop3A_842, %get3A_609 : vector<16xf32>
          %parallel_loop3A_844 = arith.constant 0.000000e+00 : f32
          %parallel_loop3A_845 = vector.broadcast %parallel_loop3A_844 : f32 to vector<16xf32>
          %parallel_loop3A_846 = arith.maximumf %parallel_loop3A_843, %parallel_loop3A_845 : vector<16xf32>
          %parallel_loop3A_847 = arith.mulf %parallel_loop3A_846, %get3A_657 : vector<16xf32>
          %parallel_loop3A_848 = arith.index_cast %parallel_loop3A_670 : i32 to index
          %parallel_loop3A_849 = arith.constant 448 : index
          %parallel_loop3A_850 = tpu.vector_load %arg7[%parallel_loop3A_848, %parallel_loop3A_849] {strides = array<i32>} : memref<80x512xf32, #tpu.memory_space<vmem>>, vector<1x16xf32>,
          %parallel_loop3A_851 = vector.shape_cast %parallel_loop3A_850 : vector<1x16xf32> to vector<16xf32>
          %parallel_loop3A_852 = vector.shape_cast %parallel_loop3A_847 : vector<16xf32> to vector<1x16xf32>
          tpu.vector_store %arg7[%parallel_loop3A_848, %parallel_loop3A_849], %parallel_loop3A_852 {strides = array<i32>} : memref<80x512xf32, #tpu.memory_space<vmem>>, vector<1x16xf32>,
          %parallel_loop3A_853 = arith.index_cast %parallel_loop3A_670 : i32 to index
          %parallel_loop3A_854 = arith.constant 464 : index
          %parallel_loop3A_855 = tpu.vector_load %arg7[%parallel_loop3A_853, %parallel_loop3A_854] {strides = array<i32>} : memref<80x512xf32, #tpu.memory_space<vmem>>, vector<1x16xf32>,
          %parallel_loop3A_856 = vector.shape_cast %parallel_loop3A_855 : vector<1x16xf32> to vector<16xf32>
          %parallel_loop3A_857 = arith.mulf %parallel_loop3A_856, %get3A_612 : vector<16xf32>
          %parallel_loop3A_858 = arith.constant 0.000000e+00 : f32
          %parallel_loop3A_859 = vector.broadcast %parallel_loop3A_858 : f32 to vector<16xf32>
          %parallel_loop3A_860 = arith.maximumf %parallel_loop3A_857, %parallel_loop3A_859 : vector<16xf32>
          %parallel_loop3A_861 = arith.mulf %parallel_loop3A_860, %get3A_660 : vector<16xf32>
          %parallel_loop3A_862 = arith.index_cast %parallel_loop3A_670 : i32 to index
          %parallel_loop3A_863 = arith.constant 464 : index
          %parallel_loop3A_864 = tpu.vector_load %arg7[%parallel_loop3A_862, %parallel_loop3A_863] {strides = array<i32>} : memref<80x512xf32, #tpu.memory_space<vmem>>, vector<1x16xf32>,
          %parallel_loop3A_865 = vector.shape_cast %parallel_loop3A_864 : vector<1x16xf32> to vector<16xf32>
          %parallel_loop3A_866 = vector.shape_cast %parallel_loop3A_861 : vector<16xf32> to vector<1x16xf32>
          tpu.vector_store %arg7[%parallel_loop3A_862, %parallel_loop3A_863], %parallel_loop3A_866 {strides = array<i32>} : memref<80x512xf32, #tpu.memory_space<vmem>>, vector<1x16xf32>,
          %parallel_loop3A_867 = arith.index_cast %parallel_loop3A_670 : i32 to index
          %parallel_loop3A_868 = arith.constant 480 : index
          %parallel_loop3A_869 = tpu.vector_load %arg7[%parallel_loop3A_867, %parallel_loop3A_868] {strides = array<i32>} : memref<80x512xf32, #tpu.memory_space<vmem>>, vector<1x16xf32>,
          %parallel_loop3A_870 = vector.shape_cast %parallel_loop3A_869 : vector<1x16xf32> to vector<16xf32>
          %parallel_loop3A_871 = arith.mulf %parallel_loop3A_870, %get3A_615 : vector<16xf32>
          %parallel_loop3A_872 = arith.constant 0.000000e+00 : f32
          %parallel_loop3A_873 = vector.broadcast %parallel_loop3A_872 : f32 to vector<16xf32>
          %parallel_loop3A_874 = arith.maximumf %parallel_loop3A_871, %parallel_loop3A_873 : vector<16xf32>
          %parallel_loop3A_875 = arith.mulf %parallel_loop3A_874, %get3A_663 : vector<16xf32>
          %parallel_loop3A_876 = arith.index_cast %parallel_loop3A_670 : i32 to index
          %parallel_loop3A_877 = arith.constant 480 : index
          %parallel_loop3A_878 = tpu.vector_load %arg7[%parallel_loop3A_876, %parallel_loop3A_877] {strides = array<i32>} : memref<80x512xf32, #tpu.memory_space<vmem>>, vector<1x16xf32>,
          %parallel_loop3A_879 = vector.shape_cast %parallel_loop3A_878 : vector<1x16xf32> to vector<16xf32>
          %parallel_loop3A_880 = vector.shape_cast %parallel_loop3A_875 : vector<16xf32> to vector<1x16xf32>
          tpu.vector_store %arg7[%parallel_loop3A_876, %parallel_loop3A_877], %parallel_loop3A_880 {strides = array<i32>} : memref<80x512xf32, #tpu.memory_space<vmem>>, vector<1x16xf32>,
          %parallel_loop3A_881 = arith.index_cast %parallel_loop3A_670 : i32 to index
          %parallel_loop3A_882 = arith.constant 496 : index
          %parallel_loop3A_883 = tpu.vector_load %arg7[%parallel_loop3A_881, %parallel_loop3A_882] {strides = array<i32>} : memref<80x512xf32, #tpu.memory_space<vmem>>, vector<1x16xf32>,
          %parallel_loop3A_884 = vector.shape_cast %parallel_loop3A_883 : vector<1x16xf32> to vector<16xf32>
          %parallel_loop3A_885 = arith.mulf %parallel_loop3A_884, %get3A_618 : vector<16xf32>
          %parallel_loop3A_886 = arith.constant 0.000000e+00 : f32
          %parallel_loop3A_887 = vector.broadcast %parallel_loop3A_886 : f32 to vector<16xf32>
          %parallel_loop3A_888 = arith.maximumf %parallel_loop3A_885, %parallel_loop3A_887 : vector<16xf32>
          %parallel_loop3A_889 = arith.mulf %parallel_loop3A_888, %get3A_666 : vector<16xf32>
          %parallel_loop3A_890 = arith.index_cast %parallel_loop3A_670 : i32 to index
          %parallel_loop3A_891 = arith.constant 496 : index
          %parallel_loop3A_892 = tpu.vector_load %arg7[%parallel_loop3A_890, %parallel_loop3A_891] {strides = array<i32>} : memref<80x512xf32, #tpu.memory_space<vmem>>, vector<1x16xf32>,
          %parallel_loop3A_893 = vector.shape_cast %parallel_loop3A_892 : vector<1x16xf32> to vector<16xf32>
          %parallel_loop3A_894 = vector.shape_cast %parallel_loop3A_889 : vector<16xf32> to vector<1x16xf32>
          tpu.vector_store %arg7[%parallel_loop3A_890, %parallel_loop3A_891], %parallel_loop3A_894 {strides = array<i32>} : memref<80x512xf32, #tpu.memory_space<vmem>>, vector<1x16xf32>,
        } {sc.loop_unroll_factor = 1 : i64, sc.parallel_access}
      } else {
      }
      %lt3A_246 = arith.constant 19 : i32
      %lt3A_247 = arith.cmpi slt, %add3A_191, %lt3A_246 : i32
      %mul3A_248 = arith.constant 19 : i32
      %mul3A_249 = arith.muli %add3A, %mul3A_248 : i32
      %add3A_250 = arith.addi %mul3A_249, %add3A_191 : i32
      %add3A_251 = arith.constant 608 : i32
      %add3A_252 = arith.addi %add3A_251, %add3A : i32
      %select_n3A_253 = arith.select %lt3A_247, %add3A_250, %add3A_252 : i32
      %lt3A_254 = arith.constant 0 : i32
      %lt3A_255 = arith.cmpi slt, %add3A_191, %lt3A_254 : i32
      %jit3A_256 = arith.constant -1 : i32
      %select_n3A_257 = arith.select %lt3A_255, %jit3A_256, %select_n3A_253 : i32
      %ge3A_258 = arith.constant 0 : i32
      %ge3A_259 = arith.cmpi sge, %select_n3A_257, %ge3A_258 : i32
      %lt3A_260 = arith.constant 19 : i32
      %lt3A_261 = arith.cmpi slt, %add3A_191, %lt3A_260 : i32
      %eq3A_262 = arith.constant 19 : i32
      %eq3A_263 = arith.cmpi eq, %add3A_191, %eq3A_262 : i32
      %lt3A_264 = arith.constant 17 : i32
      %lt3A_265 = arith.cmpi slt, %add3A, %lt3A_264 : i32
      %and3A_266 = arith.andi %eq3A_263, %lt3A_265 : i1
      %jit3A_267 = arith.constant true
      %select_n3A_268 = arith.select %lt3A_261, %jit3A_267, %and3A_266 : i1
      %and3A_269 = arith.andi %ge3A_259, %select_n3A_268 : i1
      %convert_element_type3A_270 = arith.extui %and3A_269 : i1 to i32
      %cond3A_271 = arith.constant 0 : i32
      %cond3A_272 = arith.cmpi ne, %convert_element_type3A_270, %cond3A_271 : i32
      scf.if %cond3A_272 {
        %mul3A_474 = arith.constant 80 : i32
        %mul3A_475 = arith.muli %select_n3A_257, %mul3A_474 : i32
        %dma_start3A = arith.constant 0 : i32
        %dma_start3A_476 = tpu.memref_slice %arg5[%mul3A_475, %dma_start3A] : memref<50000x512xf32, #tpu.memory_space<hbm>> -> memref<80x512xf32, #tpu.memory_space<hbm>>
        %dma_start3A_477 = arith.constant 0 : i32
        %dma_start3A_478 = tpu.memref_slice %arg5[%mul3A_475, %dma_start3A_477] : memref<50000x512xf32, #tpu.memory_space<hbm>> -> memref<80x512xf32, #tpu.memory_space<hbm>>
        tpu.enqueue_dma source(%arg7 : memref<80x512xf32, #tpu.memory_space<vmem>>) target(%dma_start3A_478 : memref<80x512xf32, #tpu.memory_space<hbm>>) target_semaphore(%arg15 : memref<!tpu.dma_semaphore, #tpu.memory_space<semaphore_mem>>)
      } else {
      }
      %sub3A_273 = arith.constant 1 : i32
      %sub3A_274 = arith.subi %add3A_191, %sub3A_273 : i32
      %lt3A_275 = arith.constant 19 : i32
      %lt3A_276 = arith.cmpi slt, %sub3A_274, %lt3A_275 : i32
      %mul3A_277 = arith.constant 19 : i32
      %mul3A_278 = arith.muli %add3A, %mul3A_277 : i32
      %add3A_279 = arith.addi %mul3A_278, %sub3A_274 : i32
      %add3A_280 = arith.constant 608 : i32
      %add3A_281 = arith.addi %add3A_280, %add3A : i32
      %select_n3A_282 = arith.select %lt3A_276, %add3A_279, %add3A_281 : i32
      %lt3A_283 = arith.constant 0 : i32
      %lt3A_284 = arith.cmpi slt, %sub3A_274, %lt3A_283 : i32
      %jit3A_285 = arith.constant -1 : i32
      %select_n3A_286 = arith.select %lt3A_284, %jit3A_285, %select_n3A_282 : i32
      %ge3A_287 = arith.constant 0 : i32
      %ge3A_288 = arith.cmpi sge, %select_n3A_286, %ge3A_287 : i32
      %lt3A_289 = arith.constant 19 : i32
      %lt3A_290 = arith.cmpi slt, %sub3A_274, %lt3A_289 : i32
      %eq3A_291 = arith.constant 19 : i32
      %eq3A_292 = arith.cmpi eq, %sub3A_274, %eq3A_291 : i32
      %lt3A_293 = arith.constant 17 : i32
      %lt3A_294 = arith.cmpi slt, %add3A, %lt3A_293 : i32
      %and3A_295 = arith.andi %eq3A_292, %lt3A_294 : i1
      %jit3A_296 = arith.constant true
      %select_n3A_297 = arith.select %lt3A_290, %jit3A_296, %and3A_295 : i1
      %and3A_298 = arith.andi %ge3A_288, %select_n3A_297 : i1
      %convert_element_type3A_299 = arith.extui %and3A_298 : i1 to i32
      %cond3A_300 = arith.constant 0 : i32
      %cond3A_301 = arith.cmpi ne, %convert_element_type3A_299, %cond3A_300 : i32
      scf.if %cond3A_301 {
        %mul3A_474 = arith.constant 80 : i32
        %mul3A_475 = arith.muli %select_n3A_286, %mul3A_474 : i32
        %dma_wait3A = arith.constant 0 : i32
        %dma_wait3A_476 = tpu.memref_slice %arg5[%mul3A_475, %dma_wait3A] : memref<50000x512xf32, #tpu.memory_space<hbm>> -> memref<80x512xf32, #tpu.memory_space<hbm>>
        %dma_wait3A_477 = arith.constant 0 : i32
        %dma_wait3A_478 = tpu.memref_slice %arg5[%mul3A_475, %dma_wait3A_477] : memref<50000x512xf32, #tpu.memory_space<hbm>> -> memref<80x512xf32, #tpu.memory_space<hbm>>
        tpu.wait_dma2 semaphore(%arg14 : memref<!tpu.dma_semaphore, #tpu.memory_space<semaphore_mem>>) src(%arg6 : memref<80x512xf32, #tpu.memory_space<vmem>>) dst(%dma_wait3A_478 : memref<80x512xf32, #tpu.memory_space<hbm>>)
      } else {
      }
      %add3A_302 = arith.constant 2 : i32
      %add3A_303 = arith.addi %add3A_191, %add3A_302 : i32
      %lt3A_304 = arith.constant 19 : i32
      %lt3A_305 = arith.cmpi slt, %add3A_303, %lt3A_304 : i32
      %mul3A_306 = arith.constant 19 : i32
      %mul3A_307 = arith.muli %add3A, %mul3A_306 : i32
      %add3A_308 = arith.addi %mul3A_307, %add3A_303 : i32
      %add3A_309 = arith.constant 608 : i32
      %add3A_310 = arith.addi %add3A_309, %add3A : i32
      %select_n3A_311 = arith.select %lt3A_305, %add3A_308, %add3A_310 : i32
      %lt3A_312 = arith.constant 0 : i32
      %lt3A_313 = arith.cmpi slt, %add3A_303, %lt3A_312 : i32
      %jit3A_314 = arith.constant -1 : i32
      %select_n3A_315 = arith.select %lt3A_313, %jit3A_314, %select_n3A_311 : i32
      %ge3A_316 = arith.constant 0 : i32
      %ge3A_317 = arith.cmpi sge, %select_n3A_315, %ge3A_316 : i32
      %lt3A_318 = arith.constant 19 : i32
      %lt3A_319 = arith.cmpi slt, %add3A_303, %lt3A_318 : i32
      %eq3A_320 = arith.constant 19 : i32
      %eq3A_321 = arith.cmpi eq, %add3A_303, %eq3A_320 : i32
      %lt3A_322 = arith.constant 17 : i32
      %lt3A_323 = arith.cmpi slt, %add3A, %lt3A_322 : i32
      %and3A_324 = arith.andi %eq3A_321, %lt3A_323 : i1
      %jit3A_325 = arith.constant true
      %select_n3A_326 = arith.select %lt3A_319, %jit3A_325, %and3A_324 : i1
      %and3A_327 = arith.andi %ge3A_317, %select_n3A_326 : i1
      %convert_element_type3A_328 = arith.extui %and3A_327 : i1 to i32
      %cond3A_329 = arith.constant 0 : i32
      %cond3A_330 = arith.cmpi ne, %convert_element_type3A_328, %cond3A_329 : i32
      scf.if %cond3A_330 {
        %mul3A_474 = arith.constant 80 : i32
        %mul3A_475 = arith.muli %select_n3A_315, %mul3A_474 : i32
        %dma_start3A = arith.constant 0 : i32
        %dma_start3A_476 = tpu.memref_slice %arg2[%mul3A_475, %dma_start3A] : memref<50000x512xf32, #tpu.memory_space<hbm>> -> memref<80x512xf32, #tpu.memory_space<hbm>>
        %dma_start3A_477 = arith.constant 0 : i32
        %dma_start3A_478 = tpu.memref_slice %arg2[%mul3A_475, %dma_start3A_477] : memref<50000x512xf32, #tpu.memory_space<hbm>> -> memref<80x512xf32, #tpu.memory_space<hbm>>
        tpu.enqueue_dma source(%dma_start3A_478 : memref<80x512xf32, #tpu.memory_space<hbm>>) target(%arg6 : memref<80x512xf32, #tpu.memory_space<vmem>>) target_semaphore(%arg11 : memref<!tpu.dma_semaphore, #tpu.memory_space<semaphore_mem>>)
      } else {
      }
      %mul3A_331 = arith.constant 3 : i32
      %mul3A_332 = arith.muli %scan3A_46, %mul3A_331 : i32
      %add3A_333 = arith.constant 2 : i32
      %add3A_334 = arith.addi %mul3A_332, %add3A_333 : i32
      %lt3A_335 = arith.constant 19 : i32
      %lt3A_336 = arith.cmpi slt, %add3A_334, %lt3A_335 : i32
      %mul3A_337 = arith.constant 19 : i32
      %mul3A_338 = arith.muli %add3A, %mul3A_337 : i32
      %add3A_339 = arith.addi %mul3A_338, %add3A_334 : i32
      %add3A_340 = arith.constant 608 : i32
      %add3A_341 = arith.addi %add3A_340, %add3A : i32
      %select_n3A_342 = arith.select %lt3A_336, %add3A_339, %add3A_341 : i32
      %lt3A_343 = arith.constant 0 : i32
      %lt3A_344 = arith.cmpi slt, %add3A_334, %lt3A_343 : i32
      %jit3A_345 = arith.constant -1 : i32
      %select_n3A_346 = arith.select %lt3A_344, %jit3A_345, %select_n3A_342 : i32
      %ge3A_347 = arith.constant 0 : i32
      %ge3A_348 = arith.cmpi sge, %select_n3A_346, %ge3A_347 : i32
      %lt3A_349 = arith.constant 19 : i32
      %lt3A_350 = arith.cmpi slt, %add3A_334, %lt3A_349 : i32
      %eq3A_351 = arith.constant 19 : i32
      %eq3A_352 = arith.cmpi eq, %add3A_334, %eq3A_351 : i32
      %lt3A_353 = arith.constant 17 : i32
      %lt3A_354 = arith.cmpi slt, %add3A, %lt3A_353 : i32
      %and3A_355 = arith.andi %eq3A_352, %lt3A_354 : i1
      %jit3A_356 = arith.constant true
      %select_n3A_357 = arith.select %lt3A_350, %jit3A_356, %and3A_355 : i1
      %and3A_358 = arith.andi %ge3A_348, %select_n3A_357 : i1
      %convert_element_type3A_359 = arith.extui %and3A_358 : i1 to i32
      %cond3A_360 = arith.constant 0 : i32
      %cond3A_361 = arith.cmpi ne, %convert_element_type3A_359, %cond3A_360 : i32
      scf.if %cond3A_361 {
        %mul3A_474 = arith.constant 80 : i32
        %mul3A_475 = arith.muli %select_n3A_346, %mul3A_474 : i32
        %dma_wait3A = arith.constant 0 : i32
        %dma_wait3A_476 = tpu.memref_slice %arg2[%mul3A_475, %dma_wait3A] : memref<50000x512xf32, #tpu.memory_space<hbm>> -> memref<80x512xf32, #tpu.memory_space<hbm>>
        %dma_wait3A_477 = arith.constant 0 : i32
        %dma_wait3A_478 = tpu.memref_slice %arg2[%mul3A_475, %dma_wait3A_477] : memref<50000x512xf32, #tpu.memory_space<hbm>> -> memref<80x512xf32, #tpu.memory_space<hbm>>
        tpu.wait_dma2 semaphore(%arg13 : memref<!tpu.dma_semaphore, #tpu.memory_space<semaphore_mem>>) src(%dma_wait3A_478 : memref<80x512xf32, #tpu.memory_space<hbm>>) dst(%arg8 : memref<80x512xf32, #tpu.memory_space<vmem>>)
      } else {
      }
      %lt3A_362 = arith.constant 19 : i32
      %lt3A_363 = arith.cmpi slt, %add3A_334, %lt3A_362 : i32
      %mul3A_364 = arith.constant 19 : i32
      %mul3A_365 = arith.muli %add3A, %mul3A_364 : i32
      %add3A_366 = arith.addi %mul3A_365, %add3A_334 : i32
      %add3A_367 = arith.constant 608 : i32
      %add3A_368 = arith.addi %add3A_367, %add3A : i32
      %select_n3A_369 = arith.select %lt3A_363, %add3A_366, %add3A_368 : i32
      %lt3A_370 = arith.constant 0 : i32
      %lt3A_371 = arith.cmpi slt, %add3A_334, %lt3A_370 : i32
      %jit3A_372 = arith.constant -1 : i32
      %select_n3A_373 = arith.select %lt3A_371, %jit3A_372, %select_n3A_369 : i32
      %ge3A_374 = arith.constant 0 : i32
      %ge3A_375 = arith.cmpi sge, %select_n3A_373, %ge3A_374 : i32
      %lt3A_376 = arith.constant 19 : i32
      %lt3A_377 = arith.cmpi slt, %add3A_334, %lt3A_376 : i32
      %eq3A_378 = arith.constant 19 : i32
      %eq3A_379 = arith.cmpi eq, %add3A_334, %eq3A_378 : i32
      %lt3A_380 = arith.constant 17 : i32
      %lt3A_381 = arith.cmpi slt, %add3A, %lt3A_380 : i32
      %and3A_382 = arith.andi %eq3A_379, %lt3A_381 : i1
      %jit3A_383 = arith.constant true
      %select_n3A_384 = arith.select %lt3A_377, %jit3A_383, %and3A_382 : i1
      %and3A_385 = arith.andi %ge3A_375, %select_n3A_384 : i1
      %convert_element_type3A_386 = arith.extui %and3A_385 : i1 to i32
      %cond3A_387 = arith.constant 0 : i32
      %cond3A_388 = arith.cmpi ne, %convert_element_type3A_386, %cond3A_387 : i32
      scf.if %cond3A_388 {
        %get3A = arith.constant 0 : index
        %get3A_474 = tpu.vector_load %arg9[%get3A] {strides = array<i32>} : memref<512xf32, #tpu.memory_space<vmem>>, vector<16xf32>,
        %get3A_475 = vector.shape_cast %get3A_474 : vector<16xf32> to vector<16xf32>
        %get3A_476 = arith.constant 16 : index
        %get3A_477 = tpu.vector_load %arg9[%get3A_476] {strides = array<i32>} : memref<512xf32, #tpu.memory_space<vmem>>, vector<16xf32>,
        %get3A_478 = vector.shape_cast %get3A_477 : vector<16xf32> to vector<16xf32>
        %get3A_479 = arith.constant 32 : index
        %get3A_480 = tpu.vector_load %arg9[%get3A_479] {strides = array<i32>} : memref<512xf32, #tpu.memory_space<vmem>>, vector<16xf32>,
        %get3A_481 = vector.shape_cast %get3A_480 : vector<16xf32> to vector<16xf32>
        %get3A_482 = arith.constant 48 : index
        %get3A_483 = tpu.vector_load %arg9[%get3A_482] {strides = array<i32>} : memref<512xf32, #tpu.memory_space<vmem>>, vector<16xf32>,
        %get3A_484 = vector.shape_cast %get3A_483 : vector<16xf32> to vector<16xf32>
        %get3A_485 = arith.constant 64 : index
        %get3A_486 = tpu.vector_load %arg9[%get3A_485] {strides = array<i32>} : memref<512xf32, #tpu.memory_space<vmem>>, vector<16xf32>,
        %get3A_487 = vector.shape_cast %get3A_486 : vector<16xf32> to vector<16xf32>
        %get3A_488 = arith.constant 80 : index
        %get3A_489 = tpu.vector_load %arg9[%get3A_488] {strides = array<i32>} : memref<512xf32, #tpu.memory_space<vmem>>, vector<16xf32>,
        %get3A_490 = vector.shape_cast %get3A_489 : vector<16xf32> to vector<16xf32>
        %get3A_491 = arith.constant 96 : index
        %get3A_492 = tpu.vector_load %arg9[%get3A_491] {strides = array<i32>} : memref<512xf32, #tpu.memory_space<vmem>>, vector<16xf32>,
        %get3A_493 = vector.shape_cast %get3A_492 : vector<16xf32> to vector<16xf32>
        %get3A_494 = arith.constant 112 : index
        %get3A_495 = tpu.vector_load %arg9[%get3A_494] {strides = array<i32>} : memref<512xf32, #tpu.memory_space<vmem>>, vector<16xf32>,
        %get3A_496 = vector.shape_cast %get3A_495 : vector<16xf32> to vector<16xf32>
        %get3A_497 = arith.constant 128 : index
        %get3A_498 = tpu.vector_load %arg9[%get3A_497] {strides = array<i32>} : memref<512xf32, #tpu.memory_space<vmem>>, vector<16xf32>,
        %get3A_499 = vector.shape_cast %get3A_498 : vector<16xf32> to vector<16xf32>
        %get3A_500 = arith.constant 144 : index
        %get3A_501 = tpu.vector_load %arg9[%get3A_500] {strides = array<i32>} : memref<512xf32, #tpu.memory_space<vmem>>, vector<16xf32>,
        %get3A_502 = vector.shape_cast %get3A_501 : vector<16xf32> to vector<16xf32>
        %get3A_503 = arith.constant 160 : index
        %get3A_504 = tpu.vector_load %arg9[%get3A_503] {strides = array<i32>} : memref<512xf32, #tpu.memory_space<vmem>>, vector<16xf32>,
        %get3A_505 = vector.shape_cast %get3A_504 : vector<16xf32> to vector<16xf32>
        %get3A_506 = arith.constant 176 : index
        %get3A_507 = tpu.vector_load %arg9[%get3A_506] {strides = array<i32>} : memref<512xf32, #tpu.memory_space<vmem>>, vector<16xf32>,
        %get3A_508 = vector.shape_cast %get3A_507 : vector<16xf32> to vector<16xf32>
        %get3A_509 = arith.constant 192 : index
        %get3A_510 = tpu.vector_load %arg9[%get3A_509] {strides = array<i32>} : memref<512xf32, #tpu.memory_space<vmem>>, vector<16xf32>,
        %get3A_511 = vector.shape_cast %get3A_510 : vector<16xf32> to vector<16xf32>
        %get3A_512 = arith.constant 208 : index
        %get3A_513 = tpu.vector_load %arg9[%get3A_512] {strides = array<i32>} : memref<512xf32, #tpu.memory_space<vmem>>, vector<16xf32>,
        %get3A_514 = vector.shape_cast %get3A_513 : vector<16xf32> to vector<16xf32>
        %get3A_515 = arith.constant 224 : index
        %get3A_516 = tpu.vector_load %arg9[%get3A_515] {strides = array<i32>} : memref<512xf32, #tpu.memory_space<vmem>>, vector<16xf32>,
        %get3A_517 = vector.shape_cast %get3A_516 : vector<16xf32> to vector<16xf32>
        %get3A_518 = arith.constant 240 : index
        %get3A_519 = tpu.vector_load %arg9[%get3A_518] {strides = array<i32>} : memref<512xf32, #tpu.memory_space<vmem>>, vector<16xf32>,
        %get3A_520 = vector.shape_cast %get3A_519 : vector<16xf32> to vector<16xf32>
        %get3A_521 = arith.constant 0 : index
        %get3A_522 = tpu.vector_load %arg10[%get3A_521] {strides = array<i32>} : memref<512xf32, #tpu.memory_space<vmem>>, vector<16xf32>,
        %get3A_523 = vector.shape_cast %get3A_522 : vector<16xf32> to vector<16xf32>
        %get3A_524 = arith.constant 16 : index
        %get3A_525 = tpu.vector_load %arg10[%get3A_524] {strides = array<i32>} : memref<512xf32, #tpu.memory_space<vmem>>, vector<16xf32>,
        %get3A_526 = vector.shape_cast %get3A_525 : vector<16xf32> to vector<16xf32>
        %get3A_527 = arith.constant 32 : index
        %get3A_528 = tpu.vector_load %arg10[%get3A_527] {strides = array<i32>} : memref<512xf32, #tpu.memory_space<vmem>>, vector<16xf32>,
        %get3A_529 = vector.shape_cast %get3A_528 : vector<16xf32> to vector<16xf32>
        %get3A_530 = arith.constant 48 : index
        %get3A_531 = tpu.vector_load %arg10[%get3A_530] {strides = array<i32>} : memref<512xf32, #tpu.memory_space<vmem>>, vector<16xf32>,
        %get3A_532 = vector.shape_cast %get3A_531 : vector<16xf32> to vector<16xf32>
        %get3A_533 = arith.constant 64 : index
        %get3A_534 = tpu.vector_load %arg10[%get3A_533] {strides = array<i32>} : memref<512xf32, #tpu.memory_space<vmem>>, vector<16xf32>,
        %get3A_535 = vector.shape_cast %get3A_534 : vector<16xf32> to vector<16xf32>
        %get3A_536 = arith.constant 80 : index
        %get3A_537 = tpu.vector_load %arg10[%get3A_536] {strides = array<i32>} : memref<512xf32, #tpu.memory_space<vmem>>, vector<16xf32>,
        %get3A_538 = vector.shape_cast %get3A_537 : vector<16xf32> to vector<16xf32>
        %get3A_539 = arith.constant 96 : index
        %get3A_540 = tpu.vector_load %arg10[%get3A_539] {strides = array<i32>} : memref<512xf32, #tpu.memory_space<vmem>>, vector<16xf32>,
        %get3A_541 = vector.shape_cast %get3A_540 : vector<16xf32> to vector<16xf32>
        %get3A_542 = arith.constant 112 : index
        %get3A_543 = tpu.vector_load %arg10[%get3A_542] {strides = array<i32>} : memref<512xf32, #tpu.memory_space<vmem>>, vector<16xf32>,
        %get3A_544 = vector.shape_cast %get3A_543 : vector<16xf32> to vector<16xf32>
        %get3A_545 = arith.constant 128 : index
        %get3A_546 = tpu.vector_load %arg10[%get3A_545] {strides = array<i32>} : memref<512xf32, #tpu.memory_space<vmem>>, vector<16xf32>,
        %get3A_547 = vector.shape_cast %get3A_546 : vector<16xf32> to vector<16xf32>
        %get3A_548 = arith.constant 144 : index
        %get3A_549 = tpu.vector_load %arg10[%get3A_548] {strides = array<i32>} : memref<512xf32, #tpu.memory_space<vmem>>, vector<16xf32>,
        %get3A_550 = vector.shape_cast %get3A_549 : vector<16xf32> to vector<16xf32>
        %get3A_551 = arith.constant 160 : index
        %get3A_552 = tpu.vector_load %arg10[%get3A_551] {strides = array<i32>} : memref<512xf32, #tpu.memory_space<vmem>>, vector<16xf32>,
        %get3A_553 = vector.shape_cast %get3A_552 : vector<16xf32> to vector<16xf32>
        %get3A_554 = arith.constant 176 : index
        %get3A_555 = tpu.vector_load %arg10[%get3A_554] {strides = array<i32>} : memref<512xf32, #tpu.memory_space<vmem>>, vector<16xf32>,
        %get3A_556 = vector.shape_cast %get3A_555 : vector<16xf32> to vector<16xf32>
        %get3A_557 = arith.constant 192 : index
        %get3A_558 = tpu.vector_load %arg10[%get3A_557] {strides = array<i32>} : memref<512xf32, #tpu.memory_space<vmem>>, vector<16xf32>,
        %get3A_559 = vector.shape_cast %get3A_558 : vector<16xf32> to vector<16xf32>
        %get3A_560 = arith.constant 208 : index
        %get3A_561 = tpu.vector_load %arg10[%get3A_560] {strides = array<i32>} : memref<512xf32, #tpu.memory_space<vmem>>, vector<16xf32>,
        %get3A_562 = vector.shape_cast %get3A_561 : vector<16xf32> to vector<16xf32>
        %get3A_563 = arith.constant 224 : index
        %get3A_564 = tpu.vector_load %arg10[%get3A_563] {strides = array<i32>} : memref<512xf32, #tpu.memory_space<vmem>>, vector<16xf32>,
        %get3A_565 = vector.shape_cast %get3A_564 : vector<16xf32> to vector<16xf32>
        %get3A_566 = arith.constant 240 : index
        %get3A_567 = tpu.vector_load %arg10[%get3A_566] {strides = array<i32>} : memref<512xf32, #tpu.memory_space<vmem>>, vector<16xf32>,
        %get3A_568 = vector.shape_cast %get3A_567 : vector<16xf32> to vector<16xf32>
        %parallel_loop3A = arith.constant 0 : i32
        %parallel_loop3A_569 = arith.constant 80 : i32
        %parallel_loop3A_570 = arith.constant 1 : i32
        scf.for %parallel_loop3A_670 = %parallel_loop3A to %parallel_loop3A_569 step %parallel_loop3A_570  : i32 {
          %parallel_loop3A_671 = arith.index_cast %parallel_loop3A_670 : i32 to index
          %parallel_loop3A_672 = arith.constant 0 : index
          %parallel_loop3A_673 = tpu.vector_load %arg8[%parallel_loop3A_671, %parallel_loop3A_672] {strides = array<i32>} : memref<80x512xf32, #tpu.memory_space<vmem>>, vector<1x16xf32>,
          %parallel_loop3A_674 = vector.shape_cast %parallel_loop3A_673 : vector<1x16xf32> to vector<16xf32>
          %parallel_loop3A_675 = arith.mulf %parallel_loop3A_674, %get3A_475 : vector<16xf32>
          %parallel_loop3A_676 = arith.constant 0.000000e+00 : f32
          %parallel_loop3A_677 = vector.broadcast %parallel_loop3A_676 : f32 to vector<16xf32>
          %parallel_loop3A_678 = arith.maximumf %parallel_loop3A_675, %parallel_loop3A_677 : vector<16xf32>
          %parallel_loop3A_679 = arith.mulf %parallel_loop3A_678, %get3A_523 : vector<16xf32>
          %parallel_loop3A_680 = arith.index_cast %parallel_loop3A_670 : i32 to index
          %parallel_loop3A_681 = arith.constant 0 : index
          %parallel_loop3A_682 = tpu.vector_load %arg8[%parallel_loop3A_680, %parallel_loop3A_681] {strides = array<i32>} : memref<80x512xf32, #tpu.memory_space<vmem>>, vector<1x16xf32>,
          %parallel_loop3A_683 = vector.shape_cast %parallel_loop3A_682 : vector<1x16xf32> to vector<16xf32>
          %parallel_loop3A_684 = vector.shape_cast %parallel_loop3A_679 : vector<16xf32> to vector<1x16xf32>
          tpu.vector_store %arg8[%parallel_loop3A_680, %parallel_loop3A_681], %parallel_loop3A_684 {strides = array<i32>} : memref<80x512xf32, #tpu.memory_space<vmem>>, vector<1x16xf32>,
          %parallel_loop3A_685 = arith.index_cast %parallel_loop3A_670 : i32 to index
          %parallel_loop3A_686 = arith.constant 16 : index
          %parallel_loop3A_687 = tpu.vector_load %arg8[%parallel_loop3A_685, %parallel_loop3A_686] {strides = array<i32>} : memref<80x512xf32, #tpu.memory_space<vmem>>, vector<1x16xf32>,
          %parallel_loop3A_688 = vector.shape_cast %parallel_loop3A_687 : vector<1x16xf32> to vector<16xf32>
          %parallel_loop3A_689 = arith.mulf %parallel_loop3A_688, %get3A_478 : vector<16xf32>
          %parallel_loop3A_690 = arith.constant 0.000000e+00 : f32
          %parallel_loop3A_691 = vector.broadcast %parallel_loop3A_690 : f32 to vector<16xf32>
          %parallel_loop3A_692 = arith.maximumf %parallel_loop3A_689, %parallel_loop3A_691 : vector<16xf32>
          %parallel_loop3A_693 = arith.mulf %parallel_loop3A_692, %get3A_526 : vector<16xf32>
          %parallel_loop3A_694 = arith.index_cast %parallel_loop3A_670 : i32 to index
          %parallel_loop3A_695 = arith.constant 16 : index
          %parallel_loop3A_696 = tpu.vector_load %arg8[%parallel_loop3A_694, %parallel_loop3A_695] {strides = array<i32>} : memref<80x512xf32, #tpu.memory_space<vmem>>, vector<1x16xf32>,
          %parallel_loop3A_697 = vector.shape_cast %parallel_loop3A_696 : vector<1x16xf32> to vector<16xf32>
          %parallel_loop3A_698 = vector.shape_cast %parallel_loop3A_693 : vector<16xf32> to vector<1x16xf32>
          tpu.vector_store %arg8[%parallel_loop3A_694, %parallel_loop3A_695], %parallel_loop3A_698 {strides = array<i32>} : memref<80x512xf32, #tpu.memory_space<vmem>>, vector<1x16xf32>,
          %parallel_loop3A_699 = arith.index_cast %parallel_loop3A_670 : i32 to index
          %parallel_loop3A_700 = arith.constant 32 : index
          %parallel_loop3A_701 = tpu.vector_load %arg8[%parallel_loop3A_699, %parallel_loop3A_700] {strides = array<i32>} : memref<80x512xf32, #tpu.memory_space<vmem>>, vector<1x16xf32>,
          %parallel_loop3A_702 = vector.shape_cast %parallel_loop3A_701 : vector<1x16xf32> to vector<16xf32>
          %parallel_loop3A_703 = arith.mulf %parallel_loop3A_702, %get3A_481 : vector<16xf32>
          %parallel_loop3A_704 = arith.constant 0.000000e+00 : f32
          %parallel_loop3A_705 = vector.broadcast %parallel_loop3A_704 : f32 to vector<16xf32>
          %parallel_loop3A_706 = arith.maximumf %parallel_loop3A_703, %parallel_loop3A_705 : vector<16xf32>
          %parallel_loop3A_707 = arith.mulf %parallel_loop3A_706, %get3A_529 : vector<16xf32>
          %parallel_loop3A_708 = arith.index_cast %parallel_loop3A_670 : i32 to index
          %parallel_loop3A_709 = arith.constant 32 : index
          %parallel_loop3A_710 = tpu.vector_load %arg8[%parallel_loop3A_708, %parallel_loop3A_709] {strides = array<i32>} : memref<80x512xf32, #tpu.memory_space<vmem>>, vector<1x16xf32>,
          %parallel_loop3A_711 = vector.shape_cast %parallel_loop3A_710 : vector<1x16xf32> to vector<16xf32>
          %parallel_loop3A_712 = vector.shape_cast %parallel_loop3A_707 : vector<16xf32> to vector<1x16xf32>
          tpu.vector_store %arg8[%parallel_loop3A_708, %parallel_loop3A_709], %parallel_loop3A_712 {strides = array<i32>} : memref<80x512xf32, #tpu.memory_space<vmem>>, vector<1x16xf32>,
          %parallel_loop3A_713 = arith.index_cast %parallel_loop3A_670 : i32 to index
          %parallel_loop3A_714 = arith.constant 48 : index
          %parallel_loop3A_715 = tpu.vector_load %arg8[%parallel_loop3A_713, %parallel_loop3A_714] {strides = array<i32>} : memref<80x512xf32, #tpu.memory_space<vmem>>, vector<1x16xf32>,
          %parallel_loop3A_716 = vector.shape_cast %parallel_loop3A_715 : vector<1x16xf32> to vector<16xf32>
          %parallel_loop3A_717 = arith.mulf %parallel_loop3A_716, %get3A_484 : vector<16xf32>
          %parallel_loop3A_718 = arith.constant 0.000000e+00 : f32
          %parallel_loop3A_719 = vector.broadcast %parallel_loop3A_718 : f32 to vector<16xf32>
          %parallel_loop3A_720 = arith.maximumf %parallel_loop3A_717, %parallel_loop3A_719 : vector<16xf32>
          %parallel_loop3A_721 = arith.mulf %parallel_loop3A_720, %get3A_532 : vector<16xf32>
          %parallel_loop3A_722 = arith.index_cast %parallel_loop3A_670 : i32 to index
          %parallel_loop3A_723 = arith.constant 48 : index
          %parallel_loop3A_724 = tpu.vector_load %arg8[%parallel_loop3A_722, %parallel_loop3A_723] {strides = array<i32>} : memref<80x512xf32, #tpu.memory_space<vmem>>, vector<1x16xf32>,
          %parallel_loop3A_725 = vector.shape_cast %parallel_loop3A_724 : vector<1x16xf32> to vector<16xf32>
          %parallel_loop3A_726 = vector.shape_cast %parallel_loop3A_721 : vector<16xf32> to vector<1x16xf32>
          tpu.vector_store %arg8[%parallel_loop3A_722, %parallel_loop3A_723], %parallel_loop3A_726 {strides = array<i32>} : memref<80x512xf32, #tpu.memory_space<vmem>>, vector<1x16xf32>,
          %parallel_loop3A_727 = arith.index_cast %parallel_loop3A_670 : i32 to index
          %parallel_loop3A_728 = arith.constant 64 : index
          %parallel_loop3A_729 = tpu.vector_load %arg8[%parallel_loop3A_727, %parallel_loop3A_728] {strides = array<i32>} : memref<80x512xf32, #tpu.memory_space<vmem>>, vector<1x16xf32>,
          %parallel_loop3A_730 = vector.shape_cast %parallel_loop3A_729 : vector<1x16xf32> to vector<16xf32>
          %parallel_loop3A_731 = arith.mulf %parallel_loop3A_730, %get3A_487 : vector<16xf32>
          %parallel_loop3A_732 = arith.constant 0.000000e+00 : f32
          %parallel_loop3A_733 = vector.broadcast %parallel_loop3A_732 : f32 to vector<16xf32>
          %parallel_loop3A_734 = arith.maximumf %parallel_loop3A_731, %parallel_loop3A_733 : vector<16xf32>
          %parallel_loop3A_735 = arith.mulf %parallel_loop3A_734, %get3A_535 : vector<16xf32>
          %parallel_loop3A_736 = arith.index_cast %parallel_loop3A_670 : i32 to index
          %parallel_loop3A_737 = arith.constant 64 : index
          %parallel_loop3A_738 = tpu.vector_load %arg8[%parallel_loop3A_736, %parallel_loop3A_737] {strides = array<i32>} : memref<80x512xf32, #tpu.memory_space<vmem>>, vector<1x16xf32>,
          %parallel_loop3A_739 = vector.shape_cast %parallel_loop3A_738 : vector<1x16xf32> to vector<16xf32>
          %parallel_loop3A_740 = vector.shape_cast %parallel_loop3A_735 : vector<16xf32> to vector<1x16xf32>
          tpu.vector_store %arg8[%parallel_loop3A_736, %parallel_loop3A_737], %parallel_loop3A_740 {strides = array<i32>} : memref<80x512xf32, #tpu.memory_space<vmem>>, vector<1x16xf32>,
          %parallel_loop3A_741 = arith.index_cast %parallel_loop3A_670 : i32 to index
          %parallel_loop3A_742 = arith.constant 80 : index
          %parallel_loop3A_743 = tpu.vector_load %arg8[%parallel_loop3A_741, %parallel_loop3A_742] {strides = array<i32>} : memref<80x512xf32, #tpu.memory_space<vmem>>, vector<1x16xf32>,
          %parallel_loop3A_744 = vector.shape_cast %parallel_loop3A_743 : vector<1x16xf32> to vector<16xf32>
          %parallel_loop3A_745 = arith.mulf %parallel_loop3A_744, %get3A_490 : vector<16xf32>
          %parallel_loop3A_746 = arith.constant 0.000000e+00 : f32
          %parallel_loop3A_747 = vector.broadcast %parallel_loop3A_746 : f32 to vector<16xf32>
          %parallel_loop3A_748 = arith.maximumf %parallel_loop3A_745, %parallel_loop3A_747 : vector<16xf32>
          %parallel_loop3A_749 = arith.mulf %parallel_loop3A_748, %get3A_538 : vector<16xf32>
          %parallel_loop3A_750 = arith.index_cast %parallel_loop3A_670 : i32 to index
          %parallel_loop3A_751 = arith.constant 80 : index
          %parallel_loop3A_752 = tpu.vector_load %arg8[%parallel_loop3A_750, %parallel_loop3A_751] {strides = array<i32>} : memref<80x512xf32, #tpu.memory_space<vmem>>, vector<1x16xf32>,
          %parallel_loop3A_753 = vector.shape_cast %parallel_loop3A_752 : vector<1x16xf32> to vector<16xf32>
          %parallel_loop3A_754 = vector.shape_cast %parallel_loop3A_749 : vector<16xf32> to vector<1x16xf32>
          tpu.vector_store %arg8[%parallel_loop3A_750, %parallel_loop3A_751], %parallel_loop3A_754 {strides = array<i32>} : memref<80x512xf32, #tpu.memory_space<vmem>>, vector<1x16xf32>,
          %parallel_loop3A_755 = arith.index_cast %parallel_loop3A_670 : i32 to index
          %parallel_loop3A_756 = arith.constant 96 : index
          %parallel_loop3A_757 = tpu.vector_load %arg8[%parallel_loop3A_755, %parallel_loop3A_756] {strides = array<i32>} : memref<80x512xf32, #tpu.memory_space<vmem>>, vector<1x16xf32>,
          %parallel_loop3A_758 = vector.shape_cast %parallel_loop3A_757 : vector<1x16xf32> to vector<16xf32>
          %parallel_loop3A_759 = arith.mulf %parallel_loop3A_758, %get3A_493 : vector<16xf32>
          %parallel_loop3A_760 = arith.constant 0.000000e+00 : f32
          %parallel_loop3A_761 = vector.broadcast %parallel_loop3A_760 : f32 to vector<16xf32>
          %parallel_loop3A_762 = arith.maximumf %parallel_loop3A_759, %parallel_loop3A_761 : vector<16xf32>
          %parallel_loop3A_763 = arith.mulf %parallel_loop3A_762, %get3A_541 : vector<16xf32>
          %parallel_loop3A_764 = arith.index_cast %parallel_loop3A_670 : i32 to index
          %parallel_loop3A_765 = arith.constant 96 : index
          %parallel_loop3A_766 = tpu.vector_load %arg8[%parallel_loop3A_764, %parallel_loop3A_765] {strides = array<i32>} : memref<80x512xf32, #tpu.memory_space<vmem>>, vector<1x16xf32>,
          %parallel_loop3A_767 = vector.shape_cast %parallel_loop3A_766 : vector<1x16xf32> to vector<16xf32>
          %parallel_loop3A_768 = vector.shape_cast %parallel_loop3A_763 : vector<16xf32> to vector<1x16xf32>
          tpu.vector_store %arg8[%parallel_loop3A_764, %parallel_loop3A_765], %parallel_loop3A_768 {strides = array<i32>} : memref<80x512xf32, #tpu.memory_space<vmem>>, vector<1x16xf32>,
          %parallel_loop3A_769 = arith.index_cast %parallel_loop3A_670 : i32 to index
          %parallel_loop3A_770 = arith.constant 112 : index
          %parallel_loop3A_771 = tpu.vector_load %arg8[%parallel_loop3A_769, %parallel_loop3A_770] {strides = array<i32>} : memref<80x512xf32, #tpu.memory_space<vmem>>, vector<1x16xf32>,
          %parallel_loop3A_772 = vector.shape_cast %parallel_loop3A_771 : vector<1x16xf32> to vector<16xf32>
          %parallel_loop3A_773 = arith.mulf %parallel_loop3A_772, %get3A_496 : vector<16xf32>
          %parallel_loop3A_774 = arith.constant 0.000000e+00 : f32
          %parallel_loop3A_775 = vector.broadcast %parallel_loop3A_774 : f32 to vector<16xf32>
          %parallel_loop3A_776 = arith.maximumf %parallel_loop3A_773, %parallel_loop3A_775 : vector<16xf32>
          %parallel_loop3A_777 = arith.mulf %parallel_loop3A_776, %get3A_544 : vector<16xf32>
          %parallel_loop3A_778 = arith.index_cast %parallel_loop3A_670 : i32 to index
          %parallel_loop3A_779 = arith.constant 112 : index
          %parallel_loop3A_780 = tpu.vector_load %arg8[%parallel_loop3A_778, %parallel_loop3A_779] {strides = array<i32>} : memref<80x512xf32, #tpu.memory_space<vmem>>, vector<1x16xf32>,
          %parallel_loop3A_781 = vector.shape_cast %parallel_loop3A_780 : vector<1x16xf32> to vector<16xf32>
          %parallel_loop3A_782 = vector.shape_cast %parallel_loop3A_777 : vector<16xf32> to vector<1x16xf32>
          tpu.vector_store %arg8[%parallel_loop3A_778, %parallel_loop3A_779], %parallel_loop3A_782 {strides = array<i32>} : memref<80x512xf32, #tpu.memory_space<vmem>>, vector<1x16xf32>,
          %parallel_loop3A_783 = arith.index_cast %parallel_loop3A_670 : i32 to index
          %parallel_loop3A_784 = arith.constant 128 : index
          %parallel_loop3A_785 = tpu.vector_load %arg8[%parallel_loop3A_783, %parallel_loop3A_784] {strides = array<i32>} : memref<80x512xf32, #tpu.memory_space<vmem>>, vector<1x16xf32>,
          %parallel_loop3A_786 = vector.shape_cast %parallel_loop3A_785 : vector<1x16xf32> to vector<16xf32>
          %parallel_loop3A_787 = arith.mulf %parallel_loop3A_786, %get3A_499 : vector<16xf32>
          %parallel_loop3A_788 = arith.constant 0.000000e+00 : f32
          %parallel_loop3A_789 = vector.broadcast %parallel_loop3A_788 : f32 to vector<16xf32>
          %parallel_loop3A_790 = arith.maximumf %parallel_loop3A_787, %parallel_loop3A_789 : vector<16xf32>
          %parallel_loop3A_791 = arith.mulf %parallel_loop3A_790, %get3A_547 : vector<16xf32>
          %parallel_loop3A_792 = arith.index_cast %parallel_loop3A_670 : i32 to index
          %parallel_loop3A_793 = arith.constant 128 : index
          %parallel_loop3A_794 = tpu.vector_load %arg8[%parallel_loop3A_792, %parallel_loop3A_793] {strides = array<i32>} : memref<80x512xf32, #tpu.memory_space<vmem>>, vector<1x16xf32>,
          %parallel_loop3A_795 = vector.shape_cast %parallel_loop3A_794 : vector<1x16xf32> to vector<16xf32>
          %parallel_loop3A_796 = vector.shape_cast %parallel_loop3A_791 : vector<16xf32> to vector<1x16xf32>
          tpu.vector_store %arg8[%parallel_loop3A_792, %parallel_loop3A_793], %parallel_loop3A_796 {strides = array<i32>} : memref<80x512xf32, #tpu.memory_space<vmem>>, vector<1x16xf32>,
          %parallel_loop3A_797 = arith.index_cast %parallel_loop3A_670 : i32 to index
          %parallel_loop3A_798 = arith.constant 144 : index
          %parallel_loop3A_799 = tpu.vector_load %arg8[%parallel_loop3A_797, %parallel_loop3A_798] {strides = array<i32>} : memref<80x512xf32, #tpu.memory_space<vmem>>, vector<1x16xf32>,
          %parallel_loop3A_800 = vector.shape_cast %parallel_loop3A_799 : vector<1x16xf32> to vector<16xf32>
          %parallel_loop3A_801 = arith.mulf %parallel_loop3A_800, %get3A_502 : vector<16xf32>
          %parallel_loop3A_802 = arith.constant 0.000000e+00 : f32
          %parallel_loop3A_803 = vector.broadcast %parallel_loop3A_802 : f32 to vector<16xf32>
          %parallel_loop3A_804 = arith.maximumf %parallel_loop3A_801, %parallel_loop3A_803 : vector<16xf32>
          %parallel_loop3A_805 = arith.mulf %parallel_loop3A_804, %get3A_550 : vector<16xf32>
          %parallel_loop3A_806 = arith.index_cast %parallel_loop3A_670 : i32 to index
          %parallel_loop3A_807 = arith.constant 144 : index
          %parallel_loop3A_808 = tpu.vector_load %arg8[%parallel_loop3A_806, %parallel_loop3A_807] {strides = array<i32>} : memref<80x512xf32, #tpu.memory_space<vmem>>, vector<1x16xf32>,
          %parallel_loop3A_809 = vector.shape_cast %parallel_loop3A_808 : vector<1x16xf32> to vector<16xf32>
          %parallel_loop3A_810 = vector.shape_cast %parallel_loop3A_805 : vector<16xf32> to vector<1x16xf32>
          tpu.vector_store %arg8[%parallel_loop3A_806, %parallel_loop3A_807], %parallel_loop3A_810 {strides = array<i32>} : memref<80x512xf32, #tpu.memory_space<vmem>>, vector<1x16xf32>,
          %parallel_loop3A_811 = arith.index_cast %parallel_loop3A_670 : i32 to index
          %parallel_loop3A_812 = arith.constant 160 : index
          %parallel_loop3A_813 = tpu.vector_load %arg8[%parallel_loop3A_811, %parallel_loop3A_812] {strides = array<i32>} : memref<80x512xf32, #tpu.memory_space<vmem>>, vector<1x16xf32>,
          %parallel_loop3A_814 = vector.shape_cast %parallel_loop3A_813 : vector<1x16xf32> to vector<16xf32>
          %parallel_loop3A_815 = arith.mulf %parallel_loop3A_814, %get3A_505 : vector<16xf32>
          %parallel_loop3A_816 = arith.constant 0.000000e+00 : f32
          %parallel_loop3A_817 = vector.broadcast %parallel_loop3A_816 : f32 to vector<16xf32>
          %parallel_loop3A_818 = arith.maximumf %parallel_loop3A_815, %parallel_loop3A_817 : vector<16xf32>
          %parallel_loop3A_819 = arith.mulf %parallel_loop3A_818, %get3A_553 : vector<16xf32>
          %parallel_loop3A_820 = arith.index_cast %parallel_loop3A_670 : i32 to index
          %parallel_loop3A_821 = arith.constant 160 : index
          %parallel_loop3A_822 = tpu.vector_load %arg8[%parallel_loop3A_820, %parallel_loop3A_821] {strides = array<i32>} : memref<80x512xf32, #tpu.memory_space<vmem>>, vector<1x16xf32>,
          %parallel_loop3A_823 = vector.shape_cast %parallel_loop3A_822 : vector<1x16xf32> to vector<16xf32>
          %parallel_loop3A_824 = vector.shape_cast %parallel_loop3A_819 : vector<16xf32> to vector<1x16xf32>
          tpu.vector_store %arg8[%parallel_loop3A_820, %parallel_loop3A_821], %parallel_loop3A_824 {strides = array<i32>} : memref<80x512xf32, #tpu.memory_space<vmem>>, vector<1x16xf32>,
          %parallel_loop3A_825 = arith.index_cast %parallel_loop3A_670 : i32 to index
          %parallel_loop3A_826 = arith.constant 176 : index
          %parallel_loop3A_827 = tpu.vector_load %arg8[%parallel_loop3A_825, %parallel_loop3A_826] {strides = array<i32>} : memref<80x512xf32, #tpu.memory_space<vmem>>, vector<1x16xf32>,
          %parallel_loop3A_828 = vector.shape_cast %parallel_loop3A_827 : vector<1x16xf32> to vector<16xf32>
          %parallel_loop3A_829 = arith.mulf %parallel_loop3A_828, %get3A_508 : vector<16xf32>
          %parallel_loop3A_830 = arith.constant 0.000000e+00 : f32
          %parallel_loop3A_831 = vector.broadcast %parallel_loop3A_830 : f32 to vector<16xf32>
          %parallel_loop3A_832 = arith.maximumf %parallel_loop3A_829, %parallel_loop3A_831 : vector<16xf32>
          %parallel_loop3A_833 = arith.mulf %parallel_loop3A_832, %get3A_556 : vector<16xf32>
          %parallel_loop3A_834 = arith.index_cast %parallel_loop3A_670 : i32 to index
          %parallel_loop3A_835 = arith.constant 176 : index
          %parallel_loop3A_836 = tpu.vector_load %arg8[%parallel_loop3A_834, %parallel_loop3A_835] {strides = array<i32>} : memref<80x512xf32, #tpu.memory_space<vmem>>, vector<1x16xf32>,
          %parallel_loop3A_837 = vector.shape_cast %parallel_loop3A_836 : vector<1x16xf32> to vector<16xf32>
          %parallel_loop3A_838 = vector.shape_cast %parallel_loop3A_833 : vector<16xf32> to vector<1x16xf32>
          tpu.vector_store %arg8[%parallel_loop3A_834, %parallel_loop3A_835], %parallel_loop3A_838 {strides = array<i32>} : memref<80x512xf32, #tpu.memory_space<vmem>>, vector<1x16xf32>,
          %parallel_loop3A_839 = arith.index_cast %parallel_loop3A_670 : i32 to index
          %parallel_loop3A_840 = arith.constant 192 : index
          %parallel_loop3A_841 = tpu.vector_load %arg8[%parallel_loop3A_839, %parallel_loop3A_840] {strides = array<i32>} : memref<80x512xf32, #tpu.memory_space<vmem>>, vector<1x16xf32>,
          %parallel_loop3A_842 = vector.shape_cast %parallel_loop3A_841 : vector<1x16xf32> to vector<16xf32>
          %parallel_loop3A_843 = arith.mulf %parallel_loop3A_842, %get3A_511 : vector<16xf32>
          %parallel_loop3A_844 = arith.constant 0.000000e+00 : f32
          %parallel_loop3A_845 = vector.broadcast %parallel_loop3A_844 : f32 to vector<16xf32>
          %parallel_loop3A_846 = arith.maximumf %parallel_loop3A_843, %parallel_loop3A_845 : vector<16xf32>
          %parallel_loop3A_847 = arith.mulf %parallel_loop3A_846, %get3A_559 : vector<16xf32>
          %parallel_loop3A_848 = arith.index_cast %parallel_loop3A_670 : i32 to index
          %parallel_loop3A_849 = arith.constant 192 : index
          %parallel_loop3A_850 = tpu.vector_load %arg8[%parallel_loop3A_848, %parallel_loop3A_849] {strides = array<i32>} : memref<80x512xf32, #tpu.memory_space<vmem>>, vector<1x16xf32>,
          %parallel_loop3A_851 = vector.shape_cast %parallel_loop3A_850 : vector<1x16xf32> to vector<16xf32>
          %parallel_loop3A_852 = vector.shape_cast %parallel_loop3A_847 : vector<16xf32> to vector<1x16xf32>
          tpu.vector_store %arg8[%parallel_loop3A_848, %parallel_loop3A_849], %parallel_loop3A_852 {strides = array<i32>} : memref<80x512xf32, #tpu.memory_space<vmem>>, vector<1x16xf32>,
          %parallel_loop3A_853 = arith.index_cast %parallel_loop3A_670 : i32 to index
          %parallel_loop3A_854 = arith.constant 208 : index
          %parallel_loop3A_855 = tpu.vector_load %arg8[%parallel_loop3A_853, %parallel_loop3A_854] {strides = array<i32>} : memref<80x512xf32, #tpu.memory_space<vmem>>, vector<1x16xf32>,
          %parallel_loop3A_856 = vector.shape_cast %parallel_loop3A_855 : vector<1x16xf32> to vector<16xf32>
          %parallel_loop3A_857 = arith.mulf %parallel_loop3A_856, %get3A_514 : vector<16xf32>
          %parallel_loop3A_858 = arith.constant 0.000000e+00 : f32
          %parallel_loop3A_859 = vector.broadcast %parallel_loop3A_858 : f32 to vector<16xf32>
          %parallel_loop3A_860 = arith.maximumf %parallel_loop3A_857, %parallel_loop3A_859 : vector<16xf32>
          %parallel_loop3A_861 = arith.mulf %parallel_loop3A_860, %get3A_562 : vector<16xf32>
          %parallel_loop3A_862 = arith.index_cast %parallel_loop3A_670 : i32 to index
          %parallel_loop3A_863 = arith.constant 208 : index
          %parallel_loop3A_864 = tpu.vector_load %arg8[%parallel_loop3A_862, %parallel_loop3A_863] {strides = array<i32>} : memref<80x512xf32, #tpu.memory_space<vmem>>, vector<1x16xf32>,
          %parallel_loop3A_865 = vector.shape_cast %parallel_loop3A_864 : vector<1x16xf32> to vector<16xf32>
          %parallel_loop3A_866 = vector.shape_cast %parallel_loop3A_861 : vector<16xf32> to vector<1x16xf32>
          tpu.vector_store %arg8[%parallel_loop3A_862, %parallel_loop3A_863], %parallel_loop3A_866 {strides = array<i32>} : memref<80x512xf32, #tpu.memory_space<vmem>>, vector<1x16xf32>,
          %parallel_loop3A_867 = arith.index_cast %parallel_loop3A_670 : i32 to index
          %parallel_loop3A_868 = arith.constant 224 : index
          %parallel_loop3A_869 = tpu.vector_load %arg8[%parallel_loop3A_867, %parallel_loop3A_868] {strides = array<i32>} : memref<80x512xf32, #tpu.memory_space<vmem>>, vector<1x16xf32>,
          %parallel_loop3A_870 = vector.shape_cast %parallel_loop3A_869 : vector<1x16xf32> to vector<16xf32>
          %parallel_loop3A_871 = arith.mulf %parallel_loop3A_870, %get3A_517 : vector<16xf32>
          %parallel_loop3A_872 = arith.constant 0.000000e+00 : f32
          %parallel_loop3A_873 = vector.broadcast %parallel_loop3A_872 : f32 to vector<16xf32>
          %parallel_loop3A_874 = arith.maximumf %parallel_loop3A_871, %parallel_loop3A_873 : vector<16xf32>
          %parallel_loop3A_875 = arith.mulf %parallel_loop3A_874, %get3A_565 : vector<16xf32>
          %parallel_loop3A_876 = arith.index_cast %parallel_loop3A_670 : i32 to index
          %parallel_loop3A_877 = arith.constant 224 : index
          %parallel_loop3A_878 = tpu.vector_load %arg8[%parallel_loop3A_876, %parallel_loop3A_877] {strides = array<i32>} : memref<80x512xf32, #tpu.memory_space<vmem>>, vector<1x16xf32>,
          %parallel_loop3A_879 = vector.shape_cast %parallel_loop3A_878 : vector<1x16xf32> to vector<16xf32>
          %parallel_loop3A_880 = vector.shape_cast %parallel_loop3A_875 : vector<16xf32> to vector<1x16xf32>
          tpu.vector_store %arg8[%parallel_loop3A_876, %parallel_loop3A_877], %parallel_loop3A_880 {strides = array<i32>} : memref<80x512xf32, #tpu.memory_space<vmem>>, vector<1x16xf32>,
          %parallel_loop3A_881 = arith.index_cast %parallel_loop3A_670 : i32 to index
          %parallel_loop3A_882 = arith.constant 240 : index
          %parallel_loop3A_883 = tpu.vector_load %arg8[%parallel_loop3A_881, %parallel_loop3A_882] {strides = array<i32>} : memref<80x512xf32, #tpu.memory_space<vmem>>, vector<1x16xf32>,
          %parallel_loop3A_884 = vector.shape_cast %parallel_loop3A_883 : vector<1x16xf32> to vector<16xf32>
          %parallel_loop3A_885 = arith.mulf %parallel_loop3A_884, %get3A_520 : vector<16xf32>
          %parallel_loop3A_886 = arith.constant 0.000000e+00 : f32
          %parallel_loop3A_887 = vector.broadcast %parallel_loop3A_886 : f32 to vector<16xf32>
          %parallel_loop3A_888 = arith.maximumf %parallel_loop3A_885, %parallel_loop3A_887 : vector<16xf32>
          %parallel_loop3A_889 = arith.mulf %parallel_loop3A_888, %get3A_568 : vector<16xf32>
          %parallel_loop3A_890 = arith.index_cast %parallel_loop3A_670 : i32 to index
          %parallel_loop3A_891 = arith.constant 240 : index
          %parallel_loop3A_892 = tpu.vector_load %arg8[%parallel_loop3A_890, %parallel_loop3A_891] {strides = array<i32>} : memref<80x512xf32, #tpu.memory_space<vmem>>, vector<1x16xf32>,
          %parallel_loop3A_893 = vector.shape_cast %parallel_loop3A_892 : vector<1x16xf32> to vector<16xf32>
          %parallel_loop3A_894 = vector.shape_cast %parallel_loop3A_889 : vector<16xf32> to vector<1x16xf32>
          tpu.vector_store %arg8[%parallel_loop3A_890, %parallel_loop3A_891], %parallel_loop3A_894 {strides = array<i32>} : memref<80x512xf32, #tpu.memory_space<vmem>>, vector<1x16xf32>,
        } {sc.loop_unroll_factor = 1 : i64, sc.parallel_access}
        %get3A_571 = arith.constant 256 : index
        %get3A_572 = tpu.vector_load %arg9[%get3A_571] {strides = array<i32>} : memref<512xf32, #tpu.memory_space<vmem>>, vector<16xf32>,
        %get3A_573 = vector.shape_cast %get3A_572 : vector<16xf32> to vector<16xf32>
        %get3A_574 = arith.constant 272 : index
        %get3A_575 = tpu.vector_load %arg9[%get3A_574] {strides = array<i32>} : memref<512xf32, #tpu.memory_space<vmem>>, vector<16xf32>,
        %get3A_576 = vector.shape_cast %get3A_575 : vector<16xf32> to vector<16xf32>
        %get3A_577 = arith.constant 288 : index
        %get3A_578 = tpu.vector_load %arg9[%get3A_577] {strides = array<i32>} : memref<512xf32, #tpu.memory_space<vmem>>, vector<16xf32>,
        %get3A_579 = vector.shape_cast %get3A_578 : vector<16xf32> to vector<16xf32>
        %get3A_580 = arith.constant 304 : index
        %get3A_581 = tpu.vector_load %arg9[%get3A_580] {strides = array<i32>} : memref<512xf32, #tpu.memory_space<vmem>>, vector<16xf32>,
        %get3A_582 = vector.shape_cast %get3A_581 : vector<16xf32> to vector<16xf32>
        %get3A_583 = arith.constant 320 : index
        %get3A_584 = tpu.vector_load %arg9[%get3A_583] {strides = array<i32>} : memref<512xf32, #tpu.memory_space<vmem>>, vector<16xf32>,
        %get3A_585 = vector.shape_cast %get3A_584 : vector<16xf32> to vector<16xf32>
        %get3A_586 = arith.constant 336 : index
        %get3A_587 = tpu.vector_load %arg9[%get3A_586] {strides = array<i32>} : memref<512xf32, #tpu.memory_space<vmem>>, vector<16xf32>,
        %get3A_588 = vector.shape_cast %get3A_587 : vector<16xf32> to vector<16xf32>
        %get3A_589 = arith.constant 352 : index
        %get3A_590 = tpu.vector_load %arg9[%get3A_589] {strides = array<i32>} : memref<512xf32, #tpu.memory_space<vmem>>, vector<16xf32>,
        %get3A_591 = vector.shape_cast %get3A_590 : vector<16xf32> to vector<16xf32>
        %get3A_592 = arith.constant 368 : index
        %get3A_593 = tpu.vector_load %arg9[%get3A_592] {strides = array<i32>} : memref<512xf32, #tpu.memory_space<vmem>>, vector<16xf32>,
        %get3A_594 = vector.shape_cast %get3A_593 : vector<16xf32> to vector<16xf32>
        %get3A_595 = arith.constant 384 : index
        %get3A_596 = tpu.vector_load %arg9[%get3A_595] {strides = array<i32>} : memref<512xf32, #tpu.memory_space<vmem>>, vector<16xf32>,
        %get3A_597 = vector.shape_cast %get3A_596 : vector<16xf32> to vector<16xf32>
        %get3A_598 = arith.constant 400 : index
        %get3A_599 = tpu.vector_load %arg9[%get3A_598] {strides = array<i32>} : memref<512xf32, #tpu.memory_space<vmem>>, vector<16xf32>,
        %get3A_600 = vector.shape_cast %get3A_599 : vector<16xf32> to vector<16xf32>
        %get3A_601 = arith.constant 416 : index
        %get3A_602 = tpu.vector_load %arg9[%get3A_601] {strides = array<i32>} : memref<512xf32, #tpu.memory_space<vmem>>, vector<16xf32>,
        %get3A_603 = vector.shape_cast %get3A_602 : vector<16xf32> to vector<16xf32>
        %get3A_604 = arith.constant 432 : index
        %get3A_605 = tpu.vector_load %arg9[%get3A_604] {strides = array<i32>} : memref<512xf32, #tpu.memory_space<vmem>>, vector<16xf32>,
        %get3A_606 = vector.shape_cast %get3A_605 : vector<16xf32> to vector<16xf32>
        %get3A_607 = arith.constant 448 : index
        %get3A_608 = tpu.vector_load %arg9[%get3A_607] {strides = array<i32>} : memref<512xf32, #tpu.memory_space<vmem>>, vector<16xf32>,
        %get3A_609 = vector.shape_cast %get3A_608 : vector<16xf32> to vector<16xf32>
        %get3A_610 = arith.constant 464 : index
        %get3A_611 = tpu.vector_load %arg9[%get3A_610] {strides = array<i32>} : memref<512xf32, #tpu.memory_space<vmem>>, vector<16xf32>,
        %get3A_612 = vector.shape_cast %get3A_611 : vector<16xf32> to vector<16xf32>
        %get3A_613 = arith.constant 480 : index
        %get3A_614 = tpu.vector_load %arg9[%get3A_613] {strides = array<i32>} : memref<512xf32, #tpu.memory_space<vmem>>, vector<16xf32>,
        %get3A_615 = vector.shape_cast %get3A_614 : vector<16xf32> to vector<16xf32>
        %get3A_616 = arith.constant 496 : index
        %get3A_617 = tpu.vector_load %arg9[%get3A_616] {strides = array<i32>} : memref<512xf32, #tpu.memory_space<vmem>>, vector<16xf32>,
        %get3A_618 = vector.shape_cast %get3A_617 : vector<16xf32> to vector<16xf32>
        %get3A_619 = arith.constant 256 : index
        %get3A_620 = tpu.vector_load %arg10[%get3A_619] {strides = array<i32>} : memref<512xf32, #tpu.memory_space<vmem>>, vector<16xf32>,
        %get3A_621 = vector.shape_cast %get3A_620 : vector<16xf32> to vector<16xf32>
        %get3A_622 = arith.constant 272 : index
        %get3A_623 = tpu.vector_load %arg10[%get3A_622] {strides = array<i32>} : memref<512xf32, #tpu.memory_space<vmem>>, vector<16xf32>,
        %get3A_624 = vector.shape_cast %get3A_623 : vector<16xf32> to vector<16xf32>
        %get3A_625 = arith.constant 288 : index
        %get3A_626 = tpu.vector_load %arg10[%get3A_625] {strides = array<i32>} : memref<512xf32, #tpu.memory_space<vmem>>, vector<16xf32>,
        %get3A_627 = vector.shape_cast %get3A_626 : vector<16xf32> to vector<16xf32>
        %get3A_628 = arith.constant 304 : index
        %get3A_629 = tpu.vector_load %arg10[%get3A_628] {strides = array<i32>} : memref<512xf32, #tpu.memory_space<vmem>>, vector<16xf32>,
        %get3A_630 = vector.shape_cast %get3A_629 : vector<16xf32> to vector<16xf32>
        %get3A_631 = arith.constant 320 : index
        %get3A_632 = tpu.vector_load %arg10[%get3A_631] {strides = array<i32>} : memref<512xf32, #tpu.memory_space<vmem>>, vector<16xf32>,
        %get3A_633 = vector.shape_cast %get3A_632 : vector<16xf32> to vector<16xf32>
        %get3A_634 = arith.constant 336 : index
        %get3A_635 = tpu.vector_load %arg10[%get3A_634] {strides = array<i32>} : memref<512xf32, #tpu.memory_space<vmem>>, vector<16xf32>,
        %get3A_636 = vector.shape_cast %get3A_635 : vector<16xf32> to vector<16xf32>
        %get3A_637 = arith.constant 352 : index
        %get3A_638 = tpu.vector_load %arg10[%get3A_637] {strides = array<i32>} : memref<512xf32, #tpu.memory_space<vmem>>, vector<16xf32>,
        %get3A_639 = vector.shape_cast %get3A_638 : vector<16xf32> to vector<16xf32>
        %get3A_640 = arith.constant 368 : index
        %get3A_641 = tpu.vector_load %arg10[%get3A_640] {strides = array<i32>} : memref<512xf32, #tpu.memory_space<vmem>>, vector<16xf32>,
        %get3A_642 = vector.shape_cast %get3A_641 : vector<16xf32> to vector<16xf32>
        %get3A_643 = arith.constant 384 : index
        %get3A_644 = tpu.vector_load %arg10[%get3A_643] {strides = array<i32>} : memref<512xf32, #tpu.memory_space<vmem>>, vector<16xf32>,
        %get3A_645 = vector.shape_cast %get3A_644 : vector<16xf32> to vector<16xf32>
        %get3A_646 = arith.constant 400 : index
        %get3A_647 = tpu.vector_load %arg10[%get3A_646] {strides = array<i32>} : memref<512xf32, #tpu.memory_space<vmem>>, vector<16xf32>,
        %get3A_648 = vector.shape_cast %get3A_647 : vector<16xf32> to vector<16xf32>
        %get3A_649 = arith.constant 416 : index
        %get3A_650 = tpu.vector_load %arg10[%get3A_649] {strides = array<i32>} : memref<512xf32, #tpu.memory_space<vmem>>, vector<16xf32>,
        %get3A_651 = vector.shape_cast %get3A_650 : vector<16xf32> to vector<16xf32>
        %get3A_652 = arith.constant 432 : index
        %get3A_653 = tpu.vector_load %arg10[%get3A_652] {strides = array<i32>} : memref<512xf32, #tpu.memory_space<vmem>>, vector<16xf32>,
        %get3A_654 = vector.shape_cast %get3A_653 : vector<16xf32> to vector<16xf32>
        %get3A_655 = arith.constant 448 : index
        %get3A_656 = tpu.vector_load %arg10[%get3A_655] {strides = array<i32>} : memref<512xf32, #tpu.memory_space<vmem>>, vector<16xf32>,
        %get3A_657 = vector.shape_cast %get3A_656 : vector<16xf32> to vector<16xf32>
        %get3A_658 = arith.constant 464 : index
        %get3A_659 = tpu.vector_load %arg10[%get3A_658] {strides = array<i32>} : memref<512xf32, #tpu.memory_space<vmem>>, vector<16xf32>,
        %get3A_660 = vector.shape_cast %get3A_659 : vector<16xf32> to vector<16xf32>
        %get3A_661 = arith.constant 480 : index
        %get3A_662 = tpu.vector_load %arg10[%get3A_661] {strides = array<i32>} : memref<512xf32, #tpu.memory_space<vmem>>, vector<16xf32>,
        %get3A_663 = vector.shape_cast %get3A_662 : vector<16xf32> to vector<16xf32>
        %get3A_664 = arith.constant 496 : index
        %get3A_665 = tpu.vector_load %arg10[%get3A_664] {strides = array<i32>} : memref<512xf32, #tpu.memory_space<vmem>>, vector<16xf32>,
        %get3A_666 = vector.shape_cast %get3A_665 : vector<16xf32> to vector<16xf32>
        %parallel_loop3A_667 = arith.constant 0 : i32
        %parallel_loop3A_668 = arith.constant 80 : i32
        %parallel_loop3A_669 = arith.constant 1 : i32
        scf.for %parallel_loop3A_670 = %parallel_loop3A_667 to %parallel_loop3A_668 step %parallel_loop3A_669  : i32 {
          %parallel_loop3A_671 = arith.index_cast %parallel_loop3A_670 : i32 to index
          %parallel_loop3A_672 = arith.constant 256 : index
          %parallel_loop3A_673 = tpu.vector_load %arg8[%parallel_loop3A_671, %parallel_loop3A_672] {strides = array<i32>} : memref<80x512xf32, #tpu.memory_space<vmem>>, vector<1x16xf32>,
          %parallel_loop3A_674 = vector.shape_cast %parallel_loop3A_673 : vector<1x16xf32> to vector<16xf32>
          %parallel_loop3A_675 = arith.mulf %parallel_loop3A_674, %get3A_573 : vector<16xf32>
          %parallel_loop3A_676 = arith.constant 0.000000e+00 : f32
          %parallel_loop3A_677 = vector.broadcast %parallel_loop3A_676 : f32 to vector<16xf32>
          %parallel_loop3A_678 = arith.maximumf %parallel_loop3A_675, %parallel_loop3A_677 : vector<16xf32>
          %parallel_loop3A_679 = arith.mulf %parallel_loop3A_678, %get3A_621 : vector<16xf32>
          %parallel_loop3A_680 = arith.index_cast %parallel_loop3A_670 : i32 to index
          %parallel_loop3A_681 = arith.constant 256 : index
          %parallel_loop3A_682 = tpu.vector_load %arg8[%parallel_loop3A_680, %parallel_loop3A_681] {strides = array<i32>} : memref<80x512xf32, #tpu.memory_space<vmem>>, vector<1x16xf32>,
          %parallel_loop3A_683 = vector.shape_cast %parallel_loop3A_682 : vector<1x16xf32> to vector<16xf32>
          %parallel_loop3A_684 = vector.shape_cast %parallel_loop3A_679 : vector<16xf32> to vector<1x16xf32>
          tpu.vector_store %arg8[%parallel_loop3A_680, %parallel_loop3A_681], %parallel_loop3A_684 {strides = array<i32>} : memref<80x512xf32, #tpu.memory_space<vmem>>, vector<1x16xf32>,
          %parallel_loop3A_685 = arith.index_cast %parallel_loop3A_670 : i32 to index
          %parallel_loop3A_686 = arith.constant 272 : index
          %parallel_loop3A_687 = tpu.vector_load %arg8[%parallel_loop3A_685, %parallel_loop3A_686] {strides = array<i32>} : memref<80x512xf32, #tpu.memory_space<vmem>>, vector<1x16xf32>,
          %parallel_loop3A_688 = vector.shape_cast %parallel_loop3A_687 : vector<1x16xf32> to vector<16xf32>
          %parallel_loop3A_689 = arith.mulf %parallel_loop3A_688, %get3A_576 : vector<16xf32>
          %parallel_loop3A_690 = arith.constant 0.000000e+00 : f32
          %parallel_loop3A_691 = vector.broadcast %parallel_loop3A_690 : f32 to vector<16xf32>
          %parallel_loop3A_692 = arith.maximumf %parallel_loop3A_689, %parallel_loop3A_691 : vector<16xf32>
          %parallel_loop3A_693 = arith.mulf %parallel_loop3A_692, %get3A_624 : vector<16xf32>
          %parallel_loop3A_694 = arith.index_cast %parallel_loop3A_670 : i32 to index
          %parallel_loop3A_695 = arith.constant 272 : index
          %parallel_loop3A_696 = tpu.vector_load %arg8[%parallel_loop3A_694, %parallel_loop3A_695] {strides = array<i32>} : memref<80x512xf32, #tpu.memory_space<vmem>>, vector<1x16xf32>,
          %parallel_loop3A_697 = vector.shape_cast %parallel_loop3A_696 : vector<1x16xf32> to vector<16xf32>
          %parallel_loop3A_698 = vector.shape_cast %parallel_loop3A_693 : vector<16xf32> to vector<1x16xf32>
          tpu.vector_store %arg8[%parallel_loop3A_694, %parallel_loop3A_695], %parallel_loop3A_698 {strides = array<i32>} : memref<80x512xf32, #tpu.memory_space<vmem>>, vector<1x16xf32>,
          %parallel_loop3A_699 = arith.index_cast %parallel_loop3A_670 : i32 to index
          %parallel_loop3A_700 = arith.constant 288 : index
          %parallel_loop3A_701 = tpu.vector_load %arg8[%parallel_loop3A_699, %parallel_loop3A_700] {strides = array<i32>} : memref<80x512xf32, #tpu.memory_space<vmem>>, vector<1x16xf32>,
          %parallel_loop3A_702 = vector.shape_cast %parallel_loop3A_701 : vector<1x16xf32> to vector<16xf32>
          %parallel_loop3A_703 = arith.mulf %parallel_loop3A_702, %get3A_579 : vector<16xf32>
          %parallel_loop3A_704 = arith.constant 0.000000e+00 : f32
          %parallel_loop3A_705 = vector.broadcast %parallel_loop3A_704 : f32 to vector<16xf32>
          %parallel_loop3A_706 = arith.maximumf %parallel_loop3A_703, %parallel_loop3A_705 : vector<16xf32>
          %parallel_loop3A_707 = arith.mulf %parallel_loop3A_706, %get3A_627 : vector<16xf32>
          %parallel_loop3A_708 = arith.index_cast %parallel_loop3A_670 : i32 to index
          %parallel_loop3A_709 = arith.constant 288 : index
          %parallel_loop3A_710 = tpu.vector_load %arg8[%parallel_loop3A_708, %parallel_loop3A_709] {strides = array<i32>} : memref<80x512xf32, #tpu.memory_space<vmem>>, vector<1x16xf32>,
          %parallel_loop3A_711 = vector.shape_cast %parallel_loop3A_710 : vector<1x16xf32> to vector<16xf32>
          %parallel_loop3A_712 = vector.shape_cast %parallel_loop3A_707 : vector<16xf32> to vector<1x16xf32>
          tpu.vector_store %arg8[%parallel_loop3A_708, %parallel_loop3A_709], %parallel_loop3A_712 {strides = array<i32>} : memref<80x512xf32, #tpu.memory_space<vmem>>, vector<1x16xf32>,
          %parallel_loop3A_713 = arith.index_cast %parallel_loop3A_670 : i32 to index
          %parallel_loop3A_714 = arith.constant 304 : index
          %parallel_loop3A_715 = tpu.vector_load %arg8[%parallel_loop3A_713, %parallel_loop3A_714] {strides = array<i32>} : memref<80x512xf32, #tpu.memory_space<vmem>>, vector<1x16xf32>,
          %parallel_loop3A_716 = vector.shape_cast %parallel_loop3A_715 : vector<1x16xf32> to vector<16xf32>
          %parallel_loop3A_717 = arith.mulf %parallel_loop3A_716, %get3A_582 : vector<16xf32>
          %parallel_loop3A_718 = arith.constant 0.000000e+00 : f32
          %parallel_loop3A_719 = vector.broadcast %parallel_loop3A_718 : f32 to vector<16xf32>
          %parallel_loop3A_720 = arith.maximumf %parallel_loop3A_717, %parallel_loop3A_719 : vector<16xf32>
          %parallel_loop3A_721 = arith.mulf %parallel_loop3A_720, %get3A_630 : vector<16xf32>
          %parallel_loop3A_722 = arith.index_cast %parallel_loop3A_670 : i32 to index
          %parallel_loop3A_723 = arith.constant 304 : index
          %parallel_loop3A_724 = tpu.vector_load %arg8[%parallel_loop3A_722, %parallel_loop3A_723] {strides = array<i32>} : memref<80x512xf32, #tpu.memory_space<vmem>>, vector<1x16xf32>,
          %parallel_loop3A_725 = vector.shape_cast %parallel_loop3A_724 : vector<1x16xf32> to vector<16xf32>
          %parallel_loop3A_726 = vector.shape_cast %parallel_loop3A_721 : vector<16xf32> to vector<1x16xf32>
          tpu.vector_store %arg8[%parallel_loop3A_722, %parallel_loop3A_723], %parallel_loop3A_726 {strides = array<i32>} : memref<80x512xf32, #tpu.memory_space<vmem>>, vector<1x16xf32>,
          %parallel_loop3A_727 = arith.index_cast %parallel_loop3A_670 : i32 to index
          %parallel_loop3A_728 = arith.constant 320 : index
          %parallel_loop3A_729 = tpu.vector_load %arg8[%parallel_loop3A_727, %parallel_loop3A_728] {strides = array<i32>} : memref<80x512xf32, #tpu.memory_space<vmem>>, vector<1x16xf32>,
          %parallel_loop3A_730 = vector.shape_cast %parallel_loop3A_729 : vector<1x16xf32> to vector<16xf32>
          %parallel_loop3A_731 = arith.mulf %parallel_loop3A_730, %get3A_585 : vector<16xf32>
          %parallel_loop3A_732 = arith.constant 0.000000e+00 : f32
          %parallel_loop3A_733 = vector.broadcast %parallel_loop3A_732 : f32 to vector<16xf32>
          %parallel_loop3A_734 = arith.maximumf %parallel_loop3A_731, %parallel_loop3A_733 : vector<16xf32>
          %parallel_loop3A_735 = arith.mulf %parallel_loop3A_734, %get3A_633 : vector<16xf32>
          %parallel_loop3A_736 = arith.index_cast %parallel_loop3A_670 : i32 to index
          %parallel_loop3A_737 = arith.constant 320 : index
          %parallel_loop3A_738 = tpu.vector_load %arg8[%parallel_loop3A_736, %parallel_loop3A_737] {strides = array<i32>} : memref<80x512xf32, #tpu.memory_space<vmem>>, vector<1x16xf32>,
          %parallel_loop3A_739 = vector.shape_cast %parallel_loop3A_738 : vector<1x16xf32> to vector<16xf32>
          %parallel_loop3A_740 = vector.shape_cast %parallel_loop3A_735 : vector<16xf32> to vector<1x16xf32>
          tpu.vector_store %arg8[%parallel_loop3A_736, %parallel_loop3A_737], %parallel_loop3A_740 {strides = array<i32>} : memref<80x512xf32, #tpu.memory_space<vmem>>, vector<1x16xf32>,
          %parallel_loop3A_741 = arith.index_cast %parallel_loop3A_670 : i32 to index
          %parallel_loop3A_742 = arith.constant 336 : index
          %parallel_loop3A_743 = tpu.vector_load %arg8[%parallel_loop3A_741, %parallel_loop3A_742] {strides = array<i32>} : memref<80x512xf32, #tpu.memory_space<vmem>>, vector<1x16xf32>,
          %parallel_loop3A_744 = vector.shape_cast %parallel_loop3A_743 : vector<1x16xf32> to vector<16xf32>
          %parallel_loop3A_745 = arith.mulf %parallel_loop3A_744, %get3A_588 : vector<16xf32>
          %parallel_loop3A_746 = arith.constant 0.000000e+00 : f32
          %parallel_loop3A_747 = vector.broadcast %parallel_loop3A_746 : f32 to vector<16xf32>
          %parallel_loop3A_748 = arith.maximumf %parallel_loop3A_745, %parallel_loop3A_747 : vector<16xf32>
          %parallel_loop3A_749 = arith.mulf %parallel_loop3A_748, %get3A_636 : vector<16xf32>
          %parallel_loop3A_750 = arith.index_cast %parallel_loop3A_670 : i32 to index
          %parallel_loop3A_751 = arith.constant 336 : index
          %parallel_loop3A_752 = tpu.vector_load %arg8[%parallel_loop3A_750, %parallel_loop3A_751] {strides = array<i32>} : memref<80x512xf32, #tpu.memory_space<vmem>>, vector<1x16xf32>,
          %parallel_loop3A_753 = vector.shape_cast %parallel_loop3A_752 : vector<1x16xf32> to vector<16xf32>
          %parallel_loop3A_754 = vector.shape_cast %parallel_loop3A_749 : vector<16xf32> to vector<1x16xf32>
          tpu.vector_store %arg8[%parallel_loop3A_750, %parallel_loop3A_751], %parallel_loop3A_754 {strides = array<i32>} : memref<80x512xf32, #tpu.memory_space<vmem>>, vector<1x16xf32>,
          %parallel_loop3A_755 = arith.index_cast %parallel_loop3A_670 : i32 to index
          %parallel_loop3A_756 = arith.constant 352 : index
          %parallel_loop3A_757 = tpu.vector_load %arg8[%parallel_loop3A_755, %parallel_loop3A_756] {strides = array<i32>} : memref<80x512xf32, #tpu.memory_space<vmem>>, vector<1x16xf32>,
          %parallel_loop3A_758 = vector.shape_cast %parallel_loop3A_757 : vector<1x16xf32> to vector<16xf32>
          %parallel_loop3A_759 = arith.mulf %parallel_loop3A_758, %get3A_591 : vector<16xf32>
          %parallel_loop3A_760 = arith.constant 0.000000e+00 : f32
          %parallel_loop3A_761 = vector.broadcast %parallel_loop3A_760 : f32 to vector<16xf32>
          %parallel_loop3A_762 = arith.maximumf %parallel_loop3A_759, %parallel_loop3A_761 : vector<16xf32>
          %parallel_loop3A_763 = arith.mulf %parallel_loop3A_762, %get3A_639 : vector<16xf32>
          %parallel_loop3A_764 = arith.index_cast %parallel_loop3A_670 : i32 to index
          %parallel_loop3A_765 = arith.constant 352 : index
          %parallel_loop3A_766 = tpu.vector_load %arg8[%parallel_loop3A_764, %parallel_loop3A_765] {strides = array<i32>} : memref<80x512xf32, #tpu.memory_space<vmem>>, vector<1x16xf32>,
          %parallel_loop3A_767 = vector.shape_cast %parallel_loop3A_766 : vector<1x16xf32> to vector<16xf32>
          %parallel_loop3A_768 = vector.shape_cast %parallel_loop3A_763 : vector<16xf32> to vector<1x16xf32>
          tpu.vector_store %arg8[%parallel_loop3A_764, %parallel_loop3A_765], %parallel_loop3A_768 {strides = array<i32>} : memref<80x512xf32, #tpu.memory_space<vmem>>, vector<1x16xf32>,
          %parallel_loop3A_769 = arith.index_cast %parallel_loop3A_670 : i32 to index
          %parallel_loop3A_770 = arith.constant 368 : index
          %parallel_loop3A_771 = tpu.vector_load %arg8[%parallel_loop3A_769, %parallel_loop3A_770] {strides = array<i32>} : memref<80x512xf32, #tpu.memory_space<vmem>>, vector<1x16xf32>,
          %parallel_loop3A_772 = vector.shape_cast %parallel_loop3A_771 : vector<1x16xf32> to vector<16xf32>
          %parallel_loop3A_773 = arith.mulf %parallel_loop3A_772, %get3A_594 : vector<16xf32>
          %parallel_loop3A_774 = arith.constant 0.000000e+00 : f32
          %parallel_loop3A_775 = vector.broadcast %parallel_loop3A_774 : f32 to vector<16xf32>
          %parallel_loop3A_776 = arith.maximumf %parallel_loop3A_773, %parallel_loop3A_775 : vector<16xf32>
          %parallel_loop3A_777 = arith.mulf %parallel_loop3A_776, %get3A_642 : vector<16xf32>
          %parallel_loop3A_778 = arith.index_cast %parallel_loop3A_670 : i32 to index
          %parallel_loop3A_779 = arith.constant 368 : index
          %parallel_loop3A_780 = tpu.vector_load %arg8[%parallel_loop3A_778, %parallel_loop3A_779] {strides = array<i32>} : memref<80x512xf32, #tpu.memory_space<vmem>>, vector<1x16xf32>,
          %parallel_loop3A_781 = vector.shape_cast %parallel_loop3A_780 : vector<1x16xf32> to vector<16xf32>
          %parallel_loop3A_782 = vector.shape_cast %parallel_loop3A_777 : vector<16xf32> to vector<1x16xf32>
          tpu.vector_store %arg8[%parallel_loop3A_778, %parallel_loop3A_779], %parallel_loop3A_782 {strides = array<i32>} : memref<80x512xf32, #tpu.memory_space<vmem>>, vector<1x16xf32>,
          %parallel_loop3A_783 = arith.index_cast %parallel_loop3A_670 : i32 to index
          %parallel_loop3A_784 = arith.constant 384 : index
          %parallel_loop3A_785 = tpu.vector_load %arg8[%parallel_loop3A_783, %parallel_loop3A_784] {strides = array<i32>} : memref<80x512xf32, #tpu.memory_space<vmem>>, vector<1x16xf32>,
          %parallel_loop3A_786 = vector.shape_cast %parallel_loop3A_785 : vector<1x16xf32> to vector<16xf32>
          %parallel_loop3A_787 = arith.mulf %parallel_loop3A_786, %get3A_597 : vector<16xf32>
          %parallel_loop3A_788 = arith.constant 0.000000e+00 : f32
          %parallel_loop3A_789 = vector.broadcast %parallel_loop3A_788 : f32 to vector<16xf32>
          %parallel_loop3A_790 = arith.maximumf %parallel_loop3A_787, %parallel_loop3A_789 : vector<16xf32>
          %parallel_loop3A_791 = arith.mulf %parallel_loop3A_790, %get3A_645 : vector<16xf32>
          %parallel_loop3A_792 = arith.index_cast %parallel_loop3A_670 : i32 to index
          %parallel_loop3A_793 = arith.constant 384 : index
          %parallel_loop3A_794 = tpu.vector_load %arg8[%parallel_loop3A_792, %parallel_loop3A_793] {strides = array<i32>} : memref<80x512xf32, #tpu.memory_space<vmem>>, vector<1x16xf32>,
          %parallel_loop3A_795 = vector.shape_cast %parallel_loop3A_794 : vector<1x16xf32> to vector<16xf32>
          %parallel_loop3A_796 = vector.shape_cast %parallel_loop3A_791 : vector<16xf32> to vector<1x16xf32>
          tpu.vector_store %arg8[%parallel_loop3A_792, %parallel_loop3A_793], %parallel_loop3A_796 {strides = array<i32>} : memref<80x512xf32, #tpu.memory_space<vmem>>, vector<1x16xf32>,
          %parallel_loop3A_797 = arith.index_cast %parallel_loop3A_670 : i32 to index
          %parallel_loop3A_798 = arith.constant 400 : index
          %parallel_loop3A_799 = tpu.vector_load %arg8[%parallel_loop3A_797, %parallel_loop3A_798] {strides = array<i32>} : memref<80x512xf32, #tpu.memory_space<vmem>>, vector<1x16xf32>,
          %parallel_loop3A_800 = vector.shape_cast %parallel_loop3A_799 : vector<1x16xf32> to vector<16xf32>
          %parallel_loop3A_801 = arith.mulf %parallel_loop3A_800, %get3A_600 : vector<16xf32>
          %parallel_loop3A_802 = arith.constant 0.000000e+00 : f32
          %parallel_loop3A_803 = vector.broadcast %parallel_loop3A_802 : f32 to vector<16xf32>
          %parallel_loop3A_804 = arith.maximumf %parallel_loop3A_801, %parallel_loop3A_803 : vector<16xf32>
          %parallel_loop3A_805 = arith.mulf %parallel_loop3A_804, %get3A_648 : vector<16xf32>
          %parallel_loop3A_806 = arith.index_cast %parallel_loop3A_670 : i32 to index
          %parallel_loop3A_807 = arith.constant 400 : index
          %parallel_loop3A_808 = tpu.vector_load %arg8[%parallel_loop3A_806, %parallel_loop3A_807] {strides = array<i32>} : memref<80x512xf32, #tpu.memory_space<vmem>>, vector<1x16xf32>,
          %parallel_loop3A_809 = vector.shape_cast %parallel_loop3A_808 : vector<1x16xf32> to vector<16xf32>
          %parallel_loop3A_810 = vector.shape_cast %parallel_loop3A_805 : vector<16xf32> to vector<1x16xf32>
          tpu.vector_store %arg8[%parallel_loop3A_806, %parallel_loop3A_807], %parallel_loop3A_810 {strides = array<i32>} : memref<80x512xf32, #tpu.memory_space<vmem>>, vector<1x16xf32>,
          %parallel_loop3A_811 = arith.index_cast %parallel_loop3A_670 : i32 to index
          %parallel_loop3A_812 = arith.constant 416 : index
          %parallel_loop3A_813 = tpu.vector_load %arg8[%parallel_loop3A_811, %parallel_loop3A_812] {strides = array<i32>} : memref<80x512xf32, #tpu.memory_space<vmem>>, vector<1x16xf32>,
          %parallel_loop3A_814 = vector.shape_cast %parallel_loop3A_813 : vector<1x16xf32> to vector<16xf32>
          %parallel_loop3A_815 = arith.mulf %parallel_loop3A_814, %get3A_603 : vector<16xf32>
          %parallel_loop3A_816 = arith.constant 0.000000e+00 : f32
          %parallel_loop3A_817 = vector.broadcast %parallel_loop3A_816 : f32 to vector<16xf32>
          %parallel_loop3A_818 = arith.maximumf %parallel_loop3A_815, %parallel_loop3A_817 : vector<16xf32>
          %parallel_loop3A_819 = arith.mulf %parallel_loop3A_818, %get3A_651 : vector<16xf32>
          %parallel_loop3A_820 = arith.index_cast %parallel_loop3A_670 : i32 to index
          %parallel_loop3A_821 = arith.constant 416 : index
          %parallel_loop3A_822 = tpu.vector_load %arg8[%parallel_loop3A_820, %parallel_loop3A_821] {strides = array<i32>} : memref<80x512xf32, #tpu.memory_space<vmem>>, vector<1x16xf32>,
          %parallel_loop3A_823 = vector.shape_cast %parallel_loop3A_822 : vector<1x16xf32> to vector<16xf32>
          %parallel_loop3A_824 = vector.shape_cast %parallel_loop3A_819 : vector<16xf32> to vector<1x16xf32>
          tpu.vector_store %arg8[%parallel_loop3A_820, %parallel_loop3A_821], %parallel_loop3A_824 {strides = array<i32>} : memref<80x512xf32, #tpu.memory_space<vmem>>, vector<1x16xf32>,
          %parallel_loop3A_825 = arith.index_cast %parallel_loop3A_670 : i32 to index
          %parallel_loop3A_826 = arith.constant 432 : index
          %parallel_loop3A_827 = tpu.vector_load %arg8[%parallel_loop3A_825, %parallel_loop3A_826] {strides = array<i32>} : memref<80x512xf32, #tpu.memory_space<vmem>>, vector<1x16xf32>,
          %parallel_loop3A_828 = vector.shape_cast %parallel_loop3A_827 : vector<1x16xf32> to vector<16xf32>
          %parallel_loop3A_829 = arith.mulf %parallel_loop3A_828, %get3A_606 : vector<16xf32>
          %parallel_loop3A_830 = arith.constant 0.000000e+00 : f32
          %parallel_loop3A_831 = vector.broadcast %parallel_loop3A_830 : f32 to vector<16xf32>
          %parallel_loop3A_832 = arith.maximumf %parallel_loop3A_829, %parallel_loop3A_831 : vector<16xf32>
          %parallel_loop3A_833 = arith.mulf %parallel_loop3A_832, %get3A_654 : vector<16xf32>
          %parallel_loop3A_834 = arith.index_cast %parallel_loop3A_670 : i32 to index
          %parallel_loop3A_835 = arith.constant 432 : index
          %parallel_loop3A_836 = tpu.vector_load %arg8[%parallel_loop3A_834, %parallel_loop3A_835] {strides = array<i32>} : memref<80x512xf32, #tpu.memory_space<vmem>>, vector<1x16xf32>,
          %parallel_loop3A_837 = vector.shape_cast %parallel_loop3A_836 : vector<1x16xf32> to vector<16xf32>
          %parallel_loop3A_838 = vector.shape_cast %parallel_loop3A_833 : vector<16xf32> to vector<1x16xf32>
          tpu.vector_store %arg8[%parallel_loop3A_834, %parallel_loop3A_835], %parallel_loop3A_838 {strides = array<i32>} : memref<80x512xf32, #tpu.memory_space<vmem>>, vector<1x16xf32>,
          %parallel_loop3A_839 = arith.index_cast %parallel_loop3A_670 : i32 to index
          %parallel_loop3A_840 = arith.constant 448 : index
          %parallel_loop3A_841 = tpu.vector_load %arg8[%parallel_loop3A_839, %parallel_loop3A_840] {strides = array<i32>} : memref<80x512xf32, #tpu.memory_space<vmem>>, vector<1x16xf32>,
          %parallel_loop3A_842 = vector.shape_cast %parallel_loop3A_841 : vector<1x16xf32> to vector<16xf32>
          %parallel_loop3A_843 = arith.mulf %parallel_loop3A_842, %get3A_609 : vector<16xf32>
          %parallel_loop3A_844 = arith.constant 0.000000e+00 : f32
          %parallel_loop3A_845 = vector.broadcast %parallel_loop3A_844 : f32 to vector<16xf32>
          %parallel_loop3A_846 = arith.maximumf %parallel_loop3A_843, %parallel_loop3A_845 : vector<16xf32>
          %parallel_loop3A_847 = arith.mulf %parallel_loop3A_846, %get3A_657 : vector<16xf32>
          %parallel_loop3A_848 = arith.index_cast %parallel_loop3A_670 : i32 to index
          %parallel_loop3A_849 = arith.constant 448 : index
          %parallel_loop3A_850 = tpu.vector_load %arg8[%parallel_loop3A_848, %parallel_loop3A_849] {strides = array<i32>} : memref<80x512xf32, #tpu.memory_space<vmem>>, vector<1x16xf32>,
          %parallel_loop3A_851 = vector.shape_cast %parallel_loop3A_850 : vector<1x16xf32> to vector<16xf32>
          %parallel_loop3A_852 = vector.shape_cast %parallel_loop3A_847 : vector<16xf32> to vector<1x16xf32>
          tpu.vector_store %arg8[%parallel_loop3A_848, %parallel_loop3A_849], %parallel_loop3A_852 {strides = array<i32>} : memref<80x512xf32, #tpu.memory_space<vmem>>, vector<1x16xf32>,
          %parallel_loop3A_853 = arith.index_cast %parallel_loop3A_670 : i32 to index
          %parallel_loop3A_854 = arith.constant 464 : index
          %parallel_loop3A_855 = tpu.vector_load %arg8[%parallel_loop3A_853, %parallel_loop3A_854] {strides = array<i32>} : memref<80x512xf32, #tpu.memory_space<vmem>>, vector<1x16xf32>,
          %parallel_loop3A_856 = vector.shape_cast %parallel_loop3A_855 : vector<1x16xf32> to vector<16xf32>
          %parallel_loop3A_857 = arith.mulf %parallel_loop3A_856, %get3A_612 : vector<16xf32>
          %parallel_loop3A_858 = arith.constant 0.000000e+00 : f32
          %parallel_loop3A_859 = vector.broadcast %parallel_loop3A_858 : f32 to vector<16xf32>
          %parallel_loop3A_860 = arith.maximumf %parallel_loop3A_857, %parallel_loop3A_859 : vector<16xf32>
          %parallel_loop3A_861 = arith.mulf %parallel_loop3A_860, %get3A_660 : vector<16xf32>
          %parallel_loop3A_862 = arith.index_cast %parallel_loop3A_670 : i32 to index
          %parallel_loop3A_863 = arith.constant 464 : index
          %parallel_loop3A_864 = tpu.vector_load %arg8[%parallel_loop3A_862, %parallel_loop3A_863] {strides = array<i32>} : memref<80x512xf32, #tpu.memory_space<vmem>>, vector<1x16xf32>,
          %parallel_loop3A_865 = vector.shape_cast %parallel_loop3A_864 : vector<1x16xf32> to vector<16xf32>
          %parallel_loop3A_866 = vector.shape_cast %parallel_loop3A_861 : vector<16xf32> to vector<1x16xf32>
          tpu.vector_store %arg8[%parallel_loop3A_862, %parallel_loop3A_863], %parallel_loop3A_866 {strides = array<i32>} : memref<80x512xf32, #tpu.memory_space<vmem>>, vector<1x16xf32>,
          %parallel_loop3A_867 = arith.index_cast %parallel_loop3A_670 : i32 to index
          %parallel_loop3A_868 = arith.constant 480 : index
          %parallel_loop3A_869 = tpu.vector_load %arg8[%parallel_loop3A_867, %parallel_loop3A_868] {strides = array<i32>} : memref<80x512xf32, #tpu.memory_space<vmem>>, vector<1x16xf32>,
          %parallel_loop3A_870 = vector.shape_cast %parallel_loop3A_869 : vector<1x16xf32> to vector<16xf32>
          %parallel_loop3A_871 = arith.mulf %parallel_loop3A_870, %get3A_615 : vector<16xf32>
          %parallel_loop3A_872 = arith.constant 0.000000e+00 : f32
          %parallel_loop3A_873 = vector.broadcast %parallel_loop3A_872 : f32 to vector<16xf32>
          %parallel_loop3A_874 = arith.maximumf %parallel_loop3A_871, %parallel_loop3A_873 : vector<16xf32>
          %parallel_loop3A_875 = arith.mulf %parallel_loop3A_874, %get3A_663 : vector<16xf32>
          %parallel_loop3A_876 = arith.index_cast %parallel_loop3A_670 : i32 to index
          %parallel_loop3A_877 = arith.constant 480 : index
          %parallel_loop3A_878 = tpu.vector_load %arg8[%parallel_loop3A_876, %parallel_loop3A_877] {strides = array<i32>} : memref<80x512xf32, #tpu.memory_space<vmem>>, vector<1x16xf32>,
          %parallel_loop3A_879 = vector.shape_cast %parallel_loop3A_878 : vector<1x16xf32> to vector<16xf32>
          %parallel_loop3A_880 = vector.shape_cast %parallel_loop3A_875 : vector<16xf32> to vector<1x16xf32>
          tpu.vector_store %arg8[%parallel_loop3A_876, %parallel_loop3A_877], %parallel_loop3A_880 {strides = array<i32>} : memref<80x512xf32, #tpu.memory_space<vmem>>, vector<1x16xf32>,
          %parallel_loop3A_881 = arith.index_cast %parallel_loop3A_670 : i32 to index
          %parallel_loop3A_882 = arith.constant 496 : index
          %parallel_loop3A_883 = tpu.vector_load %arg8[%parallel_loop3A_881, %parallel_loop3A_882] {strides = array<i32>} : memref<80x512xf32, #tpu.memory_space<vmem>>, vector<1x16xf32>,
          %parallel_loop3A_884 = vector.shape_cast %parallel_loop3A_883 : vector<1x16xf32> to vector<16xf32>
          %parallel_loop3A_885 = arith.mulf %parallel_loop3A_884, %get3A_618 : vector<16xf32>
          %parallel_loop3A_886 = arith.constant 0.000000e+00 : f32
          %parallel_loop3A_887 = vector.broadcast %parallel_loop3A_886 : f32 to vector<16xf32>
          %parallel_loop3A_888 = arith.maximumf %parallel_loop3A_885, %parallel_loop3A_887 : vector<16xf32>
          %parallel_loop3A_889 = arith.mulf %parallel_loop3A_888, %get3A_666 : vector<16xf32>
          %parallel_loop3A_890 = arith.index_cast %parallel_loop3A_670 : i32 to index
          %parallel_loop3A_891 = arith.constant 496 : index
          %parallel_loop3A_892 = tpu.vector_load %arg8[%parallel_loop3A_890, %parallel_loop3A_891] {strides = array<i32>} : memref<80x512xf32, #tpu.memory_space<vmem>>, vector<1x16xf32>,
          %parallel_loop3A_893 = vector.shape_cast %parallel_loop3A_892 : vector<1x16xf32> to vector<16xf32>
          %parallel_loop3A_894 = vector.shape_cast %parallel_loop3A_889 : vector<16xf32> to vector<1x16xf32>
          tpu.vector_store %arg8[%parallel_loop3A_890, %parallel_loop3A_891], %parallel_loop3A_894 {strides = array<i32>} : memref<80x512xf32, #tpu.memory_space<vmem>>, vector<1x16xf32>,
        } {sc.loop_unroll_factor = 1 : i64, sc.parallel_access}
      } else {
      }
      %lt3A_389 = arith.constant 19 : i32
      %lt3A_390 = arith.cmpi slt, %add3A_334, %lt3A_389 : i32
      %mul3A_391 = arith.constant 19 : i32
      %mul3A_392 = arith.muli %add3A, %mul3A_391 : i32
      %add3A_393 = arith.addi %mul3A_392, %add3A_334 : i32
      %add3A_394 = arith.constant 608 : i32
      %add3A_395 = arith.addi %add3A_394, %add3A : i32
      %select_n3A_396 = arith.select %lt3A_390, %add3A_393, %add3A_395 : i32
      %lt3A_397 = arith.constant 0 : i32
      %lt3A_398 = arith.cmpi slt, %add3A_334, %lt3A_397 : i32
      %jit3A_399 = arith.constant -1 : i32
      %select_n3A_400 = arith.select %lt3A_398, %jit3A_399, %select_n3A_396 : i32
      %ge3A_401 = arith.constant 0 : i32
      %ge3A_402 = arith.cmpi sge, %select_n3A_400, %ge3A_401 : i32
      %lt3A_403 = arith.constant 19 : i32
      %lt3A_404 = arith.cmpi slt, %add3A_334, %lt3A_403 : i32
      %eq3A_405 = arith.constant 19 : i32
      %eq3A_406 = arith.cmpi eq, %add3A_334, %eq3A_405 : i32
      %lt3A_407 = arith.constant 17 : i32
      %lt3A_408 = arith.cmpi slt, %add3A, %lt3A_407 : i32
      %and3A_409 = arith.andi %eq3A_406, %lt3A_408 : i1
      %jit3A_410 = arith.constant true
      %select_n3A_411 = arith.select %lt3A_404, %jit3A_410, %and3A_409 : i1
      %and3A_412 = arith.andi %ge3A_402, %select_n3A_411 : i1
      %convert_element_type3A_413 = arith.extui %and3A_412 : i1 to i32
      %cond3A_414 = arith.constant 0 : i32
      %cond3A_415 = arith.cmpi ne, %convert_element_type3A_413, %cond3A_414 : i32
      scf.if %cond3A_415 {
        %mul3A_474 = arith.constant 80 : i32
        %mul3A_475 = arith.muli %select_n3A_400, %mul3A_474 : i32
        %dma_start3A = arith.constant 0 : i32
        %dma_start3A_476 = tpu.memref_slice %arg5[%mul3A_475, %dma_start3A] : memref<50000x512xf32, #tpu.memory_space<hbm>> -> memref<80x512xf32, #tpu.memory_space<hbm>>
        %dma_start3A_477 = arith.constant 0 : i32
        %dma_start3A_478 = tpu.memref_slice %arg5[%mul3A_475, %dma_start3A_477] : memref<50000x512xf32, #tpu.memory_space<hbm>> -> memref<80x512xf32, #tpu.memory_space<hbm>>
        tpu.enqueue_dma source(%arg8 : memref<80x512xf32, #tpu.memory_space<vmem>>) target(%dma_start3A_478 : memref<80x512xf32, #tpu.memory_space<hbm>>) target_semaphore(%arg16 : memref<!tpu.dma_semaphore, #tpu.memory_space<semaphore_mem>>)
      } else {
      }
      %sub3A_416 = arith.constant 1 : i32
      %sub3A_417 = arith.subi %add3A_334, %sub3A_416 : i32
      %lt3A_418 = arith.constant 19 : i32
      %lt3A_419 = arith.cmpi slt, %sub3A_417, %lt3A_418 : i32
      %mul3A_420 = arith.constant 19 : i32
      %mul3A_421 = arith.muli %add3A, %mul3A_420 : i32
      %add3A_422 = arith.addi %mul3A_421, %sub3A_417 : i32
      %add3A_423 = arith.constant 608 : i32
      %add3A_424 = arith.addi %add3A_423, %add3A : i32
      %select_n3A_425 = arith.select %lt3A_419, %add3A_422, %add3A_424 : i32
      %lt3A_426 = arith.constant 0 : i32
      %lt3A_427 = arith.cmpi slt, %sub3A_417, %lt3A_426 : i32
      %jit3A_428 = arith.constant -1 : i32
      %select_n3A_429 = arith.select %lt3A_427, %jit3A_428, %select_n3A_425 : i32
      %ge3A_430 = arith.constant 0 : i32
      %ge3A_431 = arith.cmpi sge, %select_n3A_429, %ge3A_430 : i32
      %lt3A_432 = arith.constant 19 : i32
      %lt3A_433 = arith.cmpi slt, %sub3A_417, %lt3A_432 : i32
      %eq3A_434 = arith.constant 19 : i32
      %eq3A_435 = arith.cmpi eq, %sub3A_417, %eq3A_434 : i32
      %lt3A_436 = arith.constant 17 : i32
      %lt3A_437 = arith.cmpi slt, %add3A, %lt3A_436 : i32
      %and3A_438 = arith.andi %eq3A_435, %lt3A_437 : i1
      %jit3A_439 = arith.constant true
      %select_n3A_440 = arith.select %lt3A_433, %jit3A_439, %and3A_438 : i1
      %and3A_441 = arith.andi %ge3A_431, %select_n3A_440 : i1
      %convert_element_type3A_442 = arith.extui %and3A_441 : i1 to i32
      %cond3A_443 = arith.constant 0 : i32
      %cond3A_444 = arith.cmpi ne, %convert_element_type3A_442, %cond3A_443 : i32
      scf.if %cond3A_444 {
        %mul3A_474 = arith.constant 80 : i32
        %mul3A_475 = arith.muli %select_n3A_429, %mul3A_474 : i32
        %dma_wait3A = arith.constant 0 : i32
        %dma_wait3A_476 = tpu.memref_slice %arg5[%mul3A_475, %dma_wait3A] : memref<50000x512xf32, #tpu.memory_space<hbm>> -> memref<80x512xf32, #tpu.memory_space<hbm>>
        %dma_wait3A_477 = arith.constant 0 : i32
        %dma_wait3A_478 = tpu.memref_slice %arg5[%mul3A_475, %dma_wait3A_477] : memref<50000x512xf32, #tpu.memory_space<hbm>> -> memref<80x512xf32, #tpu.memory_space<hbm>>
        tpu.wait_dma2 semaphore(%arg15 : memref<!tpu.dma_semaphore, #tpu.memory_space<semaphore_mem>>) src(%arg7 : memref<80x512xf32, #tpu.memory_space<vmem>>) dst(%dma_wait3A_478 : memref<80x512xf32, #tpu.memory_space<hbm>>)
      } else {
      }
      %add3A_445 = arith.constant 2 : i32
      %add3A_446 = arith.addi %add3A_334, %add3A_445 : i32
      %lt3A_447 = arith.constant 19 : i32
      %lt3A_448 = arith.cmpi slt, %add3A_446, %lt3A_447 : i32
      %mul3A_449 = arith.constant 19 : i32
      %mul3A_450 = arith.muli %add3A, %mul3A_449 : i32
      %add3A_451 = arith.addi %mul3A_450, %add3A_446 : i32
      %add3A_452 = arith.constant 608 : i32
      %add3A_453 = arith.addi %add3A_452, %add3A : i32
      %select_n3A_454 = arith.select %lt3A_448, %add3A_451, %add3A_453 : i32
      %lt3A_455 = arith.constant 0 : i32
      %lt3A_456 = arith.cmpi slt, %add3A_446, %lt3A_455 : i32
      %jit3A_457 = arith.constant -1 : i32
      %select_n3A_458 = arith.select %lt3A_456, %jit3A_457, %select_n3A_454 : i32
      %ge3A_459 = arith.constant 0 : i32
      %ge3A_460 = arith.cmpi sge, %select_n3A_458, %ge3A_459 : i32
      %lt3A_461 = arith.constant 19 : i32
      %lt3A_462 = arith.cmpi slt, %add3A_446, %lt3A_461 : i32
      %eq3A_463 = arith.constant 19 : i32
      %eq3A_464 = arith.cmpi eq, %add3A_446, %eq3A_463 : i32
      %lt3A_465 = arith.constant 17 : i32
      %lt3A_466 = arith.cmpi slt, %add3A, %lt3A_465 : i32
      %and3A_467 = arith.andi %eq3A_464, %lt3A_466 : i1
      %jit3A_468 = arith.constant true
      %select_n3A_469 = arith.select %lt3A_462, %jit3A_468, %and3A_467 : i1
      %and3A_470 = arith.andi %ge3A_460, %select_n3A_469 : i1
      %convert_element_type3A_471 = arith.extui %and3A_470 : i1 to i32
      %cond3A_472 = arith.constant 0 : i32
      %cond3A_473 = arith.cmpi ne, %convert_element_type3A_471, %cond3A_472 : i32
      scf.if %cond3A_473 {
        %mul3A_474 = arith.constant 80 : i32
        %mul3A_475 = arith.muli %select_n3A_458, %mul3A_474 : i32
        %dma_start3A = arith.constant 0 : i32
        %dma_start3A_476 = tpu.memref_slice %arg2[%mul3A_475, %dma_start3A] : memref<50000x512xf32, #tpu.memory_space<hbm>> -> memref<80x512xf32, #tpu.memory_space<hbm>>
        %dma_start3A_477 = arith.constant 0 : i32
        %dma_start3A_478 = tpu.memref_slice %arg2[%mul3A_475, %dma_start3A_477] : memref<50000x512xf32, #tpu.memory_space<hbm>> -> memref<80x512xf32, #tpu.memory_space<hbm>>
        tpu.enqueue_dma source(%dma_start3A_478 : memref<80x512xf32, #tpu.memory_space<hbm>>) target(%arg7 : memref<80x512xf32, #tpu.memory_space<vmem>>) target_semaphore(%arg12 : memref<!tpu.dma_semaphore, #tpu.memory_space<semaphore_mem>>)
      } else {
      }
    }
    %scan3A_45 = arith.constant 7 : i32
    return
  }
}

</mosaic_0001>

<sc_bundles>
// kernel: kernel.3.cloned.1.call-start
scs
__scs_entry_jumppad:
0x0: {  	(pc) =	sbr.rel $0x88, $3  }
0x1: {  	(tag) =	ssettag $0x0;
	lr =	simm.s32 $0x1  }
0x2: {  	[smem:$0x3F9E] =	sst lr;
	_ =	strace $0xD0000000  }
0x3: {  	_ = 	snop  }
0x4: {  	_ = 	snop  }
0x5: {  	_ = 	snop  }
0x6: {  	_ = 	snop  }
0x7: {  	_ = 	snop  }
__scs_overlays_trampoline_lowered:
0x8: {  	[smem:$0x3FAD] =	sst s0  }
0x9: {  	[smem:$0x3FAE] =	sst s1  }
0xa: {  	[smem:$0x3FAF] =	sst s2  }
0xb: {  	[smem:$0x3FB0] =	sst s3  }
0xc: {  	[smem:$0x3FB1] =	sst s4  }
0xd: {  	[smem:$0x3FB2] =	sst s5  }
0xe: {  	[smem:$0x3FB3] =	sst s6  }
0xf: {  	[smem:$0x3FB4] =	sst s7  }
0x10: {  	[smem:$0x3FB5] =	sst s8  }
0x11: {  	[smem:$0x3FB6] =	sst s9;
	s0 =	simm.s32 @!p0 $0x0  }
0x12: {  	s1 =	sld [smem:$0x3F9C];
	s0 =	simm.s32 @p0 $0x1  }
0x13: {  	[smem:$0x3FB7] =	sst s0;
	s0 =	simm.s32 @!p1 $0x0  }
0x14: {  	s2 =	sld [smem:$0x3F9B];
	s0 =	simm.s32 @p1 $0x1  }
0x15: {  	[smem:$0x3FB8] =	sst s0;
	s0 =	simm.s32 @!p2 $0x0  }
0x16: {  	s3 =	sld [smem:$0x3FDB];
	s0 =	simm.s32 @p2 $0x1  }
0x17: {  	s4 =	simm.s32 $0x1BF5;
	[smem:$0x3FBA] =	sst s0  }
0x18: {  	s0 =	sld [smem:$0x3F9D];
	_ =	swait.ge [sflag:s4], $0x0  }
0x19: {  	s7 =	sld [smem:$0x3F9E]  }
0x1a: {  	s8 =	sadd.s32 $0xFFFFE003, lr  }
0x1b: {  	s9 =	sadd.s32 $0xFFFFFEF7, lr;
	s5 =	simm.s32 $0xFFFFFFFF;
	p2 =	slt.u32 s8, $0xFFFFF086  }
0x1c: {  	p1 =	slt.u32 s9, $0xF7A;
	s5 =	simm.s32 @!p2 $0x0  }
0x1d: {  	s5 =	simm.s32 @p1 $0x1;
	p0 =	seq.s32 s7, s2  }
0x1e: {  	s7 =	smul.u32 @!p0 $0xF7A, s2;
	p2 =	seq.s32 @!p0 s5, $0x0  }
0x1f: {  	s9 =	smul.u32 $0xF7A, s1;
	s8 =	simm.s32 @!p0 $0x1BF5;
	p2 =	por !p2, p0  }
0x20: {  	[sflag:s8] =	ssyncset.s32 @!p0 $0xFFFFF086;
	s6 =	sadd.s32 @!p0 s3, s7;
	s7 =	simm.s32 @!p0 $0x108  }
0x21: {  	s3 =	sadd.s32 s3, s9;
	s6 =	sadd.s32 @!p0 $0x88, s6;
	s7 =	simm.s32 @p2 $0x1082  }
0x22: {  	[simem:s7], [sflag:s8] =	dma.local @!p0 [hbm:s6], $0xF7A  }
0x23: {  	s9 =	sor.u32 $0xD0000000, s2;
	s6 =	simm.s32 $0x108;
	_ =	swait.ge @!p0 [sflag:s8], $0x0  }
0x24: {  	s3 =	sadd.s32 $0x88, s3;
	s6 =	simm.s32 @!p1 $0x1082;
	[sflag:s4] =	ssyncset.s32 $0xFFFFF086  }
0x25: {  	[simem:s6], [sflag:s4] =	dma.local [hbm:s3], $0xF7A  }
0x26: {  	[smem:$0x3F9E] =	sst s1;
	(tag) =	ssettag s2;
	_ =	strace s9  }
0x27: {  	s1 =	sld [smem:$0x3FAE]  }
0x28: {  	s2 =	sld [smem:$0x3FAF]  }
0x29: {  	s4 =	sld [smem:$0x3FB1]  }
0x2a: {  	p0 =	seq.s32 s5, $0x0;
	s5 =	sld [smem:$0x3FB2]  }
0x2b: {  	s6 =	sld [smem:$0x3FB3]  }
0x2c: {  	s7 =	sld [smem:$0x3FB4]  }
0x2d: {  	s3 =	simm.s32 $0x108;
	s8 =	sld [smem:$0x3FB5]  }
0x2e: {  	s3 =	simm.s32 @!p0 $0x1082;
	s9 =	sld [smem:$0x3FB6]  }
0x2f: {  	lr =	sadd.s32 s0, s3;
	s0 =	sld [smem:$0x3FAD]  }
0x30: {  	s3 =	sld [smem:$0x3FB0]  }
0x31: {  	[smem:$0x3FB9] =	sst s10  }
0x32: {  	s10 =	sld [smem:$0x3FB7];
	_ =	sdelay $0x3  }
0x33: {  	p0 =	seq.s32 s10, $0x1;
	s10 =	sld [smem:$0x3FB9];
	_ =	sdelay $0x3  }
0x34: {  	[smem:$0x3FB9] =	sst s10  }
0x35: {  	s10 =	sld [smem:$0x3FB8];
	_ =	sdelay $0x3  }
0x36: {  	p1 =	seq.s32 s10, $0x1;
	s10 =	sld [smem:$0x3FB9];
	_ =	sdelay $0x3  }
0x37: {  	[smem:$0x3FB9] =	sst s10  }
0x38: {  	s10 =	sld [smem:$0x3FBA]  }
0x39: {  	_ = 	snop;
	(pc) =	sbr.ind lr, $3  }
0x3a: {  	_ = 	snop  }
0x3b: {  	_ = 	snop  }
0x3c: {  	p2 =	seq.s32 s10, $0x1;
	s10 =	sld [smem:$0x3FB9]  }
0x3d: {  	_ =	shalt  }
0x3e: {  	_ =	shalt  }
0x3f: {  	_ =	shalt  }
0x40: {  	_ =	shalt  }
0x41: {  	_ =	shalt  }
0x42: {  	_ =	shalt  }
0x43: {  	_ =	shalt  }
0x44: {  	_ =	shalt  }
0x45: {  	_ =	shalt  }
0x46: {  	_ =	shalt  }
0x47: {  	_ =	shalt  }
0x48: {  	_ =	shalt  }
0x49: {  	_ =	shalt  }
0x4a: {  	_ =	shalt  }
0x4b: {  	_ =	shalt  }
0x4c: {  	_ =	shalt  }
0x4d: {  	_ =	shalt  }
0x4e: {  	_ =	shalt  }
0x4f: {  	_ =	shalt  }
0x50: {  	_ =	shalt  }
0x51: {  	_ =	shalt  }
0x52: {  	_ =	shalt  }
0x53: {  	_ =	shalt  }
0x54: {  	_ =	shalt  }
0x55: {  	_ =	shalt  }
0x56: {  	_ =	shalt  }
0x57: {  	_ =	shalt  }
0x58: {  	_ =	shalt  }
0x59: {  	_ =	shalt  }
0x5a: {  	_ =	shalt  }
0x5b: {  	_ =	shalt  }
0x5c: {  	_ =	shalt  }
0x5d: {  	_ =	shalt  }
0x5e: {  	_ =	shalt  }
0x5f: {  	_ =	shalt  }
0x60: {  	_ =	shalt  }
0x61: {  	_ =	shalt  }
0x62: {  	_ =	shalt  }
0x63: {  	_ =	shalt  }
0x64: {  	_ =	shalt  }
0x65: {  	_ =	shalt  }
0x66: {  	_ =	shalt  }
0x67: {  	_ =	shalt  }
0x68: {  	_ =	shalt  }
0x69: {  	_ =	shalt  }
0x6a: {  	_ =	shalt  }
0x6b: {  	_ =	shalt  }
0x6c: {  	_ =	shalt  }
0x6d: {  	_ =	shalt  }
0x6e: {  	_ =	shalt  }
0x6f: {  	_ =	shalt  }
0x70: {  	_ =	shalt  }
0x71: {  	_ =	shalt  }
0x72: {  	_ =	shalt  }
0x73: {  	_ =	shalt  }
0x74: {  	_ =	shalt  }
0x75: {  	_ =	shalt  }
0x76: {  	_ =	shalt  }
0x77: {  	_ =	shalt  }
0x78: {  	_ =	shalt  }
0x79: {  	_ =	shalt  }
0x7a: {  	_ =	shalt  }
0x7b: {  	_ =	shalt  }
0x7c: {  	_ =	shalt  }
0x7d: {  	_ =	shalt  }
0x7e: {  	_ =	shalt  }
0x7f: {  	_ =	shalt  }
0x80: {  	_ =	shalt  }
0x81: {  	_ =	shalt  }
0x82: {  	_ =	shalt  }
0x83: {  	_ =	shalt  }
0x84: {  	_ =	shalt  }
0x85: {  	_ =	shalt  }
0x86: {  	_ =	shalt  }
0x87: {  	_ =	shalt  }
.Lfunc_end0:
.L_simem_size_0:
called_computation_lowered:
.L_overlay_start_0:
0x88: {  	s2 =	sld [smem:$0x3FD9]  }
0x89: {  	s3 =	sld [smem:$0x3FFE];
	_ =	sdelay $0x1  }
0x8a: {  	s1 =	srdreg.scid  }
0x8b: {  	s0 =	sand.u32 $0x1, s1  }
0x8c: {  	s18 =	sshll.u32 s0, $0xA;
	s2 =	sadd.s32 s3, s2  }
0x8d: {  	s2 =	sadd.s32 s2, s18  }
0x8e: {  	[smem:$0x3FC5] =	sst s2  }
0x8f: {  	_ = 	snop  }
0x90: {  	s2 =	sld [smem:$0x3FC9]  }
0x91: {  	s19 =	sld [smem:$0x3FC8]  }
0x92: {  	s4 =	sld [smem:$0x3FC7]  }
0x93: {  	s5 =	sld [smem:$0x3FD0];
	(tm) =	ssettm $0x1  }
0x94: {  	s6 =	sld [smem:$0x3FFB];
	_ =	sdelay $0x3  }
0x95: {  	_ =	strace s6  }
0x96: {  	s6 =	sld [smem:$0x3FFC];
	_ =	sdelay $0x3  }
0x97: {  	_ =	strace s6  }
0x98: {  	s6 =	sld [smem:$0x3FFD];
	_ =	sdelay $0x3  }
0x99: {  	_ =	strace s6  }
0x9a: {  	_ =	strace $0x8FFFFFFF  }
0x9b: {  	s20 =	sld [smem:$0x3FDB];
	_ =	sdelay $0x1  }
0x9c: {  	s7 =	simm.s32 $_scs_section_size  }
0x9d: {  	s8 =	simm.s32 $_size__tile_overlayer_lowered;
	s9 =	simm.s32 $_tile_overlayer_lowered  }
0x9e: {  	s23 =	simm.s32 $0x1BFF;
	s22 =	sshll.u32 s9, $0x1;
	s6 =	sadd.s32 s7, s20  }
0x9f: {  	s10 =	simm.s32 $0x0;
	s21 =	sshll.u32 s8, $0x1;
	s8 =	sadd.s32 s22, s6  }
0xa0: {  	[timem:s10], [sflag:s23] =	dma.local [hbm:s8], s21  }
0xa1: {  	_ =	swait.ge [sflag:s23], s21  }
0xa2: {  	s7 =	ssub.s32 $0x0, s21;
	[sflag:s23] =	ssyncset.done $0x0  }
0xa3: {  	[sflag:s23] =	ssyncadd.s32 s7;
	_ =	sdelay $0x1  }
0xa4: {  	s24 =	simm.s32 $0x1B8B  }
0xa5: {  	_ =	swait.ge [sflag:s24], $0x1  }
0xa6: {  	[sflag:s24] =	ssyncset.done $0x0  }
0xa7: {  	s25 =	simm.s32 $0x1B8E;
	[sflag:s24] =	ssyncadd.s32 $0xFFFFFFFF  }
0xa8: {  	s26 =	simm.s32 $execute0_lowered;
	[smem:$0x3FD2] =	sst s25  }
0xa9: {  	s7 =	sshll.u32 s26, $0x1;
	_ =	strace $0x80000046;
	[dreg:$0x1] =	wrdreg $0xFFFFFFFF  }
0xaa: {  	s28 =	simm.s32 $_size_execute0_lowered;
	s6 =	sadd.s32 s6, s7;
	[dreg:$0x0] =	wrdreg $0x0  }
0xab: {  	s7 =	sshll.u32 s28, $0x1;
	[dreg:$0x2] =	wrdreg s6  }
0xac: {  	[dreg:$0x3] =	wrdreg s7  }
0xad: {  	[dreg:$0x4] =	wrdreg $0xC0  }
0xae: {  	_ =	task [dreg:s10], $0x5FFFF  }
0xaf: {  	[dreg:$0x1] =	wrdreg $0xFFFFFFFF  }
0xb0: {  	[dreg:$0x0] =	wrdreg $0x60  }
0xb1: {  	[dreg:$0x2] =	wrdreg s2  }
0xb2: {  	[dreg:$0x3] =	wrdreg s19  }
0xb3: {  	[dreg:$0x4] =	wrdreg s4  }
0xb4: {  	[dreg:$0x5] =	wrdreg s5  }
0xb5: {  	[dreg:$0x6] =	wrdreg $0x9  }
0xb6: {  	_ =	task.clear_ibuf [dreg:s10], $0x7FFFF;
	_ =	strace $0x90000046  }
0xb7: {  	s29 =	simm.s32 $0x9;
	_ =	strace $0x80000048  }
0xb8: {  	_ =	swait.ge [sflag:s29], $0x1  }
0xb9: {  	[sflag:s29] =	ssyncadd.s32 $0xFFFFFFFF  }
0xba: {  	_ =	strace $0x90000048  }
0xbb: {  	_ =	sfence  }
0xbc: {  	s30 =	sld [smem:$0x0];
	_ =	sdelay $0x2  }
0xbd: {  	s31 =	sshll.u32 s1, $0xD;
	s1 =	sshrl.u32 s1, $0x2  }
0xbe: {  	s3 =	sand.u32 $0x4000, s31;
	s1 =	sadd.s32 s1, s30  }
0xbf: {  	s0 =	sor.u32 s3, s0;
	s1 =	sshll.u32 s1, $0x11  }
0xc0: {  	s0 =	sor.u32 s1, s0  }
0xc1: {  	s0 =	sadd.s32 $0x8F2B, s0  }
0xc2: {  	[sflag:s0] =	ssyncadd.remote.s32 $0x1  }
0xc3: {  	_ =	sfence.sel $0xFFFF  }
0xc4: {  	[dreg:$0x0] =	wrdreg $0xFFFFFFFF;
	(pc) =	sbr.abs _section_cstart, $3  }
0xc5: {  	[dreg:$0x1] =	wrdreg $0xFFFFFFFF  }
0xc6: {  	_ =	task.clear_ibuf [dreg:s10], $0x2FFFF;
	_ =	strace $0x9FFFFFFF  }
0xc7: {  	(tm) =	ssettm $0x7FFFFFFF  }
tec
execute0_lowered:
.L_overlay_start_1:
0x0: {  	(tag) =	ssettag $0x1  }
0x1: {  	s1 =	rddreg [dreg:$0x0]  }
0x2: {  	s2 =	rddreg [dreg:$0x1]  }
0x3: {  	s4 =	rddreg [dreg:$0x2];
	s3 =	srdreg.scid  }
0x4: {  	s0 =	stileid.u32;
	s5 =	rddreg [dreg:$0x3];
	s6 =	simm.s32 $0x0  }
0x5: {  	s13 =	simm.s32 $0xA000;
	s14 =	simm.s32 $0x1E000;
	s15 =	simm.s32 $0x7  }
0x6: {  	s16 =	simm.s32 $0x1E200;
	s3 =	sand.u32 $0x1, s3;
	s7 =	sshll.u32 s0, $0x1  }
0x7: {  	s17 =	simm.s32 $0x1;
	s19 =	simm.s32 $0x4;
	s18 =	sor.u32 s3, s7  }
0x8: {  	s20 =	simm.s32 $0x3;
	s21 =	simm.s32 $0x14000;
	s8 =	smul.u32 $0xBE000, s18  }
0x9: {  	s22 =	simm.s32 $0x0;
	[smem:$0x7FF] =	sst s6;
	s9 =	smul.u32 $0x17C00, s18  }
.Ltmp0:
0xa: {  	_ =	strace $0x80000047;
	s3 =	ssub.s32 $0x2, s3;
	(pc) =	sbr.rel .LBB2_1-.Ltmp0, $4  }
0xb: {  	s10 =	sshrl.u32 s3, $0x1;
	s7 =	smul.u32 $0x13, s18;
	p0 =	slt.u32 s18, $0x11  }
0xc: {  	s3 =	ssub.s32 s3, s10;
	s10 =	sor.u32 $0x260, s18;
	s11 =	sshrl.u32 s8, $0x3  }
0xd: {  	s18 =	simm.s32 $0x2;
	s8 =	sadd.s32 s1, s9;
	s31 =	sadd.s32 s1, s11  }
0xe: {  	s12 =	smax.u32 s3, $0x1;
	s11 =	sadd.s32 $0x1, s7;
	s9 =	sadd.s32 $0x1400, s31  }
.LBB2_23:
0xf: {  	s22 =	sadd.s32 $0x1, s22  }
0x10: {  	p1 =	sne.s32 s22, s12  }
.Ltmp1:
0x11: {  	_ = 	snop;
	(pc) =	sbr.rel @!p1 .LBB2_24-.Ltmp1, $1  }
0x12: {  	_ =	sdelay $0x3  }
.LBB2_1:
0x13: {  	[tilespmem:s6], [sflag:$0x1] =	stream.linear.gather [hbm4b:s8+s6], $0xA000, $0x38;
	[tilespmem:$0x1E400] =	vst v63  }
0x14: {  	_ = 	snop  }
0x15: {  	[tilespmem:s13], [sflag:$0x2] =	stream.linear.gather [hbm4b:s9+s6], $0xA000, $0x38;
	[tilespmem:$0x1E400] =	vst v63  }
0x16: {  	_ = 	snop  }
0x17: {  	[tilespmem:s14], [sflag:$0x7] =	stream.linear.gather [hbm4b:s2+s6], $0x200, $0x38;
	[tilespmem:$0x1E400] =	vst v63  }
0x18: {  	_ =	swait.ge [sflag:s15], $0x200  }
0x19: {  	[sflag:s15] =	ssyncset.done $0x0  }
.Ltmp2:
0x1a: {  	[sflag:s15] =	ssyncadd.s32 $0xFFFFFE00;
	(pc) =	sbr.rel .LBB2_2-.Ltmp2, $4  }
0x1b: {  	[tilespmem:s16], [sflag:$0x7] =	stream.linear.gather [hbm4b:s4+s6], $0x200, $0x38;
	[tilespmem:$0x1E400] =	vst v63  }
0x1c: {  	_ =	swait.ge [sflag:s15], $0x200  }
0x1d: {  	[sflag:s15] =	ssyncset.done $0x0  }
0x1e: {  	s23 =	simm.s32 $0x0;
	[sflag:s15] =	ssyncadd.s32 $0xFFFFFE00  }
.LBB2_20:
0x1f: {  	s3 =	sadd.s32 $0x4, s24  }
0x20: {  	p2 =	seq.s32 s3, $0x13  }
0x21: {  	p3 =	por !p0, !p2  }
0x22: {  	p2 =	slt.u32 s23, $0x5;
	p3 =	por !p3, !p3  }
0x23: {  	p3 =	por p2, p3  }
.Ltmp3:
0x24: {  	_ = 	snop;
	(pc) =	sbr.rel @p3 .LBB2_21-.Ltmp3, $4  }
0x25: {  	s24 =	simm.s32 @p1 $0x5  }
0x26: {  	_ =	swait.ge @p1 [sflag:s24], $0xA000  }
0x27: {  	[sflag:s24] =	ssyncset.done @p1 $0x0  }
0x28: {  	[sflag:s24] =	ssyncadd.s32 @p1 $0xFFFF6000  }
.LBB2_22:
0x29: {  	s23 =	sadd.s32 $0x1, s23  }
0x2a: {  	p1 =	sne.s32 s23, $0x7  }
.Ltmp4:
0x2b: {  	_ = 	snop;
	(pc) =	sbr.rel @!p1 .LBB2_23-.Ltmp4, $1  }
0x2c: {  	_ =	sdelay $0x3  }
.LBB2_2:
0x2d: {  	_ =	swait.ge [sflag:s17], $0xA000  }
0x2e: {  	[sflag:s17] =	ssyncset.done $0x0  }
0x2f: {  	[sflag:s17] =	ssyncadd.s32 $0xFFFF6000  }
0x30: {  	v28 =	vld [tilespmem:$0x1E000]  }
0x31: {  	v26 =	vld [tilespmem:$0x1E010]  }
0x32: {  	v24 =	vld [tilespmem:$0x1E020]  }
0x33: {  	v22 =	vld [tilespmem:$0x1E030]  }
0x34: {  	v20 =	vld [tilespmem:$0x1E040]  }
0x35: {  	v18 =	vld [tilespmem:$0x1E050]  }
0x36: {  	v16 =	vld [tilespmem:$0x1E060]  }
0x37: {  	v13 =	vld [tilespmem:$0x1E070]  }
0x38: {  	v11 =	vld [tilespmem:$0x1E080]  }
0x39: {  	v9 =	vld [tilespmem:$0x1E090]  }
0x3a: {  	v6 =	vld [tilespmem:$0x1E0A0]  }
0x3b: {  	v3 =	vld [tilespmem:$0x1E0B0]  }
0x3c: {  	v2 =	vld [tilespmem:$0x1E0C0]  }
0x3d: {  	v1 =	vld [tilespmem:$0x1E0D0]  }
0x3e: {  	v0 =	vld [tilespmem:$0x1E0E0]  }
0x3f: {  	v30 =	vld [tilespmem:$0x1E0F0]  }
0x40: {  	v29 =	vld [tilespmem:$0x1E200]  }
0x41: {  	v27 =	vld [tilespmem:$0x1E210]  }
0x42: {  	v25 =	vld [tilespmem:$0x1E220]  }
0x43: {  	v23 =	vld [tilespmem:$0x1E230]  }
0x44: {  	v21 =	vld [tilespmem:$0x1E240]  }
0x45: {  	v19 =	vld [tilespmem:$0x1E250]  }
0x46: {  	v17 =	vld [tilespmem:$0x1E260]  }
0x47: {  	v15 =	vld [tilespmem:$0x1E270]  }
0x48: {  	v14 =	vld [tilespmem:$0x1E280]  }
0x49: {  	v12 =	vld [tilespmem:$0x1E290]  }
0x4a: {  	v10 =	vld [tilespmem:$0x1E2A0]  }
0x4b: {  	v8 =	vld [tilespmem:$0x1E2B0]  }
0x4c: {  	v7 =	vld [tilespmem:$0x1E2C0]  }
0x4d: {  	s3 =	simm.s32 $0x0;
	v5 =	vld [tilespmem:$0x1E2D0]  }
0x4e: {  	s24 =	sand.u32 $0xF000, s3;
	s3 =	sand.u32 $0x380, s3;
	v4 =	vld [tilespmem:$0x1E2E0]  }
0x4f: {  	s24 =	sor.u32 s3, s24;
	v31 =	vld [tilespmem:$0x1E2F0]  }
0x50: {  	v32 =	vld [tilespmem:s24+$0x470]  }
0x51: {  	v33 =	vld [tilespmem:s24+$0x0]  }
0x52: {  	v34 =	vld [tilespmem:s24+$0x10]  }
0x53: {  	v35 =	vld [tilespmem:s24+$0x20]  }
0x54: {  	v36 =	vld [tilespmem:s24+$0x30]  }
0x55: {  	v37 =	vld [tilespmem:s24+$0x40];
	v32 =	vmul.f32 v32, v30  }
0x56: {  	v38 =	vld [tilespmem:s24+$0x50];
	v33 =	vmul.f32 v33, v28  }
0x57: {  	v39 =	vld [tilespmem:s24+$0x60];
	v34 =	vmul.f32 v34, v26;
	v32 =	vmax.f32 v32, $0.0e+00  }
0x58: {  	v40 =	vld [tilespmem:s24+$0x70];
	v35 =	vmul.f32 v35, v24;
	v33 =	vmax.f32 v33, $0.0e+00;
	v41 =	vmul.f32 v32, v31  }
0x59: {  	v42 =	vld [tilespmem:s24+$0x400];
	v36 =	vmul.f32 v36, v22;
	v34 =	vmax.f32 v34, $0.0e+00;
	v33 =	vmul.f32 v33, v29  }
0x5a: {  	v37 =	vmul.f32 v37, v20;
	v35 =	vmax.f32 v35, $0.0e+00;
	v32 =	vld [tilespmem:s24+$0x410];
	v34 =	vmul.f32 v34, v27;
	[tilespmem:s24+$0x470] =	vst v41  }
0x5b: {  	v62 =	vmul.f32 v38, v18;
	v36 =	vmax.f32 v36, $0.0e+00;
	v35 =	vmul.f32 v35, v25;
	[tilespmem:s24+$0x0] =	vst v33;
	v33 =	vld [tilespmem:s24+$0x420]  }
0x5c: {  	v43 =	vmul.f32 v39, v16;
	v37 =	vmax.f32 v37, $0.0e+00;
	v36 =	vmul.f32 v36, v23;
	[tilespmem:s24+$0x10] =	vst v34;
	v34 =	vld [tilespmem:s24+$0x430]  }
0x5d: {  	s31 =	simm.s32 $0x200;
	s25 =	simm.s32 $0x80;
	v63 =	vmax.f32 v62, $0.0e+00;
	v38 =	vmul.f32 v37, v21;
	v37 =	vmul.f32 v40, v13;
	[tilespmem:s24+$0x20] =	vst v35;
	v35 =	vld [tilespmem:s24+$0x440]  }
0x5e: {  	s26 =	simm.s32 $0x400;
	s28 =	sand.u32 $0x380, s25;
	s3 =	sand.u32 $0xF000, s31;
	v39 =	vmul.f32 v63, v19;
	v40 =	vmul.f32 v42, v11;
	[tilespmem:s24+$0x30] =	vst v36;
	v41 =	vmax.f32 v43, $0.0e+00;
	v36 =	vld [tilespmem:s24+$0x450]  }
.LBB2_3:
0x5f: {  	p1 =	sne.s32 s26, $0x9E00;
	s28 =	sor.u32 s28, s3;
	[tilespmem:s24+$0x40] =	vst v38;
	v38 =	vmul.f32 v41, v17;
	v37 =	vmax.f32 v37, $0.0e+00;
	v32 =	vmul.f32 v32, v9;
	v41 =	vld [tilespmem:s24+$0x460]  }
0x60: {  	v42 =	vld [tilespmem:s28+$0x470];
	[tilespmem:s24+$0x50] =	vst v39;
	v37 =	vmul.f32 v37, v15;
	v39 =	vmax.f32 v40, $0.0e+00;
	v33 =	vmul.f32 v33, v6  }
0x61: {  	v40 =	vld [tilespmem:s28+$0x0];
	[tilespmem:s24+$0x60] =	vst v38;
	v38 =	vmul.f32 v39, v14;
	v32 =	vmax.f32 v32, $0.0e+00;
	v34 =	vmul.f32 v34, v3  }
0x62: {  	v39 =	vld [tilespmem:s28+$0x10];
	[tilespmem:s24+$0x70] =	vst v37;
	v32 =	vmul.f32 v32, v12;
	v33 =	vmax.f32 v33, $0.0e+00;
	v35 =	vmul.f32 v35, v2  }
0x63: {  	v37 =	vld [tilespmem:s28+$0x20];
	[tilespmem:s24+$0x400] =	vst v38;
	v33 =	vmul.f32 v33, v10;
	v34 =	vmax.f32 v34, $0.0e+00;
	v36 =	vmul.f32 v36, v1  }
0x64: {  	v38 =	vld [tilespmem:s28+$0x30];
	[tilespmem:s24+$0x410] =	vst v32;
	v32 =	vmul.f32 v34, v8;
	v34 =	vmax.f32 v35, $0.0e+00;
	v35 =	vmul.f32 v41, v0  }
0x65: {  	v41 =	vld [tilespmem:s28+$0x40];
	v42 =	vmul.f32 v42, v30;
	[tilespmem:s24+$0x420] =	vst v33;
	v33 =	vmul.f32 v34, v7;
	v34 =	vmax.f32 v36, $0.0e+00  }
0x66: {  	v36 =	vmul.f32 v40, v28;
	v40 =	vld [tilespmem:s28+$0x50];
	[tilespmem:s24+$0x430] =	vst v32;
	v32 =	vmul.f32 v34, v5;
	v34 =	vmax.f32 v35, $0.0e+00  }
0x67: {  	v35 =	vmul.f32 v39, v26;
	v39 =	vld [tilespmem:s28+$0x60];
	v42 =	vmax.f32 v42, $0.0e+00;
	[tilespmem:s24+$0x440] =	vst v33;
	v33 =	vmul.f32 v34, v4  }
0x68: {  	v34 =	vmax.f32 v36, $0.0e+00;
	v36 =	vmul.f32 v37, v24;
	v37 =	vld [tilespmem:s28+$0x70];
	v42 =	vmul.f32 v42, v31;
	[tilespmem:s24+$0x450] =	vst v32  }
0x69: {  	v34 =	vmul.f32 v34, v29;
	v32 =	vmax.f32 v35, $0.0e+00;
	v35 =	vmul.f32 v38, v22;
	v43 =	vld [tilespmem:s28+$0x400];
	[tilespmem:s24+$0x460] =	vst v33;
	s24 =	smov.u32 s28  }
.Ltmp5:
0x6a: {  	v38 =	vmul.f32 v32, v27;
	v33 =	vmax.f32 v36, $0.0e+00;
	v36 =	vmul.f32 v41, v20;
	v32 =	vld [tilespmem:s24+$0x410];
	[tilespmem:s24+$0x470] =	vst v42;
	(pc) =	sbr.rel @p1 .LBB2_3-.Ltmp5, $4  }
0x6b: {  	[tilespmem:s24+$0x0] =	vst v34;
	v41 =	vmul.f32 v33, v25;
	v34 =	vmax.f32 v35, $0.0e+00;
	v35 =	vmul.f32 v40, v18;
	v33 =	vld [tilespmem:s24+$0x420]  }
0x6c: {  	[tilespmem:s24+$0x10] =	vst v38;
	v40 =	vmul.f32 v34, v23;
	v36 =	vmax.f32 v36, $0.0e+00;
	v42 =	vmul.f32 v39, v16;
	v34 =	vld [tilespmem:s24+$0x430]  }
0x6d: {  	s25 =	sadd.s32 $0x80, s25;
	[tilespmem:s24+$0x20] =	vst v41;
	v38 =	vmul.f32 v36, v21;
	v36 =	vmax.f32 v35, $0.0e+00;
	v37 =	vmul.f32 v37, v13;
	v35 =	vld [tilespmem:s24+$0x440]  }
0x6e: {  	s3 =	sand.u32 $0xF000, s26;
	s26 =	sadd.s32 $0x200, s26;
	s28 =	sand.u32 $0x380, s25;
	[tilespmem:s24+$0x30] =	vst v40;
	v39 =	vmul.f32 v36, v19;
	v41 =	vmax.f32 v42, $0.0e+00;
	v40 =	vmul.f32 v43, v11;
	v36 =	vld [tilespmem:s24+$0x450]  }
0x6f: {  	[tilespmem:s24+$0x40] =	vst v38;
	s25 =	sor.u32 s28, s3;
	v53 =	vmul.f32 v41, v17;
	v37 =	vmax.f32 v37, $0.0e+00;
	v32 =	vmul.f32 v32, v9;
	v54 =	vld [tilespmem:s24+$0x460]  }
0x70: {  	v42 =	vld [tilespmem:s25+$0x470];
	[tilespmem:s24+$0x50] =	vst v39;
	v37 =	vmul.f32 v37, v15;
	v55 =	vmax.f32 v40, $0.0e+00;
	v33 =	vmul.f32 v33, v6  }
0x71: {  	v56 =	vld [tilespmem:s25+$0x0];
	[tilespmem:s24+$0x60] =	vst v53;
	v57 =	vmul.f32 v55, v14;
	v32 =	vmax.f32 v32, $0.0e+00;
	v34 =	vmul.f32 v34, v3  }
0x72: {  	v58 =	vld [tilespmem:s25+$0x10];
	[tilespmem:s24+$0x70] =	vst v37;
	v32 =	vmul.f32 v32, v12;
	v33 =	vmax.f32 v33, $0.0e+00;
	v35 =	vmul.f32 v35, v2  }
0x73: {  	v59 =	vld [tilespmem:s25+$0x20];
	[tilespmem:s24+$0x400] =	vst v57;
	v33 =	vmul.f32 v33, v10;
	v34 =	vmax.f32 v34, $0.0e+00;
	v36 =	vmul.f32 v36, v1  }
0x74: {  	v60 =	vld [tilespmem:s25+$0x30];
	[tilespmem:s24+$0x410] =	vst v32;
	v61 =	vmul.f32 v34, v8;
	v62 =	vmax.f32 v35, $0.0e+00;
	v63 =	vmul.f32 v54, v0  }
0x75: {  	v44 =	vld [tilespmem:s25+$0x40];
	v30 =	vmul.f32 v42, v30;
	[tilespmem:s24+$0x420] =	vst v33;
	v45 =	vmul.f32 v62, v7;
	v46 =	vmax.f32 v36, $0.0e+00  }
0x76: {  	v47 =	vld [tilespmem:s25+$0x50];
	v28 =	vmul.f32 v56, v28;
	[tilespmem:s24+$0x430] =	vst v61;
	v48 =	vmul.f32 v46, v5;
	v49 =	vmax.f32 v63, $0.0e+00  }
0x77: {  	v50 =	vld [tilespmem:s25+$0x60];
	v26 =	vmul.f32 v58, v26;
	v30 =	vmax.f32 v30, $0.0e+00;
	[tilespmem:s24+$0x440] =	vst v45;
	v51 =	vmul.f32 v49, v4  }
0x78: {  	v52 =	vld [tilespmem:s25+$0x70];
	v24 =	vmul.f32 v59, v24;
	v28 =	vmax.f32 v28, $0.0e+00;
	v30 =	vmul.f32 v30, v31;
	[tilespmem:s24+$0x450] =	vst v48  }
0x79: {  	v22 =	vmul.f32 v60, v22;
	v26 =	vmax.f32 v26, $0.0e+00;
	v28 =	vmul.f32 v28, v29;
	v29 =	vld [tilespmem:s25+$0x400];
	[tilespmem:s24+$0x460] =	vst v51  }
0x7a: {  	v20 =	vmul.f32 v44, v20;
	v24 =	vmax.f32 v24, $0.0e+00;
	v26 =	vmul.f32 v26, v27;
	v27 =	vld [tilespmem:s25+$0x410];
	[tilespmem:s25+$0x470] =	vst v30  }
0x7b: {  	v18 =	vmul.f32 v47, v18;
	v22 =	vmax.f32 v22, $0.0e+00;
	v24 =	vmul.f32 v24, v25;
	v25 =	vld [tilespmem:s25+$0x420];
	[tilespmem:s25+$0x0] =	vst v28  }
0x7c: {  	v16 =	vmul.f32 v50, v16;
	v20 =	vmax.f32 v20, $0.0e+00;
	v22 =	vmul.f32 v22, v23;
	v23 =	vld [tilespmem:s25+$0x430];
	[tilespmem:s25+$0x10] =	vst v26  }
0x7d: {  	v13 =	vmul.f32 v52, v13;
	v18 =	vmax.f32 v18, $0.0e+00;
	v20 =	vmul.f32 v20, v21;
	v21 =	vld [tilespmem:s25+$0x440];
	[tilespmem:s25+$0x20] =	vst v24  }
0x7e: {  	v16 =	vmax.f32 v16, $0.0e+00;
	v18 =	vmul.f32 v18, v19;
	v19 =	vld [tilespmem:s25+$0x450];
	[tilespmem:s25+$0x30] =	vst v22;
	v11 =	vmul.f32 v29, v11  }
0x7f: {  	v13 =	vmax.f32 v13, $0.0e+00;
	v16 =	vmul.f32 v16, v17;
	v17 =	vld [tilespmem:s25+$0x460];
	[tilespmem:s25+$0x40] =	vst v20;
	v9 =	vmul.f32 v27, v9  }
0x80: {  	v13 =	vmul.f32 v13, v15;
	[tilespmem:s25+$0x50] =	vst v18;
	v6 =	vmul.f32 v25, v6;
	v11 =	vmax.f32 v11, $0.0e+00  }
0x81: {  	[tilespmem:s25+$0x60] =	vst v16;
	v3 =	vmul.f32 v23, v3;
	v9 =	vmax.f32 v9, $0.0e+00;
	v11 =	vmul.f32 v11, v14  }
0x82: {  	[tilespmem:s25+$0x70] =	vst v13;
	v2 =	vmul.f32 v21, v2;
	v6 =	vmax.f32 v6, $0.0e+00;
	v9 =	vmul.f32 v9, v12  }
0x83: {  	v1 =	vmul.f32 v19, v1;
	v3 =	vmax.f32 v3, $0.0e+00;
	v6 =	vmul.f32 v6, v10;
	[tilespmem:s25+$0x400] =	vst v11  }
0x84: {  	v0 =	vmul.f32 v17, v0;
	v2 =	vmax.f32 v2, $0.0e+00;
	v3 =	vmul.f32 v3, v8;
	[tilespmem:s25+$0x410] =	vst v9  }
0x85: {  	v1 =	vmax.f32 v1, $0.0e+00;
	v2 =	vmul.f32 v2, v7;
	[tilespmem:s25+$0x420] =	vst v6  }
0x86: {  	v0 =	vmax.f32 v0, $0.0e+00;
	v1 =	vmul.f32 v1, v5;
	[tilespmem:s25+$0x430] =	vst v3  }
0x87: {  	v0 =	vmul.f32 v0, v4;
	[tilespmem:s25+$0x440] =	vst v2  }
0x88: {  	[tilespmem:s25+$0x450] =	vst v1  }
0x89: {  	[tilespmem:s25+$0x460] =	vst v0  }
0x8a: {  	v28 =	vld [tilespmem:$0x1E100]  }
0x8b: {  	v26 =	vld [tilespmem:$0x1E110]  }
0x8c: {  	v24 =	vld [tilespmem:$0x1E120]  }
0x8d: {  	v22 =	vld [tilespmem:$0x1E130]  }
0x8e: {  	v20 =	vld [tilespmem:$0x1E140]  }
0x8f: {  	v18 =	vld [tilespmem:$0x1E150]  }
0x90: {  	v16 =	vld [tilespmem:$0x1E160]  }
0x91: {  	v13 =	vld [tilespmem:$0x1E170]  }
0x92: {  	v11 =	vld [tilespmem:$0x1E180]  }
0x93: {  	v9 =	vld [tilespmem:$0x1E190]  }
0x94: {  	v7 =	vld [tilespmem:$0x1E1A0]  }
0x95: {  	v4 =	vld [tilespmem:$0x1E1B0]  }
0x96: {  	v2 =	vld [tilespmem:$0x1E1C0]  }
0x97: {  	v1 =	vld [tilespmem:$0x1E1D0]  }
0x98: {  	v0 =	vld [tilespmem:$0x1E1E0]  }
0x99: {  	v30 =	vld [tilespmem:$0x1E1F0]  }
0x9a: {  	v29 =	vld [tilespmem:$0x1E300]  }
0x9b: {  	v27 =	vld [tilespmem:$0x1E310]  }
0x9c: {  	v25 =	vld [tilespmem:$0x1E320]  }
0x9d: {  	v23 =	vld [tilespmem:$0x1E330]  }
0x9e: {  	v21 =	vld [tilespmem:$0x1E340]  }
0x9f: {  	v19 =	vld [tilespmem:$0x1E350]  }
0xa0: {  	v17 =	vld [tilespmem:$0x1E360]  }
0xa1: {  	v15 =	vld [tilespmem:$0x1E370]  }
0xa2: {  	v14 =	vld [tilespmem:$0x1E380]  }
0xa3: {  	v12 =	vld [tilespmem:$0x1E390]  }
0xa4: {  	v10 =	vld [tilespmem:$0x1E3A0]  }
0xa5: {  	v8 =	vld [tilespmem:$0x1E3B0]  }
0xa6: {  	v6 =	vld [tilespmem:$0x1E3C0]  }
0xa7: {  	s29 =	simm.s32 $0x0;
	v5 =	vld [tilespmem:$0x1E3D0]  }
0xa8: {  	s30 =	sand.u32 $0xF000, s29;
	s3 =	sand.u32 $0x380, s29;
	v3 =	vld [tilespmem:$0x1E3E0]  }
0xa9: {  	s24 =	sor.u32 s3, s30;
	v31 =	vld [tilespmem:$0x1E3F0]  }
0xaa: {  	v32 =	vld [tilespmem:s24+$0xC70]  }
0xab: {  	v33 =	vld [tilespmem:s24+$0x800]  }
0xac: {  	v53 =	vld [tilespmem:s24+$0x810]  }
0xad: {  	v54 =	vld [tilespmem:s24+$0x820]  }
0xae: {  	v55 =	vld [tilespmem:s24+$0x830]  }
0xaf: {  	v56 =	vld [tilespmem:s24+$0x840];
	v32 =	vmul.f32 v32, v30  }
0xb0: {  	v57 =	vld [tilespmem:s24+$0x850];
	v33 =	vmul.f32 v33, v28  }
0xb1: {  	v58 =	vld [tilespmem:s24+$0x860];
	v34 =	vmul.f32 v53, v26;
	v32 =	vmax.f32 v32, $0.0e+00  }
0xb2: {  	v59 =	vld [tilespmem:s24+$0x870];
	v35 =	vmul.f32 v54, v24;
	v33 =	vmax.f32 v33, $0.0e+00;
	v60 =	vmul.f32 v32, v31  }
0xb3: {  	v61 =	vld [tilespmem:s24+$0xC00];
	v36 =	vmul.f32 v55, v22;
	v34 =	vmax.f32 v34, $0.0e+00;
	v33 =	vmul.f32 v33, v29  }
0xb4: {  	v37 =	vmul.f32 v56, v20;
	v35 =	vmax.f32 v35, $0.0e+00;
	v32 =	vld [tilespmem:s24+$0xC10];
	v34 =	vmul.f32 v34, v27;
	[tilespmem:s24+$0xC70] =	vst v60  }
0xb5: {  	v62 =	vmul.f32 v57, v18;
	v36 =	vmax.f32 v36, $0.0e+00;
	v35 =	vmul.f32 v35, v25;
	[tilespmem:s24+$0x800] =	vst v33;
	v33 =	vld [tilespmem:s24+$0xC20]  }
0xb6: {  	v43 =	vmul.f32 v58, v16;
	v37 =	vmax.f32 v37, $0.0e+00;
	v36 =	vmul.f32 v36, v23;
	[tilespmem:s24+$0x810] =	vst v34;
	v34 =	vld [tilespmem:s24+$0xC30]  }
0xb7: {  	s31 =	simm.s32 $0x200;
	s25 =	simm.s32 $0x80;
	v63 =	vmax.f32 v62, $0.0e+00;
	v38 =	vmul.f32 v37, v21;
	v37 =	vmul.f32 v59, v13;
	[tilespmem:s24+$0x820] =	vst v35;
	v35 =	vld [tilespmem:s24+$0xC40]  }
0xb8: {  	s26 =	simm.s32 $0x400;
	s3 =	sand.u32 $0xF000, s31;
	s28 =	sand.u32 $0x380, s25;
	v40 =	vmul.f32 v61, v11;
	v41 =	vmax.f32 v43, $0.0e+00;
	v39 =	vmul.f32 v63, v19;
	[tilespmem:s24+$0x830] =	vst v36;
	v36 =	vld [tilespmem:s24+$0xC50]  }
.LBB2_5:
0xb9: {  	p1 =	sne.s32 s26, $0x9E00;
	s28 =	sor.u32 s28, s3;
	[tilespmem:s24+$0x840] =	vst v38;
	v38 =	vmul.f32 v41, v17;
	v37 =	vmax.f32 v37, $0.0e+00;
	v32 =	vmul.f32 v32, v9;
	v41 =	vld [tilespmem:s24+$0xC60]  }
0xba: {  	v42 =	vld [tilespmem:s28+$0xC70];
	[tilespmem:s24+$0x850] =	vst v39;
	v37 =	vmul.f32 v37, v15;
	v39 =	vmax.f32 v40, $0.0e+00;
	v33 =	vmul.f32 v33, v7  }
0xbb: {  	v40 =	vld [tilespmem:s28+$0x800];
	[tilespmem:s24+$0x860] =	vst v38;
	v38 =	vmul.f32 v39, v14;
	v32 =	vmax.f32 v32, $0.0e+00;
	v34 =	vmul.f32 v34, v4  }
0xbc: {  	v39 =	vld [tilespmem:s28+$0x810];
	[tilespmem:s24+$0x870] =	vst v37;
	v32 =	vmul.f32 v32, v12;
	v33 =	vmax.f32 v33, $0.0e+00;
	v35 =	vmul.f32 v35, v2  }
0xbd: {  	v37 =	vld [tilespmem:s28+$0x820];
	[tilespmem:s24+$0xC00] =	vst v38;
	v33 =	vmul.f32 v33, v10;
	v34 =	vmax.f32 v34, $0.0e+00;
	v36 =	vmul.f32 v36, v1  }
0xbe: {  	v38 =	vld [tilespmem:s28+$0x830];
	[tilespmem:s24+$0xC10] =	vst v32;
	v32 =	vmul.f32 v34, v8;
	v34 =	vmax.f32 v35, $0.0e+00;
	v35 =	vmul.f32 v41, v0  }
0xbf: {  	v41 =	vld [tilespmem:s28+$0x840];
	v42 =	vmul.f32 v42, v30;
	[tilespmem:s24+$0xC20] =	vst v33;
	v33 =	vmul.f32 v34, v6;
	v34 =	vmax.f32 v36, $0.0e+00  }
0xc0: {  	v36 =	vmul.f32 v40, v28;
	v40 =	vld [tilespmem:s28+$0x850];
	[tilespmem:s24+$0xC30] =	vst v32;
	v32 =	vmul.f32 v34, v5;
	v34 =	vmax.f32 v35, $0.0e+00  }
0xc1: {  	v35 =	vmul.f32 v39, v26;
	v39 =	vld [tilespmem:s28+$0x860];
	v42 =	vmax.f32 v42, $0.0e+00;
	[tilespmem:s24+$0xC40] =	vst v33;
	v33 =	vmul.f32 v34, v3  }
0xc2: {  	v34 =	vmax.f32 v36, $0.0e+00;
	v36 =	vmul.f32 v37, v24;
	v37 =	vld [tilespmem:s28+$0x870];
	v42 =	vmul.f32 v42, v31;
	[tilespmem:s24+$0xC50] =	vst v32  }
0xc3: {  	v34 =	vmul.f32 v34, v29;
	v32 =	vmax.f32 v35, $0.0e+00;
	v35 =	vmul.f32 v38, v22;
	v43 =	vld [tilespmem:s28+$0xC00];
	[tilespmem:s24+$0xC60] =	vst v33;
	s24 =	smov.u32 s28  }
.Ltmp6:
0xc4: {  	v38 =	vmul.f32 v32, v27;
	v33 =	vmax.f32 v36, $0.0e+00;
	v36 =	vmul.f32 v41, v20;
	v32 =	vld [tilespmem:s24+$0xC10];
	[tilespmem:s24+$0xC70] =	vst v42;
	(pc) =	sbr.rel @p1 .LBB2_5-.Ltmp6, $4  }
0xc5: {  	[tilespmem:s24+$0x800] =	vst v34;
	v41 =	vmul.f32 v33, v25;
	v34 =	vmax.f32 v35, $0.0e+00;
	v35 =	vmul.f32 v40, v18;
	v33 =	vld [tilespmem:s24+$0xC20]  }
0xc6: {  	[tilespmem:s24+$0x810] =	vst v38;
	v40 =	vmul.f32 v34, v23;
	v36 =	vmax.f32 v36, $0.0e+00;
	v42 =	vmul.f32 v39, v16;
	v34 =	vld [tilespmem:s24+$0xC30]  }
0xc7: {  	s25 =	sadd.s32 $0x80, s25;
	[tilespmem:s24+$0x820] =	vst v41;
	v38 =	vmul.f32 v36, v21;
	v36 =	vmax.f32 v35, $0.0e+00;
	v37 =	vmul.f32 v37, v13;
	v35 =	vld [tilespmem:s24+$0xC40]  }
0xc8: {  	s3 =	sand.u32 $0xF000, s26;
	s26 =	sadd.s32 $0x200, s26;
	s28 =	sand.u32 $0x380, s25;
	[tilespmem:s24+$0x830] =	vst v40;
	v39 =	vmul.f32 v36, v19;
	v41 =	vmax.f32 v42, $0.0e+00;
	v40 =	vmul.f32 v43, v11;
	v36 =	vld [tilespmem:s24+$0xC50]  }
0xc9: {  	[tilespmem:s24+$0x840] =	vst v38;
	s25 =	sor.u32 s28, s3;
	v52 =	vmul.f32 v41, v17;
	v37 =	vmax.f32 v37, $0.0e+00;
	v32 =	vmul.f32 v32, v9;
	v53 =	vld [tilespmem:s24+$0xC60]  }
0xca: {  	v42 =	vld [tilespmem:s25+$0xC70];
	[tilespmem:s24+$0x850] =	vst v39;
	v37 =	vmul.f32 v37, v15;
	v54 =	vmax.f32 v40, $0.0e+00;
	v33 =	vmul.f32 v33, v7  }
0xcb: {  	v55 =	vld [tilespmem:s25+$0x800];
	[tilespmem:s24+$0x860] =	vst v52;
	v56 =	vmul.f32 v54, v14;
	v32 =	vmax.f32 v32, $0.0e+00;
	v34 =	vmul.f32 v34, v4  }
0xcc: {  	v57 =	vld [tilespmem:s25+$0x810];
	[tilespmem:s24+$0x870] =	vst v37;
	v32 =	vmul.f32 v32, v12;
	v33 =	vmax.f32 v33, $0.0e+00;
	v35 =	vmul.f32 v35, v2  }
0xcd: {  	v58 =	vld [tilespmem:s25+$0x820];
	[tilespmem:s24+$0xC00] =	vst v56;
	v33 =	vmul.f32 v33, v10;
	v34 =	vmax.f32 v34, $0.0e+00;
	v36 =	vmul.f32 v36, v1  }
0xce: {  	v59 =	vld [tilespmem:s25+$0x830];
	[tilespmem:s24+$0xC10] =	vst v32;
	v60 =	vmul.f32 v34, v8;
	v61 =	vmax.f32 v35, $0.0e+00;
	v62 =	vmul.f32 v53, v0  }
0xcf: {  	v63 =	vld [tilespmem:s25+$0x840];
	v30 =	vmul.f32 v42, v30;
	[tilespmem:s24+$0xC20] =	vst v33;
	v43 =	vmul.f32 v61, v6;
	v44 =	vmax.f32 v36, $0.0e+00  }
0xd0: {  	v45 =	vld [tilespmem:s25+$0x850];
	v28 =	vmul.f32 v55, v28;
	[tilespmem:s24+$0xC30] =	vst v60;
	v46 =	vmul.f32 v44, v5;
	v47 =	vmax.f32 v62, $0.0e+00  }
0xd1: {  	v48 =	vld [tilespmem:s25+$0x860];
	v26 =	vmul.f32 v57, v26;
	v30 =	vmax.f32 v30, $0.0e+00;
	[tilespmem:s24+$0xC40] =	vst v43;
	v49 =	vmul.f32 v47, v3  }
0xd2: {  	v50 =	vld [tilespmem:s25+$0x870];
	v24 =	vmul.f32 v58, v24;
	v28 =	vmax.f32 v28, $0.0e+00;
	v30 =	vmul.f32 v30, v31;
	[tilespmem:s24+$0xC50] =	vst v46  }
0xd3: {  	v51 =	vld [tilespmem:s25+$0xC00];
	v22 =	vmul.f32 v59, v22;
	v26 =	vmax.f32 v26, $0.0e+00;
	v28 =	vmul.f32 v28, v29;
	[tilespmem:s24+$0xC60] =	vst v49  }
0xd4: {  	v52 =	vld [tilespmem:s25+$0xC10];
	v20 =	vmul.f32 v63, v20;
	v24 =	vmax.f32 v24, $0.0e+00;
	v26 =	vmul.f32 v26, v27;
	[tilespmem:s25+$0xC70] =	vst v30  }
0xd5: {  	v54 =	vld [tilespmem:s25+$0xC30];
	v18 =	vmul.f32 v45, v18;
	v22 =	vmax.f32 v22, $0.0e+00;
	v24 =	vmul.f32 v24, v25;
	[tilespmem:s25+$0x800] =	vst v28  }
0xd6: {  	v56 =	vld [tilespmem:s25+$0xC50];
	v16 =	vmul.f32 v48, v16;
	v20 =	vmax.f32 v20, $0.0e+00;
	v22 =	vmul.f32 v22, v23;
	[tilespmem:s25+$0x810] =	vst v26  }
0xd7: {  	v53 =	vld [tilespmem:s25+$0xC20];
	v13 =	vmul.f32 v50, v13;
	v18 =	vmax.f32 v18, $0.0e+00;
	v20 =	vmul.f32 v20, v21;
	[tilespmem:s25+$0x820] =	vst v24  }
0xd8: {  	v55 =	vld [tilespmem:s25+$0xC40];
	v11 =	vmul.f32 v51, v11;
	v16 =	vmax.f32 v16, $0.0e+00;
	v18 =	vmul.f32 v18, v19;
	[tilespmem:s25+$0x830] =	vst v22  }
0xd9: {  	v58 =	vld [tilespmem:s25+$0xC60];
	v57 =	vmul.f32 v52, v9;
	v13 =	vmax.f32 v13, $0.0e+00;
	v16 =	vmul.f32 v16, v17;
	[tilespmem:s25+$0x840] =	vst v20  }
0xda: {  	v60 =	vmul.f32 v54, v4;
	v11 =	vmax.f32 v11, $0.0e+00;
	v13 =	vmul.f32 v13, v15;
	[tilespmem:s25+$0x850] =	vst v18  }
0xdb: {  	v11 =	vmul.f32 v11, v14;
	v9 =	vmax.f32 v57, $0.0e+00;
	v62 =	vmul.f32 v56, v1;
	[tilespmem:s25+$0x860] =	vst v16  }
0xdc: {  	v4 =	vmax.f32 v60, $0.0e+00;
	v59 =	vmul.f32 v53, v7;
	v9 =	vmul.f32 v9, v12;
	[tilespmem:s25+$0x870] =	vst v13  }
0xdd: {  	v4 =	vmul.f32 v4, v8;
	v61 =	vmul.f32 v55, v2;
	[tilespmem:s25+$0xC00] =	vst v11;
	v1 =	vmax.f32 v62, $0.0e+00  }
0xde: {  	s24 =	smul.u32 $0x3, s23;
	v63 =	vmul.f32 v58, v0;
	v7 =	vmax.f32 v59, $0.0e+00;
	[tilespmem:s25+$0xC10] =	vst v9;
	v1 =	vmul.f32 v1, v5  }
0xdf: {  	[tilespmem:s25+$0xC30] =	vst v4;
	v7 =	vmul.f32 v7, v10;
	v2 =	vmax.f32 v61, $0.0e+00  }
0xe0: {  	s28 =	sadd.s32 s7, s24;
	v0 =	vmax.f32 v63, $0.0e+00;
	v2 =	vmul.f32 v2, v6;
	[tilespmem:s25+$0xC50] =	vst v1  }
0xe1: {  	s3 =	smul.u32 $0x1400, s28;
	v0 =	vmul.f32 v0, v3;
	[tilespmem:s25+$0xC20] =	vst v7  }
0xe2: {  	s29 =	sadd.s32 $0xFFFFFFFF, s24;
	[tilespmem:s25+$0xC40] =	vst v2  }
0xe3: {  	s30 =	sadd.s32 s7, s29;
	s3 =	sadd.s32 s5, s3;
	[tilespmem:s25+$0xC60] =	vst v0  }
0xe4: {  	[hbm4b:s3+s6] =	stream.linear.scatter [tilespmem:s6], [sflag:$0x4], $0xA000, $0x38;
	[tilespmem:$0x1E400] =	vst v63  }
0xe5: {  	s3 =	sor.u32 s29, s30  }
0xe6: {  	s31 =	sadd.s32 $0x2, s24;
	p1 =	slt.s32 s3, $0x0  }
0xe7: {  	p2 =	seq.s32 s31, $0x13;
	s3 =	simm.s32 @!p1 $0x6  }
0xe8: {  	s26 =	sadd.s32 s7, s31;
	p3 =	por !p0, !p2;
	_ =	swait.ge @!p1 [sflag:s3], $0xA000  }
0xe9: {  	p2 =	sne.s32 s23, $0x6;
	p3 =	por !p3, !p3;
	[sflag:s3] =	ssyncset.done @!p1 $0x0  }
0xea: {  	s25 =	smov.u32 s10;
	[sflag:s3] =	ssyncadd.s32 @!p1 $0xFFFF6000;
	p1 =	por p0, p2  }
.Ltmp7:
0xeb: {  	p3 =	por p2, p3;
	s25 =	smov.u32 @p2 s26;
	(pc) =	sbr.rel @!p1 .LBB2_12-.Ltmp7, $3  }
0xec: {  	s26 =	smul.u32 @p3 $0x1400, s25;
	_ =	sdelay $0x1  }
0xed: {  	s28 =	simm.s32 @p3 $0x14000;
	s3 =	sadd.s32 @p3 s1, s26;
	s26 =	simm.s32 @p3 $0x0  }
0xee: {  	[tilespmem:s28], [sflag:$0x3] =	stream.linear.gather @p3 [hbm4b:s3+s26], $0xA000, $0x38;
	[tilespmem:$0x1E400] =	vst v63  }
0xef: {  	_ =	swait.ge [sflag:s18], $0xA000  }
0xf0: {  	[sflag:s18] =	ssyncset.done $0x0  }
0xf1: {  	[sflag:s18] =	ssyncadd.s32 $0xFFFF6000  }
0xf2: {  	v28 =	vld [tilespmem:$0x1E000]  }
0xf3: {  	v26 =	vld [tilespmem:$0x1E010]  }
0xf4: {  	v24 =	vld [tilespmem:$0x1E020]  }
0xf5: {  	v22 =	vld [tilespmem:$0x1E030]  }
0xf6: {  	v20 =	vld [tilespmem:$0x1E040]  }
0xf7: {  	v18 =	vld [tilespmem:$0x1E050]  }
0xf8: {  	v16 =	vld [tilespmem:$0x1E060]  }
0xf9: {  	v13 =	vld [tilespmem:$0x1E070]  }
0xfa: {  	v11 =	vld [tilespmem:$0x1E080]  }
0xfb: {  	v9 =	vld [tilespmem:$0x1E090]  }
0xfc: {  	v6 =	vld [tilespmem:$0x1E0A0]  }
0xfd: {  	v3 =	vld [tilespmem:$0x1E0B0]  }
0xfe: {  	v2 =	vld [tilespmem:$0x1E0C0]  }
0xff: {  	v1 =	vld [tilespmem:$0x1E0D0]  }
0x100: {  	v0 =	vld [tilespmem:$0x1E0E0]  }
0x101: {  	v30 =	vld [tilespmem:$0x1E0F0]  }
0x102: {  	v29 =	vld [tilespmem:$0x1E200]  }
0x103: {  	v27 =	vld [tilespmem:$0x1E210]  }
0x104: {  	v25 =	vld [tilespmem:$0x1E220]  }
0x105: {  	v23 =	vld [tilespmem:$0x1E230]  }
0x106: {  	v21 =	vld [tilespmem:$0x1E240]  }
0x107: {  	v19 =	vld [tilespmem:$0x1E250]  }
0x108: {  	v17 =	vld [tilespmem:$0x1E260]  }
0x109: {  	v15 =	vld [tilespmem:$0x1E270]  }
0x10a: {  	v14 =	vld [tilespmem:$0x1E280]  }
0x10b: {  	v12 =	vld [tilespmem:$0x1E290]  }
0x10c: {  	v10 =	vld [tilespmem:$0x1E2A0]  }
0x10d: {  	v8 =	vld [tilespmem:$0x1E2B0]  }
0x10e: {  	v7 =	vld [tilespmem:$0x1E2C0]  }
0x10f: {  	s3 =	simm.s32 $0x0;
	v5 =	vld [tilespmem:$0x1E2D0]  }
0x110: {  	s26 =	sand.u32 $0xF000, s3;
	s3 =	sand.u32 $0x380, s3;
	v4 =	vld [tilespmem:$0x1E2E0]  }
0x111: {  	s28 =	sor.u32 s3, s26;
	v31 =	vld [tilespmem:$0x1E2F0]  }
0x112: {  	v32 =	vld [tilespmem:s28+$0xA470]  }
0x113: {  	v33 =	vld [tilespmem:s28+$0xA000]  }
0x114: {  	v34 =	vld [tilespmem:s28+$0xA010]  }
0x115: {  	v35 =	vld [tilespmem:s28+$0xA020]  }
0x116: {  	v36 =	vld [tilespmem:s28+$0xA030]  }
0x117: {  	v37 =	vld [tilespmem:s28+$0xA040];
	v32 =	vmul.f32 v32, v30  }
0x118: {  	v38 =	vld [tilespmem:s28+$0xA050];
	v33 =	vmul.f32 v33, v28  }
0x119: {  	v39 =	vld [tilespmem:s28+$0xA060];
	v34 =	vmul.f32 v34, v26;
	v32 =	vmax.f32 v32, $0.0e+00  }
0x11a: {  	v40 =	vld [tilespmem:s28+$0xA070];
	v35 =	vmul.f32 v35, v24;
	v33 =	vmax.f32 v33, $0.0e+00;
	v41 =	vmul.f32 v32, v31  }
0x11b: {  	v42 =	vld [tilespmem:s28+$0xA400];
	v36 =	vmul.f32 v36, v22;
	v34 =	vmax.f32 v34, $0.0e+00;
	v33 =	vmul.f32 v33, v29  }
0x11c: {  	v37 =	vmul.f32 v37, v20;
	v35 =	vmax.f32 v35, $0.0e+00;
	v32 =	vld [tilespmem:s28+$0xA410];
	v34 =	vmul.f32 v34, v27;
	[tilespmem:s28+$0xA470] =	vst v41  }
0x11d: {  	v62 =	vmul.f32 v38, v18;
	v36 =	vmax.f32 v36, $0.0e+00;
	v35 =	vmul.f32 v35, v25;
	[tilespmem:s28+$0xA000] =	vst v33;
	v33 =	vld [tilespmem:s28+$0xA420]  }
0x11e: {  	s3 =	sadd.s32 s24, s11;
	s26 =	smov.u32 s10;
	v43 =	vmul.f32 v39, v16;
	v37 =	vmax.f32 v37, $0.0e+00;
	v36 =	vmul.f32 v36, v23;
	[tilespmem:s28+$0xA010] =	vst v34;
	v34 =	vld [tilespmem:s28+$0xA430]  }
0x11f: {  	s29 =	simm.s32 $0x80;
	s26 =	smov.u32 @p2 s3;
	s3 =	simm.s32 $0x200;
	v63 =	vmax.f32 v62, $0.0e+00;
	v38 =	vmul.f32 v37, v21;
	v37 =	vmul.f32 v40, v13;
	[tilespmem:s28+$0xA020] =	vst v35;
	v35 =	vld [tilespmem:s28+$0xA440]  }
0x120: {  	s30 =	simm.s32 $0x400;
	s31 =	sand.u32 $0x380, s29;
	s3 =	sand.u32 $0xF000, s3;
	v39 =	vmul.f32 v63, v19;
	v40 =	vmul.f32 v42, v11;
	[tilespmem:s28+$0xA030] =	vst v36;
	v41 =	vmax.f32 v43, $0.0e+00;
	v36 =	vld [tilespmem:s28+$0xA450]  }
.LBB2_8:
0x121: {  	p4 =	sne.s32 s30, $0x9E00;
	s31 =	sor.u32 s31, s3;
	[tilespmem:s28+$0xA040] =	vst v38;
	v38 =	vmul.f32 v41, v17;
	v37 =	vmax.f32 v37, $0.0e+00;
	v32 =	vmul.f32 v32, v9;
	v41 =	vld [tilespmem:s28+$0xA460]  }
0x122: {  	v42 =	vld [tilespmem:s31+$0xA470];
	[tilespmem:s28+$0xA050] =	vst v39;
	v37 =	vmul.f32 v37, v15;
	v39 =	vmax.f32 v40, $0.0e+00;
	v33 =	vmul.f32 v33, v6  }
0x123: {  	v40 =	vld [tilespmem:s31+$0xA000];
	[tilespmem:s28+$0xA060] =	vst v38;
	v38 =	vmul.f32 v39, v14;
	v32 =	vmax.f32 v32, $0.0e+00;
	v34 =	vmul.f32 v34, v3  }
0x124: {  	v39 =	vld [tilespmem:s31+$0xA010];
	[tilespmem:s28+$0xA070] =	vst v37;
	v32 =	vmul.f32 v32, v12;
	v33 =	vmax.f32 v33, $0.0e+00;
	v35 =	vmul.f32 v35, v2  }
0x125: {  	v37 =	vld [tilespmem:s31+$0xA020];
	[tilespmem:s28+$0xA400] =	vst v38;
	v33 =	vmul.f32 v33, v10;
	v34 =	vmax.f32 v34, $0.0e+00;
	v36 =	vmul.f32 v36, v1  }
0x126: {  	v38 =	vld [tilespmem:s31+$0xA030];
	[tilespmem:s28+$0xA410] =	vst v32;
	v32 =	vmul.f32 v34, v8;
	v34 =	vmax.f32 v35, $0.0e+00;
	v35 =	vmul.f32 v41, v0  }
0x127: {  	v41 =	vld [tilespmem:s31+$0xA040];
	v42 =	vmul.f32 v42, v30;
	[tilespmem:s28+$0xA420] =	vst v33;
	v33 =	vmul.f32 v34, v7;
	v34 =	vmax.f32 v36, $0.0e+00  }
0x128: {  	v36 =	vmul.f32 v40, v28;
	v40 =	vld [tilespmem:s31+$0xA050];
	[tilespmem:s28+$0xA430] =	vst v32;
	v32 =	vmul.f32 v34, v5;
	v34 =	vmax.f32 v35, $0.0e+00  }
0x129: {  	v35 =	vmul.f32 v39, v26;
	v39 =	vld [tilespmem:s31+$0xA060];
	v42 =	vmax.f32 v42, $0.0e+00;
	[tilespmem:s28+$0xA440] =	vst v33;
	v33 =	vmul.f32 v34, v4  }
0x12a: {  	v34 =	vmax.f32 v36, $0.0e+00;
	v36 =	vmul.f32 v37, v24;
	v37 =	vld [tilespmem:s31+$0xA070];
	v42 =	vmul.f32 v42, v31;
	[tilespmem:s28+$0xA450] =	vst v32  }
0x12b: {  	v34 =	vmul.f32 v34, v29;
	v32 =	vmax.f32 v35, $0.0e+00;
	v35 =	vmul.f32 v38, v22;
	v43 =	vld [tilespmem:s31+$0xA400];
	[tilespmem:s28+$0xA460] =	vst v33;
	s28 =	smov.u32 s31  }
.Ltmp8:
0x12c: {  	v38 =	vmul.f32 v32, v27;
	v33 =	vmax.f32 v36, $0.0e+00;
	v36 =	vmul.f32 v41, v20;
	v32 =	vld [tilespmem:s28+$0xA410];
	[tilespmem:s28+$0xA470] =	vst v42;
	(pc) =	sbr.rel @p4 .LBB2_8-.Ltmp8, $4  }
0x12d: {  	[tilespmem:s28+$0xA000] =	vst v34;
	v41 =	vmul.f32 v33, v25;
	v34 =	vmax.f32 v35, $0.0e+00;
	v35 =	vmul.f32 v40, v18;
	v33 =	vld [tilespmem:s28+$0xA420]  }
0x12e: {  	[tilespmem:s28+$0xA010] =	vst v38;
	v40 =	vmul.f32 v34, v23;
	v36 =	vmax.f32 v36, $0.0e+00;
	v42 =	vmul.f32 v39, v16;
	v34 =	vld [tilespmem:s28+$0xA430]  }
0x12f: {  	s29 =	sadd.s32 $0x80, s29;
	[tilespmem:s28+$0xA020] =	vst v41;
	v38 =	vmul.f32 v36, v21;
	v36 =	vmax.f32 v35, $0.0e+00;
	v37 =	vmul.f32 v37, v13;
	v35 =	vld [tilespmem:s28+$0xA440]  }
0x130: {  	s3 =	sand.u32 $0xF000, s30;
	s30 =	sadd.s32 $0x200, s30;
	s31 =	sand.u32 $0x380, s29;
	[tilespmem:s28+$0xA030] =	vst v40;
	v39 =	vmul.f32 v36, v19;
	v41 =	vmax.f32 v42, $0.0e+00;
	v40 =	vmul.f32 v43, v11;
	v36 =	vld [tilespmem:s28+$0xA450]  }
0x131: {  	[tilespmem:s28+$0xA040] =	vst v38;
	s29 =	sor.u32 s31, s3;
	v53 =	vmul.f32 v41, v17;
	v37 =	vmax.f32 v37, $0.0e+00;
	v32 =	vmul.f32 v32, v9;
	v54 =	vld [tilespmem:s28+$0xA460]  }
0x132: {  	v42 =	vld [tilespmem:s29+$0xA470];
	[tilespmem:s28+$0xA050] =	vst v39;
	v37 =	vmul.f32 v37, v15;
	v55 =	vmax.f32 v40, $0.0e+00;
	v33 =	vmul.f32 v33, v6  }
0x133: {  	v56 =	vld [tilespmem:s29+$0xA000];
	[tilespmem:s28+$0xA060] =	vst v53;
	v57 =	vmul.f32 v55, v14;
	v32 =	vmax.f32 v32, $0.0e+00;
	v34 =	vmul.f32 v34, v3  }
0x134: {  	v58 =	vld [tilespmem:s29+$0xA010];
	[tilespmem:s28+$0xA070] =	vst v37;
	v32 =	vmul.f32 v32, v12;
	v33 =	vmax.f32 v33, $0.0e+00;
	v35 =	vmul.f32 v35, v2  }
0x135: {  	v59 =	vld [tilespmem:s29+$0xA020];
	[tilespmem:s28+$0xA400] =	vst v57;
	v33 =	vmul.f32 v33, v10;
	v34 =	vmax.f32 v34, $0.0e+00;
	v36 =	vmul.f32 v36, v1  }
0x136: {  	v60 =	vld [tilespmem:s29+$0xA030];
	[tilespmem:s28+$0xA410] =	vst v32;
	v61 =	vmul.f32 v34, v8;
	v62 =	vmax.f32 v35, $0.0e+00;
	v63 =	vmul.f32 v54, v0  }
0x137: {  	v44 =	vld [tilespmem:s29+$0xA040];
	v30 =	vmul.f32 v42, v30;
	[tilespmem:s28+$0xA420] =	vst v33;
	v45 =	vmul.f32 v62, v7;
	v46 =	vmax.f32 v36, $0.0e+00  }
0x138: {  	v47 =	vld [tilespmem:s29+$0xA050];
	v28 =	vmul.f32 v56, v28;
	[tilespmem:s28+$0xA430] =	vst v61;
	v48 =	vmul.f32 v46, v5;
	v49 =	vmax.f32 v63, $0.0e+00  }
0x139: {  	v50 =	vld [tilespmem:s29+$0xA060];
	v26 =	vmul.f32 v58, v26;
	v30 =	vmax.f32 v30, $0.0e+00;
	[tilespmem:s28+$0xA440] =	vst v45;
	v51 =	vmul.f32 v49, v4  }
0x13a: {  	v52 =	vld [tilespmem:s29+$0xA070];
	v24 =	vmul.f32 v59, v24;
	v28 =	vmax.f32 v28, $0.0e+00;
	v30 =	vmul.f32 v30, v31;
	[tilespmem:s28+$0xA450] =	vst v48  }
0x13b: {  	v22 =	vmul.f32 v60, v22;
	v26 =	vmax.f32 v26, $0.0e+00;
	v28 =	vmul.f32 v28, v29;
	v29 =	vld [tilespmem:s29+$0xA400];
	[tilespmem:s28+$0xA460] =	vst v51  }
0x13c: {  	v20 =	vmul.f32 v44, v20;
	v24 =	vmax.f32 v24, $0.0e+00;
	v26 =	vmul.f32 v26, v27;
	v27 =	vld [tilespmem:s29+$0xA410];
	[tilespmem:s29+$0xA470] =	vst v30  }
0x13d: {  	v18 =	vmul.f32 v47, v18;
	v22 =	vmax.f32 v22, $0.0e+00;
	v24 =	vmul.f32 v24, v25;
	v25 =	vld [tilespmem:s29+$0xA420];
	[tilespmem:s29+$0xA000] =	vst v28  }
0x13e: {  	v16 =	vmul.f32 v50, v16;
	v20 =	vmax.f32 v20, $0.0e+00;
	v22 =	vmul.f32 v22, v23;
	v23 =	vld [tilespmem:s29+$0xA430];
	[tilespmem:s29+$0xA010] =	vst v26  }
0x13f: {  	v13 =	vmul.f32 v52, v13;
	v18 =	vmax.f32 v18, $0.0e+00;
	v20 =	vmul.f32 v20, v21;
	v21 =	vld [tilespmem:s29+$0xA440];
	[tilespmem:s29+$0xA020] =	vst v24  }
0x140: {  	v16 =	vmax.f32 v16, $0.0e+00;
	v18 =	vmul.f32 v18, v19;
	v19 =	vld [tilespmem:s29+$0xA450];
	[tilespmem:s29+$0xA030] =	vst v22;
	v11 =	vmul.f32 v29, v11  }
0x141: {  	v13 =	vmax.f32 v13, $0.0e+00;
	v16 =	vmul.f32 v16, v17;
	v17 =	vld [tilespmem:s29+$0xA460];
	[tilespmem:s29+$0xA040] =	vst v20;
	v9 =	vmul.f32 v27, v9  }
0x142: {  	v13 =	vmul.f32 v13, v15;
	[tilespmem:s29+$0xA050] =	vst v18;
	v6 =	vmul.f32 v25, v6;
	v11 =	vmax.f32 v11, $0.0e+00  }
0x143: {  	[tilespmem:s29+$0xA060] =	vst v16;
	v3 =	vmul.f32 v23, v3;
	v9 =	vmax.f32 v9, $0.0e+00;
	v11 =	vmul.f32 v11, v14  }
0x144: {  	[tilespmem:s29+$0xA070] =	vst v13;
	v2 =	vmul.f32 v21, v2;
	v6 =	vmax.f32 v6, $0.0e+00;
	v9 =	vmul.f32 v9, v12  }
0x145: {  	v1 =	vmul.f32 v19, v1;
	v3 =	vmax.f32 v3, $0.0e+00;
	v6 =	vmul.f32 v6, v10;
	[tilespmem:s29+$0xA400] =	vst v11  }
0x146: {  	v0 =	vmul.f32 v17, v0;
	v2 =	vmax.f32 v2, $0.0e+00;
	v3 =	vmul.f32 v3, v8;
	[tilespmem:s29+$0xA410] =	vst v9  }
0x147: {  	v1 =	vmax.f32 v1, $0.0e+00;
	v2 =	vmul.f32 v2, v7;
	[tilespmem:s29+$0xA420] =	vst v6  }
0x148: {  	v0 =	vmax.f32 v0, $0.0e+00;
	v1 =	vmul.f32 v1, v5;
	[tilespmem:s29+$0xA430] =	vst v3  }
0x149: {  	v0 =	vmul.f32 v0, v4;
	[tilespmem:s29+$0xA440] =	vst v2  }
0x14a: {  	[tilespmem:s29+$0xA450] =	vst v1  }
0x14b: {  	[tilespmem:s29+$0xA460] =	vst v0  }
0x14c: {  	v28 =	vld [tilespmem:$0x1E100]  }
0x14d: {  	v26 =	vld [tilespmem:$0x1E110]  }
0x14e: {  	v24 =	vld [tilespmem:$0x1E120]  }
0x14f: {  	v22 =	vld [tilespmem:$0x1E130]  }
0x150: {  	v20 =	vld [tilespmem:$0x1E140]  }
0x151: {  	v18 =	vld [tilespmem:$0x1E150]  }
0x152: {  	v16 =	vld [tilespmem:$0x1E160]  }
0x153: {  	v13 =	vld [tilespmem:$0x1E170]  }
0x154: {  	v11 =	vld [tilespmem:$0x1E180]  }
0x155: {  	v9 =	vld [tilespmem:$0x1E190]  }
0x156: {  	v6 =	vld [tilespmem:$0x1E1A0]  }
0x157: {  	v3 =	vld [tilespmem:$0x1E1B0]  }
0x158: {  	v2 =	vld [tilespmem:$0x1E1C0]  }
0x159: {  	v1 =	vld [tilespmem:$0x1E1D0]  }
0x15a: {  	v0 =	vld [tilespmem:$0x1E1E0]  }
0x15b: {  	v30 =	vld [tilespmem:$0x1E1F0]  }
0x15c: {  	v29 =	vld [tilespmem:$0x1E300]  }
0x15d: {  	v27 =	vld [tilespmem:$0x1E310]  }
0x15e: {  	v25 =	vld [tilespmem:$0x1E320]  }
0x15f: {  	v23 =	vld [tilespmem:$0x1E330]  }
0x160: {  	v21 =	vld [tilespmem:$0x1E340]  }
0x161: {  	v19 =	vld [tilespmem:$0x1E350]  }
0x162: {  	v17 =	vld [tilespmem:$0x1E360]  }
0x163: {  	v15 =	vld [tilespmem:$0x1E370]  }
0x164: {  	v14 =	vld [tilespmem:$0x1E380]  }
0x165: {  	v12 =	vld [tilespmem:$0x1E390]  }
0x166: {  	v10 =	vld [tilespmem:$0x1E3A0]  }
0x167: {  	v8 =	vld [tilespmem:$0x1E3B0]  }
0x168: {  	v7 =	vld [tilespmem:$0x1E3C0]  }
0x169: {  	s3 =	simm.s32 $0x0;
	v5 =	vld [tilespmem:$0x1E3D0]  }
0x16a: {  	s28 =	sand.u32 $0xF000, s3;
	s3 =	sand.u32 $0x380, s3;
	v4 =	vld [tilespmem:$0x1E3E0]  }
0x16b: {  	s28 =	sor.u32 s3, s28;
	v31 =	vld [tilespmem:$0x1E3F0]  }
0x16c: {  	v32 =	vld [tilespmem:s28+$0xAC70]  }
0x16d: {  	v33 =	vld [tilespmem:s28+$0xA800]  }
0x16e: {  	v53 =	vld [tilespmem:s28+$0xA810]  }
0x16f: {  	v54 =	vld [tilespmem:s28+$0xA820]  }
0x170: {  	v55 =	vld [tilespmem:s28+$0xA830]  }
0x171: {  	v56 =	vld [tilespmem:s28+$0xA840];
	v32 =	vmul.f32 v32, v30  }
0x172: {  	v57 =	vld [tilespmem:s28+$0xA850];
	v33 =	vmul.f32 v33, v28  }
0x173: {  	v58 =	vld [tilespmem:s28+$0xA860];
	v34 =	vmul.f32 v53, v26;
	v32 =	vmax.f32 v32, $0.0e+00  }
0x174: {  	v59 =	vld [tilespmem:s28+$0xA870];
	v35 =	vmul.f32 v54, v24;
	v33 =	vmax.f32 v33, $0.0e+00;
	v60 =	vmul.f32 v32, v31  }
0x175: {  	v61 =	vld [tilespmem:s28+$0xAC00];
	v36 =	vmul.f32 v55, v22;
	v34 =	vmax.f32 v34, $0.0e+00;
	v33 =	vmul.f32 v33, v29  }
0x176: {  	v37 =	vmul.f32 v56, v20;
	v35 =	vmax.f32 v35, $0.0e+00;
	v32 =	vld [tilespmem:s28+$0xAC10];
	v34 =	vmul.f32 v34, v27;
	[tilespmem:s28+$0xAC70] =	vst v60  }
0x177: {  	v62 =	vmul.f32 v57, v18;
	v36 =	vmax.f32 v36, $0.0e+00;
	v35 =	vmul.f32 v35, v25;
	[tilespmem:s28+$0xA800] =	vst v33;
	v33 =	vld [tilespmem:s28+$0xAC20]  }
0x178: {  	v43 =	vmul.f32 v58, v16;
	v37 =	vmax.f32 v37, $0.0e+00;
	v36 =	vmul.f32 v36, v23;
	[tilespmem:s28+$0xA810] =	vst v34;
	v34 =	vld [tilespmem:s28+$0xAC30]  }
0x179: {  	s3 =	simm.s32 $0x200;
	s29 =	simm.s32 $0x80;
	v63 =	vmax.f32 v62, $0.0e+00;
	v38 =	vmul.f32 v37, v21;
	v37 =	vmul.f32 v59, v13;
	[tilespmem:s28+$0xA820] =	vst v35;
	v35 =	vld [tilespmem:s28+$0xAC40]  }
0x17a: {  	s30 =	simm.s32 $0x400;
	s3 =	sand.u32 $0xF000, s3;
	s31 =	sand.u32 $0x380, s29;
	v40 =	vmul.f32 v61, v11;
	v41 =	vmax.f32 v43, $0.0e+00;
	v39 =	vmul.f32 v63, v19;
	[tilespmem:s28+$0xA830] =	vst v36;
	v36 =	vld [tilespmem:s28+$0xAC50]  }
.LBB2_10:
0x17b: {  	p4 =	sne.s32 s30, $0x9E00;
	s31 =	sor.u32 s31, s3;
	[tilespmem:s28+$0xA840] =	vst v38;
	v38 =	vmul.f32 v41, v17;
	v37 =	vmax.f32 v37, $0.0e+00;
	v32 =	vmul.f32 v32, v9;
	v41 =	vld [tilespmem:s28+$0xAC60]  }
0x17c: {  	v42 =	vld [tilespmem:s31+$0xAC70];
	[tilespmem:s28+$0xA850] =	vst v39;
	v37 =	vmul.f32 v37, v15;
	v39 =	vmax.f32 v40, $0.0e+00;
	v33 =	vmul.f32 v33, v6  }
0x17d: {  	v40 =	vld [tilespmem:s31+$0xA800];
	[tilespmem:s28+$0xA860] =	vst v38;
	v38 =	vmul.f32 v39, v14;
	v32 =	vmax.f32 v32, $0.0e+00;
	v34 =	vmul.f32 v34, v3  }
0x17e: {  	v39 =	vld [tilespmem:s31+$0xA810];
	[tilespmem:s28+$0xA870] =	vst v37;
	v32 =	vmul.f32 v32, v12;
	v33 =	vmax.f32 v33, $0.0e+00;
	v35 =	vmul.f32 v35, v2  }
0x17f: {  	v37 =	vld [tilespmem:s31+$0xA820];
	[tilespmem:s28+$0xAC00] =	vst v38;
	v33 =	vmul.f32 v33, v10;
	v34 =	vmax.f32 v34, $0.0e+00;
	v36 =	vmul.f32 v36, v1  }
0x180: {  	v38 =	vld [tilespmem:s31+$0xA830];
	[tilespmem:s28+$0xAC10] =	vst v32;
	v32 =	vmul.f32 v34, v8;
	v34 =	vmax.f32 v35, $0.0e+00;
	v35 =	vmul.f32 v41, v0  }
0x181: {  	v41 =	vld [tilespmem:s31+$0xA840];
	v42 =	vmul.f32 v42, v30;
	[tilespmem:s28+$0xAC20] =	vst v33;
	v33 =	vmul.f32 v34, v7;
	v34 =	vmax.f32 v36, $0.0e+00  }
0x182: {  	v36 =	vmul.f32 v40, v28;
	v40 =	vld [tilespmem:s31+$0xA850];
	[tilespmem:s28+$0xAC30] =	vst v32;
	v32 =	vmul.f32 v34, v5;
	v34 =	vmax.f32 v35, $0.0e+00  }
0x183: {  	v35 =	vmul.f32 v39, v26;
	v39 =	vld [tilespmem:s31+$0xA860];
	v42 =	vmax.f32 v42, $0.0e+00;
	[tilespmem:s28+$0xAC40] =	vst v33;
	v33 =	vmul.f32 v34, v4  }
0x184: {  	v34 =	vmax.f32 v36, $0.0e+00;
	v36 =	vmul.f32 v37, v24;
	v37 =	vld [tilespmem:s31+$0xA870];
	v42 =	vmul.f32 v42, v31;
	[tilespmem:s28+$0xAC50] =	vst v32  }
0x185: {  	v34 =	vmul.f32 v34, v29;
	v32 =	vmax.f32 v35, $0.0e+00;
	v35 =	vmul.f32 v38, v22;
	v43 =	vld [tilespmem:s31+$0xAC00];
	[tilespmem:s28+$0xAC60] =	vst v33;
	s28 =	smov.u32 s31  }
.Ltmp9:
0x186: {  	v38 =	vmul.f32 v32, v27;
	v33 =	vmax.f32 v36, $0.0e+00;
	v36 =	vmul.f32 v41, v20;
	v32 =	vld [tilespmem:s28+$0xAC10];
	[tilespmem:s28+$0xAC70] =	vst v42;
	(pc) =	sbr.rel @p4 .LBB2_10-.Ltmp9, $4  }
0x187: {  	[tilespmem:s28+$0xA800] =	vst v34;
	v41 =	vmul.f32 v33, v25;
	v34 =	vmax.f32 v35, $0.0e+00;
	v35 =	vmul.f32 v40, v18;
	v33 =	vld [tilespmem:s28+$0xAC20]  }
0x188: {  	[tilespmem:s28+$0xA810] =	vst v38;
	v40 =	vmul.f32 v34, v23;
	v36 =	vmax.f32 v36, $0.0e+00;
	v42 =	vmul.f32 v39, v16;
	v34 =	vld [tilespmem:s28+$0xAC30]  }
0x189: {  	s29 =	sadd.s32 $0x80, s29;
	[tilespmem:s28+$0xA820] =	vst v41;
	v38 =	vmul.f32 v36, v21;
	v36 =	vmax.f32 v35, $0.0e+00;
	v37 =	vmul.f32 v37, v13;
	v35 =	vld [tilespmem:s28+$0xAC40]  }
0x18a: {  	s3 =	sand.u32 $0xF000, s30;
	s30 =	sadd.s32 $0x200, s30;
	s31 =	sand.u32 $0x380, s29;
	[tilespmem:s28+$0xA830] =	vst v40;
	v39 =	vmul.f32 v36, v19;
	v41 =	vmax.f32 v42, $0.0e+00;
	v40 =	vmul.f32 v43, v11;
	v36 =	vld [tilespmem:s28+$0xAC50]  }
0x18b: {  	[tilespmem:s28+$0xA840] =	vst v38;
	s29 =	sor.u32 s31, s3;
	v52 =	vmul.f32 v41, v17;
	v37 =	vmax.f32 v37, $0.0e+00;
	v32 =	vmul.f32 v32, v9;
	v53 =	vld [tilespmem:s28+$0xAC60]  }
0x18c: {  	v42 =	vld [tilespmem:s29+$0xAC70];
	[tilespmem:s28+$0xA850] =	vst v39;
	v37 =	vmul.f32 v37, v15;
	v54 =	vmax.f32 v40, $0.0e+00;
	v33 =	vmul.f32 v33, v6  }
0x18d: {  	v55 =	vld [tilespmem:s29+$0xA800];
	[tilespmem:s28+$0xA860] =	vst v52;
	v56 =	vmul.f32 v54, v14;
	v32 =	vmax.f32 v32, $0.0e+00;
	v34 =	vmul.f32 v34, v3  }
0x18e: {  	v57 =	vld [tilespmem:s29+$0xA810];
	[tilespmem:s28+$0xA870] =	vst v37;
	v32 =	vmul.f32 v32, v12;
	v33 =	vmax.f32 v33, $0.0e+00;
	v35 =	vmul.f32 v35, v2  }
0x18f: {  	v58 =	vld [tilespmem:s29+$0xA820];
	[tilespmem:s28+$0xAC00] =	vst v56;
	v33 =	vmul.f32 v33, v10;
	v34 =	vmax.f32 v34, $0.0e+00;
	v36 =	vmul.f32 v36, v1  }
0x190: {  	v59 =	vld [tilespmem:s29+$0xA830];
	[tilespmem:s28+$0xAC10] =	vst v32;
	v60 =	vmul.f32 v34, v8;
	v61 =	vmax.f32 v35, $0.0e+00;
	v62 =	vmul.f32 v53, v0  }
0x191: {  	v63 =	vld [tilespmem:s29+$0xA840];
	v30 =	vmul.f32 v42, v30;
	[tilespmem:s28+$0xAC20] =	vst v33;
	v43 =	vmul.f32 v61, v7;
	v44 =	vmax.f32 v36, $0.0e+00  }
0x192: {  	v45 =	vld [tilespmem:s29+$0xA850];
	v28 =	vmul.f32 v55, v28;
	[tilespmem:s28+$0xAC30] =	vst v60;
	v46 =	vmul.f32 v44, v5;
	v47 =	vmax.f32 v62, $0.0e+00  }
0x193: {  	v48 =	vld [tilespmem:s29+$0xA860];
	v26 =	vmul.f32 v57, v26;
	v30 =	vmax.f32 v30, $0.0e+00;
	[tilespmem:s28+$0xAC40] =	vst v43;
	v49 =	vmul.f32 v47, v4  }
0x194: {  	v50 =	vld [tilespmem:s29+$0xA870];
	v24 =	vmul.f32 v58, v24;
	v28 =	vmax.f32 v28, $0.0e+00;
	v30 =	vmul.f32 v30, v31;
	[tilespmem:s28+$0xAC50] =	vst v46  }
0x195: {  	v51 =	vld [tilespmem:s29+$0xAC00];
	v22 =	vmul.f32 v59, v22;
	v26 =	vmax.f32 v26, $0.0e+00;
	v28 =	vmul.f32 v28, v29;
	[tilespmem:s28+$0xAC60] =	vst v49  }
0x196: {  	v52 =	vld [tilespmem:s29+$0xAC10];
	v20 =	vmul.f32 v63, v20;
	v24 =	vmax.f32 v24, $0.0e+00;
	v26 =	vmul.f32 v26, v27;
	[tilespmem:s29+$0xAC70] =	vst v30  }
0x197: {  	v54 =	vld [tilespmem:s29+$0xAC30];
	v18 =	vmul.f32 v45, v18;
	v22 =	vmax.f32 v22, $0.0e+00;
	v24 =	vmul.f32 v24, v25;
	[tilespmem:s29+$0xA800] =	vst v28  }
0x198: {  	v56 =	vld [tilespmem:s29+$0xAC50];
	v16 =	vmul.f32 v48, v16;
	v20 =	vmax.f32 v20, $0.0e+00;
	v22 =	vmul.f32 v22, v23;
	[tilespmem:s29+$0xA810] =	vst v26  }
0x199: {  	v53 =	vld [tilespmem:s29+$0xAC20];
	v13 =	vmul.f32 v50, v13;
	v18 =	vmax.f32 v18, $0.0e+00;
	v20 =	vmul.f32 v20, v21;
	[tilespmem:s29+$0xA820] =	vst v24  }
0x19a: {  	v55 =	vld [tilespmem:s29+$0xAC40];
	v11 =	vmul.f32 v51, v11;
	v16 =	vmax.f32 v16, $0.0e+00;
	v18 =	vmul.f32 v18, v19;
	[tilespmem:s29+$0xA830] =	vst v22  }
0x19b: {  	v58 =	vld [tilespmem:s29+$0xAC60];
	v57 =	vmul.f32 v52, v9;
	v13 =	vmax.f32 v13, $0.0e+00;
	v16 =	vmul.f32 v16, v17;
	[tilespmem:s29+$0xA840] =	vst v20  }
0x19c: {  	v60 =	vmul.f32 v54, v3;
	v11 =	vmax.f32 v11, $0.0e+00;
	v13 =	vmul.f32 v13, v15;
	[tilespmem:s29+$0xA850] =	vst v18  }
0x19d: {  	v11 =	vmul.f32 v11, v14;
	v9 =	vmax.f32 v57, $0.0e+00;
	v62 =	vmul.f32 v56, v1;
	[tilespmem:s29+$0xA860] =	vst v16  }
0x19e: {  	v3 =	vmax.f32 v60, $0.0e+00;
	v59 =	vmul.f32 v53, v6;
	v9 =	vmul.f32 v9, v12;
	[tilespmem:s29+$0xA870] =	vst v13  }
0x19f: {  	v3 =	vmul.f32 v3, v8;
	v61 =	vmul.f32 v55, v2;
	[tilespmem:s29+$0xAC00] =	vst v11;
	v1 =	vmax.f32 v62, $0.0e+00  }
0x1a0: {  	v63 =	vmul.f32 v58, v0;
	v6 =	vmax.f32 v59, $0.0e+00;
	[tilespmem:s29+$0xAC10] =	vst v9;
	v1 =	vmul.f32 v1, v5  }
0x1a1: {  	[tilespmem:s29+$0xAC30] =	vst v3;
	v6 =	vmul.f32 v6, v10;
	v2 =	vmax.f32 v61, $0.0e+00  }
0x1a2: {  	v0 =	vmax.f32 v63, $0.0e+00;
	v2 =	vmul.f32 v2, v7;
	[tilespmem:s29+$0xAC50] =	vst v1  }
0x1a3: {  	s31 =	smul.u32 $0x1400, s26;
	v0 =	vmul.f32 v0, v4;
	[tilespmem:s29+$0xAC20] =	vst v6  }
0x1a4: {  	[tilespmem:s29+$0xAC40] =	vst v2  }
0x1a5: {  	s3 =	sadd.s32 s5, s31;
	[tilespmem:s29+$0xAC60] =	vst v0  }
0x1a6: {  	[hbm4b:s3+s6] =	stream.linear.scatter [tilespmem:s13], [sflag:$0x5], $0xA000, $0x38;
	[tilespmem:$0x1E400] =	vst v63  }
.LBB2_12:
0x1a7: {  	s3 =	sadd.s32 $0x3, s24  }
0x1a8: {  	p4 =	seq.s32 s3, $0x13  }
0x1a9: {  	p4 =	por !p0, !p4  }
0x1aa: {  	p4 =	por !p4, !p4  }
0x1ab: {  	p4 =	por p2, p4  }
.Ltmp10:
0x1ac: {  	_ = 	snop;
	(pc) =	sbr.rel @!p4 .LBB2_14-.Ltmp10, $4  }
0x1ad: {  	_ = 	snop  }
0x1ae: {  	_ =	swait.ge [sflag:s19], $0xA000  }
0x1af: {  	[sflag:s19] =	ssyncset.done $0x0  }
0x1b0: {  	[sflag:s19] =	ssyncadd.s32 $0xFFFF6000  }
0x1b1: {  	s3 =	sadd.s32 s7, s3;
	s26 =	smov.u32 s10  }
0x1b2: {  	s26 =	smov.u32 @p2 s3  }
0x1b3: {  	s3 =	smul.u32 $0x1400, s26;
	_ =	sdelay $0x1  }
0x1b4: {  	s3 =	sadd.s32 s1, s3  }
0x1b5: {  	[tilespmem:s6], [sflag:$0x1] =	stream.linear.gather [hbm4b:s3+s6], $0xA000, $0x38;
	[tilespmem:$0x1E400] =	vst v63  }
.LBB2_14:
.Ltmp11:
0x1b6: {  	(pc) =	sbr.rel @!p3 .LBB2_20-.Ltmp11, $1  }
0x1b7: {  	_ =	sdelay $0x3  }
0x1b8: {  	_ =	swait.ge [sflag:s20], $0xA000  }
0x1b9: {  	[sflag:s20] =	ssyncset.done $0x0  }
0x1ba: {  	[sflag:s20] =	ssyncadd.s32 $0xFFFF6000  }
0x1bb: {  	v30 =	vld [tilespmem:$0x1E000]  }
0x1bc: {  	v26 =	vld [tilespmem:$0x1E010]  }
0x1bd: {  	v24 =	vld [tilespmem:$0x1E020]  }
0x1be: {  	v28 =	vld [tilespmem:$0x1E030]  }
0x1bf: {  	v22 =	vld [tilespmem:$0x1E040]  }
0x1c0: {  	v19 =	vld [tilespmem:$0x1E050]  }
0x1c1: {  	v16 =	vld [tilespmem:$0x1E060]  }
0x1c2: {  	v14 =	vld [tilespmem:$0x1E070]  }
0x1c3: {  	v12 =	vld [tilespmem:$0x1E080]  }
0x1c4: {  	v9 =	vld [tilespmem:$0x1E090]  }
0x1c5: {  	v5 =	vld [tilespmem:$0x1E0A0]  }
0x1c6: {  	v4 =	vld [tilespmem:$0x1E0B0]  }
0x1c7: {  	v3 =	vld [tilespmem:$0x1E0C0]  }
0x1c8: {  	v2 =	vld [tilespmem:$0x1E0D0]  }
0x1c9: {  	v1 =	vld [tilespmem:$0x1E0E0]  }
0x1ca: {  	v0 =	vld [tilespmem:$0x1E0F0]  }
0x1cb: {  	v31 =	vld [tilespmem:$0x1E200]  }
0x1cc: {  	v27 =	vld [tilespmem:$0x1E210]  }
0x1cd: {  	v25 =	vld [tilespmem:$0x1E220]  }
0x1ce: {  	s3 =	simm.s32 $0x0;
	v29 =	vld [tilespmem:$0x1E230]  }
0x1cf: {  	s26 =	sand.u32 $0xF000, s3;
	s3 =	sand.u32 $0x380, s3;
	v23 =	vld [tilespmem:$0x1E240]  }
0x1d0: {  	s3 =	sor.u32 s3, s26;
	v21 =	vld [tilespmem:$0x1E250]  }
0x1d1: {  	v6 =	vld [tilespmem:s3+$0x14000]  }
0x1d2: {  	v20 =	vld [tilespmem:$0x1E260]  }
0x1d3: {  	v18 =	vld [tilespmem:$0x1E270]  }
0x1d4: {  	v17 =	vld [tilespmem:$0x1E280]  }
0x1d5: {  	v15 =	vld [tilespmem:$0x1E290]  }
0x1d6: {  	v13 =	vld [tilespmem:$0x1E2A0];
	v6 =	vmul.f32 v6, v30  }
0x1d7: {  	v11 =	vld [tilespmem:$0x1E2B0]  }
0x1d8: {  	v10 =	vld [tilespmem:$0x1E2C0];
	v6 =	vmax.f32 v6, $0.0e+00  }
0x1d9: {  	v8 =	vld [tilespmem:$0x1E2D0];
	v32 =	vmul.f32 v6, v31  }
0x1da: {  	v7 =	vld [tilespmem:$0x1E2E0]  }
0x1db: {  	s26 =	sadd.s32 $0x14000, s3;
	v6 =	vld [tilespmem:$0x1E2F0];
	[tilespmem:s3+$0x14000] =	vst v32  }
0x1dc: {  	v32 =	vld [tilespmem:s26+$0x30]  }
0x1dd: {  	v33 =	vld [tilespmem:s26+$0x10]  }
0x1de: {  	s28 =	simm.s32 $0x80;
	s3 =	simm.s32 $0x200;
	v34 =	vld [tilespmem:s26+$0x20]  }
0x1df: {  	s28 =	sand.u32 $0x380, s28;
	v35 =	vld [tilespmem:s26+$0x40];
	s3 =	sand.u32 $0xF000, s3  }
0x1e0: {  	v37 =	vld [tilespmem:s26+$0x60];
	s3 =	sor.u32 s28, s3  }
0x1e1: {  	v41 =	vld [tilespmem:s3+$0x14000];
	v32 =	vmul.f32 v32, v28  }
0x1e2: {  	v36 =	vld [tilespmem:s26+$0x50];
	v33 =	vmul.f32 v33, v26  }
0x1e3: {  	v38 =	vld [tilespmem:s26+$0x70];
	v34 =	vmul.f32 v34, v24;
	v32 =	vmax.f32 v32, $0.0e+00  }
0x1e4: {  	v39 =	vld [tilespmem:s26+$0x400];
	v48 =	vmul.f32 v35, v22;
	v33 =	vmax.f32 v33, $0.0e+00;
	v32 =	vmul.f32 v32, v29  }
0x1e5: {  	v40 =	vld [tilespmem:s26+$0x410];
	v37 =	vmul.f32 v37, v16;
	v34 =	vmax.f32 v34, $0.0e+00;
	v33 =	vmul.f32 v33, v27  }
0x1e6: {  	v49 =	vld [tilespmem:s26+$0x420];
	v52 =	vmul.f32 v41, v30;
	v34 =	vmul.f32 v34, v25;
	[tilespmem:s26+$0x30] =	vst v32;
	v32 =	vmax.f32 v48, $0.0e+00  }
0x1e7: {  	v51 =	vld [tilespmem:s26+$0x430];
	v50 =	vmul.f32 v36, v19;
	v37 =	vmax.f32 v37, $0.0e+00;
	[tilespmem:s26+$0x10] =	vst v33;
	v32 =	vmul.f32 v32, v23  }
0x1e8: {  	v53 =	vld [tilespmem:s26+$0x440];
	v55 =	vmul.f32 v38, v14;
	v37 =	vmul.f32 v37, v20;
	v54 =	vmax.f32 v52, $0.0e+00;
	[tilespmem:s26+$0x20] =	vst v34  }
0x1e9: {  	v56 =	vld [tilespmem:s26+$0x450];
	v39 =	vmul.f32 v39, v12;
	v33 =	vmax.f32 v50, $0.0e+00;
	[tilespmem:s26+$0x40] =	vst v32;
	v32 =	vmul.f32 v54, v31  }
0x1ea: {  	v42 =	vld [tilespmem:s26+$0x460];
	v58 =	vmul.f32 v40, v9;
	v57 =	vmax.f32 v55, $0.0e+00;
	[tilespmem:s26+$0x60] =	vst v37;
	v33 =	vmul.f32 v33, v21  }
0x1eb: {  	s28 =	sadd.s32 $0x14000, s3;
	v43 =	vmul.f32 v49, v5;
	v39 =	vmax.f32 v39, $0.0e+00;
	v59 =	vmul.f32 v57, v18;
	[tilespmem:s3+$0x14000] =	vst v32;
	v32 =	vld [tilespmem:s26+$0x470]  }
0x1ec: {  	v36 =	vmul.f32 v51, v4;
	v60 =	vmul.f32 v39, v17;
	v34 =	vmax.f32 v58, $0.0e+00;
	[tilespmem:s26+$0x50] =	vst v33;
	v33 =	vld [tilespmem:s28+$0x30]  }
0x1ed: {  	v62 =	vmax.f32 v43, $0.0e+00;
	v41 =	vmul.f32 v53, v3;
	[tilespmem:s26+$0x70] =	vst v59;
	v61 =	vmul.f32 v34, v15;
	v35 =	vld [tilespmem:s28+$0x10]  }
0x1ee: {  	s29 =	simm.s32 $0x100;
	v63 =	vmax.f32 v36, $0.0e+00;
	v39 =	vmul.f32 v62, v13;
	[tilespmem:s26+$0x400] =	vst v60;
	v37 =	vmul.f32 v56, v2;
	s3 =	simm.s32 $0x400;
	v34 =	vld [tilespmem:s28+$0x20]  }
0x1ef: {  	s30 =	simm.s32 $0x600;
	v38 =	vmul.f32 v42, v1;
	v40 =	vmul.f32 v63, v11;
	v41 =	vmax.f32 v41, $0.0e+00;
	[tilespmem:s26+$0x410] =	vst v61;
	s31 =	sand.u32 $0xF000, s3;
	s3 =	sand.u32 $0x380, s29;
	v36 =	vld [tilespmem:s28+$0x40]  }
.LBB2_16:
0x1f0: {  	p2 =	sne.s32 s30, $0x9E00;
	s31 =	sor.u32 s3, s31;
	v42 =	vld [tilespmem:s28+$0x50];
	[tilespmem:s26+$0x420] =	vst v39;
	v39 =	vmul.f32 v41, v10;
	v37 =	vmax.f32 v37, $0.0e+00;
	v32 =	vmul.f32 v32, v0  }
0x1f1: {  	v41 =	vld [tilespmem:s31+$0x14000];
	v33 =	vmul.f32 v33, v28;
	[tilespmem:s26+$0x430] =	vst v40;
	v37 =	vmul.f32 v37, v8;
	v38 =	vmax.f32 v38, $0.0e+00  }
0x1f2: {  	v35 =	vmul.f32 v35, v26;
	v40 =	vld [tilespmem:s28+$0x60];
	[tilespmem:s26+$0x440] =	vst v39;
	v38 =	vmul.f32 v38, v7;
	v32 =	vmax.f32 v32, $0.0e+00  }
0x1f3: {  	v34 =	vmul.f32 v34, v24;
	v33 =	vmax.f32 v33, $0.0e+00;
	v39 =	vld [tilespmem:s28+$0x70];
	[tilespmem:s26+$0x450] =	vst v37;
	v32 =	vmul.f32 v32, v6  }
0x1f4: {  	v35 =	vmax.f32 v35, $0.0e+00;
	v33 =	vmul.f32 v33, v29;
	v36 =	vmul.f32 v36, v22;
	v37 =	vld [tilespmem:s28+$0x400];
	[tilespmem:s26+$0x460] =	vst v38  }
0x1f5: {  	v35 =	vmul.f32 v35, v27;
	v34 =	vmax.f32 v34, $0.0e+00;
	v38 =	vmul.f32 v42, v19;
	v42 =	vld [tilespmem:s28+$0x410];
	[tilespmem:s26+$0x470] =	vst v32;
	s26 =	smov.u32 s28  }
0x1f6: {  	v32 =	vmul.f32 v41, v30;
	v34 =	vmul.f32 v34, v25;
	[tilespmem:s26+$0x30] =	vst v33;
	v33 =	vmax.f32 v36, $0.0e+00;
	v36 =	vld [tilespmem:s26+$0x420]  }
0x1f7: {  	[tilespmem:s26+$0x10] =	vst v35;
	v33 =	vmul.f32 v33, v23;
	v35 =	vmax.f32 v38, $0.0e+00;
	v38 =	vmul.f32 v40, v16;
	v40 =	vld [tilespmem:s26+$0x430]  }
0x1f8: {  	v32 =	vmax.f32 v32, $0.0e+00;
	[tilespmem:s26+$0x20] =	vst v34;
	v34 =	vmul.f32 v35, v21;
	v35 =	vmul.f32 v39, v14;
	v39 =	vld [tilespmem:s26+$0x440]  }
0x1f9: {  	v32 =	vmul.f32 v32, v31;
	[tilespmem:s26+$0x40] =	vst v33;
	v33 =	vmax.f32 v38, $0.0e+00;
	v37 =	vmul.f32 v37, v12;
	v38 =	vld [tilespmem:s26+$0x450]  }
0x1fa: {  	[tilespmem:s26+$0x50] =	vst v34;
	v34 =	vmul.f32 v33, v20;
	v33 =	vmax.f32 v35, $0.0e+00;
	v35 =	vmul.f32 v42, v9;
	v42 =	vld [tilespmem:s26+$0x460]  }
.Ltmp12:
0x1fb: {  	s28 =	sadd.s32 $0x14000, s31;
	[tilespmem:s31+$0x14000] =	vst v32;
	v41 =	vmul.f32 v33, v18;
	v37 =	vmax.f32 v37, $0.0e+00;
	v36 =	vmul.f32 v36, v5;
	v32 =	vld [tilespmem:s26+$0x470];
	(pc) =	sbr.rel @p2 .LBB2_16-.Ltmp12, $4  }
0x1fc: {  	v33 =	vld [tilespmem:s28+$0x30];
	[tilespmem:s26+$0x60] =	vst v34;
	v37 =	vmul.f32 v37, v17;
	v34 =	vmax.f32 v35, $0.0e+00;
	v40 =	vmul.f32 v40, v4  }
0x1fd: {  	v35 =	vld [tilespmem:s28+$0x10];
	[tilespmem:s26+$0x70] =	vst v41;
	v41 =	vmul.f32 v34, v15;
	v36 =	vmax.f32 v36, $0.0e+00;
	v43 =	vmul.f32 v39, v3  }
0x1fe: {  	s29 =	sadd.s32 $0x80, s29;
	v34 =	vld [tilespmem:s28+$0x20];
	[tilespmem:s26+$0x400] =	vst v37;
	v39 =	vmul.f32 v36, v13;
	v40 =	vmax.f32 v40, $0.0e+00;
	v37 =	vmul.f32 v38, v2  }
0x1ff: {  	s3 =	sand.u32 $0x380, s29;
	s31 =	sand.u32 $0xF000, s30;
	s30 =	sadd.s32 $0x200, s30;
	v36 =	vld [tilespmem:s28+$0x40];
	[tilespmem:s26+$0x410] =	vst v41;
	v40 =	vmul.f32 v40, v11;
	v41 =	vmax.f32 v43, $0.0e+00;
	v38 =	vmul.f32 v42, v1  }
0x200: {  	v32 =	vmul.f32 v32, v0  }
0x201: {  	v33 =	vmul.f32 v33, v28  }
0x202: {  	v42 =	vld [tilespmem:s28+$0x50];
	s3 =	sor.u32 s3, s31;
	[tilespmem:s26+$0x420] =	vst v39;
	v41 =	vmul.f32 v41, v10;
	v35 =	vmul.f32 v35, v26;
	v32 =	vmax.f32 v32, $0.0e+00  }
0x203: {  	v56 =	vld [tilespmem:s3+$0x14000];
	[tilespmem:s26+$0x430] =	vst v40;
	v33 =	vmax.f32 v33, $0.0e+00;
	v34 =	vmul.f32 v34, v24;
	v32 =	vmul.f32 v32, v6  }
0x204: {  	v43 =	vld [tilespmem:s28+$0x60];
	[tilespmem:s26+$0x440] =	vst v41;
	v33 =	vmul.f32 v33, v29;
	v35 =	vmax.f32 v35, $0.0e+00  }
0x205: {  	v44 =	vld [tilespmem:s28+$0x70];
	v36 =	vmul.f32 v36, v22;
	v35 =	vmul.f32 v35, v27;
	v34 =	vmax.f32 v34, $0.0e+00;
	[tilespmem:s26+$0x470] =	vst v32  }
0x206: {  	v45 =	vld [tilespmem:s28+$0x400];
	v58 =	vmax.f32 v37, $0.0e+00;
	[tilespmem:s28+$0x30] =	vst v33;
	v34 =	vmul.f32 v34, v25  }
0x207: {  	v55 =	vld [tilespmem:s28+$0x410];
	v59 =	vmul.f32 v42, v19;
	v36 =	vmax.f32 v36, $0.0e+00;
	[tilespmem:s28+$0x10] =	vst v35;
	v35 =	vmul.f32 v58, v8  }
0x208: {  	v57 =	vld [tilespmem:s28+$0x420];
	v61 =	vmax.f32 v38, $0.0e+00;
	v30 =	vmul.f32 v56, v30;
	v36 =	vmul.f32 v36, v23;
	[tilespmem:s28+$0x20] =	vst v34  }
0x209: {  	v60 =	vld [tilespmem:s28+$0x430];
	v43 =	vmul.f32 v43, v16;
	v62 =	vmax.f32 v59, $0.0e+00;
	v34 =	vmul.f32 v61, v7;
	[tilespmem:s26+$0x450] =	vst v35  }
0x20a: {  	v63 =	vld [tilespmem:s28+$0x440];
	v46 =	vmul.f32 v44, v14;
	v33 =	vmul.f32 v62, v21;
	v30 =	vmax.f32 v30, $0.0e+00;
	[tilespmem:s28+$0x40] =	vst v36  }
0x20b: {  	v47 =	vld [tilespmem:s28+$0x450];
	v48 =	vmul.f32 v45, v12;
	v30 =	vmul.f32 v30, v31;
	v31 =	vmax.f32 v43, $0.0e+00;
	[tilespmem:s26+$0x460] =	vst v34  }
0x20c: {  	v51 =	vld [tilespmem:s28+$0x460];
	v50 =	vmul.f32 v55, v9;
	v49 =	vmax.f32 v46, $0.0e+00;
	[tilespmem:s28+$0x50] =	vst v33;
	v31 =	vmul.f32 v31, v20  }
0x20d: {  	v54 =	vld [tilespmem:s28+$0x470];
	s31 =	sadd.s32 $0x14000, s3;
	v53 =	vmul.f32 v57, v5;
	v52 =	vmax.f32 v48, $0.0e+00;
	[tilespmem:s3+$0x14000] =	vst v30;
	v30 =	vmul.f32 v49, v18  }
0x20e: {  	v57 =	vmul.f32 v60, v4;
	v56 =	vmax.f32 v50, $0.0e+00;
	v55 =	vld [tilespmem:s31+$0x30];
	[tilespmem:s28+$0x60] =	vst v31;
	v31 =	vmul.f32 v52, v17  }
0x20f: {  	v59 =	vmax.f32 v53, $0.0e+00;
	v35 =	vmul.f32 v63, v3;
	v58 =	vld [tilespmem:s31+$0x10];
	[tilespmem:s28+$0x70] =	vst v30;
	v30 =	vmul.f32 v56, v15  }
0x210: {  	v61 =	vmax.f32 v57, $0.0e+00;
	v62 =	vmul.f32 v47, v2;
	v60 =	vld [tilespmem:s31+$0x20];
	[tilespmem:s28+$0x400] =	vst v31;
	v31 =	vmul.f32 v59, v13  }
0x211: {  	v34 =	vmul.f32 v51, v1;
	v41 =	vmax.f32 v35, $0.0e+00;
	v63 =	vld [tilespmem:s31+$0x40];
	[tilespmem:s28+$0x410] =	vst v30;
	v30 =	vmul.f32 v61, v11  }
0x212: {  	v44 =	vmul.f32 v54, v0;
	v43 =	vmax.f32 v62, $0.0e+00;
	v42 =	vld [tilespmem:s31+$0x50];
	[tilespmem:s28+$0x420] =	vst v31;
	v31 =	vmul.f32 v41, v10  }
0x213: {  	v45 =	vmax.f32 v34, $0.0e+00;
	v46 =	vld [tilespmem:s31+$0x60];
	v28 =	vmul.f32 v55, v28;
	[tilespmem:s28+$0x430] =	vst v30;
	v30 =	vmul.f32 v43, v8  }
0x214: {  	v47 =	vmax.f32 v44, $0.0e+00;
	v48 =	vld [tilespmem:s31+$0x70];
	v26 =	vmul.f32 v58, v26;
	[tilespmem:s28+$0x440] =	vst v31;
	v31 =	vmul.f32 v45, v7  }
0x215: {  	v49 =	vld [tilespmem:s31+$0x400];
	v24 =	vmul.f32 v60, v24;
	v28 =	vmax.f32 v28, $0.0e+00;
	[tilespmem:s28+$0x450] =	vst v30;
	v30 =	vmul.f32 v47, v6  }
0x216: {  	v22 =	vmul.f32 v63, v22;
	v26 =	vmax.f32 v26, $0.0e+00;
	v28 =	vmul.f32 v28, v29;
	[tilespmem:s28+$0x460] =	vst v31;
	v29 =	vld [tilespmem:s31+$0x410]  }
0x217: {  	v19 =	vmul.f32 v42, v19;
	v24 =	vmax.f32 v24, $0.0e+00;
	v26 =	vmul.f32 v26, v27;
	v27 =	vld [tilespmem:s31+$0x420];
	[tilespmem:s28+$0x470] =	vst v30  }
0x218: {  	v16 =	vmul.f32 v46, v16;
	v22 =	vmax.f32 v22, $0.0e+00;
	v24 =	vmul.f32 v24, v25;
	v25 =	vld [tilespmem:s31+$0x430];
	[tilespmem:s31+$0x30] =	vst v28  }
0x219: {  	v14 =	vmul.f32 v48, v14;
	v19 =	vmax.f32 v19, $0.0e+00;
	v22 =	vmul.f32 v22, v23;
	v23 =	vld [tilespmem:s31+$0x440];
	[tilespmem:s31+$0x10] =	vst v26  }
0x21a: {  	v12 =	vmul.f32 v49, v12;
	v16 =	vmax.f32 v16, $0.0e+00;
	v19 =	vmul.f32 v19, v21;
	v21 =	vld [tilespmem:s31+$0x450];
	[tilespmem:s31+$0x20] =	vst v24  }
0x21b: {  	v14 =	vmax.f32 v14, $0.0e+00;
	v16 =	vmul.f32 v16, v20;
	v20 =	vld [tilespmem:s31+$0x460];
	[tilespmem:s31+$0x40] =	vst v22;
	v9 =	vmul.f32 v29, v9  }
0x21c: {  	v12 =	vmax.f32 v12, $0.0e+00;
	v14 =	vmul.f32 v14, v18;
	v18 =	vld [tilespmem:s31+$0x470];
	[tilespmem:s31+$0x50] =	vst v19;
	v5 =	vmul.f32 v27, v5  }
0x21d: {  	v12 =	vmul.f32 v12, v17;
	[tilespmem:s31+$0x60] =	vst v16;
	v4 =	vmul.f32 v25, v4;
	v9 =	vmax.f32 v9, $0.0e+00  }
0x21e: {  	[tilespmem:s31+$0x70] =	vst v14;
	v3 =	vmul.f32 v23, v3;
	v5 =	vmax.f32 v5, $0.0e+00;
	v9 =	vmul.f32 v9, v15  }
0x21f: {  	[tilespmem:s31+$0x400] =	vst v12;
	v2 =	vmul.f32 v21, v2;
	v4 =	vmax.f32 v4, $0.0e+00;
	v5 =	vmul.f32 v5, v13  }
0x220: {  	v1 =	vmul.f32 v20, v1;
	v3 =	vmax.f32 v3, $0.0e+00;
	v4 =	vmul.f32 v4, v11;
	[tilespmem:s31+$0x410] =	vst v9  }
0x221: {  	v0 =	vmul.f32 v18, v0;
	v2 =	vmax.f32 v2, $0.0e+00;
	v3 =	vmul.f32 v3, v10;
	[tilespmem:s31+$0x420] =	vst v5  }
0x222: {  	v1 =	vmax.f32 v1, $0.0e+00;
	v2 =	vmul.f32 v2, v8;
	[tilespmem:s31+$0x430] =	vst v4  }
0x223: {  	v0 =	vmax.f32 v0, $0.0e+00;
	v1 =	vmul.f32 v1, v7;
	[tilespmem:s31+$0x440] =	vst v3  }
0x224: {  	v0 =	vmul.f32 v0, v6;
	[tilespmem:s31+$0x450] =	vst v2  }
0x225: {  	[tilespmem:s31+$0x460] =	vst v1  }
0x226: {  	[tilespmem:s31+$0x470] =	vst v0  }
0x227: {  	v28 =	vld [tilespmem:$0x1E100]  }
0x228: {  	v26 =	vld [tilespmem:$0x1E110]  }
0x229: {  	v24 =	vld [tilespmem:$0x1E120]  }
0x22a: {  	v22 =	vld [tilespmem:$0x1E130]  }
0x22b: {  	v20 =	vld [tilespmem:$0x1E140]  }
0x22c: {  	v18 =	vld [tilespmem:$0x1E150]  }
0x22d: {  	v16 =	vld [tilespmem:$0x1E160]  }
0x22e: {  	v13 =	vld [tilespmem:$0x1E170]  }
0x22f: {  	v11 =	vld [tilespmem:$0x1E180]  }
0x230: {  	v9 =	vld [tilespmem:$0x1E190]  }
0x231: {  	v6 =	vld [tilespmem:$0x1E1A0]  }
0x232: {  	v3 =	vld [tilespmem:$0x1E1B0]  }
0x233: {  	v2 =	vld [tilespmem:$0x1E1C0]  }
0x234: {  	v1 =	vld [tilespmem:$0x1E1D0]  }
0x235: {  	v0 =	vld [tilespmem:$0x1E1E0]  }
0x236: {  	v30 =	vld [tilespmem:$0x1E1F0]  }
0x237: {  	v29 =	vld [tilespmem:$0x1E300]  }
0x238: {  	v27 =	vld [tilespmem:$0x1E310]  }
0x239: {  	v25 =	vld [tilespmem:$0x1E320]  }
0x23a: {  	v23 =	vld [tilespmem:$0x1E330]  }
0x23b: {  	v21 =	vld [tilespmem:$0x1E340]  }
0x23c: {  	v19 =	vld [tilespmem:$0x1E350]  }
0x23d: {  	v17 =	vld [tilespmem:$0x1E360]  }
0x23e: {  	v15 =	vld [tilespmem:$0x1E370]  }
0x23f: {  	v14 =	vld [tilespmem:$0x1E380]  }
0x240: {  	v12 =	vld [tilespmem:$0x1E390]  }
0x241: {  	v10 =	vld [tilespmem:$0x1E3A0]  }
0x242: {  	v8 =	vld [tilespmem:$0x1E3B0]  }
0x243: {  	s26 =	simm.s32 $0x0;
	v7 =	vld [tilespmem:$0x1E3C0]  }
0x244: {  	s3 =	sand.u32 $0x380, s26;
	s31 =	sand.u32 $0xF000, s26;
	v4 =	vld [tilespmem:$0x1E3D0]  }
0x245: {  	v5 =	vld [tilespmem:$0x1E3E0];
	s3 =	sor.u32 s3, s31  }
0x246: {  	v31 =	vld [tilespmem:$0x1E3F0];
	s26 =	sadd.s32 $0x14000, s3  }
0x247: {  	v50 =	vld [tilespmem:s26+$0xC70]  }
0x248: {  	v51 =	vld [tilespmem:s26+$0x800]  }
0x249: {  	v52 =	vld [tilespmem:s26+$0x810]  }
0x24a: {  	v53 =	vld [tilespmem:s26+$0x820]  }
0x24b: {  	v54 =	vld [tilespmem:s26+$0x830]  }
0x24c: {  	v55 =	vld [tilespmem:s26+$0x840];
	v32 =	vmul.f32 v50, v30  }
0x24d: {  	v56 =	vld [tilespmem:s26+$0x850];
	v33 =	vmul.f32 v51, v28  }
0x24e: {  	v57 =	vld [tilespmem:s26+$0x860];
	v59 =	vmul.f32 v52, v26;
	v32 =	vmax.f32 v32, $0.0e+00  }
0x24f: {  	v58 =	vld [tilespmem:s26+$0x870];
	v35 =	vmul.f32 v53, v24;
	v33 =	vmax.f32 v33, $0.0e+00;
	v60 =	vmul.f32 v32, v31  }
0x250: {  	v34 =	vld [tilespmem:s26+$0xC00];
	v36 =	vmul.f32 v54, v22;
	v40 =	vmax.f32 v59, $0.0e+00;
	v33 =	vmul.f32 v33, v29  }
0x251: {  	v37 =	vmul.f32 v55, v20;
	v35 =	vmax.f32 v35, $0.0e+00;
	v32 =	vld [tilespmem:s26+$0xC10];
	v40 =	vmul.f32 v40, v27;
	[tilespmem:s26+$0xC70] =	vst v60  }
0x252: {  	v62 =	vmul.f32 v56, v18;
	v36 =	vmax.f32 v36, $0.0e+00;
	v61 =	vmul.f32 v35, v25;
	[tilespmem:s26+$0x800] =	vst v33;
	v33 =	vld [tilespmem:s26+$0xC20]  }
0x253: {  	s28 =	simm.s32 $0x80;
	s31 =	simm.s32 $0x200;
	v63 =	vmax.f32 v37, $0.0e+00;
	v37 =	vmul.f32 v57, v16;
	v35 =	vld [tilespmem:s26+$0xC30];
	v38 =	vmul.f32 v36, v23;
	[tilespmem:s26+$0x810] =	vst v40  }
0x254: {  	s29 =	simm.s32 $0x400;
	s30 =	sand.u32 $0x380, s28;
	s3 =	sand.u32 $0xF000, s31;
	v39 =	vmul.f32 v58, v13;
	v41 =	vmax.f32 v62, $0.0e+00;
	v36 =	vld [tilespmem:s26+$0xC40];
	[tilespmem:s26+$0x820] =	vst v61;
	v40 =	vmul.f32 v63, v21  }
.LBB2_18:
0x255: {  	p2 =	sne.s32 s29, $0x9E00;
	s3 =	sor.u32 s30, s3;
	[tilespmem:s26+$0x830] =	vst v38;
	v38 =	vmul.f32 v41, v19;
	v37 =	vmax.f32 v37, $0.0e+00;
	v34 =	vmul.f32 v34, v11;
	v41 =	vld [tilespmem:s26+$0xC50]  }
0x256: {  	s30 =	sadd.s32 $0x14000, s3;
	[tilespmem:s26+$0x840] =	vst v40;
	v37 =	vmul.f32 v37, v17;
	v39 =	vmax.f32 v39, $0.0e+00;
	v32 =	vmul.f32 v32, v9;
	v40 =	vld [tilespmem:s26+$0xC60]  }
0x257: {  	v42 =	vld [tilespmem:s30+$0xC70];
	[tilespmem:s26+$0x850] =	vst v38;
	v38 =	vmul.f32 v39, v15;
	v34 =	vmax.f32 v34, $0.0e+00;
	v33 =	vmul.f32 v33, v6  }
0x258: {  	v39 =	vld [tilespmem:s30+$0x800];
	[tilespmem:s26+$0x860] =	vst v37;
	v34 =	vmul.f32 v34, v14;
	v32 =	vmax.f32 v32, $0.0e+00;
	v35 =	vmul.f32 v35, v3  }
0x259: {  	v37 =	vld [tilespmem:s30+$0x810];
	[tilespmem:s26+$0x870] =	vst v38;
	v32 =	vmul.f32 v32, v12;
	v33 =	vmax.f32 v33, $0.0e+00;
	v36 =	vmul.f32 v36, v2  }
0x25a: {  	v38 =	vld [tilespmem:s30+$0x820];
	[tilespmem:s26+$0xC00] =	vst v34;
	v33 =	vmul.f32 v33, v10;
	v34 =	vmax.f32 v35, $0.0e+00;
	v35 =	vmul.f32 v41, v1  }
0x25b: {  	v41 =	vld [tilespmem:s30+$0x830];
	[tilespmem:s26+$0xC10] =	vst v32;
	v32 =	vmul.f32 v34, v8;
	v34 =	vmax.f32 v36, $0.0e+00;
	v36 =	vmul.f32 v40, v0  }
0x25c: {  	v40 =	vld [tilespmem:s30+$0x840];
	v42 =	vmul.f32 v42, v30;
	[tilespmem:s26+$0xC20] =	vst v33;
	v33 =	vmul.f32 v34, v7;
	v34 =	vmax.f32 v35, $0.0e+00  }
0x25d: {  	v35 =	vmul.f32 v39, v28;
	v39 =	vld [tilespmem:s30+$0x850];
	[tilespmem:s26+$0xC30] =	vst v32;
	v32 =	vmul.f32 v34, v4;
	v34 =	vmax.f32 v36, $0.0e+00  }
0x25e: {  	v36 =	vmul.f32 v37, v26;
	v37 =	vld [tilespmem:s30+$0x860];
	v42 =	vmax.f32 v42, $0.0e+00;
	[tilespmem:s26+$0xC40] =	vst v33;
	v33 =	vmul.f32 v34, v5  }
0x25f: {  	v34 =	vmax.f32 v35, $0.0e+00;
	v35 =	vmul.f32 v38, v24;
	v43 =	vld [tilespmem:s30+$0x870];
	v38 =	vmul.f32 v42, v31;
	[tilespmem:s26+$0xC50] =	vst v32  }
.Ltmp13:
0x260: {  	v42 =	vmul.f32 v34, v29;
	v32 =	vmax.f32 v36, $0.0e+00;
	v36 =	vmul.f32 v41, v22;
	v34 =	vld [tilespmem:s30+$0xC00];
	[tilespmem:s26+$0xC60] =	vst v33;
	s26 =	smov.u32 s30;
	(pc) =	sbr.rel @p2 .LBB2_18-.Ltmp13, $4  }
0x261: {  	v41 =	vmul.f32 v32, v27;
	v33 =	vmax.f32 v35, $0.0e+00;
	v35 =	vmul.f32 v40, v20;
	v32 =	vld [tilespmem:s26+$0xC10];
	[tilespmem:s26+$0xC70] =	vst v38  }
0x262: {  	[tilespmem:s26+$0x800] =	vst v42;
	v40 =	vmul.f32 v33, v25;
	v36 =	vmax.f32 v36, $0.0e+00;
	v39 =	vmul.f32 v39, v18;
	v33 =	vld [tilespmem:s26+$0xC20]  }
0x263: {  	s28 =	sadd.s32 $0x80, s28;
	[tilespmem:s26+$0x810] =	vst v41;
	v38 =	vmul.f32 v36, v23;
	v36 =	vmax.f32 v35, $0.0e+00;
	v37 =	vmul.f32 v37, v16;
	v35 =	vld [tilespmem:s26+$0xC30]  }
0x264: {  	s3 =	sand.u32 $0xF000, s29;
	s29 =	sadd.s32 $0x200, s29;
	s30 =	sand.u32 $0x380, s28;
	[tilespmem:s26+$0x820] =	vst v40;
	v40 =	vmul.f32 v36, v21;
	v41 =	vmax.f32 v39, $0.0e+00;
	v39 =	vmul.f32 v43, v13;
	v36 =	vld [tilespmem:s26+$0xC40]  }
0x265: {  	[tilespmem:s26+$0x830] =	vst v38;
	v52 =	vld [tilespmem:s26+$0xC50];
	s3 =	sor.u32 s30, s3;
	v41 =	vmul.f32 v41, v19;
	v37 =	vmax.f32 v37, $0.0e+00;
	v34 =	vmul.f32 v34, v11  }
0x266: {  	v53 =	vld [tilespmem:s26+$0xC60];
	[tilespmem:s26+$0x840] =	vst v40;
	s28 =	sadd.s32 $0x14000, s3;
	v37 =	vmul.f32 v37, v17;
	v39 =	vmax.f32 v39, $0.0e+00;
	v32 =	vmul.f32 v32, v9  }
0x267: {  	v42 =	vld [tilespmem:s28+$0xC70];
	[tilespmem:s26+$0x850] =	vst v41;
	v39 =	vmul.f32 v39, v15;
	v34 =	vmax.f32 v34, $0.0e+00;
	v33 =	vmul.f32 v33, v6  }
0x268: {  	v54 =	vld [tilespmem:s28+$0x800];
	[tilespmem:s26+$0x860] =	vst v37;
	v34 =	vmul.f32 v34, v14;
	v32 =	vmax.f32 v32, $0.0e+00;
	v35 =	vmul.f32 v35, v3  }
0x269: {  	v55 =	vld [tilespmem:s28+$0x810];
	[tilespmem:s26+$0x870] =	vst v39;
	v32 =	vmul.f32 v32, v12;
	v33 =	vmax.f32 v33, $0.0e+00;
	v36 =	vmul.f32 v36, v2  }
0x26a: {  	v56 =	vld [tilespmem:s28+$0x820];
	[tilespmem:s26+$0xC00] =	vst v34;
	v33 =	vmul.f32 v33, v10;
	v57 =	vmax.f32 v35, $0.0e+00;
	v58 =	vmul.f32 v52, v1  }
0x26b: {  	v59 =	vld [tilespmem:s28+$0x830];
	v62 =	vmul.f32 v53, v0;
	[tilespmem:s26+$0xC10] =	vst v32;
	v60 =	vmul.f32 v57, v8;
	v61 =	vmax.f32 v36, $0.0e+00  }
0x26c: {  	v63 =	vld [tilespmem:s28+$0x840];
	v30 =	vmul.f32 v42, v30;
	[tilespmem:s26+$0xC20] =	vst v33;
	v42 =	vmul.f32 v61, v7;
	v43 =	vmax.f32 v58, $0.0e+00  }
0x26d: {  	v44 =	vld [tilespmem:s28+$0x850];
	v28 =	vmul.f32 v54, v28;
	v46 =	vmax.f32 v62, $0.0e+00;
	[tilespmem:s26+$0xC30] =	vst v60;
	v45 =	vmul.f32 v43, v4  }
0x26e: {  	v47 =	vld [tilespmem:s28+$0x860];
	v26 =	vmul.f32 v55, v26;
	v48 =	vmul.f32 v46, v5;
	v30 =	vmax.f32 v30, $0.0e+00;
	[tilespmem:s26+$0xC40] =	vst v42  }
0x26f: {  	v49 =	vld [tilespmem:s28+$0x870];
	v24 =	vmul.f32 v56, v24;
	v28 =	vmax.f32 v28, $0.0e+00;
	v30 =	vmul.f32 v30, v31;
	[tilespmem:s26+$0xC50] =	vst v45  }
0x270: {  	v50 =	vld [tilespmem:s28+$0xC00];
	v22 =	vmul.f32 v59, v22;
	v26 =	vmax.f32 v26, $0.0e+00;
	v28 =	vmul.f32 v28, v29;
	[tilespmem:s26+$0xC60] =	vst v48  }
0x271: {  	v51 =	vld [tilespmem:s28+$0xC10];
	v20 =	vmul.f32 v63, v20;
	v24 =	vmax.f32 v24, $0.0e+00;
	v26 =	vmul.f32 v26, v27;
	[tilespmem:s28+$0xC70] =	vst v30  }
0x272: {  	v52 =	vld [tilespmem:s28+$0xC20];
	v18 =	vmul.f32 v44, v18;
	v22 =	vmax.f32 v22, $0.0e+00;
	v24 =	vmul.f32 v24, v25;
	[tilespmem:s28+$0x800] =	vst v28  }
0x273: {  	v53 =	vld [tilespmem:s28+$0xC30];
	v16 =	vmul.f32 v47, v16;
	v20 =	vmax.f32 v20, $0.0e+00;
	v22 =	vmul.f32 v22, v23;
	[tilespmem:s28+$0x810] =	vst v26  }
0x274: {  	v13 =	vmul.f32 v49, v13;
	v54 =	vld [tilespmem:s28+$0xC40];
	v18 =	vmax.f32 v18, $0.0e+00;
	v20 =	vmul.f32 v20, v21;
	[tilespmem:s28+$0x820] =	vst v24  }
0x275: {  	v55 =	vmul.f32 v50, v11;
	v56 =	vld [tilespmem:s28+$0xC50];
	v16 =	vmax.f32 v16, $0.0e+00;
	v18 =	vmul.f32 v18, v19;
	[tilespmem:s28+$0x830] =	vst v22  }
0x276: {  	v57 =	vmul.f32 v51, v9;
	v58 =	vld [tilespmem:s28+$0xC60];
	v13 =	vmax.f32 v13, $0.0e+00;
	v16 =	vmul.f32 v16, v17;
	[tilespmem:s28+$0x840] =	vst v20  }
0x277: {  	v11 =	vmax.f32 v55, $0.0e+00;
	v13 =	vmul.f32 v13, v15;
	v59 =	vmul.f32 v52, v6;
	[tilespmem:s28+$0x850] =	vst v18  }
0x278: {  	v9 =	vmax.f32 v57, $0.0e+00;
	v11 =	vmul.f32 v11, v14;
	v60 =	vmul.f32 v53, v3;
	[tilespmem:s28+$0x860] =	vst v16  }
0x279: {  	v9 =	vmul.f32 v9, v12;
	[tilespmem:s28+$0x870] =	vst v13;
	v6 =	vmax.f32 v59, $0.0e+00;
	v61 =	vmul.f32 v54, v2  }
0x27a: {  	[tilespmem:s28+$0xC00] =	vst v11;
	v3 =	vmax.f32 v60, $0.0e+00;
	v62 =	vmul.f32 v56, v1;
	v6 =	vmul.f32 v6, v10  }
0x27b: {  	[tilespmem:s28+$0xC10] =	vst v9;
	v63 =	vmul.f32 v58, v0;
	v3 =	vmul.f32 v3, v8;
	v2 =	vmax.f32 v61, $0.0e+00  }
0x27c: {  	v1 =	vmax.f32 v62, $0.0e+00;
	[tilespmem:s28+$0xC20] =	vst v6;
	v2 =	vmul.f32 v2, v7  }
.Ltmp14:
0x27d: {  	v0 =	vmax.f32 v63, $0.0e+00;
	[tilespmem:s28+$0xC30] =	vst v3;
	v1 =	vmul.f32 v1, v4;
	(pc) =	sbr.rel .LBB2_20-.Ltmp14, $4  }
0x27e: {  	s31 =	smul.u32 $0x1400, s25;
	v0 =	vmul.f32 v0, v5;
	[tilespmem:s28+$0xC40] =	vst v2  }
0x27f: {  	[tilespmem:s28+$0xC50] =	vst v1  }
0x280: {  	s3 =	sadd.s32 s5, s31;
	[tilespmem:s28+$0xC60] =	vst v0  }
0x281: {  	[hbm4b:s3+s6] =	stream.linear.scatter [tilespmem:s21], [sflag:$0x6], $0xA000, $0x38;
	[tilespmem:$0x1E400] =	vst v63  }
.LBB2_21:
0x282: {  	s3 =	sadd.s32 s7, s3;
	s24 =	smov.u32 s10  }
.Ltmp15:
0x283: {  	s24 =	smov.u32 @p2 s3;
	(pc) =	sbr.rel .LBB2_22-.Ltmp15, $3  }
0x284: {  	s3 =	smul.u32 $0x1400, s24;
	_ =	sdelay $0x1  }
0x285: {  	s3 =	sadd.s32 s1, s3  }
0x286: {  	[tilespmem:s13], [sflag:$0x2] =	stream.linear.gather [hbm4b:s3+s6], $0xA000, $0x38;
	[tilespmem:$0x1E400] =	vst v63  }
.LBB2_24:
0x287: {  	_ =	sfence.sel $0x180000  }
0x288: {  	[bflag:$0x0] =	sbarrier.arrive $0xFFFF  }
0x289: {  	_ =	strace $0x90000047  }
0x28a: {  	[bflag:$0x2] =	sbarrier.arrive $0xFFFF  }
0x28b: {  	p0 =	sne.s32 s0, $0x0;
	s0 =	rddreg [dreg:$0x4]  }
0x28c: {  	s0 =	sadd.s32 @!p0 $0x100000, s0  }
0x28d: {  	[sflag:s0] =	ssyncadd.tile.s32 @!p0 $0x1;
	_ =	shalt  }
.Lfunc_end2:
_tile_overlayer_lowered:
.L_overlay_start_2:
0x28e: {  	(tag) =	ssettag $0x2  }
0x28f: {  	s0 =	rddreg [dreg:$0x0];
	s2 =	stileid.u32  }
0x290: {  	s1 =	rddreg [dreg:$0x1];
	p0 =	sne.s32 s2, $0x0  }
0x291: {  	s3 =	rddreg [dreg:$0x2];
	[bflag:$0x3] =	sbarrier.arrive $0xFFFF;
	s2 =	simm.s32 @!p0 $0x1C07  }
0x292: {  	[timem:s3], [sflag:s2] =	dma.local @!p0 [hbm:s0], s1  }
0x293: {  	s0 =	simm.s32 @!p0 $0x7  }
0x294: {  	_ =	swait.ge @!p0 [sflag:s0], s1  }
0x295: {  	s1 =	ssub.s32 @!p0 $0x0, s1;
	[sflag:s0] =	ssyncset.done @!p0 $0x0  }
0x296: {  	[sflag:s0] =	ssyncadd.s32 @!p0 s1  }
0x297: {  	[bflag:$0x3] =	sbarrier.arrive $0xFFFF  }
0x298: {  	_ =	shalt  }

</sc_bundles>
